<compile_context>
chip_gen: v7x
topology: tpu7x:2x2x1
jax: 0.10.2.dev20260603
libtpu: 0.0.44.dev20260713+nightly
codegen_flags: <defaults>
</compile_context>

<pallas_src>
import functools

import jax
import jax.numpy as jnp
from jax import lax
from jax.experimental import pallas as pl
from jax.experimental.pallas import tpu as pltpu
from jax.experimental.pallas import tpu_sc as plsc

NC, NS = 2, 16
NW = NC * NS
IDXW = 128


def _sc_mesh():
  return plsc.VectorSubcoreMesh(
      core_axis_name="c", subcore_axis_name="s",
      num_cores=NC, num_subcores=NS)


def _sc_gather(table, idx3, steps):
  _, D = table.shape
  N = NW * steps * IDXW

  @functools.partial(
      pl.kernel,
      out_type=jax.ShapeDtypeStruct((N, D), jnp.float32),
      mesh=_sc_mesh(),
      compiler_params=pltpu.CompilerParams(use_tc_tiling_on_sc=False),
      scratch_types=[
          pltpu.VMEM((steps, IDXW), jnp.int32),
          pltpu.VMEM((IDXW, D), jnp.float32),
          pltpu.SemaphoreType.DMA,
      ],
  )
  def k(table_hbm, idx_hbm, out_hbm, idx_v, rows_v, sem):
    w = lax.axis_index("s") * NC + lax.axis_index("c")
    pltpu.sync_copy(idx_hbm.at[w], idx_v)

    def body(s, carry):
      pltpu.async_copy(table_hbm.at[idx_v.at[s]], rows_v, sem).wait()
      pltpu.sync_copy(rows_v, out_hbm.at[pl.ds((w * steps + s) * IDXW, IDXW)])
      return carry

    lax.fori_loop(0, steps, body, 0)

  return k(table, idx3)


def _sc_gatherp(table, idx3, steps):
  _, D = table.shape
  N = NW * steps * IDXW

  @functools.partial(
      pl.kernel,
      out_type=jax.ShapeDtypeStruct((N, D), jnp.float32),
      mesh=_sc_mesh(),
      compiler_params=pltpu.CompilerParams(use_tc_tiling_on_sc=False),
      scratch_types=[
          pltpu.VMEM((steps, IDXW), jnp.int32),
          pltpu.VMEM((IDXW, D), jnp.float32),
          pltpu.VMEM((IDXW, D), jnp.float32),
          pltpu.SemaphoreType.DMA,
          pltpu.SemaphoreType.DMA,
      ],
  )
  def k(t_hbm, idx_hbm, out_hbm, idx_v, r0, r1, s0, s1):
    w = lax.axis_index("s") * NC + lax.axis_index("c")
    base = w * steps
    pltpu.sync_copy(idx_hbm.at[w], idx_v)
    pltpu.async_copy(t_hbm.at[idx_v.at[0]], r0, s0)

    def body(t, carry):
      sa = 2 * t
      sb = 2 * t + 1
      pltpu.async_copy(t_hbm.at[idx_v.at[sb]], r1, s1)
      pltpu.make_async_copy(t_hbm.at[idx_v.at[sa]], r0, s0).wait()
      pltpu.sync_copy(r0, out_hbm.at[pl.ds((base + sa) * IDXW, IDXW)])

      @pl.when(sa + 2 < steps)
      def _():
        pltpu.async_copy(t_hbm.at[idx_v.at[sa + 2]], r0, s0)

      pltpu.make_async_copy(t_hbm.at[idx_v.at[sb]], r1, s1).wait()
      pltpu.sync_copy(r1, out_hbm.at[pl.ds((base + sb) * IDXW, IDXW)])
      return carry

    lax.fori_loop(0, steps // 2, body, 0)

  return k(table, idx3)


def _sc_gather2(tab_a, tab_b, idx_a3, idx_b3, steps):
  Da = tab_a.shape[1]
  Db = tab_b.shape[1]
  N = NW * steps * IDXW
  SS = 2 * IDXW

  @functools.partial(
      pl.kernel,
      out_type=jax.ShapeDtypeStruct((N, Da + Db), jnp.float32),
      mesh=_sc_mesh(),
      compiler_params=pltpu.CompilerParams(use_tc_tiling_on_sc=False),
      scratch_types=[
          pltpu.VMEM((steps, IDXW), jnp.int32),
          pltpu.VMEM((steps, IDXW), jnp.int32),
          pltpu.VMEM((SS, Da), jnp.float32),
          pltpu.VMEM((SS, Da), jnp.float32),
          pltpu.VMEM((SS, Db), jnp.float32),
          pltpu.VMEM((SS, Db), jnp.float32),
          pltpu.SemaphoreType.DMA,
          pltpu.SemaphoreType.DMA,
          pltpu.SemaphoreType.DMA,
          pltpu.SemaphoreType.DMA,
      ],
  )
  def k(ta_hbm, tb_hbm, ia_hbm, ib_hbm, out_hbm, ia_v, ib_v, ra0, ra1,
        rb0, rb1, sa0, sa1, sb0, sb1):
    w = lax.axis_index("s") * NC + lax.axis_index("c")
    base = w * steps
    US = steps // 2
    pltpu.sync_copy(ia_hbm.at[w], ia_v)
    pltpu.sync_copy(ib_hbm.at[w], ib_v)

    def fire(u, ra, rb, sa, sb):
      for h in range(2):
        pltpu.async_copy(ta_hbm.at[ia_v.at[2 * u + h]],
                         ra.at[pl.ds(h * IDXW, IDXW)], sa)
        pltpu.async_copy(tb_hbm.at[ib_v.at[2 * u + h]],
                         rb.at[pl.ds(h * IDXW, IDXW)], sb)

    def wait_write(u, ra, rb, sa, sb):
      for h in range(2):
        pltpu.make_async_copy(ta_hbm.at[ia_v.at[2 * u + h]],
                              ra.at[pl.ds(h * IDXW, IDXW)], sa).wait()
        pltpu.make_async_copy(tb_hbm.at[ib_v.at[2 * u + h]],
                              rb.at[pl.ds(h * IDXW, IDXW)], sb).wait()
      r0 = (base + 2 * u) * IDXW
      pltpu.sync_copy(ra, out_hbm.at[pl.ds(r0, SS), pl.ds(0, Da)])
      pltpu.sync_copy(rb, out_hbm.at[pl.ds(r0, SS), pl.ds(Da, Db)])

    fire(0, ra0, rb0, sa0, sb0)

    def body(g, carry):
      u0 = 2 * g
      u1 = u0 + 1
      fire(u1, ra1, rb1, sa1, sb1)
      wait_write(u0, ra0, rb0, sa0, sb0)

      @pl.when(u0 + 2 < US)
      def _():
        fire(u0 + 2, ra0, rb0, sa0, sb0)

      wait_write(u1, ra1, rb1, sa1, sb1)
      return carry

    lax.fori_loop(0, US // 2, body, 0)

  return k(tab_a, tab_b, idx_a3, idx_b3)


def _sc_segmax(vals3, mi3, di3, steps, T):
  seg = T // NS

  @functools.partial(
      pl.kernel,
      out_type=jax.ShapeDtypeStruct((NC, T), jnp.int32),
      mesh=_sc_mesh(),
      compiler_params=pltpu.CompilerParams(use_tc_tiling_on_sc=False,
                                           needs_layout_passes=False),
      scratch_types=[
          pltpu.VMEM((steps, IDXW), jnp.float32),
          pltpu.VMEM((steps, IDXW), jnp.int32),
          pltpu.VMEM((steps, IDXW), jnp.int32),
          pltpu.VMEM((T,), jnp.int32),
          pltpu.VMEM((seg,), jnp.int32),
          pltpu.VMEM((seg,), jnp.int32),
          pltpu.VMEM_SHARED((NS, T), jnp.int32),
      ],
  )
  def k(val_hbm, mi_hbm, di_hbm, out_hbm, val_v, mi_v, di_v, tbl, mseg,
        tseg, spm):
    c = lax.axis_index("c")
    sid = lax.axis_index("s")
    w = sid * NC + c

    def init(i, carry):
      tbl[pl.ds(i * 16, 16)] = jnp.full((16,), 2047, jnp.int32)
      return carry

    lax.fori_loop(0, T // 16, init, 0)
    pltpu.sync_copy(val_hbm.at[w], val_v)
    pltpu.sync_copy(mi_hbm.at[w], mi_v)
    pltpu.sync_copy(di_hbm.at[w], di_v)

    def row(s, carry):
      def vec(kk, carry2):
        m = mi_v[s, pl.ds(kk * 16, 16)]
        d = di_v[s, pl.ds(kk * 16, 16)]
        v = val_v[s, pl.ds(kk * 16, 16)]
        b = plsc.bitcast(v, jnp.int32)
        key32 = jnp.where(b >= 0, b, b ^ jnp.int32(0x7FFFFFFF))
        key = (key32 & jnp.int32(-2048)) | (jnp.int32(2047) - d)

        def w_cond(mask):
          return jnp.max(jnp.where(mask, 1, 0)) > 0

        def w_body(mask):
          plsc.store_scatter(tbl, [m], key, mask=mask)
          cur = plsc.load_gather(tbl, [m])
          return mask & (cur < key)

        lax.while_loop(w_cond, w_body,
                       key > plsc.load_gather(tbl, [m]))
        return carry2

      lax.fori_loop(0, IDXW // 16, vec, carry)
      return carry

    lax.fori_loop(0, steps, row, 0)

    pltpu.sync_copy(tbl, spm.at[sid])
    plsc.subcore_barrier()
    pltpu.sync_copy(spm.at[0, pl.ds(sid * seg, seg)], mseg)

    def merge(j, carry):
      pltpu.sync_copy(spm.at[j, pl.ds(sid * seg, seg)], tseg)

      def mvec(i, carry2):
        mseg[pl.ds(i * 16, 16)] = jnp.maximum(
            mseg[pl.ds(i * 16, 16)], tseg[pl.ds(i * 16, 16)])
        return carry2

      lax.fori_loop(0, seg // 16, mvec, carry)
      return carry

    lax.fori_loop(1, NS, merge, 0)
    pltpu.sync_copy(mseg, out_hbm.at[c, pl.ds(sid * seg, seg)])

  return k(vals3, mi3, di3)


def _sc_gsel(wideT, bi3, steps, s2, num_d):
  N = NW * steps * IDXW
  RD = -(-num_d // IDXW) * IDXW

  @functools.partial(
      pl.kernel,
      out_type=jax.ShapeDtypeStruct((N, s2), jnp.float32),
      mesh=_sc_mesh(),
      compiler_params=pltpu.CompilerParams(use_tc_tiling_on_sc=False,
                                           needs_layout_passes=False),
      scratch_types=[
          pltpu.VMEM((steps, IDXW), jnp.int32),
          pltpu.VMEM((32, 2048), jnp.float32),
          pltpu.VMEM((IDXW, 32), jnp.float32),
      ],
  )
  def k(w_hbm, bi_hbm, out_hbm, bi_v, reg, sel_v):
    w = lax.axis_index("s") * NC + lax.axis_index("c")
    pltpu.sync_copy(bi_hbm.at[w], bi_v)
    pltpu.sync_copy(w_hbm.at[pl.ds(0, s2), pl.ds(0, RD)],
                    reg.at[pl.ds(0, s2), pl.ds(0, RD)])

    def step(s, carry):
      def jc(q, c2):
        rvec = lax.iota(jnp.int32, 16) + q * 16
        bivec = bi_v[s, pl.ds(q * 16, 16)]

        def tcol(t, c3):
          tv = jnp.full((16,), 0, jnp.int32) + t
          vals = plsc.load_gather(reg, [tv, bivec])
          plsc.store_scatter(sel_v, [rvec, tv], vals)
          return c3

        lax.fori_loop(0, s2, tcol, 0)
        return c2

      lax.fori_loop(0, IDXW // 16, jc, 0)
      pltpu.sync_copy(sel_v.at[pl.ds(0, IDXW), pl.ds(0, s2)],
                      out_hbm.at[pl.ds((w * steps + s) * IDXW, IDXW)])
      return carry

    lax.fori_loop(0, steps, step, 0)

  return k(wideT, bi3)


def _sc_nash(g2, wideT, mi3, steps, s2, blk):

  @functools.partial(
      pl.kernel,
      out_type=jax.ShapeDtypeStruct((NW, 16), jnp.float32),
      mesh=_sc_mesh(),
      compiler_params=pltpu.CompilerParams(use_tc_tiling_on_sc=False,
                                           needs_layout_passes=False),
      scratch_types=[
          pltpu.VMEM((steps, IDXW), jnp.int32),
          pltpu.VMEM((IDXW, 32), jnp.float32),
          pltpu.VMEM((IDXW, 32), jnp.float32),
          pltpu.VMEM((32, IDXW), jnp.float32),
          pltpu.VMEM((32, IDXW), jnp.float32),
          pltpu.VMEM((16,), jnp.float32),
          pltpu.SemaphoreType.DMA,
          pltpu.SemaphoreType.DMA,
          pltpu.SemaphoreType.DMA,
          pltpu.SemaphoreType.DMA,
      ],
  )
  def k(g2_hbm, w_hbm, mi_hbm, out_hbm, mi_v, gb0, gb1, mb0, mb1, acc,
        sg0, sg1, sm0, sm1):
    w = lax.axis_index("s") * NC + lax.axis_index("c")
    pltpu.sync_copy(mi_hbm.at[w], mi_v)
    acc[...] = jnp.zeros((16,), jnp.float32)

    def wslice(s):
      p0 = (w * steps + s) * IDXW
      bk = p0 // blk
      return w_hbm.at[pl.ds(bk * s2, s2), pl.ds(p0 - bk * blk, IDXW)]

    def fire(s, gb, mb, sg, sm):
      pltpu.async_copy(g2_hbm.at[mi_v.at[s]], gb, sg)
      pltpu.async_copy(wslice(s), mb, sm)

    def wait(s, gb, mb, sg, sm):
      pltpu.make_async_copy(g2_hbm.at[mi_v.at[s]], gb, sg).wait()
      pltpu.make_async_copy(wslice(s), mb, sm).wait()

    def compute(gb, mb):
      def ft(j, c2):
        jv = jnp.full((16,), 0, jnp.int32) + j
        t = acc[...]
        for q in range(IDXW // 16):
          a = mb[j, pl.ds(q * 16, 16)]
          rvec = lax.iota(jnp.int32, 16) + q * 16
          b2 = plsc.load_gather(gb, [rvec, jv])
          dd = a - b2
          t = t + dd * dd
        acc[...] = t
        return c2

      lax.fori_loop(0, s2, ft, 0, unroll=4)

    fire(0, gb0, mb0, sg0, sm0)

    def body(t, carry):
      sa = 2 * t
      sb = sa + 1
      fire(sb, gb1, mb1, sg1, sm1)
      wait(sa, gb0, mb0, sg0, sm0)
      compute(gb0, mb0)

      @pl.when(sa + 2 < steps)
      def _():
        fire(sa + 2, gb0, mb0, sg0, sm0)

      wait(sb, gb1, mb1, sg1, sm1)
      compute(gb1, mb1)
      return carry

    lax.fori_loop(0, steps // 2, body, 0)
    pltpu.sync_copy(acc, out_hbm.at[w])

  return k(g2, wideT, mi3)


def _tc_mlp(medde, lab, Wa, ba, Wb, bb, Wc, bc, b_real):
  BP = medde.shape[0]
  BLK = 8192
  G = BP // BLK
  s2 = Wc.shape[0]
  s_dim = s2 // 2

  def body(x_ref, lab_ref, Wa_r, ba_r, Wb_r, bb_r, Wc_r, bc_r,
           pay_ref, msds_ref, bce_ref):
    i = pl.program_id(0)

    def dnT(w_ref, xT, dims):
      return lax.dot_general(w_ref[...], xT, (dims, ((), ())),
                             preferred_element_type=jnp.float32)

    pmdT = dnT(Wa_r, x_ref[...], ((1,), (1,))) + ba_r[...]
    hT = jnp.maximum(dnT(Wb_r, pmdT, ((1,), (0,))) + bb_r[...], 0.0)
    msdsT = dnT(Wc_r, hT, ((1,), (0,))) + bc_r[...]
    msT = msdsT[:s_dim, :]
    dsT = msdsT[s_dim:, :]
    num = jnp.sum(msT * dsT, axis=0, keepdims=True)
    den = jnp.sqrt(jnp.sum(msT * msT, axis=0, keepdims=True)) * \
        jnp.sqrt(jnp.sum(dsT * dsT, axis=0, keepdims=True))
    x = num / den
    pay_ref[...] = x[None]
    msds_ref[...] = msdsT
    y = lab_ref[0]
    bce = jnp.maximum(x, 0.0) - x * y + jnp.log1p(jnp.exp(-jnp.abs(x)))
    cidx = i * BLK + lax.broadcasted_iota(jnp.int32, (1, BLK), 1)
    s = jnp.sum(jnp.where(cidx < b_real, bce, 0.0), axis=(0, 1),
                keepdims=True)
    bce_ref[...] = jnp.where(i == 0, s, bce_ref[...] + s)

  rep = lambda shape: pl.BlockSpec(shape, lambda i: tuple(0 for _ in shape))
  return pl.pallas_call(
      body,
      grid=(G,),
      in_specs=[
          pl.BlockSpec((BLK, medde.shape[1]), lambda i: (i, 0)),
          pl.BlockSpec((1, 1, BLK), lambda i: (i, 0, 0)),
          rep(Wa.shape), rep(ba.shape), rep(Wb.shape), rep(bb.shape),
          rep(Wc.shape), rep(bc.shape),
      ],
      out_specs=[
          pl.BlockSpec((1, 1, BLK), lambda i: (i, 0, 0)),
          pl.BlockSpec((s2, BLK), lambda i: (i, 0)),
          pl.BlockSpec((1, 1), lambda i: (0, 0)),
      ],
      out_shape=[
          jax.ShapeDtypeStruct((G, 1, BLK), jnp.float32),
          jax.ShapeDtypeStruct((G * s2, BLK), jnp.float32),
          jax.ShapeDtypeStruct((1, 1), jnp.float32),
      ],
  )(medde, lab, Wa, ba, Wb, bb, Wc, bc)


def _tc_unpack(acc, T):

  def body(a_ref, o_ref):
    mx = jnp.max(a_ref[...], axis=0, keepdims=True)
    o_ref[...] = jnp.int32(2047) - (mx & jnp.int32(2047))

  return pl.pallas_call(
      body,
      out_shape=jax.ShapeDtypeStruct((1, T), jnp.int32),
  )(acc)


def _tc_loss(partials, padblk, g2row, bce, b_real, s_dim):

  def body(p_ref, pb_ref, gr_ref, bce_ref, out_ref):
    tot = jnp.sum(p_ref[...], axis=(0, 1), keepdims=True)
    dd = pb_ref[...] - gr_ref[...]
    pad_sum = jnp.sum(dd * dd, axis=(0, 1), keepdims=True)
    out_ref[...] = (tot - pad_sum) / (2.0 * b_real * s_dim) + \
        bce_ref[...] / b_real

  return pl.pallas_call(
      body,
      out_shape=jax.ShapeDtypeStruct((1, 1), jnp.float32),
  )(partials, padblk, g2row, bce)


def kernel(miRNA_embeddings, disease_embeddings, miRNA_index, disease_index,
           true_labels, W_m, b_m, W_d, b_d, W_ms1, b_ms1, W_ms2, b_ms2,
           W_ds1, b_ds1, W_ds2, b_ds2):
  num_m = miRNA_embeddings.shape[0]
  num_d = disease_embeddings.shape[0]
  B = miRNA_index.shape[0]
  s_dim = W_ms2.shape[0]

  BP = 16384 * (-(-B // 16384))
  steps = BP // (NW * IDXW)
  pad = BP - B
  mi = miRNA_index.astype(jnp.int32)
  di = disease_index.astype(jnp.int32)
  mi_g = jnp.pad(mi, (0, pad))
  di_g = jnp.pad(di, (0, pad))
  mi_s = jnp.pad(mi, (0, pad), constant_values=num_m)
  lab = jnp.pad(true_labels, (0, pad)).reshape(BP // 8192, 1, 8192)

  mi2 = mi_g.reshape(NW, steps, IDXW)
  di2 = di_g.reshape(NW, steps, IDXW)

  medde = _sc_gather2(miRNA_embeddings, disease_embeddings, mi2, di2, steps)

  h = W_m.shape[0]
  fm = W_m.shape[1]
  fd = W_d.shape[1]
  s_dim = W_ms2.shape[0]
  Wa = jnp.zeros((2 * h, fm + fd), jnp.float32)
  Wa = Wa.at[:h, :fm].set(W_m).at[h:, fm:].set(W_d)
  ba = jnp.concatenate([b_m, b_d]).reshape(2 * h, 1)
  Wb = jnp.zeros((2 * h, 2 * h), jnp.float32)
  Wb = Wb.at[:h, :h].set(W_ms1).at[h:, h:].set(W_ds1)
  bb = jnp.concatenate([b_ms1, b_ds1]).reshape(2 * h, 1)
  Wc = jnp.zeros((2 * s_dim, 2 * h), jnp.float32)
  Wc = Wc.at[:s_dim, :h].set(W_ms2).at[s_dim:, h:].set(W_ds2)
  bc = jnp.concatenate([b_ms2, b_ds2]).reshape(2 * s_dim, 1)

  pay, msds, bce = _tc_mlp(medde, lab, Wa, ba, Wb, bb, Wc, bc, B)

  bi_n = NW * IDXW * (-(-num_m // (NW * IDXW)))
  bi_steps = bi_n // (NW * IDXW)
  acc = _sc_segmax(pay.reshape(NW, steps, IDXW),
                   mi_s.reshape(NW, steps, IDXW), di2, steps, bi_n)
  bi2 = _tc_unpack(acc, bi_n)

  s2 = 2 * s_dim
  bi_pad = bi2.reshape(NW, bi_steps, IDXW)
  g2 = _sc_gsel(msds, bi_pad, bi_steps, s2, num_d)
  partials = _sc_nash(g2, msds, mi2, steps, s2, 8192)

  bk = B // 8192
  padT = msds[bk * s2:(bk + 1) * s2, B - bk * 8192:]
  g2col = jnp.transpose(g2[0:1, :])
  loss = _tc_loss(partials, padT, g2col, bce, B, s_dim)
  return (pay.reshape(-1)[:B], loss[0, 0])

# --- scband reference (transcript-rebuilt; emitter-appended) ---
"""Pipeline reference for scband-game-theory-5025111736966 (READ-ONLY COPY).

The authoritative reference and input builder live on the scoring server;
editing this copy changes nothing except your own understanding.
"""

import jax, jax.numpy as jnp
import numpy as np


def _linear_params(k, out_d, in_d):
    k1, k2 = jax.random.split(k)
    W = jax.random.normal(k1, (out_d, in_d), dtype=jnp.float32) * 0.05
    b = jax.random.normal(k2, (out_d,), dtype=jnp.float32) * 0.05
    return W, b


def setup_inputs(seed: int = 0) -> dict:
    key = jax.random.key(seed)
    ks = jax.random.split(key, 12)
    num_m, num_d = 10000, 2000
    B = 500000
    fm, fd, h, s = 64, 64, 32, 16
    inp = {}
    inp['miRNA_embeddings'] = jax.random.normal(ks[0], (num_m, fm), dtype=jnp.float32)
    inp['disease_embeddings'] = jax.random.normal(ks[1], (num_d, fd), dtype=jnp.float32)
    inp['miRNA_index'] = jax.random.randint(ks[2], (B,), 0, num_m)
    inp['disease_index'] = jax.random.randint(ks[3], (B,), 0, num_d)
    inp['true_labels'] = jax.random.uniform(ks[4], (B,), dtype=jnp.float32)
    inp['W_m'], inp['b_m'] = _linear_params(ks[5], h, fm)
    inp['W_d'], inp['b_d'] = _linear_params(ks[6], h, fd)
    inp['W_ms1'], inp['b_ms1'] = _linear_params(ks[7], h, h)
    inp['W_ms2'], inp['b_ms2'] = _linear_params(ks[8], s, h)
    inp['W_ds1'], inp['b_ds1'] = _linear_params(ks[9], h, h)
    inp['W_ds2'], inp['b_ds2'] = _linear_params(ks[10], s, h)
    return inp


def _bce_with_logits(x, y):
    return jnp.mean(jnp.maximum(x, 0.0) - x * y + jnp.log1p(jnp.exp(-jnp.abs(x))))


def reference(miRNA_embeddings, disease_embeddings, miRNA_index, disease_index, true_labels,
              W_m, b_m, W_d, b_d, W_ms1, b_ms1, W_ms2, b_ms2, W_ds1, b_ds1, W_ds2, b_ds2):
    num_m = miRNA_embeddings.shape[0]
    num_d = disease_embeddings.shape[0]
    # gather embeddings for each pair
    me = jnp.take(miRNA_embeddings, miRNA_index, axis=0)
    de = jnp.take(disease_embeddings, disease_index, axis=0)
    # projection layers
    me = me @ W_m.T + b_m
    de = de @ W_d.T + b_d
    # strategy networks (Linear -> relu -> Linear)
    ms = jax.nn.relu(me @ W_ms1.T + b_ms1) @ W_ms2.T + b_ms2
    ds = jax.nn.relu(de @ W_ds1.T + b_ds1) @ W_ds2.T + b_ds2
    # nikolov inner product (cosine similarity)
    num = jnp.einsum('ij,ij->i', ms, ds)
    den = jnp.linalg.norm(ms, axis=1) * jnp.linalg.norm(ds, axis=1)
    predicted_payoff = num / den
    rewards = predicted_payoff
    # scatter rewards into payoff matrix (duplicate indices: arbitrary winner, matching torch semantics)
    payoff_matrix = jnp.zeros((num_m, num_d), dtype=rewards.dtype).at[miRNA_index, disease_index].set(rewards)
    best_indices = jnp.argmax(payoff_matrix, axis=1)
    # greedy best strategies (faithful to original: index strategies by best_indices[miRNA_index])
    sel = jnp.take(best_indices, miRNA_index)
    best_ms = jnp.take(ms, sel, axis=0)
    best_ds = jnp.take(ds, sel, axis=0)
    nash_loss_m = jnp.mean((ms - best_ms) ** 2)
    nash_loss_d = jnp.mean((ds - best_ds) ** 2)
    nash_loss = (nash_loss_m + nash_loss_d) / 2.0
    label_loss = _bce_with_logits(predicted_payoff, true_labels)
    loss = nash_loss + label_loss
    return (predicted_payoff, loss)

if __name__ == "__main__":
    import jax
    _d = setup_inputs()
    print(jax.jit(kernel)(*tuple(_d.values())))

</pallas_src>

<mosaic_0001>
#map = affine_map<(d0, d1) -> (0, 0, 0)>
#map1 = affine_map<(d0, d1) -> (0, 0)>
module attributes {stable_mosaic.version = 14 : i64} {
  func.func @k(%arg0: i32, %arg1: i32, %arg2: memref<32x124x128xf32, #tpu.memory_space<hbm>>, %arg3: memref<32x124x128xi32, #tpu.memory_space<hbm>>, %arg4: memref<32x124x128xi32, #tpu.memory_space<hbm>>, %arg5: memref<2x12288xi32, #tpu.memory_space<hbm>>, %arg6: memref<124x128xf32, #tpu.memory_space<vmem>>, %arg7: memref<124x128xi32, #tpu.memory_space<vmem>>, %arg8: memref<124x128xi32, #tpu.memory_space<vmem>>, %arg9: memref<12288xi32, #tpu.memory_space<vmem>>, %arg10: memref<768xi32, #tpu.memory_space<vmem>>, %arg11: memref<768xi32, #tpu.memory_space<vmem>>, %arg12: memref<16x12288xi32, #tpu.memory_space<vmem_shared>>) attributes {dimension_semantics = [#tpu.dimension_semantics<core_parallel>, #tpu.dimension_semantics<subcore_parallel>], iteration_bounds = array<i64: 2, 16>, scalar_prefetch = 0 : i64, scratch_operands = 7 : i64, tpu.core_type = #tpu.core_type<sc_vector_subcore>, window_params = [{transform_indices = #map}, {transform_indices = #map}, {transform_indices = #map}, {transform_indices = #map1}]} {
    %mul3A = arith.constant 2 : i32
    %mul3A_0 = arith.muli %arg1, %mul3A : i32
    %add3A = arith.addi %mul3A_0, %arg0 : i32
    %scan3A = arith.constant 0 : i32
    %scan3A_1 = arith.constant 0 : i32
    %scan3A_2 = arith.constant 768 : i32
    %scan3A_3 = arith.addi %scan3A_1, %scan3A_2 : i32
    %scan3A_4 = arith.constant 1 : i32
    scf.for %scan3A_22 = %scan3A_1 to %scan3A_3 step %scan3A_4  : i32 {
      %broadcast_in_dim3A = arith.constant 2047 : i32
      %broadcast_in_dim3A_23 = vector.broadcast %broadcast_in_dim3A : i32 to vector<16xi32>
      %mul3A_24 = arith.constant 16 : i32
      %mul3A_25 = arith.muli %scan3A_22, %mul3A_24 : i32
      %swap3A = arith.index_cast %mul3A_25 : i32 to index
      %swap3A_26 = tpu.vector_load %arg9[%swap3A] {strides = array<i32>} : memref<12288xi32, #tpu.memory_space<vmem>>, vector<16xi32>,
      tpu.vector_store %arg9[%swap3A], %broadcast_in_dim3A_23 {strides = array<i32>} : memref<12288xi32, #tpu.memory_space<vmem>>, vector<16xi32>,
    }
    %scan3A_5 = arith.constant 768 : i32
    "tpu.region"() ({
      %run_scoped3A_22 = tpu.sem_alloc : memref<!tpu.dma_semaphore, #tpu.memory_space<semaphore_mem>>
      %dma_start3A = arith.constant 0 : i32
      %dma_start3A_23 = arith.constant 0 : i32
      %dma_start3A_24 = tpu.memref_slice %arg2[%add3A, %dma_start3A, %dma_start3A_23] : memref<32x124x128xf32, #tpu.memory_space<hbm>> -> memref<1x124x128xf32, #tpu.memory_space<hbm>>
      %dma_start3A_25 = tpu.memref_squeeze %dma_start3A_24 : memref<1x124x128xf32, #tpu.memory_space<hbm>> -> memref<124x128xf32, #tpu.memory_space<hbm>>
      %dma_start3A_26 = arith.constant 0 : i32
      %dma_start3A_27 = arith.constant 0 : i32
      %dma_start3A_28 = tpu.memref_slice %arg2[%add3A, %dma_start3A_26, %dma_start3A_27] : memref<32x124x128xf32, #tpu.memory_space<hbm>> -> memref<1x124x128xf32, #tpu.memory_space<hbm>>
      %dma_start3A_29 = tpu.memref_squeeze %dma_start3A_28 : memref<1x124x128xf32, #tpu.memory_space<hbm>> -> memref<124x128xf32, #tpu.memory_space<hbm>>
      tpu.enqueue_dma source(%dma_start3A_29 : memref<124x128xf32, #tpu.memory_space<hbm>>) target(%arg6 : memref<124x128xf32, #tpu.memory_space<vmem>>) target_semaphore(%run_scoped3A_22 : memref<!tpu.dma_semaphore, #tpu.memory_space<semaphore_mem>>)
      %dma_wait3A = arith.constant 0 : i32
      %dma_wait3A_30 = arith.constant 0 : i32
      %dma_wait3A_31 = tpu.memref_slice %arg2[%add3A, %dma_wait3A, %dma_wait3A_30] : memref<32x124x128xf32, #tpu.memory_space<hbm>> -> memref<1x124x128xf32, #tpu.memory_space<hbm>>
      %dma_wait3A_32 = tpu.memref_squeeze %dma_wait3A_31 : memref<1x124x128xf32, #tpu.memory_space<hbm>> -> memref<124x128xf32, #tpu.memory_space<hbm>>
      %dma_wait3A_33 = arith.constant 0 : i32
      %dma_wait3A_34 = arith.constant 0 : i32
      %dma_wait3A_35 = tpu.memref_slice %arg2[%add3A, %dma_wait3A_33, %dma_wait3A_34] : memref<32x124x128xf32, #tpu.memory_space<hbm>> -> memref<1x124x128xf32, #tpu.memory_space<hbm>>
      %dma_wait3A_36 = tpu.memref_squeeze %dma_wait3A_35 : memref<1x124x128xf32, #tpu.memory_space<hbm>> -> memref<124x128xf32, #tpu.memory_space<hbm>>
      tpu.wait_dma2 semaphore(%run_scoped3A_22 : memref<!tpu.dma_semaphore, #tpu.memory_space<semaphore_mem>>) src(%dma_wait3A_36 : memref<124x128xf32, #tpu.memory_space<hbm>>) dst(%arg6 : memref<124x128xf32, #tpu.memory_space<vmem>>)
      tpu.yield
    }) : () -> ()
    "tpu.region"() ({
      %run_scoped3A_22 = tpu.sem_alloc : memref<!tpu.dma_semaphore, #tpu.memory_space<semaphore_mem>>
      %dma_start3A = arith.constant 0 : i32
      %dma_start3A_23 = arith.constant 0 : i32
      %dma_start3A_24 = tpu.memref_slice %arg3[%add3A, %dma_start3A, %dma_start3A_23] : memref<32x124x128xi32, #tpu.memory_space<hbm>> -> memref<1x124x128xi32, #tpu.memory_space<hbm>>
      %dma_start3A_25 = tpu.memref_squeeze %dma_start3A_24 : memref<1x124x128xi32, #tpu.memory_space<hbm>> -> memref<124x128xi32, #tpu.memory_space<hbm>>
      %dma_start3A_26 = arith.constant 0 : i32
      %dma_start3A_27 = arith.constant 0 : i32
      %dma_start3A_28 = tpu.memref_slice %arg3[%add3A, %dma_start3A_26, %dma_start3A_27] : memref<32x124x128xi32, #tpu.memory_space<hbm>> -> memref<1x124x128xi32, #tpu.memory_space<hbm>>
      %dma_start3A_29 = tpu.memref_squeeze %dma_start3A_28 : memref<1x124x128xi32, #tpu.memory_space<hbm>> -> memref<124x128xi32, #tpu.memory_space<hbm>>
      tpu.enqueue_dma source(%dma_start3A_29 : memref<124x128xi32, #tpu.memory_space<hbm>>) target(%arg7 : memref<124x128xi32, #tpu.memory_space<vmem>>) target_semaphore(%run_scoped3A_22 : memref<!tpu.dma_semaphore, #tpu.memory_space<semaphore_mem>>)
      %dma_wait3A = arith.constant 0 : i32
      %dma_wait3A_30 = arith.constant 0 : i32
      %dma_wait3A_31 = tpu.memref_slice %arg3[%add3A, %dma_wait3A, %dma_wait3A_30] : memref<32x124x128xi32, #tpu.memory_space<hbm>> -> memref<1x124x128xi32, #tpu.memory_space<hbm>>
      %dma_wait3A_32 = tpu.memref_squeeze %dma_wait3A_31 : memref<1x124x128xi32, #tpu.memory_space<hbm>> -> memref<124x128xi32, #tpu.memory_space<hbm>>
      %dma_wait3A_33 = arith.constant 0 : i32
      %dma_wait3A_34 = arith.constant 0 : i32
      %dma_wait3A_35 = tpu.memref_slice %arg3[%add3A, %dma_wait3A_33, %dma_wait3A_34] : memref<32x124x128xi32, #tpu.memory_space<hbm>> -> memref<1x124x128xi32, #tpu.memory_space<hbm>>
      %dma_wait3A_36 = tpu.memref_squeeze %dma_wait3A_35 : memref<1x124x128xi32, #tpu.memory_space<hbm>> -> memref<124x128xi32, #tpu.memory_space<hbm>>
      tpu.wait_dma2 semaphore(%run_scoped3A_22 : memref<!tpu.dma_semaphore, #tpu.memory_space<semaphore_mem>>) src(%dma_wait3A_36 : memref<124x128xi32, #tpu.memory_space<hbm>>) dst(%arg7 : memref<124x128xi32, #tpu.memory_space<vmem>>)
      tpu.yield
    }) : () -> ()
    "tpu.region"() ({
      %run_scoped3A_22 = tpu.sem_alloc : memref<!tpu.dma_semaphore, #tpu.memory_space<semaphore_mem>>
      %dma_start3A = arith.constant 0 : i32
      %dma_start3A_23 = arith.constant 0 : i32
      %dma_start3A_24 = tpu.memref_slice %arg4[%add3A, %dma_start3A, %dma_start3A_23] : memref<32x124x128xi32, #tpu.memory_space<hbm>> -> memref<1x124x128xi32, #tpu.memory_space<hbm>>
      %dma_start3A_25 = tpu.memref_squeeze %dma_start3A_24 : memref<1x124x128xi32, #tpu.memory_space<hbm>> -> memref<124x128xi32, #tpu.memory_space<hbm>>
      %dma_start3A_26 = arith.constant 0 : i32
      %dma_start3A_27 = arith.constant 0 : i32
      %dma_start3A_28 = tpu.memref_slice %arg4[%add3A, %dma_start3A_26, %dma_start3A_27] : memref<32x124x128xi32, #tpu.memory_space<hbm>> -> memref<1x124x128xi32, #tpu.memory_space<hbm>>
      %dma_start3A_29 = tpu.memref_squeeze %dma_start3A_28 : memref<1x124x128xi32, #tpu.memory_space<hbm>> -> memref<124x128xi32, #tpu.memory_space<hbm>>
      tpu.enqueue_dma source(%dma_start3A_29 : memref<124x128xi32, #tpu.memory_space<hbm>>) target(%arg8 : memref<124x128xi32, #tpu.memory_space<vmem>>) target_semaphore(%run_scoped3A_22 : memref<!tpu.dma_semaphore, #tpu.memory_space<semaphore_mem>>)
      %dma_wait3A = arith.constant 0 : i32
      %dma_wait3A_30 = arith.constant 0 : i32
      %dma_wait3A_31 = tpu.memref_slice %arg4[%add3A, %dma_wait3A, %dma_wait3A_30] : memref<32x124x128xi32, #tpu.memory_space<hbm>> -> memref<1x124x128xi32, #tpu.memory_space<hbm>>
      %dma_wait3A_32 = tpu.memref_squeeze %dma_wait3A_31 : memref<1x124x128xi32, #tpu.memory_space<hbm>> -> memref<124x128xi32, #tpu.memory_space<hbm>>
      %dma_wait3A_33 = arith.constant 0 : i32
      %dma_wait3A_34 = arith.constant 0 : i32
      %dma_wait3A_35 = tpu.memref_slice %arg4[%add3A, %dma_wait3A_33, %dma_wait3A_34] : memref<32x124x128xi32, #tpu.memory_space<hbm>> -> memref<1x124x128xi32, #tpu.memory_space<hbm>>
      %dma_wait3A_36 = tpu.memref_squeeze %dma_wait3A_35 : memref<1x124x128xi32, #tpu.memory_space<hbm>> -> memref<124x128xi32, #tpu.memory_space<hbm>>
      tpu.wait_dma2 semaphore(%run_scoped3A_22 : memref<!tpu.dma_semaphore, #tpu.memory_space<semaphore_mem>>) src(%dma_wait3A_36 : memref<124x128xi32, #tpu.memory_space<hbm>>) dst(%arg8 : memref<124x128xi32, #tpu.memory_space<vmem>>)
      tpu.yield
    }) : () -> ()
    %scan3A_6 = arith.constant 0 : i32
    %scan3A_7 = arith.constant 0 : i32
    %scan3A_8 = arith.constant 124 : i32
    %scan3A_9 = arith.addi %scan3A_7, %scan3A_8 : i32
    %scan3A_10 = arith.constant 1 : i32
    scf.for %scan3A_22 = %scan3A_7 to %scan3A_9 step %scan3A_10  : i32 {
      %scan3A_23 = arith.constant 0 : i32
      %scan3A_24 = arith.constant 8 : i32
      %scan3A_25 = arith.addi %scan3A_23, %scan3A_24 : i32
      %scan3A_26 = arith.constant 1 : i32
      scf.for %scan3A_28 = %scan3A_23 to %scan3A_25 step %scan3A_26  : i32 {
        %mul3A_29 = arith.constant 16 : i32
        %mul3A_30 = arith.muli %scan3A_28, %mul3A_29 : i32
        %get3A = arith.index_cast %scan3A_22 : i32 to index
        %get3A_31 = arith.index_cast %mul3A_30 : i32 to index
        %get3A_32 = tpu.vector_load %arg7[%get3A, %get3A_31] {strides = array<i32>} : memref<124x128xi32, #tpu.memory_space<vmem>>, vector<16xi32>,
        %mul3A_33 = arith.constant 16 : i32
        %mul3A_34 = arith.muli %scan3A_28, %mul3A_33 : i32
        %get3A_35 = arith.index_cast %scan3A_22 : i32 to index
        %get3A_36 = arith.index_cast %mul3A_34 : i32 to index
        %get3A_37 = tpu.vector_load %arg8[%get3A_35, %get3A_36] {strides = array<i32>} : memref<124x128xi32, #tpu.memory_space<vmem>>, vector<16xi32>,
        %mul3A_38 = arith.constant 16 : i32
        %mul3A_39 = arith.muli %scan3A_28, %mul3A_38 : i32
        %get3A_40 = arith.index_cast %scan3A_22 : i32 to index
        %get3A_41 = arith.index_cast %mul3A_39 : i32 to index
        %get3A_42 = tpu.vector_load %arg6[%get3A_40, %get3A_41] {strides = array<i32>} : memref<124x128xf32, #tpu.memory_space<vmem>>, vector<16xf32>,
        %bitcast3A = vector.bitcast %get3A_42 : vector<16xf32> to vector<16xi32>
        %ge3A = arith.constant 0 : i32
        %ge3A_43 = vector.broadcast %ge3A : i32 to vector<16xi32>
        %ge3A_44 = arith.cmpi sge, %bitcast3A, %ge3A_43 : vector<16xi32>
        %xor3A = arith.constant 2147483647 : i32
        %xor3A_45 = vector.broadcast %xor3A : i32 to vector<16xi32>
        %xor3A_46 = arith.xori %bitcast3A, %xor3A_45 : vector<16xi32>
        %select_n3A = arith.select %ge3A_44, %bitcast3A, %xor3A_46 : vector<16xi1>, vector<16xi32>
        %and3A = arith.constant -2048 : i32
        %and3A_47 = vector.broadcast %and3A : i32 to vector<16xi32>
        %and3A_48 = arith.andi %select_n3A, %and3A_47 : vector<16xi32>
        %sub3A = arith.constant 2047 : i32
        %sub3A_49 = vector.broadcast %sub3A : i32 to vector<16xi32>
        %sub3A_50 = arith.subi %sub3A_49, %get3A_37 : vector<16xi32>
        %or3A = arith.ori %and3A_48, %sub3A_50 : vector<16xi32>
        %gather3A = tpu.vector_load_idx %arg9[%get3A_32] : memref<12288xi32, #tpu.memory_space<vmem>>[vector<16xi32>], vector<16xi32>,
        %gt3A = arith.cmpi sgt, %or3A, %gather3A : vector<16xi32>
        %while3A = scf.while (%while3A_51 = %gt3A) : (vector<16xi1>) -> vector<16xi1> {
          %jit3A = arith.constant 1 : i32
          %jit3A_52 = arith.constant 0 : i32
          %broadcast_in_dim3A = vector.broadcast %jit3A : i32 to vector<16xi32>
          %broadcast_in_dim3A_53 = vector.broadcast %jit3A_52 : i32 to vector<16xi32>
          %select_n3A_54 = arith.select %while3A_51, %broadcast_in_dim3A, %broadcast_in_dim3A_53 : vector<16xi1>, vector<16xi32>
          %reduce_max3A = arith.constant true
          %reduce_max3A_55 = vector.broadcast %reduce_max3A : i1 to vector<16xi1>
          %reduce_max3A_56 = arith.constant -2147483648 : i32
          %reduce_max3A_57 = vector.broadcast %reduce_max3A_56 : i32 to vector<16xi32>
          %reduce_max3A_58 = arith.xori %select_n3A_54, %reduce_max3A_57 : vector<16xi32>
          %reduce_max3A_59 = tpu.scan <max>, %reduce_max3A_58 masked %reduce_max3A_55 : vector<16xi32>, vector<16xi1> -> vector<16xi32>
          %reduce_max3A_60 = arith.xori %reduce_max3A_59, %reduce_max3A_57 : vector<16xi32>
          %reduce_max3A_61 = vector.extract %reduce_max3A_60[15] : i32 from vector<16xi32>
          %gt3A_62 = arith.constant 0 : i32
          %gt3A_63 = arith.cmpi sgt, %reduce_max3A_61, %gt3A_62 : i32
          scf.condition(%gt3A_63) %while3A_51 : vector<16xi1>
        } do {
        ^bb0(%while3A_51: vector<16xi1>):
          tpu.vector_store_idx %arg9[%get3A_32], %or3A masked %while3A_51 : memref<12288xi32, #tpu.memory_space<vmem>>[vector<16xi32>], vector<16xi32>, vector<16xi1>
          %gather3A_52 = tpu.vector_load_idx %arg9[%get3A_32] : memref<12288xi32, #tpu.memory_space<vmem>>[vector<16xi32>], vector<16xi32>,
          %lt3A = arith.cmpi slt, %gather3A_52, %or3A : vector<16xi32>
          %and3A_53 = arith.andi %while3A_51, %lt3A : vector<16xi1>
          scf.yield %and3A_53 : vector<16xi1>
        }
      }
      %scan3A_27 = arith.constant 8 : i32
    }
    %scan3A_11 = arith.constant 124 : i32
    "tpu.region"() ({
      %run_scoped3A_22 = tpu.sem_alloc : memref<!tpu.dma_semaphore, #tpu.memory_space<semaphore_mem>>
      %dma_start3A = arith.constant 0 : i32
      %dma_start3A_23 = tpu.memref_slice %arg12[%arg1, %dma_start3A] : memref<16x12288xi32, #tpu.memory_space<vmem_shared>> -> memref<1x12288xi32, #tpu.memory_space<vmem_shared>>
      %dma_start3A_24 = tpu.memref_squeeze %dma_start3A_23 : memref<1x12288xi32, #tpu.memory_space<vmem_shared>> -> memref<12288xi32, #tpu.memory_space<vmem_shared>>
      %dma_start3A_25 = arith.constant 0 : i32
      %dma_start3A_26 = tpu.memref_slice %arg12[%arg1, %dma_start3A_25] : memref<16x12288xi32, #tpu.memory_space<vmem_shared>> -> memref<1x12288xi32, #tpu.memory_space<vmem_shared>>
      %dma_start3A_27 = tpu.memref_squeeze %dma_start3A_26 : memref<1x12288xi32, #tpu.memory_space<vmem_shared>> -> memref<12288xi32, #tpu.memory_space<vmem_shared>>
      tpu.enqueue_dma source(%arg9 : memref<12288xi32, #tpu.memory_space<vmem>>) target(%dma_start3A_27 : memref<12288xi32, #tpu.memory_space<vmem_shared>>) target_semaphore(%run_scoped3A_22 : memref<!tpu.dma_semaphore, #tpu.memory_space<semaphore_mem>>)
      %dma_wait3A = arith.constant 0 : i32
      %dma_wait3A_28 = tpu.memref_slice %arg12[%arg1, %dma_wait3A] : memref<16x12288xi32, #tpu.memory_space<vmem_shared>> -> memref<1x12288xi32, #tpu.memory_space<vmem_shared>>
      %dma_wait3A_29 = tpu.memref_squeeze %dma_wait3A_28 : memref<1x12288xi32, #tpu.memory_space<vmem_shared>> -> memref<12288xi32, #tpu.memory_space<vmem_shared>>
      %dma_wait3A_30 = arith.constant 0 : i32
      %dma_wait3A_31 = tpu.memref_slice %arg12[%arg1, %dma_wait3A_30] : memref<16x12288xi32, #tpu.memory_space<vmem_shared>> -> memref<1x12288xi32, #tpu.memory_space<vmem_shared>>
      %dma_wait3A_32 = tpu.memref_squeeze %dma_wait3A_31 : memref<1x12288xi32, #tpu.memory_space<vmem_shared>> -> memref<12288xi32, #tpu.memory_space<vmem_shared>>
      tpu.wait_dma2 semaphore(%run_scoped3A_22 : memref<!tpu.dma_semaphore, #tpu.memory_space<semaphore_mem>>) src(%arg9 : memref<12288xi32, #tpu.memory_space<vmem>>) dst(%dma_wait3A_32 : memref<12288xi32, #tpu.memory_space<vmem_shared>>)
      tpu.yield
    }) : () -> ()
    %barrier3A = arith.constant 0 : index
    tpu.barrier barrier_id(%barrier3A)
    %mul3A_12 = arith.constant 768 : i32
    %mul3A_13 = arith.muli %arg1, %mul3A_12 : i32
    %run_scoped3A = arith.constant 0 : i32
    "tpu.region"() ({
      %run_scoped3A_22 = tpu.sem_alloc : memref<!tpu.dma_semaphore, #tpu.memory_space<semaphore_mem>>
      %dma_start3A = tpu.memref_slice %arg12[%run_scoped3A, %mul3A_13] : memref<16x12288xi32, #tpu.memory_space<vmem_shared>> -> memref<1x768xi32, #tpu.memory_space<vmem_shared>>
      %dma_start3A_23 = tpu.memref_squeeze %dma_start3A : memref<1x768xi32, #tpu.memory_space<vmem_shared>> -> memref<768xi32, #tpu.memory_space<vmem_shared>>
      %dma_start3A_24 = tpu.memref_slice %arg12[%run_scoped3A, %mul3A_13] : memref<16x12288xi32, #tpu.memory_space<vmem_shared>> -> memref<1x768xi32, #tpu.memory_space<vmem_shared>>
      %dma_start3A_25 = tpu.memref_squeeze %dma_start3A_24 : memref<1x768xi32, #tpu.memory_space<vmem_shared>> -> memref<768xi32, #tpu.memory_space<vmem_shared>>
      tpu.enqueue_dma source(%dma_start3A_25 : memref<768xi32, #tpu.memory_space<vmem_shared>>) target(%arg10 : memref<768xi32, #tpu.memory_space<vmem>>) target_semaphore(%run_scoped3A_22 : memref<!tpu.dma_semaphore, #tpu.memory_space<semaphore_mem>>)
      %dma_wait3A = tpu.memref_slice %arg12[%run_scoped3A, %mul3A_13] : memref<16x12288xi32, #tpu.memory_space<vmem_shared>> -> memref<1x768xi32, #tpu.memory_space<vmem_shared>>
      %dma_wait3A_26 = tpu.memref_squeeze %dma_wait3A : memref<1x768xi32, #tpu.memory_space<vmem_shared>> -> memref<768xi32, #tpu.memory_space<vmem_shared>>
      %dma_wait3A_27 = tpu.memref_slice %arg12[%run_scoped3A, %mul3A_13] : memref<16x12288xi32, #tpu.memory_space<vmem_shared>> -> memref<1x768xi32, #tpu.memory_space<vmem_shared>>
      %dma_wait3A_28 = tpu.memref_squeeze %dma_wait3A_27 : memref<1x768xi32, #tpu.memory_space<vmem_shared>> -> memref<768xi32, #tpu.memory_space<vmem_shared>>
      tpu.wait_dma2 semaphore(%run_scoped3A_22 : memref<!tpu.dma_semaphore, #tpu.memory_space<semaphore_mem>>) src(%dma_wait3A_28 : memref<768xi32, #tpu.memory_space<vmem_shared>>) dst(%arg10 : memref<768xi32, #tpu.memory_space<vmem>>)
      tpu.yield
    }) : () -> ()
    %scan3A_14 = arith.constant 0 : i32
    %scan3A_15 = arith.constant 1 : i32
    %scan3A_16 = arith.constant 15 : i32
    %scan3A_17 = arith.addi %scan3A_15, %scan3A_16 : i32
    %scan3A_18 = arith.constant 1 : i32
    scf.for %scan3A_22 = %scan3A_15 to %scan3A_17 step %scan3A_18  : i32 {
      %mul3A_23 = arith.constant 768 : i32
      %mul3A_24 = arith.muli %arg1, %mul3A_23 : i32
      "tpu.region"() ({
        %run_scoped3A_30 = tpu.sem_alloc : memref<!tpu.dma_semaphore, #tpu.memory_space<semaphore_mem>>
        %dma_start3A = tpu.memref_slice %arg12[%scan3A_22, %mul3A_24] : memref<16x12288xi32, #tpu.memory_space<vmem_shared>> -> memref<1x768xi32, #tpu.memory_space<vmem_shared>>
        %dma_start3A_31 = tpu.memref_squeeze %dma_start3A : memref<1x768xi32, #tpu.memory_space<vmem_shared>> -> memref<768xi32, #tpu.memory_space<vmem_shared>>
        %dma_start3A_32 = tpu.memref_slice %arg12[%scan3A_22, %mul3A_24] : memref<16x12288xi32, #tpu.memory_space<vmem_shared>> -> memref<1x768xi32, #tpu.memory_space<vmem_shared>>
        %dma_start3A_33 = tpu.memref_squeeze %dma_start3A_32 : memref<1x768xi32, #tpu.memory_space<vmem_shared>> -> memref<768xi32, #tpu.memory_space<vmem_shared>>
        tpu.enqueue_dma source(%dma_start3A_33 : memref<768xi32, #tpu.memory_space<vmem_shared>>) target(%arg11 : memref<768xi32, #tpu.memory_space<vmem>>) target_semaphore(%run_scoped3A_30 : memref<!tpu.dma_semaphore, #tpu.memory_space<semaphore_mem>>)
        %dma_wait3A = tpu.memref_slice %arg12[%scan3A_22, %mul3A_24] : memref<16x12288xi32, #tpu.memory_space<vmem_shared>> -> memref<1x768xi32, #tpu.memory_space<vmem_shared>>
        %dma_wait3A_34 = tpu.memref_squeeze %dma_wait3A : memref<1x768xi32, #tpu.memory_space<vmem_shared>> -> memref<768xi32, #tpu.memory_space<vmem_shared>>
        %dma_wait3A_35 = tpu.memref_slice %arg12[%scan3A_22, %mul3A_24] : memref<16x12288xi32, #tpu.memory_space<vmem_shared>> -> memref<1x768xi32, #tpu.memory_space<vmem_shared>>
        %dma_wait3A_36 = tpu.memref_squeeze %dma_wait3A_35 : memref<1x768xi32, #tpu.memory_space<vmem_shared>> -> memref<768xi32, #tpu.memory_space<vmem_shared>>
        tpu.wait_dma2 semaphore(%run_scoped3A_30 : memref<!tpu.dma_semaphore, #tpu.memory_space<semaphore_mem>>) src(%dma_wait3A_36 : memref<768xi32, #tpu.memory_space<vmem_shared>>) dst(%arg11 : memref<768xi32, #tpu.memory_space<vmem>>)
        tpu.yield
      }) : () -> ()
      %scan3A_25 = arith.constant 0 : i32
      %scan3A_26 = arith.constant 48 : i32
      %scan3A_27 = arith.addi %scan3A_25, %scan3A_26 : i32
      %scan3A_28 = arith.constant 1 : i32
      scf.for %scan3A_30 = %scan3A_25 to %scan3A_27 step %scan3A_28  : i32 {
        %mul3A_31 = arith.constant 16 : i32
        %mul3A_32 = arith.muli %scan3A_30, %mul3A_31 : i32
        %get3A = arith.index_cast %mul3A_32 : i32 to index
        %get3A_33 = tpu.vector_load %arg10[%get3A] {strides = array<i32>} : memref<768xi32, #tpu.memory_space<vmem>>, vector<16xi32>,
        %mul3A_34 = arith.constant 16 : i32
        %mul3A_35 = arith.muli %scan3A_30, %mul3A_34 : i32
        %get3A_36 = arith.index_cast %mul3A_35 : i32 to index
        %get3A_37 = tpu.vector_load %arg11[%get3A_36] {strides = array<i32>} : memref<768xi32, #tpu.memory_space<vmem>>, vector<16xi32>,
        %max3A = arith.maxsi %get3A_33, %get3A_37 : vector<16xi32>
        %mul3A_38 = arith.constant 16 : i32
        %mul3A_39 = arith.muli %scan3A_30, %mul3A_38 : i32
        %swap3A = arith.index_cast %mul3A_39 : i32 to index
        %swap3A_40 = tpu.vector_load %arg10[%swap3A] {strides = array<i32>} : memref<768xi32, #tpu.memory_space<vmem>>, vector<16xi32>,
        tpu.vector_store %arg10[%swap3A], %max3A {strides = array<i32>} : memref<768xi32, #tpu.memory_space<vmem>>, vector<16xi32>,
      }
      %scan3A_29 = arith.constant 48 : i32
    }
    %scan3A_19 = arith.constant 15 : i32
    %mul3A_20 = arith.constant 768 : i32
    %mul3A_21 = arith.muli %arg1, %mul3A_20 : i32
    "tpu.region"() ({
      %run_scoped3A_22 = tpu.sem_alloc : memref<!tpu.dma_semaphore, #tpu.memory_space<semaphore_mem>>
      %dma_start3A = tpu.memref_slice %arg5[%arg0, %mul3A_21] : memref<2x12288xi32, #tpu.memory_space<hbm>> -> memref<1x768xi32, #tpu.memory_space<hbm>>
      %dma_start3A_23 = tpu.memref_squeeze %dma_start3A : memref<1x768xi32, #tpu.memory_space<hbm>> -> memref<768xi32, #tpu.memory_space<hbm>>
      %dma_start3A_24 = tpu.memref_slice %arg5[%arg0, %mul3A_21] : memref<2x12288xi32, #tpu.memory_space<hbm>> -> memref<1x768xi32, #tpu.memory_space<hbm>>
      %dma_start3A_25 = tpu.memref_squeeze %dma_start3A_24 : memref<1x768xi32, #tpu.memory_space<hbm>> -> memref<768xi32, #tpu.memory_space<hbm>>
      tpu.enqueue_dma source(%arg10 : memref<768xi32, #tpu.memory_space<vmem>>) target(%dma_start3A_25 : memref<768xi32, #tpu.memory_space<hbm>>) target_semaphore(%run_scoped3A_22 : memref<!tpu.dma_semaphore, #tpu.memory_space<semaphore_mem>>)
      %dma_wait3A = tpu.memref_slice %arg5[%arg0, %mul3A_21] : memref<2x12288xi32, #tpu.memory_space<hbm>> -> memref<1x768xi32, #tpu.memory_space<hbm>>
      %dma_wait3A_26 = tpu.memref_squeeze %dma_wait3A : memref<1x768xi32, #tpu.memory_space<hbm>> -> memref<768xi32, #tpu.memory_space<hbm>>
      %dma_wait3A_27 = tpu.memref_slice %arg5[%arg0, %mul3A_21] : memref<2x12288xi32, #tpu.memory_space<hbm>> -> memref<1x768xi32, #tpu.memory_space<hbm>>
      %dma_wait3A_28 = tpu.memref_squeeze %dma_wait3A_27 : memref<1x768xi32, #tpu.memory_space<hbm>> -> memref<768xi32, #tpu.memory_space<hbm>>
      tpu.wait_dma2 semaphore(%run_scoped3A_22 : memref<!tpu.dma_semaphore, #tpu.memory_space<semaphore_mem>>) src(%arg10 : memref<768xi32, #tpu.memory_space<vmem>>) dst(%dma_wait3A_28 : memref<768xi32, #tpu.memory_space<hbm>>)
      tpu.yield
    }) : () -> ()
    return
  }
}

#map = affine_map<(d0, d1) -> (0, 0)>
#map1 = affine_map<(d0, d1) -> (0, 0, 0)>
module attributes {stable_mosaic.version = 14 : i64} {
  func.func @k(%arg0: i32, %arg1: i32, %arg2: memref<1984x8192xf32, #tpu.memory_space<hbm>>, %arg3: memref<32x3x128xi32, #tpu.memory_space<hbm>>, %arg4: memref<12288x32xf32, #tpu.memory_space<hbm>>, %arg5: memref<3x128xi32, #tpu.memory_space<vmem>>, %arg6: memref<32x2048xf32, #tpu.memory_space<vmem>>, %arg7: memref<128x32xf32, #tpu.memory_space<vmem>>) attributes {dimension_semantics = [#tpu.dimension_semantics<core_parallel>, #tpu.dimension_semantics<subcore_parallel>], iteration_bounds = array<i64: 2, 16>, scalar_prefetch = 0 : i64, scratch_operands = 3 : i64, tpu.core_type = #tpu.core_type<sc_vector_subcore>, window_params = [{transform_indices = #map}, {transform_indices = #map1}, {transform_indices = #map}]} {
    %mul3A = arith.constant 2 : i32
    %mul3A_0 = arith.muli %arg1, %mul3A : i32
    %add3A = arith.addi %mul3A_0, %arg0 : i32
    "tpu.region"() ({
      %run_scoped3A = tpu.sem_alloc : memref<!tpu.dma_semaphore, #tpu.memory_space<semaphore_mem>>
      %dma_start3A = arith.constant 0 : i32
      %dma_start3A_6 = arith.constant 0 : i32
      %dma_start3A_7 = tpu.memref_slice %arg3[%add3A, %dma_start3A, %dma_start3A_6] : memref<32x3x128xi32, #tpu.memory_space<hbm>> -> memref<1x3x128xi32, #tpu.memory_space<hbm>>
      %dma_start3A_8 = tpu.memref_squeeze %dma_start3A_7 : memref<1x3x128xi32, #tpu.memory_space<hbm>> -> memref<3x128xi32, #tpu.memory_space<hbm>>
      %dma_start3A_9 = arith.constant 0 : i32
      %dma_start3A_10 = arith.constant 0 : i32
      %dma_start3A_11 = tpu.memref_slice %arg3[%add3A, %dma_start3A_9, %dma_start3A_10] : memref<32x3x128xi32, #tpu.memory_space<hbm>> -> memref<1x3x128xi32, #tpu.memory_space<hbm>>
      %dma_start3A_12 = tpu.memref_squeeze %dma_start3A_11 : memref<1x3x128xi32, #tpu.memory_space<hbm>> -> memref<3x128xi32, #tpu.memory_space<hbm>>
      tpu.enqueue_dma source(%dma_start3A_12 : memref<3x128xi32, #tpu.memory_space<hbm>>) target(%arg5 : memref<3x128xi32, #tpu.memory_space<vmem>>) target_semaphore(%run_scoped3A : memref<!tpu.dma_semaphore, #tpu.memory_space<semaphore_mem>>)
      %dma_wait3A = arith.constant 0 : i32
      %dma_wait3A_13 = arith.constant 0 : i32
      %dma_wait3A_14 = tpu.memref_slice %arg3[%add3A, %dma_wait3A, %dma_wait3A_13] : memref<32x3x128xi32, #tpu.memory_space<hbm>> -> memref<1x3x128xi32, #tpu.memory_space<hbm>>
      %dma_wait3A_15 = tpu.memref_squeeze %dma_wait3A_14 : memref<1x3x128xi32, #tpu.memory_space<hbm>> -> memref<3x128xi32, #tpu.memory_space<hbm>>
      %dma_wait3A_16 = arith.constant 0 : i32
      %dma_wait3A_17 = arith.constant 0 : i32
      %dma_wait3A_18 = tpu.memref_slice %arg3[%add3A, %dma_wait3A_16, %dma_wait3A_17] : memref<32x3x128xi32, #tpu.memory_space<hbm>> -> memref<1x3x128xi32, #tpu.memory_space<hbm>>
      %dma_wait3A_19 = tpu.memref_squeeze %dma_wait3A_18 : memref<1x3x128xi32, #tpu.memory_space<hbm>> -> memref<3x128xi32, #tpu.memory_space<hbm>>
      tpu.wait_dma2 semaphore(%run_scoped3A : memref<!tpu.dma_semaphore, #tpu.memory_space<semaphore_mem>>) src(%dma_wait3A_19 : memref<3x128xi32, #tpu.memory_space<hbm>>) dst(%arg5 : memref<3x128xi32, #tpu.memory_space<vmem>>)
      tpu.yield
    }) : () -> ()
    "tpu.region"() ({
      %run_scoped3A = tpu.sem_alloc : memref<!tpu.dma_semaphore, #tpu.memory_space<semaphore_mem>>
      %dma_start3A = arith.constant 0 : i32
      %dma_start3A_6 = arith.constant 0 : i32
      %dma_start3A_7 = tpu.memref_slice %arg6[%dma_start3A, %dma_start3A_6] : memref<32x2048xf32, #tpu.memory_space<vmem>> -> memref<32x2048xf32, #tpu.memory_space<vmem>>
      %dma_start3A_8 = arith.constant 0 : i32
      %dma_start3A_9 = arith.constant 0 : i32
      %dma_start3A_10 = tpu.memref_slice %arg2[%dma_start3A_8, %dma_start3A_9] : memref<1984x8192xf32, #tpu.memory_space<hbm>> -> memref<32x2048xf32, #tpu.memory_space<hbm>>
      %dma_start3A_11 = arith.constant 0 : i32
      %dma_start3A_12 = arith.constant 0 : i32
      %dma_start3A_13 = tpu.memref_slice %arg6[%dma_start3A_11, %dma_start3A_12] : memref<32x2048xf32, #tpu.memory_space<vmem>> -> memref<32x2048xf32, #tpu.memory_space<vmem>>
      %dma_start3A_14 = arith.constant 0 : i32
      %dma_start3A_15 = arith.constant 0 : i32
      %dma_start3A_16 = tpu.memref_slice %arg2[%dma_start3A_14, %dma_start3A_15] : memref<1984x8192xf32, #tpu.memory_space<hbm>> -> memref<32x2048xf32, #tpu.memory_space<hbm>>
      tpu.enqueue_dma source(%dma_start3A_16 : memref<32x2048xf32, #tpu.memory_space<hbm>>) target(%dma_start3A_13 : memref<32x2048xf32, #tpu.memory_space<vmem>>) target_semaphore(%run_scoped3A : memref<!tpu.dma_semaphore, #tpu.memory_space<semaphore_mem>>)
      %dma_wait3A = arith.constant 0 : i32
      %dma_wait3A_17 = arith.constant 0 : i32
      %dma_wait3A_18 = tpu.memref_slice %arg6[%dma_wait3A, %dma_wait3A_17] : memref<32x2048xf32, #tpu.memory_space<vmem>> -> memref<32x2048xf32, #tpu.memory_space<vmem>>
      %dma_wait3A_19 = arith.constant 0 : i32
      %dma_wait3A_20 = arith.constant 0 : i32
      %dma_wait3A_21 = tpu.memref_slice %arg2[%dma_wait3A_19, %dma_wait3A_20] : memref<1984x8192xf32, #tpu.memory_space<hbm>> -> memref<32x2048xf32, #tpu.memory_space<hbm>>
      %dma_wait3A_22 = arith.constant 0 : i32
      %dma_wait3A_23 = arith.constant 0 : i32
      %dma_wait3A_24 = tpu.memref_slice %arg6[%dma_wait3A_22, %dma_wait3A_23] : memref<32x2048xf32, #tpu.memory_space<vmem>> -> memref<32x2048xf32, #tpu.memory_space<vmem>>
      %dma_wait3A_25 = arith.constant 0 : i32
      %dma_wait3A_26 = arith.constant 0 : i32
      %dma_wait3A_27 = tpu.memref_slice %arg2[%dma_wait3A_25, %dma_wait3A_26] : memref<1984x8192xf32, #tpu.memory_space<hbm>> -> memref<32x2048xf32, #tpu.memory_space<hbm>>
      tpu.wait_dma2 semaphore(%run_scoped3A : memref<!tpu.dma_semaphore, #tpu.memory_space<semaphore_mem>>) src(%dma_wait3A_27 : memref<32x2048xf32, #tpu.memory_space<hbm>>) dst(%dma_wait3A_24 : memref<32x2048xf32, #tpu.memory_space<vmem>>)
      tpu.yield
    }) : () -> ()
    %scan3A = arith.constant 0 : i32
    %scan3A_1 = arith.constant 0 : i32
    %scan3A_2 = arith.constant 3 : i32
    %scan3A_3 = arith.addi %scan3A_1, %scan3A_2 : i32
    %scan3A_4 = arith.constant 1 : i32
    scf.for %scan3A_6 = %scan3A_1 to %scan3A_3 step %scan3A_4  : i32 {
      %scan3A_7 = arith.constant 0 : i32
      %scan3A_8 = arith.constant 0 : i32
      %scan3A_9 = arith.constant 8 : i32
      %scan3A_10 = arith.addi %scan3A_8, %scan3A_9 : i32
      %scan3A_11 = arith.constant 1 : i32
      scf.for %scan3A_18 = %scan3A_8 to %scan3A_10 step %scan3A_11  : i32 {
        %iota3A = tpu.iota {dimensions = array<i32: 0>} : vector<16xi32>
        %mul3A_19 = arith.constant 16 : i32
        %mul3A_20 = arith.muli %scan3A_18, %mul3A_19 : i32
        %add3A_21 = vector.broadcast %mul3A_20 : i32 to vector<16xi32>
        %add3A_22 = arith.addi %iota3A, %add3A_21 : vector<16xi32>
        %mul3A_23 = arith.constant 16 : i32
        %mul3A_24 = arith.muli %scan3A_18, %mul3A_23 : i32
        %get3A = arith.index_cast %scan3A_6 : i32 to index
        %get3A_25 = arith.index_cast %mul3A_24 : i32 to index
        %get3A_26 = tpu.vector_load %arg5[%get3A, %get3A_25] {strides = array<i32>} : memref<3x128xi32, #tpu.memory_space<vmem>>, vector<16xi32>,
        %scan3A_27 = arith.constant 0 : i32
        %scan3A_28 = arith.constant 0 : i32
        %scan3A_29 = arith.constant 32 : i32
        %scan3A_30 = arith.addi %scan3A_28, %scan3A_29 : i32
        %scan3A_31 = arith.constant 1 : i32
        scf.for %scan3A_33 = %scan3A_28 to %scan3A_30 step %scan3A_31  : i32 {
          %broadcast_in_dim3A = arith.constant 0 : i32
          %broadcast_in_dim3A_34 = vector.broadcast %broadcast_in_dim3A : i32 to vector<16xi32>
          %add3A_35 = vector.broadcast %scan3A_33 : i32 to vector<16xi32>
          %add3A_36 = arith.addi %broadcast_in_dim3A_34, %add3A_35 : vector<16xi32>
          %gather3A = tpu.vector_load_idx %arg6[%add3A_36, %get3A_26] : memref<32x2048xf32, #tpu.memory_space<vmem>>[vector<16xi32>, vector<16xi32>], vector<16xf32>,
          tpu.vector_store_idx %arg7[%add3A_22, %add3A_36], %gather3A : memref<128x32xf32, #tpu.memory_space<vmem>>[vector<16xi32>, vector<16xi32>], vector<16xf32>,
        }
        %scan3A_32 = arith.constant 32 : i32
      }
      %scan3A_12 = arith.constant 8 : i32
      %mul3A_13 = arith.constant 3 : i32
      %mul3A_14 = arith.muli %add3A, %mul3A_13 : i32
      %add3A_15 = arith.addi %mul3A_14, %scan3A_6 : i32
      %mul3A_16 = arith.constant 128 : i32
      %mul3A_17 = arith.muli %add3A_15, %mul3A_16 : i32
      "tpu.region"() ({
        %run_scoped3A = tpu.sem_alloc : memref<!tpu.dma_semaphore, #tpu.memory_space<semaphore_mem>>
        %dma_start3A = arith.constant 0 : i32
        %dma_start3A_18 = arith.constant 0 : i32
        %dma_start3A_19 = tpu.memref_slice %arg7[%dma_start3A, %dma_start3A_18] : memref<128x32xf32, #tpu.memory_space<vmem>> -> memref<128x32xf32, #tpu.memory_space<vmem>>
        %dma_start3A_20 = arith.constant 0 : i32
        %dma_start3A_21 = tpu.memref_slice %arg4[%mul3A_17, %dma_start3A_20] : memref<12288x32xf32, #tpu.memory_space<hbm>> -> memref<128x32xf32, #tpu.memory_space<hbm>>
        %dma_start3A_22 = arith.constant 0 : i32
        %dma_start3A_23 = tpu.memref_slice %arg4[%mul3A_17, %dma_start3A_22] : memref<12288x32xf32, #tpu.memory_space<hbm>> -> memref<128x32xf32, #tpu.memory_space<hbm>>
        %dma_start3A_24 = arith.constant 0 : i32
        %dma_start3A_25 = arith.constant 0 : i32
        %dma_start3A_26 = tpu.memref_slice %arg7[%dma_start3A_24, %dma_start3A_25] : memref<128x32xf32, #tpu.memory_space<vmem>> -> memref<128x32xf32, #tpu.memory_space<vmem>>
        tpu.enqueue_dma source(%dma_start3A_26 : memref<128x32xf32, #tpu.memory_space<vmem>>) target(%dma_start3A_23 : memref<128x32xf32, #tpu.memory_space<hbm>>) target_semaphore(%run_scoped3A : memref<!tpu.dma_semaphore, #tpu.memory_space<semaphore_mem>>)
        %dma_wait3A = arith.constant 0 : i32
        %dma_wait3A_27 = arith.constant 0 : i32
        %dma_wait3A_28 = tpu.memref_slice %arg7[%dma_wait3A, %dma_wait3A_27] : memref<128x32xf32, #tpu.memory_space<vmem>> -> memref<128x32xf32, #tpu.memory_space<vmem>>
        %dma_wait3A_29 = arith.constant 0 : i32
        %dma_wait3A_30 = tpu.memref_slice %arg4[%mul3A_17, %dma_wait3A_29] : memref<12288x32xf32, #tpu.memory_space<hbm>> -> memref<128x32xf32, #tpu.memory_space<hbm>>
        %dma_wait3A_31 = arith.constant 0 : i32
        %dma_wait3A_32 = tpu.memref_slice %arg4[%mul3A_17, %dma_wait3A_31] : memref<12288x32xf32, #tpu.memory_space<hbm>> -> memref<128x32xf32, #tpu.memory_space<hbm>>
        %dma_wait3A_33 = arith.constant 0 : i32
        %dma_wait3A_34 = arith.constant 0 : i32
        %dma_wait3A_35 = tpu.memref_slice %arg7[%dma_wait3A_33, %dma_wait3A_34] : memref<128x32xf32, #tpu.memory_space<vmem>> -> memref<128x32xf32, #tpu.memory_space<vmem>>
        tpu.wait_dma2 semaphore(%run_scoped3A : memref<!tpu.dma_semaphore, #tpu.memory_space<semaphore_mem>>) src(%dma_wait3A_35 : memref<128x32xf32, #tpu.memory_space<vmem>>) dst(%dma_wait3A_32 : memref<128x32xf32, #tpu.memory_space<hbm>>)
        tpu.yield
      }) : () -> ()
    }
    %scan3A_5 = arith.constant 3 : i32
    return
  }
}

#map = affine_map<(d0, d1) -> (0, 0)>
#map1 = affine_map<(d0, d1) -> (0, 0, 0)>
module attributes {stable_mosaic.version = 14 : i64} {
  func.func @k(%arg0: i32, %arg1: i32, %arg2: memref<10000x64xf32, #tpu.memory_space<hbm>>, %arg3: memref<2000x64xf32, #tpu.memory_space<hbm>>, %arg4: memref<32x124x128xi32, #tpu.memory_space<hbm>>, %arg5: memref<32x124x128xi32, #tpu.memory_space<hbm>>, %arg6: memref<507904x128xf32, #tpu.memory_space<hbm>>, %arg7: memref<124x128xi32, #tpu.memory_space<vmem>>, %arg8: memref<124x128xi32, #tpu.memory_space<vmem>>, %arg9: memref<256x64xf32, #tpu.memory_space<vmem>>, %arg10: memref<256x64xf32, #tpu.memory_space<vmem>>, %arg11: memref<256x64xf32, #tpu.memory_space<vmem>>, %arg12: memref<256x64xf32, #tpu.memory_space<vmem>>, %arg13: memref<!tpu.dma_semaphore, #tpu.memory_space<semaphore_mem>>, %arg14: memref<!tpu.dma_semaphore, #tpu.memory_space<semaphore_mem>>, %arg15: memref<!tpu.dma_semaphore, #tpu.memory_space<semaphore_mem>>, %arg16: memref<!tpu.dma_semaphore, #tpu.memory_space<semaphore_mem>>) attributes {dimension_semantics = [#tpu.dimension_semantics<core_parallel>, #tpu.dimension_semantics<subcore_parallel>], iteration_bounds = array<i64: 2, 16>, scalar_prefetch = 0 : i64, scratch_operands = 10 : i64, tpu.core_type = #tpu.core_type<sc_vector_subcore>, window_params = [{transform_indices = #map}, {transform_indices = #map}, {transform_indices = #map1}, {transform_indices = #map1}, {transform_indices = #map}]} {
    %mul3A = arith.constant 2 : i32
    %mul3A_0 = arith.muli %arg1, %mul3A : i32
    %add3A = arith.addi %mul3A_0, %arg0 : i32
    %mul3A_1 = arith.constant 124 : i32
    %mul3A_2 = arith.muli %add3A, %mul3A_1 : i32
    "tpu.region"() ({
      %run_scoped3A = tpu.sem_alloc : memref<!tpu.dma_semaphore, #tpu.memory_space<semaphore_mem>>
      %dma_start3A_47 = arith.constant 0 : i32
      %dma_start3A_48 = arith.constant 0 : i32
      %dma_start3A_49 = tpu.memref_slice %arg4[%add3A, %dma_start3A_47, %dma_start3A_48] : memref<32x124x128xi32, #tpu.memory_space<hbm>> -> memref<1x124x128xi32, #tpu.memory_space<hbm>>
      %dma_start3A_50 = tpu.memref_squeeze %dma_start3A_49 : memref<1x124x128xi32, #tpu.memory_space<hbm>> -> memref<124x128xi32, #tpu.memory_space<hbm>>
      %dma_start3A_51 = arith.constant 0 : i32
      %dma_start3A_52 = arith.constant 0 : i32
      %dma_start3A_53 = tpu.memref_slice %arg4[%add3A, %dma_start3A_51, %dma_start3A_52] : memref<32x124x128xi32, #tpu.memory_space<hbm>> -> memref<1x124x128xi32, #tpu.memory_space<hbm>>
      %dma_start3A_54 = tpu.memref_squeeze %dma_start3A_53 : memref<1x124x128xi32, #tpu.memory_space<hbm>> -> memref<124x128xi32, #tpu.memory_space<hbm>>
      tpu.enqueue_dma source(%dma_start3A_54 : memref<124x128xi32, #tpu.memory_space<hbm>>) target(%arg7 : memref<124x128xi32, #tpu.memory_space<vmem>>) target_semaphore(%run_scoped3A : memref<!tpu.dma_semaphore, #tpu.memory_space<semaphore_mem>>)
      %dma_wait3A = arith.constant 0 : i32
      %dma_wait3A_55 = arith.constant 0 : i32
      %dma_wait3A_56 = tpu.memref_slice %arg4[%add3A, %dma_wait3A, %dma_wait3A_55] : memref<32x124x128xi32, #tpu.memory_space<hbm>> -> memref<1x124x128xi32, #tpu.memory_space<hbm>>
      %dma_wait3A_57 = tpu.memref_squeeze %dma_wait3A_56 : memref<1x124x128xi32, #tpu.memory_space<hbm>> -> memref<124x128xi32, #tpu.memory_space<hbm>>
      %dma_wait3A_58 = arith.constant 0 : i32
      %dma_wait3A_59 = arith.constant 0 : i32
      %dma_wait3A_60 = tpu.memref_slice %arg4[%add3A, %dma_wait3A_58, %dma_wait3A_59] : memref<32x124x128xi32, #tpu.memory_space<hbm>> -> memref<1x124x128xi32, #tpu.memory_space<hbm>>
      %dma_wait3A_61 = tpu.memref_squeeze %dma_wait3A_60 : memref<1x124x128xi32, #tpu.memory_space<hbm>> -> memref<124x128xi32, #tpu.memory_space<hbm>>
      tpu.wait_dma2 semaphore(%run_scoped3A : memref<!tpu.dma_semaphore, #tpu.memory_space<semaphore_mem>>) src(%dma_wait3A_61 : memref<124x128xi32, #tpu.memory_space<hbm>>) dst(%arg7 : memref<124x128xi32, #tpu.memory_space<vmem>>)
      tpu.yield
    }) : () -> ()
    "tpu.region"() ({
      %run_scoped3A = tpu.sem_alloc : memref<!tpu.dma_semaphore, #tpu.memory_space<semaphore_mem>>
      %dma_start3A_47 = arith.constant 0 : i32
      %dma_start3A_48 = arith.constant 0 : i32
      %dma_start3A_49 = tpu.memref_slice %arg5[%add3A, %dma_start3A_47, %dma_start3A_48] : memref<32x124x128xi32, #tpu.memory_space<hbm>> -> memref<1x124x128xi32, #tpu.memory_space<hbm>>
      %dma_start3A_50 = tpu.memref_squeeze %dma_start3A_49 : memref<1x124x128xi32, #tpu.memory_space<hbm>> -> memref<124x128xi32, #tpu.memory_space<hbm>>
      %dma_start3A_51 = arith.constant 0 : i32
      %dma_start3A_52 = arith.constant 0 : i32
      %dma_start3A_53 = tpu.memref_slice %arg5[%add3A, %dma_start3A_51, %dma_start3A_52] : memref<32x124x128xi32, #tpu.memory_space<hbm>> -> memref<1x124x128xi32, #tpu.memory_space<hbm>>
      %dma_start3A_54 = tpu.memref_squeeze %dma_start3A_53 : memref<1x124x128xi32, #tpu.memory_space<hbm>> -> memref<124x128xi32, #tpu.memory_space<hbm>>
      tpu.enqueue_dma source(%dma_start3A_54 : memref<124x128xi32, #tpu.memory_space<hbm>>) target(%arg8 : memref<124x128xi32, #tpu.memory_space<vmem>>) target_semaphore(%run_scoped3A : memref<!tpu.dma_semaphore, #tpu.memory_space<semaphore_mem>>)
      %dma_wait3A = arith.constant 0 : i32
      %dma_wait3A_55 = arith.constant 0 : i32
      %dma_wait3A_56 = tpu.memref_slice %arg5[%add3A, %dma_wait3A, %dma_wait3A_55] : memref<32x124x128xi32, #tpu.memory_space<hbm>> -> memref<1x124x128xi32, #tpu.memory_space<hbm>>
      %dma_wait3A_57 = tpu.memref_squeeze %dma_wait3A_56 : memref<1x124x128xi32, #tpu.memory_space<hbm>> -> memref<124x128xi32, #tpu.memory_space<hbm>>
      %dma_wait3A_58 = arith.constant 0 : i32
      %dma_wait3A_59 = arith.constant 0 : i32
      %dma_wait3A_60 = tpu.memref_slice %arg5[%add3A, %dma_wait3A_58, %dma_wait3A_59] : memref<32x124x128xi32, #tpu.memory_space<hbm>> -> memref<1x124x128xi32, #tpu.memory_space<hbm>>
      %dma_wait3A_61 = tpu.memref_squeeze %dma_wait3A_60 : memref<1x124x128xi32, #tpu.memory_space<hbm>> -> memref<124x128xi32, #tpu.memory_space<hbm>>
      tpu.wait_dma2 semaphore(%run_scoped3A : memref<!tpu.dma_semaphore, #tpu.memory_space<semaphore_mem>>) src(%dma_wait3A_61 : memref<124x128xi32, #tpu.memory_space<hbm>>) dst(%arg8 : memref<124x128xi32, #tpu.memory_space<vmem>>)
      tpu.yield
    }) : () -> ()
    %dma_start3A = arith.constant 0 : i32
    %dma_start3A_3 = arith.constant 0 : i32
    %dma_start3A_4 = arith.constant 0 : i32
    %dma_start3A_5 = tpu.memref_slice %arg9[%dma_start3A_3, %dma_start3A_4] : memref<256x64xf32, #tpu.memory_space<vmem>> -> memref<128x64xf32, #tpu.memory_space<vmem>>
    %dma_start3A_6 = arith.constant 0 : i32
    %dma_start3A_7 = tpu.memref_slice %arg7[%dma_start3A, %dma_start3A_6] : memref<124x128xi32, #tpu.memory_space<vmem>> -> memref<1x128xi32, #tpu.memory_space<vmem>>
    %dma_start3A_8 = tpu.memref_squeeze %dma_start3A_7 : memref<1x128xi32, #tpu.memory_space<vmem>> -> memref<128xi32, #tpu.memory_space<vmem>>
    %dma_start3A_9 = arith.constant 0 : i32
    %dma_start3A_10 = arith.constant 0 : i32
    %dma_start3A_11 = tpu.memref_slice %arg2[%dma_start3A_9, %dma_start3A_10] : memref<10000x64xf32, #tpu.memory_space<hbm>> -> memref<10000x64xf32, #tpu.memory_space<hbm>>
    tpu.enqueue_indirect_dma source(%dma_start3A_11 : memref<10000x64xf32, #tpu.memory_space<hbm>>) target(%dma_start3A_5 : memref<128x64xf32, #tpu.memory_space<vmem>>) offsets(%dma_start3A_8 : memref<128xi32, #tpu.memory_space<vmem>>) semaphore(%arg13 : memref<!tpu.dma_semaphore, #tpu.memory_space<semaphore_mem>>)
    %dma_start3A_12 = arith.constant 0 : i32
    %dma_start3A_13 = arith.constant 0 : i32
    %dma_start3A_14 = arith.constant 0 : i32
    %dma_start3A_15 = tpu.memref_slice %arg11[%dma_start3A_13, %dma_start3A_14] : memref<256x64xf32, #tpu.memory_space<vmem>> -> memref<128x64xf32, #tpu.memory_space<vmem>>
    %dma_start3A_16 = arith.constant 0 : i32
    %dma_start3A_17 = tpu.memref_slice %arg8[%dma_start3A_12, %dma_start3A_16] : memref<124x128xi32, #tpu.memory_space<vmem>> -> memref<1x128xi32, #tpu.memory_space<vmem>>
    %dma_start3A_18 = tpu.memref_squeeze %dma_start3A_17 : memref<1x128xi32, #tpu.memory_space<vmem>> -> memref<128xi32, #tpu.memory_space<vmem>>
    %dma_start3A_19 = arith.constant 0 : i32
    %dma_start3A_20 = arith.constant 0 : i32
    %dma_start3A_21 = tpu.memref_slice %arg3[%dma_start3A_19, %dma_start3A_20] : memref<2000x64xf32, #tpu.memory_space<hbm>> -> memref<2000x64xf32, #tpu.memory_space<hbm>>
    tpu.enqueue_indirect_dma source(%dma_start3A_21 : memref<2000x64xf32, #tpu.memory_space<hbm>>) target(%dma_start3A_15 : memref<128x64xf32, #tpu.memory_space<vmem>>) offsets(%dma_start3A_18 : memref<128xi32, #tpu.memory_space<vmem>>) semaphore(%arg15 : memref<!tpu.dma_semaphore, #tpu.memory_space<semaphore_mem>>)
    %dma_start3A_22 = arith.constant 1 : i32
    %dma_start3A_23 = arith.constant 128 : i32
    %dma_start3A_24 = arith.constant 0 : i32
    %dma_start3A_25 = tpu.memref_slice %arg9[%dma_start3A_23, %dma_start3A_24] : memref<256x64xf32, #tpu.memory_space<vmem>> -> memref<128x64xf32, #tpu.memory_space<vmem>>
    %dma_start3A_26 = arith.constant 0 : i32
    %dma_start3A_27 = tpu.memref_slice %arg7[%dma_start3A_22, %dma_start3A_26] : memref<124x128xi32, #tpu.memory_space<vmem>> -> memref<1x128xi32, #tpu.memory_space<vmem>>
    %dma_start3A_28 = tpu.memref_squeeze %dma_start3A_27 : memref<1x128xi32, #tpu.memory_space<vmem>> -> memref<128xi32, #tpu.memory_space<vmem>>
    %dma_start3A_29 = arith.constant 0 : i32
    %dma_start3A_30 = arith.constant 0 : i32
    %dma_start3A_31 = tpu.memref_slice %arg2[%dma_start3A_29, %dma_start3A_30] : memref<10000x64xf32, #tpu.memory_space<hbm>> -> memref<10000x64xf32, #tpu.memory_space<hbm>>
    tpu.enqueue_indirect_dma source(%dma_start3A_31 : memref<10000x64xf32, #tpu.memory_space<hbm>>) target(%dma_start3A_25 : memref<128x64xf32, #tpu.memory_space<vmem>>) offsets(%dma_start3A_28 : memref<128xi32, #tpu.memory_space<vmem>>) semaphore(%arg13 : memref<!tpu.dma_semaphore, #tpu.memory_space<semaphore_mem>>)
    %dma_start3A_32 = arith.constant 1 : i32
    %dma_start3A_33 = arith.constant 128 : i32
    %dma_start3A_34 = arith.constant 0 : i32
    %dma_start3A_35 = tpu.memref_slice %arg11[%dma_start3A_33, %dma_start3A_34] : memref<256x64xf32, #tpu.memory_space<vmem>> -> memref<128x64xf32, #tpu.memory_space<vmem>>
    %dma_start3A_36 = arith.constant 0 : i32
    %dma_start3A_37 = tpu.memref_slice %arg8[%dma_start3A_32, %dma_start3A_36] : memref<124x128xi32, #tpu.memory_space<vmem>> -> memref<1x128xi32, #tpu.memory_space<vmem>>
    %dma_start3A_38 = tpu.memref_squeeze %dma_start3A_37 : memref<1x128xi32, #tpu.memory_space<vmem>> -> memref<128xi32, #tpu.memory_space<vmem>>
    %dma_start3A_39 = arith.constant 0 : i32
    %dma_start3A_40 = arith.constant 0 : i32
    %dma_start3A_41 = tpu.memref_slice %arg3[%dma_start3A_39, %dma_start3A_40] : memref<2000x64xf32, #tpu.memory_space<hbm>> -> memref<2000x64xf32, #tpu.memory_space<hbm>>
    tpu.enqueue_indirect_dma source(%dma_start3A_41 : memref<2000x64xf32, #tpu.memory_space<hbm>>) target(%dma_start3A_35 : memref<128x64xf32, #tpu.memory_space<vmem>>) offsets(%dma_start3A_38 : memref<128xi32, #tpu.memory_space<vmem>>) semaphore(%arg15 : memref<!tpu.dma_semaphore, #tpu.memory_space<semaphore_mem>>)
    %scan3A = arith.constant 0 : i32
    %scan3A_42 = arith.constant 0 : i32
    %scan3A_43 = arith.constant 31 : i32
    %scan3A_44 = arith.addi %scan3A_42, %scan3A_43 : i32
    %scan3A_45 = arith.constant 1 : i32
    scf.for %scan3A_47 = %scan3A_42 to %scan3A_44 step %scan3A_45  : i32 {
      %mul3A_48 = arith.constant 2 : i32
      %mul3A_49 = arith.muli %mul3A_48, %scan3A_47 : i32
      %add3A_50 = arith.constant 1 : i32
      %add3A_51 = arith.addi %mul3A_49, %add3A_50 : i32
      %mul3A_52 = arith.constant 2 : i32
      %mul3A_53 = arith.muli %mul3A_52, %add3A_51 : i32
      %add3A_54 = arith.constant 0 : i32
      %add3A_55 = arith.addi %mul3A_53, %add3A_54 : i32
      %dma_start3A_56 = arith.constant 0 : i32
      %dma_start3A_57 = arith.constant 0 : i32
      %dma_start3A_58 = tpu.memref_slice %arg10[%dma_start3A_56, %dma_start3A_57] : memref<256x64xf32, #tpu.memory_space<vmem>> -> memref<128x64xf32, #tpu.memory_space<vmem>>
      %dma_start3A_59 = arith.constant 0 : i32
      %dma_start3A_60 = tpu.memref_slice %arg7[%add3A_55, %dma_start3A_59] : memref<124x128xi32, #tpu.memory_space<vmem>> -> memref<1x128xi32, #tpu.memory_space<vmem>>
      %dma_start3A_61 = tpu.memref_squeeze %dma_start3A_60 : memref<1x128xi32, #tpu.memory_space<vmem>> -> memref<128xi32, #tpu.memory_space<vmem>>
      %dma_start3A_62 = arith.constant 0 : i32
      %dma_start3A_63 = arith.constant 0 : i32
      %dma_start3A_64 = tpu.memref_slice %arg2[%dma_start3A_62, %dma_start3A_63] : memref<10000x64xf32, #tpu.memory_space<hbm>> -> memref<10000x64xf32, #tpu.memory_space<hbm>>
      tpu.enqueue_indirect_dma source(%dma_start3A_64 : memref<10000x64xf32, #tpu.memory_space<hbm>>) target(%dma_start3A_58 : memref<128x64xf32, #tpu.memory_space<vmem>>) offsets(%dma_start3A_61 : memref<128xi32, #tpu.memory_space<vmem>>) semaphore(%arg14 : memref<!tpu.dma_semaphore, #tpu.memory_space<semaphore_mem>>)
      %mul3A_65 = arith.constant 2 : i32
      %mul3A_66 = arith.muli %mul3A_65, %add3A_51 : i32
      %add3A_67 = arith.constant 0 : i32
      %add3A_68 = arith.addi %mul3A_66, %add3A_67 : i32
      %dma_start3A_69 = arith.constant 0 : i32
      %dma_start3A_70 = arith.constant 0 : i32
      %dma_start3A_71 = tpu.memref_slice %arg12[%dma_start3A_69, %dma_start3A_70] : memref<256x64xf32, #tpu.memory_space<vmem>> -> memref<128x64xf32, #tpu.memory_space<vmem>>
      %dma_start3A_72 = arith.constant 0 : i32
      %dma_start3A_73 = tpu.memref_slice %arg8[%add3A_68, %dma_start3A_72] : memref<124x128xi32, #tpu.memory_space<vmem>> -> memref<1x128xi32, #tpu.memory_space<vmem>>
      %dma_start3A_74 = tpu.memref_squeeze %dma_start3A_73 : memref<1x128xi32, #tpu.memory_space<vmem>> -> memref<128xi32, #tpu.memory_space<vmem>>
      %dma_start3A_75 = arith.constant 0 : i32
      %dma_start3A_76 = arith.constant 0 : i32
      %dma_start3A_77 = tpu.memref_slice %arg3[%dma_start3A_75, %dma_start3A_76] : memref<2000x64xf32, #tpu.memory_space<hbm>> -> memref<2000x64xf32, #tpu.memory_space<hbm>>
      tpu.enqueue_indirect_dma source(%dma_start3A_77 : memref<2000x64xf32, #tpu.memory_space<hbm>>) target(%dma_start3A_71 : memref<128x64xf32, #tpu.memory_space<vmem>>) offsets(%dma_start3A_74 : memref<128xi32, #tpu.memory_space<vmem>>) semaphore(%arg16 : memref<!tpu.dma_semaphore, #tpu.memory_space<semaphore_mem>>)
      %mul3A_78 = arith.constant 2 : i32
      %mul3A_79 = arith.muli %mul3A_78, %add3A_51 : i32
      %add3A_80 = arith.constant 1 : i32
      %add3A_81 = arith.addi %mul3A_79, %add3A_80 : i32
      %dma_start3A_82 = arith.constant 128 : i32
      %dma_start3A_83 = arith.constant 0 : i32
      %dma_start3A_84 = tpu.memref_slice %arg10[%dma_start3A_82, %dma_start3A_83] : memref<256x64xf32, #tpu.memory_space<vmem>> -> memref<128x64xf32, #tpu.memory_space<vmem>>
      %dma_start3A_85 = arith.constant 0 : i32
      %dma_start3A_86 = tpu.memref_slice %arg7[%add3A_81, %dma_start3A_85] : memref<124x128xi32, #tpu.memory_space<vmem>> -> memref<1x128xi32, #tpu.memory_space<vmem>>
      %dma_start3A_87 = tpu.memref_squeeze %dma_start3A_86 : memref<1x128xi32, #tpu.memory_space<vmem>> -> memref<128xi32, #tpu.memory_space<vmem>>
      %dma_start3A_88 = arith.constant 0 : i32
      %dma_start3A_89 = arith.constant 0 : i32
      %dma_start3A_90 = tpu.memref_slice %arg2[%dma_start3A_88, %dma_start3A_89] : memref<10000x64xf32, #tpu.memory_space<hbm>> -> memref<10000x64xf32, #tpu.memory_space<hbm>>
      tpu.enqueue_indirect_dma source(%dma_start3A_90 : memref<10000x64xf32, #tpu.memory_space<hbm>>) target(%dma_start3A_84 : memref<128x64xf32, #tpu.memory_space<vmem>>) offsets(%dma_start3A_87 : memref<128xi32, #tpu.memory_space<vmem>>) semaphore(%arg14 : memref<!tpu.dma_semaphore, #tpu.memory_space<semaphore_mem>>)
      %mul3A_91 = arith.constant 2 : i32
      %mul3A_92 = arith.muli %mul3A_91, %add3A_51 : i32
      %add3A_93 = arith.constant 1 : i32
      %add3A_94 = arith.addi %mul3A_92, %add3A_93 : i32
      %dma_start3A_95 = arith.constant 128 : i32
      %dma_start3A_96 = arith.constant 0 : i32
      %dma_start3A_97 = tpu.memref_slice %arg12[%dma_start3A_95, %dma_start3A_96] : memref<256x64xf32, #tpu.memory_space<vmem>> -> memref<128x64xf32, #tpu.memory_space<vmem>>
      %dma_start3A_98 = arith.constant 0 : i32
      %dma_start3A_99 = tpu.memref_slice %arg8[%add3A_94, %dma_start3A_98] : memref<124x128xi32, #tpu.memory_space<vmem>> -> memref<1x128xi32, #tpu.memory_space<vmem>>
      %dma_start3A_100 = tpu.memref_squeeze %dma_start3A_99 : memref<1x128xi32, #tpu.memory_space<vmem>> -> memref<128xi32, #tpu.memory_space<vmem>>
      %dma_start3A_101 = arith.constant 0 : i32
      %dma_start3A_102 = arith.constant 0 : i32
      %dma_start3A_103 = tpu.memref_slice %arg3[%dma_start3A_101, %dma_start3A_102] : memref<2000x64xf32, #tpu.memory_space<hbm>> -> memref<2000x64xf32, #tpu.memory_space<hbm>>
      tpu.enqueue_indirect_dma source(%dma_start3A_103 : memref<2000x64xf32, #tpu.memory_space<hbm>>) target(%dma_start3A_97 : memref<128x64xf32, #tpu.memory_space<vmem>>) offsets(%dma_start3A_100 : memref<128xi32, #tpu.memory_space<vmem>>) semaphore(%arg16 : memref<!tpu.dma_semaphore, #tpu.memory_space<semaphore_mem>>)
      %mul3A_104 = arith.constant 2 : i32
      %mul3A_105 = arith.muli %mul3A_104, %mul3A_49 : i32
      %add3A_106 = arith.constant 0 : i32
      %add3A_107 = arith.addi %mul3A_105, %add3A_106 : i32
      %dma_wait3A = arith.constant 0 : i32
      %dma_wait3A_108 = arith.constant 0 : i32
      %dma_wait3A_109 = tpu.memref_slice %arg9[%dma_wait3A, %dma_wait3A_108] : memref<256x64xf32, #tpu.memory_space<vmem>> -> memref<128x64xf32, #tpu.memory_space<vmem>>
      %dma_wait3A_110 = arith.constant 0 : i32
      %dma_wait3A_111 = tpu.memref_slice %arg7[%add3A_107, %dma_wait3A_110] : memref<124x128xi32, #tpu.memory_space<vmem>> -> memref<1x128xi32, #tpu.memory_space<vmem>>
      %dma_wait3A_112 = tpu.memref_squeeze %dma_wait3A_111 : memref<1x128xi32, #tpu.memory_space<vmem>> -> memref<128xi32, #tpu.memory_space<vmem>>
      %dma_wait3A_113 = arith.constant 0 : i32
      %dma_wait3A_114 = arith.constant 0 : i32
      %dma_wait3A_115 = tpu.memref_slice %arg2[%dma_wait3A_113, %dma_wait3A_114] : memref<10000x64xf32, #tpu.memory_space<hbm>> -> memref<10000x64xf32, #tpu.memory_space<hbm>>
      tpu.wait_indirect_dma semaphore(%arg13 : memref<!tpu.dma_semaphore, #tpu.memory_space<semaphore_mem>>) src(%dma_wait3A_115 : memref<10000x64xf32, #tpu.memory_space<hbm>>) dst(%dma_wait3A_109 : memref<128x64xf32, #tpu.memory_space<vmem>>)
      %mul3A_116 = arith.constant 2 : i32
      %mul3A_117 = arith.muli %mul3A_116, %mul3A_49 : i32
      %add3A_118 = arith.constant 0 : i32
      %add3A_119 = arith.addi %mul3A_117, %add3A_118 : i32
      %dma_wait3A_120 = arith.constant 0 : i32
      %dma_wait3A_121 = arith.constant 0 : i32
      %dma_wait3A_122 = tpu.memref_slice %arg11[%dma_wait3A_120, %dma_wait3A_121] : memref<256x64xf32, #tpu.memory_space<vmem>> -> memref<128x64xf32, #tpu.memory_space<vmem>>
      %dma_wait3A_123 = arith.constant 0 : i32
      %dma_wait3A_124 = tpu.memref_slice %arg8[%add3A_119, %dma_wait3A_123] : memref<124x128xi32, #tpu.memory_space<vmem>> -> memref<1x128xi32, #tpu.memory_space<vmem>>
      %dma_wait3A_125 = tpu.memref_squeeze %dma_wait3A_124 : memref<1x128xi32, #tpu.memory_space<vmem>> -> memref<128xi32, #tpu.memory_space<vmem>>
      %dma_wait3A_126 = arith.constant 0 : i32
      %dma_wait3A_127 = arith.constant 0 : i32
      %dma_wait3A_128 = tpu.memref_slice %arg3[%dma_wait3A_126, %dma_wait3A_127] : memref<2000x64xf32, #tpu.memory_space<hbm>> -> memref<2000x64xf32, #tpu.memory_space<hbm>>
      tpu.wait_indirect_dma semaphore(%arg15 : memref<!tpu.dma_semaphore, #tpu.memory_space<semaphore_mem>>) src(%dma_wait3A_128 : memref<2000x64xf32, #tpu.memory_space<hbm>>) dst(%dma_wait3A_122 : memref<128x64xf32, #tpu.memory_space<vmem>>)
      %mul3A_129 = arith.constant 2 : i32
      %mul3A_130 = arith.muli %mul3A_129, %mul3A_49 : i32
      %add3A_131 = arith.constant 1 : i32
      %add3A_132 = arith.addi %mul3A_130, %add3A_131 : i32
      %dma_wait3A_133 = arith.constant 128 : i32
      %dma_wait3A_134 = arith.constant 0 : i32
      %dma_wait3A_135 = tpu.memref_slice %arg9[%dma_wait3A_133, %dma_wait3A_134] : memref<256x64xf32, #tpu.memory_space<vmem>> -> memref<128x64xf32, #tpu.memory_space<vmem>>
      %dma_wait3A_136 = arith.constant 0 : i32
      %dma_wait3A_137 = tpu.memref_slice %arg7[%add3A_132, %dma_wait3A_136] : memref<124x128xi32, #tpu.memory_space<vmem>> -> memref<1x128xi32, #tpu.memory_space<vmem>>
      %dma_wait3A_138 = tpu.memref_squeeze %dma_wait3A_137 : memref<1x128xi32, #tpu.memory_space<vmem>> -> memref<128xi32, #tpu.memory_space<vmem>>
      %dma_wait3A_139 = arith.constant 0 : i32
      %dma_wait3A_140 = arith.constant 0 : i32
      %dma_wait3A_141 = tpu.memref_slice %arg2[%dma_wait3A_139, %dma_wait3A_140] : memref<10000x64xf32, #tpu.memory_space<hbm>> -> memref<10000x64xf32, #tpu.memory_space<hbm>>
      tpu.wait_indirect_dma semaphore(%arg13 : memref<!tpu.dma_semaphore, #tpu.memory_space<semaphore_mem>>) src(%dma_wait3A_141 : memref<10000x64xf32, #tpu.memory_space<hbm>>) dst(%dma_wait3A_135 : memref<128x64xf32, #tpu.memory_space<vmem>>)
      %mul3A_142 = arith.constant 2 : i32
      %mul3A_143 = arith.muli %mul3A_142, %mul3A_49 : i32
      %add3A_144 = arith.constant 1 : i32
      %add3A_145 = arith.addi %mul3A_143, %add3A_144 : i32
      %dma_wait3A_146 = arith.constant 128 : i32
      %dma_wait3A_147 = arith.constant 0 : i32
      %dma_wait3A_148 = tpu.memref_slice %arg11[%dma_wait3A_146, %dma_wait3A_147] : memref<256x64xf32, #tpu.memory_space<vmem>> -> memref<128x64xf32, #tpu.memory_space<vmem>>
      %dma_wait3A_149 = arith.constant 0 : i32
      %dma_wait3A_150 = tpu.memref_slice %arg8[%add3A_145, %dma_wait3A_149] : memref<124x128xi32, #tpu.memory_space<vmem>> -> memref<1x128xi32, #tpu.memory_space<vmem>>
      %dma_wait3A_151 = tpu.memref_squeeze %dma_wait3A_150 : memref<1x128xi32, #tpu.memory_space<vmem>> -> memref<128xi32, #tpu.memory_space<vmem>>
      %dma_wait3A_152 = arith.constant 0 : i32
      %dma_wait3A_153 = arith.constant 0 : i32
      %dma_wait3A_154 = tpu.memref_slice %arg3[%dma_wait3A_152, %dma_wait3A_153] : memref<2000x64xf32, #tpu.memory_space<hbm>> -> memref<2000x64xf32, #tpu.memory_space<hbm>>
      tpu.wait_indirect_dma semaphore(%arg15 : memref<!tpu.dma_semaphore, #tpu.memory_space<semaphore_mem>>) src(%dma_wait3A_154 : memref<2000x64xf32, #tpu.memory_space<hbm>>) dst(%dma_wait3A_148 : memref<128x64xf32, #tpu.memory_space<vmem>>)
      %mul3A_155 = arith.constant 2 : i32
      %mul3A_156 = arith.muli %mul3A_155, %mul3A_49 : i32
      %add3A_157 = arith.addi %mul3A_2, %mul3A_156 : i32
      %mul3A_158 = arith.constant 128 : i32
      %mul3A_159 = arith.muli %add3A_157, %mul3A_158 : i32
      "tpu.region"() ({
        %run_scoped3A = tpu.sem_alloc : memref<!tpu.dma_semaphore, #tpu.memory_space<semaphore_mem>>
        %dma_start3A_221 = arith.constant 0 : i32
        %dma_start3A_222 = tpu.memref_slice %arg6[%mul3A_159, %dma_start3A_221] : memref<507904x128xf32, #tpu.memory_space<hbm>> -> memref<256x64xf32, #tpu.memory_space<hbm>>
        %dma_start3A_223 = arith.constant 0 : i32
        %dma_start3A_224 = tpu.memref_slice %arg6[%mul3A_159, %dma_start3A_223] : memref<507904x128xf32, #tpu.memory_space<hbm>> -> memref<256x64xf32, #tpu.memory_space<hbm>>
        tpu.enqueue_dma source(%arg9 : memref<256x64xf32, #tpu.memory_space<vmem>>) target(%dma_start3A_224 : memref<256x64xf32, #tpu.memory_space<hbm>>) target_semaphore(%run_scoped3A : memref<!tpu.dma_semaphore, #tpu.memory_space<semaphore_mem>>)
        %dma_wait3A_225 = arith.constant 0 : i32
        %dma_wait3A_226 = tpu.memref_slice %arg6[%mul3A_159, %dma_wait3A_225] : memref<507904x128xf32, #tpu.memory_space<hbm>> -> memref<256x64xf32, #tpu.memory_space<hbm>>
        %dma_wait3A_227 = arith.constant 0 : i32
        %dma_wait3A_228 = tpu.memref_slice %arg6[%mul3A_159, %dma_wait3A_227] : memref<507904x128xf32, #tpu.memory_space<hbm>> -> memref<256x64xf32, #tpu.memory_space<hbm>>
        tpu.wait_dma2 semaphore(%run_scoped3A : memref<!tpu.dma_semaphore, #tpu.memory_space<semaphore_mem>>) src(%arg9 : memref<256x64xf32, #tpu.memory_space<vmem>>) dst(%dma_wait3A_228 : memref<256x64xf32, #tpu.memory_space<hbm>>)
        tpu.yield
      }) : () -> ()
      "tpu.region"() ({
        %run_scoped3A = tpu.sem_alloc : memref<!tpu.dma_semaphore, #tpu.memory_space<semaphore_mem>>
        %dma_start3A_221 = arith.constant 64 : i32
        %dma_start3A_222 = tpu.memref_slice %arg6[%mul3A_159, %dma_start3A_221] : memref<507904x128xf32, #tpu.memory_space<hbm>> -> memref<256x64xf32, #tpu.memory_space<hbm>>
        %dma_start3A_223 = arith.constant 64 : i32
        %dma_start3A_224 = tpu.memref_slice %arg6[%mul3A_159, %dma_start3A_223] : memref<507904x128xf32, #tpu.memory_space<hbm>> -> memref<256x64xf32, #tpu.memory_space<hbm>>
        tpu.enqueue_dma source(%arg11 : memref<256x64xf32, #tpu.memory_space<vmem>>) target(%dma_start3A_224 : memref<256x64xf32, #tpu.memory_space<hbm>>) target_semaphore(%run_scoped3A : memref<!tpu.dma_semaphore, #tpu.memory_space<semaphore_mem>>)
        %dma_wait3A_225 = arith.constant 64 : i32
        %dma_wait3A_226 = tpu.memref_slice %arg6[%mul3A_159, %dma_wait3A_225] : memref<507904x128xf32, #tpu.memory_space<hbm>> -> memref<256x64xf32, #tpu.memory_space<hbm>>
        %dma_wait3A_227 = arith.constant 64 : i32
        %dma_wait3A_228 = tpu.memref_slice %arg6[%mul3A_159, %dma_wait3A_227] : memref<507904x128xf32, #tpu.memory_space<hbm>> -> memref<256x64xf32, #tpu.memory_space<hbm>>
        tpu.wait_dma2 semaphore(%run_scoped3A : memref<!tpu.dma_semaphore, #tpu.memory_space<semaphore_mem>>) src(%arg11 : memref<256x64xf32, #tpu.memory_space<vmem>>) dst(%dma_wait3A_228 : memref<256x64xf32, #tpu.memory_space<hbm>>)
        tpu.yield
      }) : () -> ()
      %add3A_160 = arith.constant 2 : i32
      %add3A_161 = arith.addi %mul3A_49, %add3A_160 : i32
      %lt3A = arith.constant 62 : i32
      %lt3A_162 = arith.cmpi slt, %add3A_161, %lt3A : i32
      %convert_element_type3A = arith.extui %lt3A_162 : i1 to i32
      %cond3A = arith.constant 0 : i32
      %cond3A_163 = arith.cmpi ne, %convert_element_type3A, %cond3A : i32
      scf.if %cond3A_163 {
        %add3A_221 = arith.constant 2 : i32
        %add3A_222 = arith.addi %mul3A_49, %add3A_221 : i32
        %mul3A_223 = arith.constant 2 : i32
        %mul3A_224 = arith.muli %mul3A_223, %add3A_222 : i32
        %add3A_225 = arith.constant 0 : i32
        %add3A_226 = arith.addi %mul3A_224, %add3A_225 : i32
        %dma_start3A_227 = arith.constant 0 : i32
        %dma_start3A_228 = arith.constant 0 : i32
        %dma_start3A_229 = tpu.memref_slice %arg9[%dma_start3A_227, %dma_start3A_228] : memref<256x64xf32, #tpu.memory_space<vmem>> -> memref<128x64xf32, #tpu.memory_space<vmem>>
        %dma_start3A_230 = arith.constant 0 : i32
        %dma_start3A_231 = tpu.memref_slice %arg7[%add3A_226, %dma_start3A_230] : memref<124x128xi32, #tpu.memory_space<vmem>> -> memref<1x128xi32, #tpu.memory_space<vmem>>
        %dma_start3A_232 = tpu.memref_squeeze %dma_start3A_231 : memref<1x128xi32, #tpu.memory_space<vmem>> -> memref<128xi32, #tpu.memory_space<vmem>>
        %dma_start3A_233 = arith.constant 0 : i32
        %dma_start3A_234 = arith.constant 0 : i32
        %dma_start3A_235 = tpu.memref_slice %arg2[%dma_start3A_233, %dma_start3A_234] : memref<10000x64xf32, #tpu.memory_space<hbm>> -> memref<10000x64xf32, #tpu.memory_space<hbm>>
        tpu.enqueue_indirect_dma source(%dma_start3A_235 : memref<10000x64xf32, #tpu.memory_space<hbm>>) target(%dma_start3A_229 : memref<128x64xf32, #tpu.memory_space<vmem>>) offsets(%dma_start3A_232 : memref<128xi32, #tpu.memory_space<vmem>>) semaphore(%arg13 : memref<!tpu.dma_semaphore, #tpu.memory_space<semaphore_mem>>)
        %mul3A_236 = arith.constant 2 : i32
        %mul3A_237 = arith.muli %mul3A_236, %add3A_222 : i32
        %add3A_238 = arith.constant 0 : i32
        %add3A_239 = arith.addi %mul3A_237, %add3A_238 : i32
        %dma_start3A_240 = arith.constant 0 : i32
        %dma_start3A_241 = arith.constant 0 : i32
        %dma_start3A_242 = tpu.memref_slice %arg11[%dma_start3A_240, %dma_start3A_241] : memref<256x64xf32, #tpu.memory_space<vmem>> -> memref<128x64xf32, #tpu.memory_space<vmem>>
        %dma_start3A_243 = arith.constant 0 : i32
        %dma_start3A_244 = tpu.memref_slice %arg8[%add3A_239, %dma_start3A_243] : memref<124x128xi32, #tpu.memory_space<vmem>> -> memref<1x128xi32, #tpu.memory_space<vmem>>
        %dma_start3A_245 = tpu.memref_squeeze %dma_start3A_244 : memref<1x128xi32, #tpu.memory_space<vmem>> -> memref<128xi32, #tpu.memory_space<vmem>>
        %dma_start3A_246 = arith.constant 0 : i32
        %dma_start3A_247 = arith.constant 0 : i32
        %dma_start3A_248 = tpu.memref_slice %arg3[%dma_start3A_246, %dma_start3A_247] : memref<2000x64xf32, #tpu.memory_space<hbm>> -> memref<2000x64xf32, #tpu.memory_space<hbm>>
        tpu.enqueue_indirect_dma source(%dma_start3A_248 : memref<2000x64xf32, #tpu.memory_space<hbm>>) target(%dma_start3A_242 : memref<128x64xf32, #tpu.memory_space<vmem>>) offsets(%dma_start3A_245 : memref<128xi32, #tpu.memory_space<vmem>>) semaphore(%arg15 : memref<!tpu.dma_semaphore, #tpu.memory_space<semaphore_mem>>)
        %mul3A_249 = arith.constant 2 : i32
        %mul3A_250 = arith.muli %mul3A_249, %add3A_222 : i32
        %add3A_251 = arith.constant 1 : i32
        %add3A_252 = arith.addi %mul3A_250, %add3A_251 : i32
        %dma_start3A_253 = arith.constant 128 : i32
        %dma_start3A_254 = arith.constant 0 : i32
        %dma_start3A_255 = tpu.memref_slice %arg9[%dma_start3A_253, %dma_start3A_254] : memref<256x64xf32, #tpu.memory_space<vmem>> -> memref<128x64xf32, #tpu.memory_space<vmem>>
        %dma_start3A_256 = arith.constant 0 : i32
        %dma_start3A_257 = tpu.memref_slice %arg7[%add3A_252, %dma_start3A_256] : memref<124x128xi32, #tpu.memory_space<vmem>> -> memref<1x128xi32, #tpu.memory_space<vmem>>
        %dma_start3A_258 = tpu.memref_squeeze %dma_start3A_257 : memref<1x128xi32, #tpu.memory_space<vmem>> -> memref<128xi32, #tpu.memory_space<vmem>>
        %dma_start3A_259 = arith.constant 0 : i32
        %dma_start3A_260 = arith.constant 0 : i32
        %dma_start3A_261 = tpu.memref_slice %arg2[%dma_start3A_259, %dma_start3A_260] : memref<10000x64xf32, #tpu.memory_space<hbm>> -> memref<10000x64xf32, #tpu.memory_space<hbm>>
        tpu.enqueue_indirect_dma source(%dma_start3A_261 : memref<10000x64xf32, #tpu.memory_space<hbm>>) target(%dma_start3A_255 : memref<128x64xf32, #tpu.memory_space<vmem>>) offsets(%dma_start3A_258 : memref<128xi32, #tpu.memory_space<vmem>>) semaphore(%arg13 : memref<!tpu.dma_semaphore, #tpu.memory_space<semaphore_mem>>)
        %mul3A_262 = arith.constant 2 : i32
        %mul3A_263 = arith.muli %mul3A_262, %add3A_222 : i32
        %add3A_264 = arith.constant 1 : i32
        %add3A_265 = arith.addi %mul3A_263, %add3A_264 : i32
        %dma_start3A_266 = arith.constant 128 : i32
        %dma_start3A_267 = arith.constant 0 : i32
        %dma_start3A_268 = tpu.memref_slice %arg11[%dma_start3A_266, %dma_start3A_267] : memref<256x64xf32, #tpu.memory_space<vmem>> -> memref<128x64xf32, #tpu.memory_space<vmem>>
        %dma_start3A_269 = arith.constant 0 : i32
        %dma_start3A_270 = tpu.memref_slice %arg8[%add3A_265, %dma_start3A_269] : memref<124x128xi32, #tpu.memory_space<vmem>> -> memref<1x128xi32, #tpu.memory_space<vmem>>
        %dma_start3A_271 = tpu.memref_squeeze %dma_start3A_270 : memref<1x128xi32, #tpu.memory_space<vmem>> -> memref<128xi32, #tpu.memory_space<vmem>>
        %dma_start3A_272 = arith.constant 0 : i32
        %dma_start3A_273 = arith.constant 0 : i32
        %dma_start3A_274 = tpu.memref_slice %arg3[%dma_start3A_272, %dma_start3A_273] : memref<2000x64xf32, #tpu.memory_space<hbm>> -> memref<2000x64xf32, #tpu.memory_space<hbm>>
        tpu.enqueue_indirect_dma source(%dma_start3A_274 : memref<2000x64xf32, #tpu.memory_space<hbm>>) target(%dma_start3A_268 : memref<128x64xf32, #tpu.memory_space<vmem>>) offsets(%dma_start3A_271 : memref<128xi32, #tpu.memory_space<vmem>>) semaphore(%arg15 : memref<!tpu.dma_semaphore, #tpu.memory_space<semaphore_mem>>)
      } else {
      }
      %mul3A_164 = arith.constant 2 : i32
      %mul3A_165 = arith.muli %mul3A_164, %add3A_51 : i32
      %add3A_166 = arith.constant 0 : i32
      %add3A_167 = arith.addi %mul3A_165, %add3A_166 : i32
      %dma_wait3A_168 = arith.constant 0 : i32
      %dma_wait3A_169 = arith.constant 0 : i32
      %dma_wait3A_170 = tpu.memref_slice %arg10[%dma_wait3A_168, %dma_wait3A_169] : memref<256x64xf32, #tpu.memory_space<vmem>> -> memref<128x64xf32, #tpu.memory_space<vmem>>
      %dma_wait3A_171 = arith.constant 0 : i32
      %dma_wait3A_172 = tpu.memref_slice %arg7[%add3A_167, %dma_wait3A_171] : memref<124x128xi32, #tpu.memory_space<vmem>> -> memref<1x128xi32, #tpu.memory_space<vmem>>
      %dma_wait3A_173 = tpu.memref_squeeze %dma_wait3A_172 : memref<1x128xi32, #tpu.memory_space<vmem>> -> memref<128xi32, #tpu.memory_space<vmem>>
      %dma_wait3A_174 = arith.constant 0 : i32
      %dma_wait3A_175 = arith.constant 0 : i32
      %dma_wait3A_176 = tpu.memref_slice %arg2[%dma_wait3A_174, %dma_wait3A_175] : memref<10000x64xf32, #tpu.memory_space<hbm>> -> memref<10000x64xf32, #tpu.memory_space<hbm>>
      tpu.wait_indirect_dma semaphore(%arg14 : memref<!tpu.dma_semaphore, #tpu.memory_space<semaphore_mem>>) src(%dma_wait3A_176 : memref<10000x64xf32, #tpu.memory_space<hbm>>) dst(%dma_wait3A_170 : memref<128x64xf32, #tpu.memory_space<vmem>>)
      %mul3A_177 = arith.constant 2 : i32
      %mul3A_178 = arith.muli %mul3A_177, %add3A_51 : i32
      %add3A_179 = arith.constant 0 : i32
      %add3A_180 = arith.addi %mul3A_178, %add3A_179 : i32
      %dma_wait3A_181 = arith.constant 0 : i32
      %dma_wait3A_182 = arith.constant 0 : i32
      %dma_wait3A_183 = tpu.memref_slice %arg12[%dma_wait3A_181, %dma_wait3A_182] : memref<256x64xf32, #tpu.memory_space<vmem>> -> memref<128x64xf32, #tpu.memory_space<vmem>>
      %dma_wait3A_184 = arith.constant 0 : i32
      %dma_wait3A_185 = tpu.memref_slice %arg8[%add3A_180, %dma_wait3A_184] : memref<124x128xi32, #tpu.memory_space<vmem>> -> memref<1x128xi32, #tpu.memory_space<vmem>>
      %dma_wait3A_186 = tpu.memref_squeeze %dma_wait3A_185 : memref<1x128xi32, #tpu.memory_space<vmem>> -> memref<128xi32, #tpu.memory_space<vmem>>
      %dma_wait3A_187 = arith.constant 0 : i32
      %dma_wait3A_188 = arith.constant 0 : i32
      %dma_wait3A_189 = tpu.memref_slice %arg3[%dma_wait3A_187, %dma_wait3A_188] : memref<2000x64xf32, #tpu.memory_space<hbm>> -> memref<2000x64xf32, #tpu.memory_space<hbm>>
      tpu.wait_indirect_dma semaphore(%arg16 : memref<!tpu.dma_semaphore, #tpu.memory_space<semaphore_mem>>) src(%dma_wait3A_189 : memref<2000x64xf32, #tpu.memory_space<hbm>>) dst(%dma_wait3A_183 : memref<128x64xf32, #tpu.memory_space<vmem>>)
      %mul3A_190 = arith.constant 2 : i32
      %mul3A_191 = arith.muli %mul3A_190, %add3A_51 : i32
      %add3A_192 = arith.constant 1 : i32
      %add3A_193 = arith.addi %mul3A_191, %add3A_192 : i32
      %dma_wait3A_194 = arith.constant 128 : i32
      %dma_wait3A_195 = arith.constant 0 : i32
      %dma_wait3A_196 = tpu.memref_slice %arg10[%dma_wait3A_194, %dma_wait3A_195] : memref<256x64xf32, #tpu.memory_space<vmem>> -> memref<128x64xf32, #tpu.memory_space<vmem>>
      %dma_wait3A_197 = arith.constant 0 : i32
      %dma_wait3A_198 = tpu.memref_slice %arg7[%add3A_193, %dma_wait3A_197] : memref<124x128xi32, #tpu.memory_space<vmem>> -> memref<1x128xi32, #tpu.memory_space<vmem>>
      %dma_wait3A_199 = tpu.memref_squeeze %dma_wait3A_198 : memref<1x128xi32, #tpu.memory_space<vmem>> -> memref<128xi32, #tpu.memory_space<vmem>>
      %dma_wait3A_200 = arith.constant 0 : i32
      %dma_wait3A_201 = arith.constant 0 : i32
      %dma_wait3A_202 = tpu.memref_slice %arg2[%dma_wait3A_200, %dma_wait3A_201] : memref<10000x64xf32, #tpu.memory_space<hbm>> -> memref<10000x64xf32, #tpu.memory_space<hbm>>
      tpu.wait_indirect_dma semaphore(%arg14 : memref<!tpu.dma_semaphore, #tpu.memory_space<semaphore_mem>>) src(%dma_wait3A_202 : memref<10000x64xf32, #tpu.memory_space<hbm>>) dst(%dma_wait3A_196 : memref<128x64xf32, #tpu.memory_space<vmem>>)
      %mul3A_203 = arith.constant 2 : i32
      %mul3A_204 = arith.muli %mul3A_203, %add3A_51 : i32
      %add3A_205 = arith.constant 1 : i32
      %add3A_206 = arith.addi %mul3A_204, %add3A_205 : i32
      %dma_wait3A_207 = arith.constant 128 : i32
      %dma_wait3A_208 = arith.constant 0 : i32
      %dma_wait3A_209 = tpu.memref_slice %arg12[%dma_wait3A_207, %dma_wait3A_208] : memref<256x64xf32, #tpu.memory_space<vmem>> -> memref<128x64xf32, #tpu.memory_space<vmem>>
      %dma_wait3A_210 = arith.constant 0 : i32
      %dma_wait3A_211 = tpu.memref_slice %arg8[%add3A_206, %dma_wait3A_210] : memref<124x128xi32, #tpu.memory_space<vmem>> -> memref<1x128xi32, #tpu.memory_space<vmem>>
      %dma_wait3A_212 = tpu.memref_squeeze %dma_wait3A_211 : memref<1x128xi32, #tpu.memory_space<vmem>> -> memref<128xi32, #tpu.memory_space<vmem>>
      %dma_wait3A_213 = arith.constant 0 : i32
      %dma_wait3A_214 = arith.constant 0 : i32
      %dma_wait3A_215 = tpu.memref_slice %arg3[%dma_wait3A_213, %dma_wait3A_214] : memref<2000x64xf32, #tpu.memory_space<hbm>> -> memref<2000x64xf32, #tpu.memory_space<hbm>>
      tpu.wait_indirect_dma semaphore(%arg16 : memref<!tpu.dma_semaphore, #tpu.memory_space<semaphore_mem>>) src(%dma_wait3A_215 : memref<2000x64xf32, #tpu.memory_space<hbm>>) dst(%dma_wait3A_209 : memref<128x64xf32, #tpu.memory_space<vmem>>)
      %mul3A_216 = arith.constant 2 : i32
      %mul3A_217 = arith.muli %mul3A_216, %add3A_51 : i32
      %add3A_218 = arith.addi %mul3A_2, %mul3A_217 : i32
      %mul3A_219 = arith.constant 128 : i32
      %mul3A_220 = arith.muli %add3A_218, %mul3A_219 : i32
      "tpu.region"() ({
        %run_scoped3A = tpu.sem_alloc : memref<!tpu.dma_semaphore, #tpu.memory_space<semaphore_mem>>
        %dma_start3A_221 = arith.constant 0 : i32
        %dma_start3A_222 = tpu.memref_slice %arg6[%mul3A_220, %dma_start3A_221] : memref<507904x128xf32, #tpu.memory_space<hbm>> -> memref<256x64xf32, #tpu.memory_space<hbm>>
        %dma_start3A_223 = arith.constant 0 : i32
        %dma_start3A_224 = tpu.memref_slice %arg6[%mul3A_220, %dma_start3A_223] : memref<507904x128xf32, #tpu.memory_space<hbm>> -> memref<256x64xf32, #tpu.memory_space<hbm>>
        tpu.enqueue_dma source(%arg10 : memref<256x64xf32, #tpu.memory_space<vmem>>) target(%dma_start3A_224 : memref<256x64xf32, #tpu.memory_space<hbm>>) target_semaphore(%run_scoped3A : memref<!tpu.dma_semaphore, #tpu.memory_space<semaphore_mem>>)
        %dma_wait3A_225 = arith.constant 0 : i32
        %dma_wait3A_226 = tpu.memref_slice %arg6[%mul3A_220, %dma_wait3A_225] : memref<507904x128xf32, #tpu.memory_space<hbm>> -> memref<256x64xf32, #tpu.memory_space<hbm>>
        %dma_wait3A_227 = arith.constant 0 : i32
        %dma_wait3A_228 = tpu.memref_slice %arg6[%mul3A_220, %dma_wait3A_227] : memref<507904x128xf32, #tpu.memory_space<hbm>> -> memref<256x64xf32, #tpu.memory_space<hbm>>
        tpu.wait_dma2 semaphore(%run_scoped3A : memref<!tpu.dma_semaphore, #tpu.memory_space<semaphore_mem>>) src(%arg10 : memref<256x64xf32, #tpu.memory_space<vmem>>) dst(%dma_wait3A_228 : memref<256x64xf32, #tpu.memory_space<hbm>>)
        tpu.yield
      }) : () -> ()
      "tpu.region"() ({
        %run_scoped3A = tpu.sem_alloc : memref<!tpu.dma_semaphore, #tpu.memory_space<semaphore_mem>>
        %dma_start3A_221 = arith.constant 64 : i32
        %dma_start3A_222 = tpu.memref_slice %arg6[%mul3A_220, %dma_start3A_221] : memref<507904x128xf32, #tpu.memory_space<hbm>> -> memref<256x64xf32, #tpu.memory_space<hbm>>
        %dma_start3A_223 = arith.constant 64 : i32
        %dma_start3A_224 = tpu.memref_slice %arg6[%mul3A_220, %dma_start3A_223] : memref<507904x128xf32, #tpu.memory_space<hbm>> -> memref<256x64xf32, #tpu.memory_space<hbm>>
        tpu.enqueue_dma source(%arg12 : memref<256x64xf32, #tpu.memory_space<vmem>>) target(%dma_start3A_224 : memref<256x64xf32, #tpu.memory_space<hbm>>) target_semaphore(%run_scoped3A : memref<!tpu.dma_semaphore, #tpu.memory_space<semaphore_mem>>)
        %dma_wait3A_225 = arith.constant 64 : i32
        %dma_wait3A_226 = tpu.memref_slice %arg6[%mul3A_220, %dma_wait3A_225] : memref<507904x128xf32, #tpu.memory_space<hbm>> -> memref<256x64xf32, #tpu.memory_space<hbm>>
        %dma_wait3A_227 = arith.constant 64 : i32
        %dma_wait3A_228 = tpu.memref_slice %arg6[%mul3A_220, %dma_wait3A_227] : memref<507904x128xf32, #tpu.memory_space<hbm>> -> memref<256x64xf32, #tpu.memory_space<hbm>>
        tpu.wait_dma2 semaphore(%run_scoped3A : memref<!tpu.dma_semaphore, #tpu.memory_space<semaphore_mem>>) src(%arg12 : memref<256x64xf32, #tpu.memory_space<vmem>>) dst(%dma_wait3A_228 : memref<256x64xf32, #tpu.memory_space<hbm>>)
        tpu.yield
      }) : () -> ()
    }
    %scan3A_46 = arith.constant 31 : i32
    return
  }
}

#map = affine_map<(d0, d1) -> (0, 0)>
#map1 = affine_map<(d0, d1) -> (0, 0, 0)>
module attributes {stable_mosaic.version = 14 : i64} {
  func.func @k(%arg0: i32, %arg1: i32, %arg2: memref<12288x32xf32, #tpu.memory_space<hbm>>, %arg3: memref<1984x8192xf32, #tpu.memory_space<hbm>>, %arg4: memref<32x124x128xi32, #tpu.memory_space<hbm>>, %arg5: memref<32x16xf32, #tpu.memory_space<hbm>>, %arg6: memref<124x128xi32, #tpu.memory_space<vmem>>, %arg7: memref<128x32xf32, #tpu.memory_space<vmem>>, %arg8: memref<128x32xf32, #tpu.memory_space<vmem>>, %arg9: memref<32x128xf32, #tpu.memory_space<vmem>>, %arg10: memref<32x128xf32, #tpu.memory_space<vmem>>, %arg11: memref<16xf32, #tpu.memory_space<vmem>>, %arg12: memref<!tpu.dma_semaphore, #tpu.memory_space<semaphore_mem>>, %arg13: memref<!tpu.dma_semaphore, #tpu.memory_space<semaphore_mem>>, %arg14: memref<!tpu.dma_semaphore, #tpu.memory_space<semaphore_mem>>, %arg15: memref<!tpu.dma_semaphore, #tpu.memory_space<semaphore_mem>>) attributes {dimension_semantics = [#tpu.dimension_semantics<core_parallel>, #tpu.dimension_semantics<subcore_parallel>], iteration_bounds = array<i64: 2, 16>, scalar_prefetch = 0 : i64, scratch_operands = 10 : i64, tpu.core_type = #tpu.core_type<sc_vector_subcore>, window_params = [{transform_indices = #map}, {transform_indices = #map}, {transform_indices = #map1}, {transform_indices = #map}]} {
    %mul3A = arith.constant 2 : i32
    %mul3A_0 = arith.muli %arg1, %mul3A : i32
    %add3A = arith.addi %mul3A_0, %arg0 : i32
    "tpu.region"() ({
      %run_scoped3A = tpu.sem_alloc : memref<!tpu.dma_semaphore, #tpu.memory_space<semaphore_mem>>
      %dma_start3A_43 = arith.constant 0 : i32
      %dma_start3A_44 = arith.constant 0 : i32
      %dma_start3A_45 = tpu.memref_slice %arg4[%add3A, %dma_start3A_43, %dma_start3A_44] : memref<32x124x128xi32, #tpu.memory_space<hbm>> -> memref<1x124x128xi32, #tpu.memory_space<hbm>>
      %dma_start3A_46 = tpu.memref_squeeze %dma_start3A_45 : memref<1x124x128xi32, #tpu.memory_space<hbm>> -> memref<124x128xi32, #tpu.memory_space<hbm>>
      %dma_start3A_47 = arith.constant 0 : i32
      %dma_start3A_48 = arith.constant 0 : i32
      %dma_start3A_49 = tpu.memref_slice %arg4[%add3A, %dma_start3A_47, %dma_start3A_48] : memref<32x124x128xi32, #tpu.memory_space<hbm>> -> memref<1x124x128xi32, #tpu.memory_space<hbm>>
      %dma_start3A_50 = tpu.memref_squeeze %dma_start3A_49 : memref<1x124x128xi32, #tpu.memory_space<hbm>> -> memref<124x128xi32, #tpu.memory_space<hbm>>
      tpu.enqueue_dma source(%dma_start3A_50 : memref<124x128xi32, #tpu.memory_space<hbm>>) target(%arg6 : memref<124x128xi32, #tpu.memory_space<vmem>>) target_semaphore(%run_scoped3A : memref<!tpu.dma_semaphore, #tpu.memory_space<semaphore_mem>>)
      %dma_wait3A = arith.constant 0 : i32
      %dma_wait3A_51 = arith.constant 0 : i32
      %dma_wait3A_52 = tpu.memref_slice %arg4[%add3A, %dma_wait3A, %dma_wait3A_51] : memref<32x124x128xi32, #tpu.memory_space<hbm>> -> memref<1x124x128xi32, #tpu.memory_space<hbm>>
      %dma_wait3A_53 = tpu.memref_squeeze %dma_wait3A_52 : memref<1x124x128xi32, #tpu.memory_space<hbm>> -> memref<124x128xi32, #tpu.memory_space<hbm>>
      %dma_wait3A_54 = arith.constant 0 : i32
      %dma_wait3A_55 = arith.constant 0 : i32
      %dma_wait3A_56 = tpu.memref_slice %arg4[%add3A, %dma_wait3A_54, %dma_wait3A_55] : memref<32x124x128xi32, #tpu.memory_space<hbm>> -> memref<1x124x128xi32, #tpu.memory_space<hbm>>
      %dma_wait3A_57 = tpu.memref_squeeze %dma_wait3A_56 : memref<1x124x128xi32, #tpu.memory_space<hbm>> -> memref<124x128xi32, #tpu.memory_space<hbm>>
      tpu.wait_dma2 semaphore(%run_scoped3A : memref<!tpu.dma_semaphore, #tpu.memory_space<semaphore_mem>>) src(%dma_wait3A_57 : memref<124x128xi32, #tpu.memory_space<hbm>>) dst(%arg6 : memref<124x128xi32, #tpu.memory_space<vmem>>)
      tpu.yield
    }) : () -> ()
    %broadcast_in_dim3A = arith.constant 0.000000e+00 : f32
    %broadcast_in_dim3A_1 = vector.broadcast %broadcast_in_dim3A : f32 to vector<16xf32>
    %swap3A = arith.constant 0 : index
    %swap3A_2 = tpu.vector_load %arg11[%swap3A] {strides = array<i32>} : memref<16xf32, #tpu.memory_space<vmem>>, vector<16xf32>,
    tpu.vector_store %arg11[%swap3A], %broadcast_in_dim3A_1 {strides = array<i32>} : memref<16xf32, #tpu.memory_space<vmem>>, vector<16xf32>,
    %dma_start3A = arith.constant 0 : i32
    %dma_start3A_3 = arith.constant 0 : i32
    %dma_start3A_4 = tpu.memref_slice %arg6[%dma_start3A, %dma_start3A_3] : memref<124x128xi32, #tpu.memory_space<vmem>> -> memref<1x128xi32, #tpu.memory_space<vmem>>
    %dma_start3A_5 = tpu.memref_squeeze %dma_start3A_4 : memref<1x128xi32, #tpu.memory_space<vmem>> -> memref<128xi32, #tpu.memory_space<vmem>>
    %dma_start3A_6 = arith.constant 0 : i32
    %dma_start3A_7 = arith.constant 0 : i32
    %dma_start3A_8 = tpu.memref_slice %arg2[%dma_start3A_6, %dma_start3A_7] : memref<12288x32xf32, #tpu.memory_space<hbm>> -> memref<12288x32xf32, #tpu.memory_space<hbm>>
    tpu.enqueue_indirect_dma source(%dma_start3A_8 : memref<12288x32xf32, #tpu.memory_space<hbm>>) target(%arg7 : memref<128x32xf32, #tpu.memory_space<vmem>>) offsets(%dma_start3A_5 : memref<128xi32, #tpu.memory_space<vmem>>) semaphore(%arg12 : memref<!tpu.dma_semaphore, #tpu.memory_space<semaphore_mem>>)
    %mul3A_9 = arith.constant 124 : i32
    %mul3A_10 = arith.muli %add3A, %mul3A_9 : i32
    %add3A_11 = arith.constant 0 : i32
    %add3A_12 = arith.addi %mul3A_10, %add3A_11 : i32
    %mul3A_13 = arith.constant 128 : i32
    %mul3A_14 = arith.muli %add3A_12, %mul3A_13 : i32
    %jit3A = arith.constant 8192 : i32
    %div3A = arith.divsi %mul3A_14, %jit3A : i32
    %sign3A = arith.constant 0 : i32
    %sign3A_15 = arith.cmpi sgt, %mul3A_14, %sign3A : i32
    %sign3A_16 = arith.extui %sign3A_15 : i1 to i32
    %sign3A_17 = arith.constant 0 : i32
    %sign3A_18 = arith.cmpi slt, %mul3A_14, %sign3A_17 : i32
    %sign3A_19 = arith.extui %sign3A_18 : i1 to i32
    %sign3A_20 = arith.subi %sign3A_16, %sign3A_19 : i32
    %sign3A_21 = arith.constant 0 : i32
    %sign3A_22 = arith.cmpi sgt, %jit3A, %sign3A_21 : i32
    %sign3A_23 = arith.extui %sign3A_22 : i1 to i32
    %sign3A_24 = arith.constant 0 : i32
    %sign3A_25 = arith.cmpi slt, %jit3A, %sign3A_24 : i32
    %sign3A_26 = arith.extui %sign3A_25 : i1 to i32
    %sign3A_27 = arith.subi %sign3A_23, %sign3A_26 : i32
    %ne3A = arith.cmpi ne, %sign3A_20, %sign3A_27 : i32
    %rem3A = arith.remsi %mul3A_14, %jit3A : i32
    %ne3A_28 = arith.constant 0 : i32
    %ne3A_29 = arith.cmpi ne, %rem3A, %ne3A_28 : i32
    %and3A = arith.andi %ne3A, %ne3A_29 : i1
    %sub3A = arith.constant 1 : i32
    %sub3A_30 = arith.subi %div3A, %sub3A : i32
    %select_n3A = arith.select %and3A, %sub3A_30, %div3A : i32
    %mul3A_31 = arith.constant 32 : i32
    %mul3A_32 = arith.muli %select_n3A, %mul3A_31 : i32
    %mul3A_33 = arith.constant 8192 : i32
    %mul3A_34 = arith.muli %select_n3A, %mul3A_33 : i32
    %sub3A_35 = arith.subi %mul3A_14, %mul3A_34 : i32
    %dma_start3A_36 = tpu.memref_slice %arg3[%mul3A_32, %sub3A_35] : memref<1984x8192xf32, #tpu.memory_space<hbm>> -> memref<32x128xf32, #tpu.memory_space<hbm>>
    %dma_start3A_37 = tpu.memref_slice %arg3[%mul3A_32, %sub3A_35] : memref<1984x8192xf32, #tpu.memory_space<hbm>> -> memref<32x128xf32, #tpu.memory_space<hbm>>
    tpu.enqueue_dma source(%dma_start3A_37 : memref<32x128xf32, #tpu.memory_space<hbm>>) target(%arg9 : memref<32x128xf32, #tpu.memory_space<vmem>>) target_semaphore(%arg14 : memref<!tpu.dma_semaphore, #tpu.memory_space<semaphore_mem>>)
    %scan3A = arith.constant 0 : i32
    %scan3A_38 = arith.constant 0 : i32
    %scan3A_39 = arith.constant 62 : i32
    %scan3A_40 = arith.addi %scan3A_38, %scan3A_39 : i32
    %scan3A_41 = arith.constant 1 : i32
    scf.for %scan3A_43 = %scan3A_38 to %scan3A_40 step %scan3A_41  : i32 {
      %mul3A_44 = arith.constant 2 : i32
      %mul3A_45 = arith.muli %mul3A_44, %scan3A_43 : i32
      %add3A_46 = arith.constant 1 : i32
      %add3A_47 = arith.addi %mul3A_45, %add3A_46 : i32
      %dma_start3A_48 = arith.constant 0 : i32
      %dma_start3A_49 = tpu.memref_slice %arg6[%add3A_47, %dma_start3A_48] : memref<124x128xi32, #tpu.memory_space<vmem>> -> memref<1x128xi32, #tpu.memory_space<vmem>>
      %dma_start3A_50 = tpu.memref_squeeze %dma_start3A_49 : memref<1x128xi32, #tpu.memory_space<vmem>> -> memref<128xi32, #tpu.memory_space<vmem>>
      %dma_start3A_51 = arith.constant 0 : i32
      %dma_start3A_52 = arith.constant 0 : i32
      %dma_start3A_53 = tpu.memref_slice %arg2[%dma_start3A_51, %dma_start3A_52] : memref<12288x32xf32, #tpu.memory_space<hbm>> -> memref<12288x32xf32, #tpu.memory_space<hbm>>
      tpu.enqueue_indirect_dma source(%dma_start3A_53 : memref<12288x32xf32, #tpu.memory_space<hbm>>) target(%arg8 : memref<128x32xf32, #tpu.memory_space<vmem>>) offsets(%dma_start3A_50 : memref<128xi32, #tpu.memory_space<vmem>>) semaphore(%arg13 : memref<!tpu.dma_semaphore, #tpu.memory_space<semaphore_mem>>)
      %mul3A_54 = arith.constant 124 : i32
      %mul3A_55 = arith.muli %add3A, %mul3A_54 : i32
      %add3A_56 = arith.addi %mul3A_55, %add3A_47 : i32
      %mul3A_57 = arith.constant 128 : i32
      %mul3A_58 = arith.muli %add3A_56, %mul3A_57 : i32
      %jit3A_59 = arith.constant 8192 : i32
      %div3A_60 = arith.divsi %mul3A_58, %jit3A_59 : i32
      %sign3A_61 = arith.constant 0 : i32
      %sign3A_62 = arith.cmpi sgt, %mul3A_58, %sign3A_61 : i32
      %sign3A_63 = arith.extui %sign3A_62 : i1 to i32
      %sign3A_64 = arith.constant 0 : i32
      %sign3A_65 = arith.cmpi slt, %mul3A_58, %sign3A_64 : i32
      %sign3A_66 = arith.extui %sign3A_65 : i1 to i32
      %sign3A_67 = arith.subi %sign3A_63, %sign3A_66 : i32
      %sign3A_68 = arith.constant 0 : i32
      %sign3A_69 = arith.cmpi sgt, %jit3A_59, %sign3A_68 : i32
      %sign3A_70 = arith.extui %sign3A_69 : i1 to i32
      %sign3A_71 = arith.constant 0 : i32
      %sign3A_72 = arith.cmpi slt, %jit3A_59, %sign3A_71 : i32
      %sign3A_73 = arith.extui %sign3A_72 : i1 to i32
      %sign3A_74 = arith.subi %sign3A_70, %sign3A_73 : i32
      %ne3A_75 = arith.cmpi ne, %sign3A_67, %sign3A_74 : i32
      %rem3A_76 = arith.remsi %mul3A_58, %jit3A_59 : i32
      %ne3A_77 = arith.constant 0 : i32
      %ne3A_78 = arith.cmpi ne, %rem3A_76, %ne3A_77 : i32
      %and3A_79 = arith.andi %ne3A_75, %ne3A_78 : i1
      %sub3A_80 = arith.constant 1 : i32
      %sub3A_81 = arith.subi %div3A_60, %sub3A_80 : i32
      %select_n3A_82 = arith.select %and3A_79, %sub3A_81, %div3A_60 : i32
      %mul3A_83 = arith.constant 32 : i32
      %mul3A_84 = arith.muli %select_n3A_82, %mul3A_83 : i32
      %mul3A_85 = arith.constant 8192 : i32
      %mul3A_86 = arith.muli %select_n3A_82, %mul3A_85 : i32
      %sub3A_87 = arith.subi %mul3A_58, %mul3A_86 : i32
      %dma_start3A_88 = tpu.memref_slice %arg3[%mul3A_84, %sub3A_87] : memref<1984x8192xf32, #tpu.memory_space<hbm>> -> memref<32x128xf32, #tpu.memory_space<hbm>>
      %dma_start3A_89 = tpu.memref_slice %arg3[%mul3A_84, %sub3A_87] : memref<1984x8192xf32, #tpu.memory_space<hbm>> -> memref<32x128xf32, #tpu.memory_space<hbm>>
      tpu.enqueue_dma source(%dma_start3A_89 : memref<32x128xf32, #tpu.memory_space<hbm>>) target(%arg10 : memref<32x128xf32, #tpu.memory_space<vmem>>) target_semaphore(%arg15 : memref<!tpu.dma_semaphore, #tpu.memory_space<semaphore_mem>>)
      %dma_wait3A = arith.constant 0 : i32
      %dma_wait3A_90 = tpu.memref_slice %arg6[%mul3A_45, %dma_wait3A] : memref<124x128xi32, #tpu.memory_space<vmem>> -> memref<1x128xi32, #tpu.memory_space<vmem>>
      %dma_wait3A_91 = tpu.memref_squeeze %dma_wait3A_90 : memref<1x128xi32, #tpu.memory_space<vmem>> -> memref<128xi32, #tpu.memory_space<vmem>>
      %dma_wait3A_92 = arith.constant 0 : i32
      %dma_wait3A_93 = arith.constant 0 : i32
      %dma_wait3A_94 = tpu.memref_slice %arg2[%dma_wait3A_92, %dma_wait3A_93] : memref<12288x32xf32, #tpu.memory_space<hbm>> -> memref<12288x32xf32, #tpu.memory_space<hbm>>
      tpu.wait_indirect_dma semaphore(%arg12 : memref<!tpu.dma_semaphore, #tpu.memory_space<semaphore_mem>>) src(%dma_wait3A_94 : memref<12288x32xf32, #tpu.memory_space<hbm>>) dst(%arg7 : memref<128x32xf32, #tpu.memory_space<vmem>>)
      %mul3A_95 = arith.constant 124 : i32
      %mul3A_96 = arith.muli %add3A, %mul3A_95 : i32
      %add3A_97 = arith.addi %mul3A_96, %mul3A_45 : i32
      %mul3A_98 = arith.constant 128 : i32
      %mul3A_99 = arith.muli %add3A_97, %mul3A_98 : i32
      %jit3A_100 = arith.constant 8192 : i32
      %div3A_101 = arith.divsi %mul3A_99, %jit3A_100 : i32
      %sign3A_102 = arith.constant 0 : i32
      %sign3A_103 = arith.cmpi sgt, %mul3A_99, %sign3A_102 : i32
      %sign3A_104 = arith.extui %sign3A_103 : i1 to i32
      %sign3A_105 = arith.constant 0 : i32
      %sign3A_106 = arith.cmpi slt, %mul3A_99, %sign3A_105 : i32
      %sign3A_107 = arith.extui %sign3A_106 : i1 to i32
      %sign3A_108 = arith.subi %sign3A_104, %sign3A_107 : i32
      %sign3A_109 = arith.constant 0 : i32
      %sign3A_110 = arith.cmpi sgt, %jit3A_100, %sign3A_109 : i32
      %sign3A_111 = arith.extui %sign3A_110 : i1 to i32
      %sign3A_112 = arith.constant 0 : i32
      %sign3A_113 = arith.cmpi slt, %jit3A_100, %sign3A_112 : i32
      %sign3A_114 = arith.extui %sign3A_113 : i1 to i32
      %sign3A_115 = arith.subi %sign3A_111, %sign3A_114 : i32
      %ne3A_116 = arith.cmpi ne, %sign3A_108, %sign3A_115 : i32
      %rem3A_117 = arith.remsi %mul3A_99, %jit3A_100 : i32
      %ne3A_118 = arith.constant 0 : i32
      %ne3A_119 = arith.cmpi ne, %rem3A_117, %ne3A_118 : i32
      %and3A_120 = arith.andi %ne3A_116, %ne3A_119 : i1
      %sub3A_121 = arith.constant 1 : i32
      %sub3A_122 = arith.subi %div3A_101, %sub3A_121 : i32
      %select_n3A_123 = arith.select %and3A_120, %sub3A_122, %div3A_101 : i32
      %mul3A_124 = arith.constant 32 : i32
      %mul3A_125 = arith.muli %select_n3A_123, %mul3A_124 : i32
      %mul3A_126 = arith.constant 8192 : i32
      %mul3A_127 = arith.muli %select_n3A_123, %mul3A_126 : i32
      %sub3A_128 = arith.subi %mul3A_99, %mul3A_127 : i32
      %dma_wait3A_129 = tpu.memref_slice %arg3[%mul3A_125, %sub3A_128] : memref<1984x8192xf32, #tpu.memory_space<hbm>> -> memref<32x128xf32, #tpu.memory_space<hbm>>
      %dma_wait3A_130 = tpu.memref_slice %arg3[%mul3A_125, %sub3A_128] : memref<1984x8192xf32, #tpu.memory_space<hbm>> -> memref<32x128xf32, #tpu.memory_space<hbm>>
      tpu.wait_dma2 semaphore(%arg14 : memref<!tpu.dma_semaphore, #tpu.memory_space<semaphore_mem>>) src(%dma_wait3A_130 : memref<32x128xf32, #tpu.memory_space<hbm>>) dst(%arg9 : memref<32x128xf32, #tpu.memory_space<vmem>>)
      %scan3A_131 = arith.constant 0 : i32
      %scan3A_132 = arith.constant 0 : i32
      %scan3A_133 = arith.constant 32 : i32
      %scan3A_134 = arith.addi %scan3A_132, %scan3A_133 : i32
      %scan3A_135 = arith.constant 4 : i32
      scf.for %scan3A_189 = %scan3A_132 to %scan3A_134 step %scan3A_135  : i32 {
        %broadcast_in_dim3A_190 = arith.constant 0 : i32
        %broadcast_in_dim3A_191 = vector.broadcast %broadcast_in_dim3A_190 : i32 to vector<16xi32>
        %add3A_192 = vector.broadcast %scan3A_189 : i32 to vector<16xi32>
        %add3A_193 = arith.addi %broadcast_in_dim3A_191, %add3A_192 : vector<16xi32>
        %get3A = arith.constant 0 : index
        %get3A_194 = tpu.vector_load %arg11[%get3A] {strides = array<i32>} : memref<16xf32, #tpu.memory_space<vmem>>, vector<16xf32>,
        %get3A_195 = arith.index_cast %scan3A_189 : i32 to index
        %get3A_196 = arith.constant 0 : index
        %get3A_197 = tpu.vector_load %arg9[%get3A_195, %get3A_196] {strides = array<i32>} : memref<32x128xf32, #tpu.memory_space<vmem>>, vector<16xf32>,
        %iota3A = tpu.iota {dimensions = array<i32: 0>} : vector<16xi32>
        %add3A_198 = arith.constant 0 : i32
        %add3A_199 = vector.broadcast %add3A_198 : i32 to vector<16xi32>
        %add3A_200 = arith.addi %iota3A, %add3A_199 : vector<16xi32>
        %gather3A = tpu.vector_load_idx %arg7[%add3A_200, %add3A_193] : memref<128x32xf32, #tpu.memory_space<vmem>>[vector<16xi32>, vector<16xi32>], vector<16xf32>,
        %sub3A_201 = arith.subf %get3A_197, %gather3A : vector<16xf32>
        %mul3A_202 = arith.mulf %sub3A_201, %sub3A_201 : vector<16xf32>
        %add3A_203 = arith.addf %get3A_194, %mul3A_202 : vector<16xf32>
        %get3A_204 = arith.index_cast %scan3A_189 : i32 to index
        %get3A_205 = arith.constant 16 : index
        %get3A_206 = tpu.vector_load %arg9[%get3A_204, %get3A_205] {strides = array<i32>} : memref<32x128xf32, #tpu.memory_space<vmem>>, vector<16xf32>,
        %iota3A_207 = tpu.iota {dimensions = array<i32: 0>} : vector<16xi32>
        %add3A_208 = arith.constant 16 : i32
        %add3A_209 = vector.broadcast %add3A_208 : i32 to vector<16xi32>
        %add3A_210 = arith.addi %iota3A_207, %add3A_209 : vector<16xi32>
        %gather3A_211 = tpu.vector_load_idx %arg7[%add3A_210, %add3A_193] : memref<128x32xf32, #tpu.memory_space<vmem>>[vector<16xi32>, vector<16xi32>], vector<16xf32>,
        %sub3A_212 = arith.subf %get3A_206, %gather3A_211 : vector<16xf32>
        %mul3A_213 = arith.mulf %sub3A_212, %sub3A_212 : vector<16xf32>
        %add3A_214 = arith.addf %add3A_203, %mul3A_213 : vector<16xf32>
        %get3A_215 = arith.index_cast %scan3A_189 : i32 to index
        %get3A_216 = arith.constant 32 : index
        %get3A_217 = tpu.vector_load %arg9[%get3A_215, %get3A_216] {strides = array<i32>} : memref<32x128xf32, #tpu.memory_space<vmem>>, vector<16xf32>,
        %iota3A_218 = tpu.iota {dimensions = array<i32: 0>} : vector<16xi32>
        %add3A_219 = arith.constant 32 : i32
        %add3A_220 = vector.broadcast %add3A_219 : i32 to vector<16xi32>
        %add3A_221 = arith.addi %iota3A_218, %add3A_220 : vector<16xi32>
        %gather3A_222 = tpu.vector_load_idx %arg7[%add3A_221, %add3A_193] : memref<128x32xf32, #tpu.memory_space<vmem>>[vector<16xi32>, vector<16xi32>], vector<16xf32>,
        %sub3A_223 = arith.subf %get3A_217, %gather3A_222 : vector<16xf32>
        %mul3A_224 = arith.mulf %sub3A_223, %sub3A_223 : vector<16xf32>
        %add3A_225 = arith.addf %add3A_214, %mul3A_224 : vector<16xf32>
        %get3A_226 = arith.index_cast %scan3A_189 : i32 to index
        %get3A_227 = arith.constant 48 : index
        %get3A_228 = tpu.vector_load %arg9[%get3A_226, %get3A_227] {strides = array<i32>} : memref<32x128xf32, #tpu.memory_space<vmem>>, vector<16xf32>,
        %iota3A_229 = tpu.iota {dimensions = array<i32: 0>} : vector<16xi32>
        %add3A_230 = arith.constant 48 : i32
        %add3A_231 = vector.broadcast %add3A_230 : i32 to vector<16xi32>
        %add3A_232 = arith.addi %iota3A_229, %add3A_231 : vector<16xi32>
        %gather3A_233 = tpu.vector_load_idx %arg7[%add3A_232, %add3A_193] : memref<128x32xf32, #tpu.memory_space<vmem>>[vector<16xi32>, vector<16xi32>], vector<16xf32>,
        %sub3A_234 = arith.subf %get3A_228, %gather3A_233 : vector<16xf32>
        %mul3A_235 = arith.mulf %sub3A_234, %sub3A_234 : vector<16xf32>
        %add3A_236 = arith.addf %add3A_225, %mul3A_235 : vector<16xf32>
        %get3A_237 = arith.index_cast %scan3A_189 : i32 to index
        %get3A_238 = arith.constant 64 : index
        %get3A_239 = tpu.vector_load %arg9[%get3A_237, %get3A_238] {strides = array<i32>} : memref<32x128xf32, #tpu.memory_space<vmem>>, vector<16xf32>,
        %iota3A_240 = tpu.iota {dimensions = array<i32: 0>} : vector<16xi32>
        %add3A_241 = arith.constant 64 : i32
        %add3A_242 = vector.broadcast %add3A_241 : i32 to vector<16xi32>
        %add3A_243 = arith.addi %iota3A_240, %add3A_242 : vector<16xi32>
        %gather3A_244 = tpu.vector_load_idx %arg7[%add3A_243, %add3A_193] : memref<128x32xf32, #tpu.memory_space<vmem>>[vector<16xi32>, vector<16xi32>], vector<16xf32>,
        %sub3A_245 = arith.subf %get3A_239, %gather3A_244 : vector<16xf32>
        %mul3A_246 = arith.mulf %sub3A_245, %sub3A_245 : vector<16xf32>
        %add3A_247 = arith.addf %add3A_236, %mul3A_246 : vector<16xf32>
        %get3A_248 = arith.index_cast %scan3A_189 : i32 to index
        %get3A_249 = arith.constant 80 : index
        %get3A_250 = tpu.vector_load %arg9[%get3A_248, %get3A_249] {strides = array<i32>} : memref<32x128xf32, #tpu.memory_space<vmem>>, vector<16xf32>,
        %iota3A_251 = tpu.iota {dimensions = array<i32: 0>} : vector<16xi32>
        %add3A_252 = arith.constant 80 : i32
        %add3A_253 = vector.broadcast %add3A_252 : i32 to vector<16xi32>
        %add3A_254 = arith.addi %iota3A_251, %add3A_253 : vector<16xi32>
        %gather3A_255 = tpu.vector_load_idx %arg7[%add3A_254, %add3A_193] : memref<128x32xf32, #tpu.memory_space<vmem>>[vector<16xi32>, vector<16xi32>], vector<16xf32>,
        %sub3A_256 = arith.subf %get3A_250, %gather3A_255 : vector<16xf32>
        %mul3A_257 = arith.mulf %sub3A_256, %sub3A_256 : vector<16xf32>
        %add3A_258 = arith.addf %add3A_247, %mul3A_257 : vector<16xf32>
        %get3A_259 = arith.index_cast %scan3A_189 : i32 to index
        %get3A_260 = arith.constant 96 : index
        %get3A_261 = tpu.vector_load %arg9[%get3A_259, %get3A_260] {strides = array<i32>} : memref<32x128xf32, #tpu.memory_space<vmem>>, vector<16xf32>,
        %iota3A_262 = tpu.iota {dimensions = array<i32: 0>} : vector<16xi32>
        %add3A_263 = arith.constant 96 : i32
        %add3A_264 = vector.broadcast %add3A_263 : i32 to vector<16xi32>
        %add3A_265 = arith.addi %iota3A_262, %add3A_264 : vector<16xi32>
        %gather3A_266 = tpu.vector_load_idx %arg7[%add3A_265, %add3A_193] : memref<128x32xf32, #tpu.memory_space<vmem>>[vector<16xi32>, vector<16xi32>], vector<16xf32>,
        %sub3A_267 = arith.subf %get3A_261, %gather3A_266 : vector<16xf32>
        %mul3A_268 = arith.mulf %sub3A_267, %sub3A_267 : vector<16xf32>
        %add3A_269 = arith.addf %add3A_258, %mul3A_268 : vector<16xf32>
        %get3A_270 = arith.index_cast %scan3A_189 : i32 to index
        %get3A_271 = arith.constant 112 : index
        %get3A_272 = tpu.vector_load %arg9[%get3A_270, %get3A_271] {strides = array<i32>} : memref<32x128xf32, #tpu.memory_space<vmem>>, vector<16xf32>,
        %iota3A_273 = tpu.iota {dimensions = array<i32: 0>} : vector<16xi32>
        %add3A_274 = arith.constant 112 : i32
        %add3A_275 = vector.broadcast %add3A_274 : i32 to vector<16xi32>
        %add3A_276 = arith.addi %iota3A_273, %add3A_275 : vector<16xi32>
        %gather3A_277 = tpu.vector_load_idx %arg7[%add3A_276, %add3A_193] : memref<128x32xf32, #tpu.memory_space<vmem>>[vector<16xi32>, vector<16xi32>], vector<16xf32>,
        %sub3A_278 = arith.subf %get3A_272, %gather3A_277 : vector<16xf32>
        %mul3A_279 = arith.mulf %sub3A_278, %sub3A_278 : vector<16xf32>
        %add3A_280 = arith.addf %add3A_269, %mul3A_279 : vector<16xf32>
        %swap3A_281 = arith.constant 0 : index
        %swap3A_282 = tpu.vector_load %arg11[%swap3A_281] {strides = array<i32>} : memref<16xf32, #tpu.memory_space<vmem>>, vector<16xf32>,
        tpu.vector_store %arg11[%swap3A_281], %add3A_280 {strides = array<i32>} : memref<16xf32, #tpu.memory_space<vmem>>, vector<16xf32>,
        %scan3A_283 = arith.constant 1 : i32
        %scan3A_284 = arith.addi %scan3A_189, %scan3A_283 : i32
        %broadcast_in_dim3A_285 = arith.constant 0 : i32
        %broadcast_in_dim3A_286 = vector.broadcast %broadcast_in_dim3A_285 : i32 to vector<16xi32>
        %add3A_287 = vector.broadcast %scan3A_284 : i32 to vector<16xi32>
        %add3A_288 = arith.addi %broadcast_in_dim3A_286, %add3A_287 : vector<16xi32>
        %get3A_289 = arith.constant 0 : index
        %get3A_290 = tpu.vector_load %arg11[%get3A_289] {strides = array<i32>} : memref<16xf32, #tpu.memory_space<vmem>>, vector<16xf32>,
        %get3A_291 = arith.index_cast %scan3A_284 : i32 to index
        %get3A_292 = arith.constant 0 : index
        %get3A_293 = tpu.vector_load %arg9[%get3A_291, %get3A_292] {strides = array<i32>} : memref<32x128xf32, #tpu.memory_space<vmem>>, vector<16xf32>,
        %iota3A_294 = tpu.iota {dimensions = array<i32: 0>} : vector<16xi32>
        %add3A_295 = arith.constant 0 : i32
        %add3A_296 = vector.broadcast %add3A_295 : i32 to vector<16xi32>
        %add3A_297 = arith.addi %iota3A_294, %add3A_296 : vector<16xi32>
        %gather3A_298 = tpu.vector_load_idx %arg7[%add3A_297, %add3A_288] : memref<128x32xf32, #tpu.memory_space<vmem>>[vector<16xi32>, vector<16xi32>], vector<16xf32>,
        %sub3A_299 = arith.subf %get3A_293, %gather3A_298 : vector<16xf32>
        %mul3A_300 = arith.mulf %sub3A_299, %sub3A_299 : vector<16xf32>
        %add3A_301 = arith.addf %get3A_290, %mul3A_300 : vector<16xf32>
        %get3A_302 = arith.index_cast %scan3A_284 : i32 to index
        %get3A_303 = arith.constant 16 : index
        %get3A_304 = tpu.vector_load %arg9[%get3A_302, %get3A_303] {strides = array<i32>} : memref<32x128xf32, #tpu.memory_space<vmem>>, vector<16xf32>,
        %iota3A_305 = tpu.iota {dimensions = array<i32: 0>} : vector<16xi32>
        %add3A_306 = arith.constant 16 : i32
        %add3A_307 = vector.broadcast %add3A_306 : i32 to vector<16xi32>
        %add3A_308 = arith.addi %iota3A_305, %add3A_307 : vector<16xi32>
        %gather3A_309 = tpu.vector_load_idx %arg7[%add3A_308, %add3A_288] : memref<128x32xf32, #tpu.memory_space<vmem>>[vector<16xi32>, vector<16xi32>], vector<16xf32>,
        %sub3A_310 = arith.subf %get3A_304, %gather3A_309 : vector<16xf32>
        %mul3A_311 = arith.mulf %sub3A_310, %sub3A_310 : vector<16xf32>
        %add3A_312 = arith.addf %add3A_301, %mul3A_311 : vector<16xf32>
        %get3A_313 = arith.index_cast %scan3A_284 : i32 to index
        %get3A_314 = arith.constant 32 : index
        %get3A_315 = tpu.vector_load %arg9[%get3A_313, %get3A_314] {strides = array<i32>} : memref<32x128xf32, #tpu.memory_space<vmem>>, vector<16xf32>,
        %iota3A_316 = tpu.iota {dimensions = array<i32: 0>} : vector<16xi32>
        %add3A_317 = arith.constant 32 : i32
        %add3A_318 = vector.broadcast %add3A_317 : i32 to vector<16xi32>
        %add3A_319 = arith.addi %iota3A_316, %add3A_318 : vector<16xi32>
        %gather3A_320 = tpu.vector_load_idx %arg7[%add3A_319, %add3A_288] : memref<128x32xf32, #tpu.memory_space<vmem>>[vector<16xi32>, vector<16xi32>], vector<16xf32>,
        %sub3A_321 = arith.subf %get3A_315, %gather3A_320 : vector<16xf32>
        %mul3A_322 = arith.mulf %sub3A_321, %sub3A_321 : vector<16xf32>
        %add3A_323 = arith.addf %add3A_312, %mul3A_322 : vector<16xf32>
        %get3A_324 = arith.index_cast %scan3A_284 : i32 to index
        %get3A_325 = arith.constant 48 : index
        %get3A_326 = tpu.vector_load %arg9[%get3A_324, %get3A_325] {strides = array<i32>} : memref<32x128xf32, #tpu.memory_space<vmem>>, vector<16xf32>,
        %iota3A_327 = tpu.iota {dimensions = array<i32: 0>} : vector<16xi32>
        %add3A_328 = arith.constant 48 : i32
        %add3A_329 = vector.broadcast %add3A_328 : i32 to vector<16xi32>
        %add3A_330 = arith.addi %iota3A_327, %add3A_329 : vector<16xi32>
        %gather3A_331 = tpu.vector_load_idx %arg7[%add3A_330, %add3A_288] : memref<128x32xf32, #tpu.memory_space<vmem>>[vector<16xi32>, vector<16xi32>], vector<16xf32>,
        %sub3A_332 = arith.subf %get3A_326, %gather3A_331 : vector<16xf32>
        %mul3A_333 = arith.mulf %sub3A_332, %sub3A_332 : vector<16xf32>
        %add3A_334 = arith.addf %add3A_323, %mul3A_333 : vector<16xf32>
        %get3A_335 = arith.index_cast %scan3A_284 : i32 to index
        %get3A_336 = arith.constant 64 : index
        %get3A_337 = tpu.vector_load %arg9[%get3A_335, %get3A_336] {strides = array<i32>} : memref<32x128xf32, #tpu.memory_space<vmem>>, vector<16xf32>,
        %iota3A_338 = tpu.iota {dimensions = array<i32: 0>} : vector<16xi32>
        %add3A_339 = arith.constant 64 : i32
        %add3A_340 = vector.broadcast %add3A_339 : i32 to vector<16xi32>
        %add3A_341 = arith.addi %iota3A_338, %add3A_340 : vector<16xi32>
        %gather3A_342 = tpu.vector_load_idx %arg7[%add3A_341, %add3A_288] : memref<128x32xf32, #tpu.memory_space<vmem>>[vector<16xi32>, vector<16xi32>], vector<16xf32>,
        %sub3A_343 = arith.subf %get3A_337, %gather3A_342 : vector<16xf32>
        %mul3A_344 = arith.mulf %sub3A_343, %sub3A_343 : vector<16xf32>
        %add3A_345 = arith.addf %add3A_334, %mul3A_344 : vector<16xf32>
        %get3A_346 = arith.index_cast %scan3A_284 : i32 to index
        %get3A_347 = arith.constant 80 : index
        %get3A_348 = tpu.vector_load %arg9[%get3A_346, %get3A_347] {strides = array<i32>} : memref<32x128xf32, #tpu.memory_space<vmem>>, vector<16xf32>,
        %iota3A_349 = tpu.iota {dimensions = array<i32: 0>} : vector<16xi32>
        %add3A_350 = arith.constant 80 : i32
        %add3A_351 = vector.broadcast %add3A_350 : i32 to vector<16xi32>
        %add3A_352 = arith.addi %iota3A_349, %add3A_351 : vector<16xi32>
        %gather3A_353 = tpu.vector_load_idx %arg7[%add3A_352, %add3A_288] : memref<128x32xf32, #tpu.memory_space<vmem>>[vector<16xi32>, vector<16xi32>], vector<16xf32>,
        %sub3A_354 = arith.subf %get3A_348, %gather3A_353 : vector<16xf32>
        %mul3A_355 = arith.mulf %sub3A_354, %sub3A_354 : vector<16xf32>
        %add3A_356 = arith.addf %add3A_345, %mul3A_355 : vector<16xf32>
        %get3A_357 = arith.index_cast %scan3A_284 : i32 to index
        %get3A_358 = arith.constant 96 : index
        %get3A_359 = tpu.vector_load %arg9[%get3A_357, %get3A_358] {strides = array<i32>} : memref<32x128xf32, #tpu.memory_space<vmem>>, vector<16xf32>,
        %iota3A_360 = tpu.iota {dimensions = array<i32: 0>} : vector<16xi32>
        %add3A_361 = arith.constant 96 : i32
        %add3A_362 = vector.broadcast %add3A_361 : i32 to vector<16xi32>
        %add3A_363 = arith.addi %iota3A_360, %add3A_362 : vector<16xi32>
        %gather3A_364 = tpu.vector_load_idx %arg7[%add3A_363, %add3A_288] : memref<128x32xf32, #tpu.memory_space<vmem>>[vector<16xi32>, vector<16xi32>], vector<16xf32>,
        %sub3A_365 = arith.subf %get3A_359, %gather3A_364 : vector<16xf32>
        %mul3A_366 = arith.mulf %sub3A_365, %sub3A_365 : vector<16xf32>
        %add3A_367 = arith.addf %add3A_356, %mul3A_366 : vector<16xf32>
        %get3A_368 = arith.index_cast %scan3A_284 : i32 to index
        %get3A_369 = arith.constant 112 : index
        %get3A_370 = tpu.vector_load %arg9[%get3A_368, %get3A_369] {strides = array<i32>} : memref<32x128xf32, #tpu.memory_space<vmem>>, vector<16xf32>,
        %iota3A_371 = tpu.iota {dimensions = array<i32: 0>} : vector<16xi32>
        %add3A_372 = arith.constant 112 : i32
        %add3A_373 = vector.broadcast %add3A_372 : i32 to vector<16xi32>
        %add3A_374 = arith.addi %iota3A_371, %add3A_373 : vector<16xi32>
        %gather3A_375 = tpu.vector_load_idx %arg7[%add3A_374, %add3A_288] : memref<128x32xf32, #tpu.memory_space<vmem>>[vector<16xi32>, vector<16xi32>], vector<16xf32>,
        %sub3A_376 = arith.subf %get3A_370, %gather3A_375 : vector<16xf32>
        %mul3A_377 = arith.mulf %sub3A_376, %sub3A_376 : vector<16xf32>
        %add3A_378 = arith.addf %add3A_367, %mul3A_377 : vector<16xf32>
        %swap3A_379 = arith.constant 0 : index
        %swap3A_380 = tpu.vector_load %arg11[%swap3A_379] {strides = array<i32>} : memref<16xf32, #tpu.memory_space<vmem>>, vector<16xf32>,
        tpu.vector_store %arg11[%swap3A_379], %add3A_378 {strides = array<i32>} : memref<16xf32, #tpu.memory_space<vmem>>, vector<16xf32>,
        %scan3A_381 = arith.constant 2 : i32
        %scan3A_382 = arith.addi %scan3A_189, %scan3A_381 : i32
        %broadcast_in_dim3A_383 = arith.constant 0 : i32
        %broadcast_in_dim3A_384 = vector.broadcast %broadcast_in_dim3A_383 : i32 to vector<16xi32>
        %add3A_385 = vector.broadcast %scan3A_382 : i32 to vector<16xi32>
        %add3A_386 = arith.addi %broadcast_in_dim3A_384, %add3A_385 : vector<16xi32>
        %get3A_387 = arith.constant 0 : index
        %get3A_388 = tpu.vector_load %arg11[%get3A_387] {strides = array<i32>} : memref<16xf32, #tpu.memory_space<vmem>>, vector<16xf32>,
        %get3A_389 = arith.index_cast %scan3A_382 : i32 to index
        %get3A_390 = arith.constant 0 : index
        %get3A_391 = tpu.vector_load %arg9[%get3A_389, %get3A_390] {strides = array<i32>} : memref<32x128xf32, #tpu.memory_space<vmem>>, vector<16xf32>,
        %iota3A_392 = tpu.iota {dimensions = array<i32: 0>} : vector<16xi32>
        %add3A_393 = arith.constant 0 : i32
        %add3A_394 = vector.broadcast %add3A_393 : i32 to vector<16xi32>
        %add3A_395 = arith.addi %iota3A_392, %add3A_394 : vector<16xi32>
        %gather3A_396 = tpu.vector_load_idx %arg7[%add3A_395, %add3A_386] : memref<128x32xf32, #tpu.memory_space<vmem>>[vector<16xi32>, vector<16xi32>], vector<16xf32>,
        %sub3A_397 = arith.subf %get3A_391, %gather3A_396 : vector<16xf32>
        %mul3A_398 = arith.mulf %sub3A_397, %sub3A_397 : vector<16xf32>
        %add3A_399 = arith.addf %get3A_388, %mul3A_398 : vector<16xf32>
        %get3A_400 = arith.index_cast %scan3A_382 : i32 to index
        %get3A_401 = arith.constant 16 : index
        %get3A_402 = tpu.vector_load %arg9[%get3A_400, %get3A_401] {strides = array<i32>} : memref<32x128xf32, #tpu.memory_space<vmem>>, vector<16xf32>,
        %iota3A_403 = tpu.iota {dimensions = array<i32: 0>} : vector<16xi32>
        %add3A_404 = arith.constant 16 : i32
        %add3A_405 = vector.broadcast %add3A_404 : i32 to vector<16xi32>
        %add3A_406 = arith.addi %iota3A_403, %add3A_405 : vector<16xi32>
        %gather3A_407 = tpu.vector_load_idx %arg7[%add3A_406, %add3A_386] : memref<128x32xf32, #tpu.memory_space<vmem>>[vector<16xi32>, vector<16xi32>], vector<16xf32>,
        %sub3A_408 = arith.subf %get3A_402, %gather3A_407 : vector<16xf32>
        %mul3A_409 = arith.mulf %sub3A_408, %sub3A_408 : vector<16xf32>
        %add3A_410 = arith.addf %add3A_399, %mul3A_409 : vector<16xf32>
        %get3A_411 = arith.index_cast %scan3A_382 : i32 to index
        %get3A_412 = arith.constant 32 : index
        %get3A_413 = tpu.vector_load %arg9[%get3A_411, %get3A_412] {strides = array<i32>} : memref<32x128xf32, #tpu.memory_space<vmem>>, vector<16xf32>,
        %iota3A_414 = tpu.iota {dimensions = array<i32: 0>} : vector<16xi32>
        %add3A_415 = arith.constant 32 : i32
        %add3A_416 = vector.broadcast %add3A_415 : i32 to vector<16xi32>
        %add3A_417 = arith.addi %iota3A_414, %add3A_416 : vector<16xi32>
        %gather3A_418 = tpu.vector_load_idx %arg7[%add3A_417, %add3A_386] : memref<128x32xf32, #tpu.memory_space<vmem>>[vector<16xi32>, vector<16xi32>], vector<16xf32>,
        %sub3A_419 = arith.subf %get3A_413, %gather3A_418 : vector<16xf32>
        %mul3A_420 = arith.mulf %sub3A_419, %sub3A_419 : vector<16xf32>
        %add3A_421 = arith.addf %add3A_410, %mul3A_420 : vector<16xf32>
        %get3A_422 = arith.index_cast %scan3A_382 : i32 to index
        %get3A_423 = arith.constant 48 : index
        %get3A_424 = tpu.vector_load %arg9[%get3A_422, %get3A_423] {strides = array<i32>} : memref<32x128xf32, #tpu.memory_space<vmem>>, vector<16xf32>,
        %iota3A_425 = tpu.iota {dimensions = array<i32: 0>} : vector<16xi32>
        %add3A_426 = arith.constant 48 : i32
        %add3A_427 = vector.broadcast %add3A_426 : i32 to vector<16xi32>
        %add3A_428 = arith.addi %iota3A_425, %add3A_427 : vector<16xi32>
        %gather3A_429 = tpu.vector_load_idx %arg7[%add3A_428, %add3A_386] : memref<128x32xf32, #tpu.memory_space<vmem>>[vector<16xi32>, vector<16xi32>], vector<16xf32>,
        %sub3A_430 = arith.subf %get3A_424, %gather3A_429 : vector<16xf32>
        %mul3A_431 = arith.mulf %sub3A_430, %sub3A_430 : vector<16xf32>
        %add3A_432 = arith.addf %add3A_421, %mul3A_431 : vector<16xf32>
        %get3A_433 = arith.index_cast %scan3A_382 : i32 to index
        %get3A_434 = arith.constant 64 : index
        %get3A_435 = tpu.vector_load %arg9[%get3A_433, %get3A_434] {strides = array<i32>} : memref<32x128xf32, #tpu.memory_space<vmem>>, vector<16xf32>,
        %iota3A_436 = tpu.iota {dimensions = array<i32: 0>} : vector<16xi32>
        %add3A_437 = arith.constant 64 : i32
        %add3A_438 = vector.broadcast %add3A_437 : i32 to vector<16xi32>
        %add3A_439 = arith.addi %iota3A_436, %add3A_438 : vector<16xi32>
        %gather3A_440 = tpu.vector_load_idx %arg7[%add3A_439, %add3A_386] : memref<128x32xf32, #tpu.memory_space<vmem>>[vector<16xi32>, vector<16xi32>], vector<16xf32>,
        %sub3A_441 = arith.subf %get3A_435, %gather3A_440 : vector<16xf32>
        %mul3A_442 = arith.mulf %sub3A_441, %sub3A_441 : vector<16xf32>
        %add3A_443 = arith.addf %add3A_432, %mul3A_442 : vector<16xf32>
        %get3A_444 = arith.index_cast %scan3A_382 : i32 to index
        %get3A_445 = arith.constant 80 : index
        %get3A_446 = tpu.vector_load %arg9[%get3A_444, %get3A_445] {strides = array<i32>} : memref<32x128xf32, #tpu.memory_space<vmem>>, vector<16xf32>,
        %iota3A_447 = tpu.iota {dimensions = array<i32: 0>} : vector<16xi32>
        %add3A_448 = arith.constant 80 : i32
        %add3A_449 = vector.broadcast %add3A_448 : i32 to vector<16xi32>
        %add3A_450 = arith.addi %iota3A_447, %add3A_449 : vector<16xi32>
        %gather3A_451 = tpu.vector_load_idx %arg7[%add3A_450, %add3A_386] : memref<128x32xf32, #tpu.memory_space<vmem>>[vector<16xi32>, vector<16xi32>], vector<16xf32>,
        %sub3A_452 = arith.subf %get3A_446, %gather3A_451 : vector<16xf32>
        %mul3A_453 = arith.mulf %sub3A_452, %sub3A_452 : vector<16xf32>
        %add3A_454 = arith.addf %add3A_443, %mul3A_453 : vector<16xf32>
        %get3A_455 = arith.index_cast %scan3A_382 : i32 to index
        %get3A_456 = arith.constant 96 : index
        %get3A_457 = tpu.vector_load %arg9[%get3A_455, %get3A_456] {strides = array<i32>} : memref<32x128xf32, #tpu.memory_space<vmem>>, vector<16xf32>,
        %iota3A_458 = tpu.iota {dimensions = array<i32: 0>} : vector<16xi32>
        %add3A_459 = arith.constant 96 : i32
        %add3A_460 = vector.broadcast %add3A_459 : i32 to vector<16xi32>
        %add3A_461 = arith.addi %iota3A_458, %add3A_460 : vector<16xi32>
        %gather3A_462 = tpu.vector_load_idx %arg7[%add3A_461, %add3A_386] : memref<128x32xf32, #tpu.memory_space<vmem>>[vector<16xi32>, vector<16xi32>], vector<16xf32>,
        %sub3A_463 = arith.subf %get3A_457, %gather3A_462 : vector<16xf32>
        %mul3A_464 = arith.mulf %sub3A_463, %sub3A_463 : vector<16xf32>
        %add3A_465 = arith.addf %add3A_454, %mul3A_464 : vector<16xf32>
        %get3A_466 = arith.index_cast %scan3A_382 : i32 to index
        %get3A_467 = arith.constant 112 : index
        %get3A_468 = tpu.vector_load %arg9[%get3A_466, %get3A_467] {strides = array<i32>} : memref<32x128xf32, #tpu.memory_space<vmem>>, vector<16xf32>,
        %iota3A_469 = tpu.iota {dimensions = array<i32: 0>} : vector<16xi32>
        %add3A_470 = arith.constant 112 : i32
        %add3A_471 = vector.broadcast %add3A_470 : i32 to vector<16xi32>
        %add3A_472 = arith.addi %iota3A_469, %add3A_471 : vector<16xi32>
        %gather3A_473 = tpu.vector_load_idx %arg7[%add3A_472, %add3A_386] : memref<128x32xf32, #tpu.memory_space<vmem>>[vector<16xi32>, vector<16xi32>], vector<16xf32>,
        %sub3A_474 = arith.subf %get3A_468, %gather3A_473 : vector<16xf32>
        %mul3A_475 = arith.mulf %sub3A_474, %sub3A_474 : vector<16xf32>
        %add3A_476 = arith.addf %add3A_465, %mul3A_475 : vector<16xf32>
        %swap3A_477 = arith.constant 0 : index
        %swap3A_478 = tpu.vector_load %arg11[%swap3A_477] {strides = array<i32>} : memref<16xf32, #tpu.memory_space<vmem>>, vector<16xf32>,
        tpu.vector_store %arg11[%swap3A_477], %add3A_476 {strides = array<i32>} : memref<16xf32, #tpu.memory_space<vmem>>, vector<16xf32>,
        %scan3A_479 = arith.constant 3 : i32
        %scan3A_480 = arith.addi %scan3A_189, %scan3A_479 : i32
        %broadcast_in_dim3A_481 = arith.constant 0 : i32
        %broadcast_in_dim3A_482 = vector.broadcast %broadcast_in_dim3A_481 : i32 to vector<16xi32>
        %add3A_483 = vector.broadcast %scan3A_480 : i32 to vector<16xi32>
        %add3A_484 = arith.addi %broadcast_in_dim3A_482, %add3A_483 : vector<16xi32>
        %get3A_485 = arith.constant 0 : index
        %get3A_486 = tpu.vector_load %arg11[%get3A_485] {strides = array<i32>} : memref<16xf32, #tpu.memory_space<vmem>>, vector<16xf32>,
        %get3A_487 = arith.index_cast %scan3A_480 : i32 to index
        %get3A_488 = arith.constant 0 : index
        %get3A_489 = tpu.vector_load %arg9[%get3A_487, %get3A_488] {strides = array<i32>} : memref<32x128xf32, #tpu.memory_space<vmem>>, vector<16xf32>,
        %iota3A_490 = tpu.iota {dimensions = array<i32: 0>} : vector<16xi32>
        %add3A_491 = arith.constant 0 : i32
        %add3A_492 = vector.broadcast %add3A_491 : i32 to vector<16xi32>
        %add3A_493 = arith.addi %iota3A_490, %add3A_492 : vector<16xi32>
        %gather3A_494 = tpu.vector_load_idx %arg7[%add3A_493, %add3A_484] : memref<128x32xf32, #tpu.memory_space<vmem>>[vector<16xi32>, vector<16xi32>], vector<16xf32>,
        %sub3A_495 = arith.subf %get3A_489, %gather3A_494 : vector<16xf32>
        %mul3A_496 = arith.mulf %sub3A_495, %sub3A_495 : vector<16xf32>
        %add3A_497 = arith.addf %get3A_486, %mul3A_496 : vector<16xf32>
        %get3A_498 = arith.index_cast %scan3A_480 : i32 to index
        %get3A_499 = arith.constant 16 : index
        %get3A_500 = tpu.vector_load %arg9[%get3A_498, %get3A_499] {strides = array<i32>} : memref<32x128xf32, #tpu.memory_space<vmem>>, vector<16xf32>,
        %iota3A_501 = tpu.iota {dimensions = array<i32: 0>} : vector<16xi32>
        %add3A_502 = arith.constant 16 : i32
        %add3A_503 = vector.broadcast %add3A_502 : i32 to vector<16xi32>
        %add3A_504 = arith.addi %iota3A_501, %add3A_503 : vector<16xi32>
        %gather3A_505 = tpu.vector_load_idx %arg7[%add3A_504, %add3A_484] : memref<128x32xf32, #tpu.memory_space<vmem>>[vector<16xi32>, vector<16xi32>], vector<16xf32>,
        %sub3A_506 = arith.subf %get3A_500, %gather3A_505 : vector<16xf32>
        %mul3A_507 = arith.mulf %sub3A_506, %sub3A_506 : vector<16xf32>
        %add3A_508 = arith.addf %add3A_497, %mul3A_507 : vector<16xf32>
        %get3A_509 = arith.index_cast %scan3A_480 : i32 to index
        %get3A_510 = arith.constant 32 : index
        %get3A_511 = tpu.vector_load %arg9[%get3A_509, %get3A_510] {strides = array<i32>} : memref<32x128xf32, #tpu.memory_space<vmem>>, vector<16xf32>,
        %iota3A_512 = tpu.iota {dimensions = array<i32: 0>} : vector<16xi32>
        %add3A_513 = arith.constant 32 : i32
        %add3A_514 = vector.broadcast %add3A_513 : i32 to vector<16xi32>
        %add3A_515 = arith.addi %iota3A_512, %add3A_514 : vector<16xi32>
        %gather3A_516 = tpu.vector_load_idx %arg7[%add3A_515, %add3A_484] : memref<128x32xf32, #tpu.memory_space<vmem>>[vector<16xi32>, vector<16xi32>], vector<16xf32>,
        %sub3A_517 = arith.subf %get3A_511, %gather3A_516 : vector<16xf32>
        %mul3A_518 = arith.mulf %sub3A_517, %sub3A_517 : vector<16xf32>
        %add3A_519 = arith.addf %add3A_508, %mul3A_518 : vector<16xf32>
        %get3A_520 = arith.index_cast %scan3A_480 : i32 to index
        %get3A_521 = arith.constant 48 : index
        %get3A_522 = tpu.vector_load %arg9[%get3A_520, %get3A_521] {strides = array<i32>} : memref<32x128xf32, #tpu.memory_space<vmem>>, vector<16xf32>,
        %iota3A_523 = tpu.iota {dimensions = array<i32: 0>} : vector<16xi32>
        %add3A_524 = arith.constant 48 : i32
        %add3A_525 = vector.broadcast %add3A_524 : i32 to vector<16xi32>
        %add3A_526 = arith.addi %iota3A_523, %add3A_525 : vector<16xi32>
        %gather3A_527 = tpu.vector_load_idx %arg7[%add3A_526, %add3A_484] : memref<128x32xf32, #tpu.memory_space<vmem>>[vector<16xi32>, vector<16xi32>], vector<16xf32>,
        %sub3A_528 = arith.subf %get3A_522, %gather3A_527 : vector<16xf32>
        %mul3A_529 = arith.mulf %sub3A_528, %sub3A_528 : vector<16xf32>
        %add3A_530 = arith.addf %add3A_519, %mul3A_529 : vector<16xf32>
        %get3A_531 = arith.index_cast %scan3A_480 : i32 to index
        %get3A_532 = arith.constant 64 : index
        %get3A_533 = tpu.vector_load %arg9[%get3A_531, %get3A_532] {strides = array<i32>} : memref<32x128xf32, #tpu.memory_space<vmem>>, vector<16xf32>,
        %iota3A_534 = tpu.iota {dimensions = array<i32: 0>} : vector<16xi32>
        %add3A_535 = arith.constant 64 : i32
        %add3A_536 = vector.broadcast %add3A_535 : i32 to vector<16xi32>
        %add3A_537 = arith.addi %iota3A_534, %add3A_536 : vector<16xi32>
        %gather3A_538 = tpu.vector_load_idx %arg7[%add3A_537, %add3A_484] : memref<128x32xf32, #tpu.memory_space<vmem>>[vector<16xi32>, vector<16xi32>], vector<16xf32>,
        %sub3A_539 = arith.subf %get3A_533, %gather3A_538 : vector<16xf32>
        %mul3A_540 = arith.mulf %sub3A_539, %sub3A_539 : vector<16xf32>
        %add3A_541 = arith.addf %add3A_530, %mul3A_540 : vector<16xf32>
        %get3A_542 = arith.index_cast %scan3A_480 : i32 to index
        %get3A_543 = arith.constant 80 : index
        %get3A_544 = tpu.vector_load %arg9[%get3A_542, %get3A_543] {strides = array<i32>} : memref<32x128xf32, #tpu.memory_space<vmem>>, vector<16xf32>,
        %iota3A_545 = tpu.iota {dimensions = array<i32: 0>} : vector<16xi32>
        %add3A_546 = arith.constant 80 : i32
        %add3A_547 = vector.broadcast %add3A_546 : i32 to vector<16xi32>
        %add3A_548 = arith.addi %iota3A_545, %add3A_547 : vector<16xi32>
        %gather3A_549 = tpu.vector_load_idx %arg7[%add3A_548, %add3A_484] : memref<128x32xf32, #tpu.memory_space<vmem>>[vector<16xi32>, vector<16xi32>], vector<16xf32>,
        %sub3A_550 = arith.subf %get3A_544, %gather3A_549 : vector<16xf32>
        %mul3A_551 = arith.mulf %sub3A_550, %sub3A_550 : vector<16xf32>
        %add3A_552 = arith.addf %add3A_541, %mul3A_551 : vector<16xf32>
        %get3A_553 = arith.index_cast %scan3A_480 : i32 to index
        %get3A_554 = arith.constant 96 : index
        %get3A_555 = tpu.vector_load %arg9[%get3A_553, %get3A_554] {strides = array<i32>} : memref<32x128xf32, #tpu.memory_space<vmem>>, vector<16xf32>,
        %iota3A_556 = tpu.iota {dimensions = array<i32: 0>} : vector<16xi32>
        %add3A_557 = arith.constant 96 : i32
        %add3A_558 = vector.broadcast %add3A_557 : i32 to vector<16xi32>
        %add3A_559 = arith.addi %iota3A_556, %add3A_558 : vector<16xi32>
        %gather3A_560 = tpu.vector_load_idx %arg7[%add3A_559, %add3A_484] : memref<128x32xf32, #tpu.memory_space<vmem>>[vector<16xi32>, vector<16xi32>], vector<16xf32>,
        %sub3A_561 = arith.subf %get3A_555, %gather3A_560 : vector<16xf32>
        %mul3A_562 = arith.mulf %sub3A_561, %sub3A_561 : vector<16xf32>
        %add3A_563 = arith.addf %add3A_552, %mul3A_562 : vector<16xf32>
        %get3A_564 = arith.index_cast %scan3A_480 : i32 to index
        %get3A_565 = arith.constant 112 : index
        %get3A_566 = tpu.vector_load %arg9[%get3A_564, %get3A_565] {strides = array<i32>} : memref<32x128xf32, #tpu.memory_space<vmem>>, vector<16xf32>,
        %iota3A_567 = tpu.iota {dimensions = array<i32: 0>} : vector<16xi32>
        %add3A_568 = arith.constant 112 : i32
        %add3A_569 = vector.broadcast %add3A_568 : i32 to vector<16xi32>
        %add3A_570 = arith.addi %iota3A_567, %add3A_569 : vector<16xi32>
        %gather3A_571 = tpu.vector_load_idx %arg7[%add3A_570, %add3A_484] : memref<128x32xf32, #tpu.memory_space<vmem>>[vector<16xi32>, vector<16xi32>], vector<16xf32>,
        %sub3A_572 = arith.subf %get3A_566, %gather3A_571 : vector<16xf32>
        %mul3A_573 = arith.mulf %sub3A_572, %sub3A_572 : vector<16xf32>
        %add3A_574 = arith.addf %add3A_563, %mul3A_573 : vector<16xf32>
        %swap3A_575 = arith.constant 0 : index
        %swap3A_576 = tpu.vector_load %arg11[%swap3A_575] {strides = array<i32>} : memref<16xf32, #tpu.memory_space<vmem>>, vector<16xf32>,
        tpu.vector_store %arg11[%swap3A_575], %add3A_574 {strides = array<i32>} : memref<16xf32, #tpu.memory_space<vmem>>, vector<16xf32>,
      }
      %scan3A_136 = arith.constant 32 : i32
      %add3A_137 = arith.constant 2 : i32
      %add3A_138 = arith.addi %mul3A_45, %add3A_137 : i32
      %lt3A = arith.constant 124 : i32
      %lt3A_139 = arith.cmpi slt, %add3A_138, %lt3A : i32
      %convert_element_type3A = arith.extui %lt3A_139 : i1 to i32
      %cond3A = arith.constant 0 : i32
      %cond3A_140 = arith.cmpi ne, %convert_element_type3A, %cond3A : i32
      scf.if %cond3A_140 {
        %add3A_189 = arith.constant 2 : i32
        %add3A_190 = arith.addi %mul3A_45, %add3A_189 : i32
        %dma_start3A_191 = arith.constant 0 : i32
        %dma_start3A_192 = tpu.memref_slice %arg6[%add3A_190, %dma_start3A_191] : memref<124x128xi32, #tpu.memory_space<vmem>> -> memref<1x128xi32, #tpu.memory_space<vmem>>
        %dma_start3A_193 = tpu.memref_squeeze %dma_start3A_192 : memref<1x128xi32, #tpu.memory_space<vmem>> -> memref<128xi32, #tpu.memory_space<vmem>>
        %dma_start3A_194 = arith.constant 0 : i32
        %dma_start3A_195 = arith.constant 0 : i32
        %dma_start3A_196 = tpu.memref_slice %arg2[%dma_start3A_194, %dma_start3A_195] : memref<12288x32xf32, #tpu.memory_space<hbm>> -> memref<12288x32xf32, #tpu.memory_space<hbm>>
        tpu.enqueue_indirect_dma source(%dma_start3A_196 : memref<12288x32xf32, #tpu.memory_space<hbm>>) target(%arg7 : memref<128x32xf32, #tpu.memory_space<vmem>>) offsets(%dma_start3A_193 : memref<128xi32, #tpu.memory_space<vmem>>) semaphore(%arg12 : memref<!tpu.dma_semaphore, #tpu.memory_space<semaphore_mem>>)
        %mul3A_197 = arith.constant 124 : i32
        %mul3A_198 = arith.muli %add3A, %mul3A_197 : i32
        %add3A_199 = arith.addi %mul3A_198, %add3A_190 : i32
        %mul3A_200 = arith.constant 128 : i32
        %mul3A_201 = arith.muli %add3A_199, %mul3A_200 : i32
        %jit3A_202 = arith.constant 8192 : i32
        %div3A_203 = arith.divsi %mul3A_201, %jit3A_202 : i32
        %sign3A_204 = arith.constant 0 : i32
        %sign3A_205 = arith.cmpi sgt, %mul3A_201, %sign3A_204 : i32
        %sign3A_206 = arith.extui %sign3A_205 : i1 to i32
        %sign3A_207 = arith.constant 0 : i32
        %sign3A_208 = arith.cmpi slt, %mul3A_201, %sign3A_207 : i32
        %sign3A_209 = arith.extui %sign3A_208 : i1 to i32
        %sign3A_210 = arith.subi %sign3A_206, %sign3A_209 : i32
        %sign3A_211 = arith.constant 0 : i32
        %sign3A_212 = arith.cmpi sgt, %jit3A_202, %sign3A_211 : i32
        %sign3A_213 = arith.extui %sign3A_212 : i1 to i32
        %sign3A_214 = arith.constant 0 : i32
        %sign3A_215 = arith.cmpi slt, %jit3A_202, %sign3A_214 : i32
        %sign3A_216 = arith.extui %sign3A_215 : i1 to i32
        %sign3A_217 = arith.subi %sign3A_213, %sign3A_216 : i32
        %ne3A_218 = arith.cmpi ne, %sign3A_210, %sign3A_217 : i32
        %rem3A_219 = arith.remsi %mul3A_201, %jit3A_202 : i32
        %ne3A_220 = arith.constant 0 : i32
        %ne3A_221 = arith.cmpi ne, %rem3A_219, %ne3A_220 : i32
        %and3A_222 = arith.andi %ne3A_218, %ne3A_221 : i1
        %sub3A_223 = arith.constant 1 : i32
        %sub3A_224 = arith.subi %div3A_203, %sub3A_223 : i32
        %select_n3A_225 = arith.select %and3A_222, %sub3A_224, %div3A_203 : i32
        %mul3A_226 = arith.constant 32 : i32
        %mul3A_227 = arith.muli %select_n3A_225, %mul3A_226 : i32
        %mul3A_228 = arith.constant 8192 : i32
        %mul3A_229 = arith.muli %select_n3A_225, %mul3A_228 : i32
        %sub3A_230 = arith.subi %mul3A_201, %mul3A_229 : i32
        %dma_start3A_231 = tpu.memref_slice %arg3[%mul3A_227, %sub3A_230] : memref<1984x8192xf32, #tpu.memory_space<hbm>> -> memref<32x128xf32, #tpu.memory_space<hbm>>
        %dma_start3A_232 = tpu.memref_slice %arg3[%mul3A_227, %sub3A_230] : memref<1984x8192xf32, #tpu.memory_space<hbm>> -> memref<32x128xf32, #tpu.memory_space<hbm>>
        tpu.enqueue_dma source(%dma_start3A_232 : memref<32x128xf32, #tpu.memory_space<hbm>>) target(%arg9 : memref<32x128xf32, #tpu.memory_space<vmem>>) target_semaphore(%arg14 : memref<!tpu.dma_semaphore, #tpu.memory_space<semaphore_mem>>)
      } else {
      }
      %dma_wait3A_141 = arith.constant 0 : i32
      %dma_wait3A_142 = tpu.memref_slice %arg6[%add3A_47, %dma_wait3A_141] : memref<124x128xi32, #tpu.memory_space<vmem>> -> memref<1x128xi32, #tpu.memory_space<vmem>>
      %dma_wait3A_143 = tpu.memref_squeeze %dma_wait3A_142 : memref<1x128xi32, #tpu.memory_space<vmem>> -> memref<128xi32, #tpu.memory_space<vmem>>
      %dma_wait3A_144 = arith.constant 0 : i32
      %dma_wait3A_145 = arith.constant 0 : i32
      %dma_wait3A_146 = tpu.memref_slice %arg2[%dma_wait3A_144, %dma_wait3A_145] : memref<12288x32xf32, #tpu.memory_space<hbm>> -> memref<12288x32xf32, #tpu.memory_space<hbm>>
      tpu.wait_indirect_dma semaphore(%arg13 : memref<!tpu.dma_semaphore, #tpu.memory_space<semaphore_mem>>) src(%dma_wait3A_146 : memref<12288x32xf32, #tpu.memory_space<hbm>>) dst(%arg8 : memref<128x32xf32, #tpu.memory_space<vmem>>)
      %mul3A_147 = arith.constant 124 : i32
      %mul3A_148 = arith.muli %add3A, %mul3A_147 : i32
      %add3A_149 = arith.addi %mul3A_148, %add3A_47 : i32
      %mul3A_150 = arith.constant 128 : i32
      %mul3A_151 = arith.muli %add3A_149, %mul3A_150 : i32
      %jit3A_152 = arith.constant 8192 : i32
      %div3A_153 = arith.divsi %mul3A_151, %jit3A_152 : i32
      %sign3A_154 = arith.constant 0 : i32
      %sign3A_155 = arith.cmpi sgt, %mul3A_151, %sign3A_154 : i32
      %sign3A_156 = arith.extui %sign3A_155 : i1 to i32
      %sign3A_157 = arith.constant 0 : i32
      %sign3A_158 = arith.cmpi slt, %mul3A_151, %sign3A_157 : i32
      %sign3A_159 = arith.extui %sign3A_158 : i1 to i32
      %sign3A_160 = arith.subi %sign3A_156, %sign3A_159 : i32
      %sign3A_161 = arith.constant 0 : i32
      %sign3A_162 = arith.cmpi sgt, %jit3A_152, %sign3A_161 : i32
      %sign3A_163 = arith.extui %sign3A_162 : i1 to i32
      %sign3A_164 = arith.constant 0 : i32
      %sign3A_165 = arith.cmpi slt, %jit3A_152, %sign3A_164 : i32
      %sign3A_166 = arith.extui %sign3A_165 : i1 to i32
      %sign3A_167 = arith.subi %sign3A_163, %sign3A_166 : i32
      %ne3A_168 = arith.cmpi ne, %sign3A_160, %sign3A_167 : i32
      %rem3A_169 = arith.remsi %mul3A_151, %jit3A_152 : i32
      %ne3A_170 = arith.constant 0 : i32
      %ne3A_171 = arith.cmpi ne, %rem3A_169, %ne3A_170 : i32
      %and3A_172 = arith.andi %ne3A_168, %ne3A_171 : i1
      %sub3A_173 = arith.constant 1 : i32
      %sub3A_174 = arith.subi %div3A_153, %sub3A_173 : i32
      %select_n3A_175 = arith.select %and3A_172, %sub3A_174, %div3A_153 : i32
      %mul3A_176 = arith.constant 32 : i32
      %mul3A_177 = arith.muli %select_n3A_175, %mul3A_176 : i32
      %mul3A_178 = arith.constant 8192 : i32
      %mul3A_179 = arith.muli %select_n3A_175, %mul3A_178 : i32
      %sub3A_180 = arith.subi %mul3A_151, %mul3A_179 : i32
      %dma_wait3A_181 = tpu.memref_slice %arg3[%mul3A_177, %sub3A_180] : memref<1984x8192xf32, #tpu.memory_space<hbm>> -> memref<32x128xf32, #tpu.memory_space<hbm>>
      %dma_wait3A_182 = tpu.memref_slice %arg3[%mul3A_177, %sub3A_180] : memref<1984x8192xf32, #tpu.memory_space<hbm>> -> memref<32x128xf32, #tpu.memory_space<hbm>>
      tpu.wait_dma2 semaphore(%arg15 : memref<!tpu.dma_semaphore, #tpu.memory_space<semaphore_mem>>) src(%dma_wait3A_182 : memref<32x128xf32, #tpu.memory_space<hbm>>) dst(%arg10 : memref<32x128xf32, #tpu.memory_space<vmem>>)
      %scan3A_183 = arith.constant 0 : i32
      %scan3A_184 = arith.constant 0 : i32
      %scan3A_185 = arith.constant 32 : i32
      %scan3A_186 = arith.addi %scan3A_184, %scan3A_185 : i32
      %scan3A_187 = arith.constant 4 : i32
      scf.for %scan3A_189 = %scan3A_184 to %scan3A_186 step %scan3A_187  : i32 {
        %broadcast_in_dim3A_190 = arith.constant 0 : i32
        %broadcast_in_dim3A_191 = vector.broadcast %broadcast_in_dim3A_190 : i32 to vector<16xi32>
        %add3A_192 = vector.broadcast %scan3A_189 : i32 to vector<16xi32>
        %add3A_193 = arith.addi %broadcast_in_dim3A_191, %add3A_192 : vector<16xi32>
        %get3A = arith.constant 0 : index
        %get3A_194 = tpu.vector_load %arg11[%get3A] {strides = array<i32>} : memref<16xf32, #tpu.memory_space<vmem>>, vector<16xf32>,
        %get3A_195 = arith.index_cast %scan3A_189 : i32 to index
        %get3A_196 = arith.constant 0 : index
        %get3A_197 = tpu.vector_load %arg10[%get3A_195, %get3A_196] {strides = array<i32>} : memref<32x128xf32, #tpu.memory_space<vmem>>, vector<16xf32>,
        %iota3A = tpu.iota {dimensions = array<i32: 0>} : vector<16xi32>
        %add3A_198 = arith.constant 0 : i32
        %add3A_199 = vector.broadcast %add3A_198 : i32 to vector<16xi32>
        %add3A_200 = arith.addi %iota3A, %add3A_199 : vector<16xi32>
        %gather3A = tpu.vector_load_idx %arg8[%add3A_200, %add3A_193] : memref<128x32xf32, #tpu.memory_space<vmem>>[vector<16xi32>, vector<16xi32>], vector<16xf32>,
        %sub3A_201 = arith.subf %get3A_197, %gather3A : vector<16xf32>
        %mul3A_202 = arith.mulf %sub3A_201, %sub3A_201 : vector<16xf32>
        %add3A_203 = arith.addf %get3A_194, %mul3A_202 : vector<16xf32>
        %get3A_204 = arith.index_cast %scan3A_189 : i32 to index
        %get3A_205 = arith.constant 16 : index
        %get3A_206 = tpu.vector_load %arg10[%get3A_204, %get3A_205] {strides = array<i32>} : memref<32x128xf32, #tpu.memory_space<vmem>>, vector<16xf32>,
        %iota3A_207 = tpu.iota {dimensions = array<i32: 0>} : vector<16xi32>
        %add3A_208 = arith.constant 16 : i32
        %add3A_209 = vector.broadcast %add3A_208 : i32 to vector<16xi32>
        %add3A_210 = arith.addi %iota3A_207, %add3A_209 : vector<16xi32>
        %gather3A_211 = tpu.vector_load_idx %arg8[%add3A_210, %add3A_193] : memref<128x32xf32, #tpu.memory_space<vmem>>[vector<16xi32>, vector<16xi32>], vector<16xf32>,
        %sub3A_212 = arith.subf %get3A_206, %gather3A_211 : vector<16xf32>
        %mul3A_213 = arith.mulf %sub3A_212, %sub3A_212 : vector<16xf32>
        %add3A_214 = arith.addf %add3A_203, %mul3A_213 : vector<16xf32>
        %get3A_215 = arith.index_cast %scan3A_189 : i32 to index
        %get3A_216 = arith.constant 32 : index
        %get3A_217 = tpu.vector_load %arg10[%get3A_215, %get3A_216] {strides = array<i32>} : memref<32x128xf32, #tpu.memory_space<vmem>>, vector<16xf32>,
        %iota3A_218 = tpu.iota {dimensions = array<i32: 0>} : vector<16xi32>
        %add3A_219 = arith.constant 32 : i32
        %add3A_220 = vector.broadcast %add3A_219 : i32 to vector<16xi32>
        %add3A_221 = arith.addi %iota3A_218, %add3A_220 : vector<16xi32>
        %gather3A_222 = tpu.vector_load_idx %arg8[%add3A_221, %add3A_193] : memref<128x32xf32, #tpu.memory_space<vmem>>[vector<16xi32>, vector<16xi32>], vector<16xf32>,
        %sub3A_223 = arith.subf %get3A_217, %gather3A_222 : vector<16xf32>
        %mul3A_224 = arith.mulf %sub3A_223, %sub3A_223 : vector<16xf32>
        %add3A_225 = arith.addf %add3A_214, %mul3A_224 : vector<16xf32>
        %get3A_226 = arith.index_cast %scan3A_189 : i32 to index
        %get3A_227 = arith.constant 48 : index
        %get3A_228 = tpu.vector_load %arg10[%get3A_226, %get3A_227] {strides = array<i32>} : memref<32x128xf32, #tpu.memory_space<vmem>>, vector<16xf32>,
        %iota3A_229 = tpu.iota {dimensions = array<i32: 0>} : vector<16xi32>
        %add3A_230 = arith.constant 48 : i32
        %add3A_231 = vector.broadcast %add3A_230 : i32 to vector<16xi32>
        %add3A_232 = arith.addi %iota3A_229, %add3A_231 : vector<16xi32>
        %gather3A_233 = tpu.vector_load_idx %arg8[%add3A_232, %add3A_193] : memref<128x32xf32, #tpu.memory_space<vmem>>[vector<16xi32>, vector<16xi32>], vector<16xf32>,
        %sub3A_234 = arith.subf %get3A_228, %gather3A_233 : vector<16xf32>
        %mul3A_235 = arith.mulf %sub3A_234, %sub3A_234 : vector<16xf32>
        %add3A_236 = arith.addf %add3A_225, %mul3A_235 : vector<16xf32>
        %get3A_237 = arith.index_cast %scan3A_189 : i32 to index
        %get3A_238 = arith.constant 64 : index
        %get3A_239 = tpu.vector_load %arg10[%get3A_237, %get3A_238] {strides = array<i32>} : memref<32x128xf32, #tpu.memory_space<vmem>>, vector<16xf32>,
        %iota3A_240 = tpu.iota {dimensions = array<i32: 0>} : vector<16xi32>
        %add3A_241 = arith.constant 64 : i32
        %add3A_242 = vector.broadcast %add3A_241 : i32 to vector<16xi32>
        %add3A_243 = arith.addi %iota3A_240, %add3A_242 : vector<16xi32>
        %gather3A_244 = tpu.vector_load_idx %arg8[%add3A_243, %add3A_193] : memref<128x32xf32, #tpu.memory_space<vmem>>[vector<16xi32>, vector<16xi32>], vector<16xf32>,
        %sub3A_245 = arith.subf %get3A_239, %gather3A_244 : vector<16xf32>
        %mul3A_246 = arith.mulf %sub3A_245, %sub3A_245 : vector<16xf32>
        %add3A_247 = arith.addf %add3A_236, %mul3A_246 : vector<16xf32>
        %get3A_248 = arith.index_cast %scan3A_189 : i32 to index
        %get3A_249 = arith.constant 80 : index
        %get3A_250 = tpu.vector_load %arg10[%get3A_248, %get3A_249] {strides = array<i32>} : memref<32x128xf32, #tpu.memory_space<vmem>>, vector<16xf32>,
        %iota3A_251 = tpu.iota {dimensions = array<i32: 0>} : vector<16xi32>
        %add3A_252 = arith.constant 80 : i32
        %add3A_253 = vector.broadcast %add3A_252 : i32 to vector<16xi32>
        %add3A_254 = arith.addi %iota3A_251, %add3A_253 : vector<16xi32>
        %gather3A_255 = tpu.vector_load_idx %arg8[%add3A_254, %add3A_193] : memref<128x32xf32, #tpu.memory_space<vmem>>[vector<16xi32>, vector<16xi32>], vector<16xf32>,
        %sub3A_256 = arith.subf %get3A_250, %gather3A_255 : vector<16xf32>
        %mul3A_257 = arith.mulf %sub3A_256, %sub3A_256 : vector<16xf32>
        %add3A_258 = arith.addf %add3A_247, %mul3A_257 : vector<16xf32>
        %get3A_259 = arith.index_cast %scan3A_189 : i32 to index
        %get3A_260 = arith.constant 96 : index
        %get3A_261 = tpu.vector_load %arg10[%get3A_259, %get3A_260] {strides = array<i32>} : memref<32x128xf32, #tpu.memory_space<vmem>>, vector<16xf32>,
        %iota3A_262 = tpu.iota {dimensions = array<i32: 0>} : vector<16xi32>
        %add3A_263 = arith.constant 96 : i32
        %add3A_264 = vector.broadcast %add3A_263 : i32 to vector<16xi32>
        %add3A_265 = arith.addi %iota3A_262, %add3A_264 : vector<16xi32>
        %gather3A_266 = tpu.vector_load_idx %arg8[%add3A_265, %add3A_193] : memref<128x32xf32, #tpu.memory_space<vmem>>[vector<16xi32>, vector<16xi32>], vector<16xf32>,
        %sub3A_267 = arith.subf %get3A_261, %gather3A_266 : vector<16xf32>
        %mul3A_268 = arith.mulf %sub3A_267, %sub3A_267 : vector<16xf32>
        %add3A_269 = arith.addf %add3A_258, %mul3A_268 : vector<16xf32>
        %get3A_270 = arith.index_cast %scan3A_189 : i32 to index
        %get3A_271 = arith.constant 112 : index
        %get3A_272 = tpu.vector_load %arg10[%get3A_270, %get3A_271] {strides = array<i32>} : memref<32x128xf32, #tpu.memory_space<vmem>>, vector<16xf32>,
        %iota3A_273 = tpu.iota {dimensions = array<i32: 0>} : vector<16xi32>
        %add3A_274 = arith.constant 112 : i32
        %add3A_275 = vector.broadcast %add3A_274 : i32 to vector<16xi32>
        %add3A_276 = arith.addi %iota3A_273, %add3A_275 : vector<16xi32>
        %gather3A_277 = tpu.vector_load_idx %arg8[%add3A_276, %add3A_193] : memref<128x32xf32, #tpu.memory_space<vmem>>[vector<16xi32>, vector<16xi32>], vector<16xf32>,
        %sub3A_278 = arith.subf %get3A_272, %gather3A_277 : vector<16xf32>
        %mul3A_279 = arith.mulf %sub3A_278, %sub3A_278 : vector<16xf32>
        %add3A_280 = arith.addf %add3A_269, %mul3A_279 : vector<16xf32>
        %swap3A_281 = arith.constant 0 : index
        %swap3A_282 = tpu.vector_load %arg11[%swap3A_281] {strides = array<i32>} : memref<16xf32, #tpu.memory_space<vmem>>, vector<16xf32>,
        tpu.vector_store %arg11[%swap3A_281], %add3A_280 {strides = array<i32>} : memref<16xf32, #tpu.memory_space<vmem>>, vector<16xf32>,
        %scan3A_283 = arith.constant 1 : i32
        %scan3A_284 = arith.addi %scan3A_189, %scan3A_283 : i32
        %broadcast_in_dim3A_285 = arith.constant 0 : i32
        %broadcast_in_dim3A_286 = vector.broadcast %broadcast_in_dim3A_285 : i32 to vector<16xi32>
        %add3A_287 = vector.broadcast %scan3A_284 : i32 to vector<16xi32>
        %add3A_288 = arith.addi %broadcast_in_dim3A_286, %add3A_287 : vector<16xi32>
        %get3A_289 = arith.constant 0 : index
        %get3A_290 = tpu.vector_load %arg11[%get3A_289] {strides = array<i32>} : memref<16xf32, #tpu.memory_space<vmem>>, vector<16xf32>,
        %get3A_291 = arith.index_cast %scan3A_284 : i32 to index
        %get3A_292 = arith.constant 0 : index
        %get3A_293 = tpu.vector_load %arg10[%get3A_291, %get3A_292] {strides = array<i32>} : memref<32x128xf32, #tpu.memory_space<vmem>>, vector<16xf32>,
        %iota3A_294 = tpu.iota {dimensions = array<i32: 0>} : vector<16xi32>
        %add3A_295 = arith.constant 0 : i32
        %add3A_296 = vector.broadcast %add3A_295 : i32 to vector<16xi32>
        %add3A_297 = arith.addi %iota3A_294, %add3A_296 : vector<16xi32>
        %gather3A_298 = tpu.vector_load_idx %arg8[%add3A_297, %add3A_288] : memref<128x32xf32, #tpu.memory_space<vmem>>[vector<16xi32>, vector<16xi32>], vector<16xf32>,
        %sub3A_299 = arith.subf %get3A_293, %gather3A_298 : vector<16xf32>
        %mul3A_300 = arith.mulf %sub3A_299, %sub3A_299 : vector<16xf32>
        %add3A_301 = arith.addf %get3A_290, %mul3A_300 : vector<16xf32>
        %get3A_302 = arith.index_cast %scan3A_284 : i32 to index
        %get3A_303 = arith.constant 16 : index
        %get3A_304 = tpu.vector_load %arg10[%get3A_302, %get3A_303] {strides = array<i32>} : memref<32x128xf32, #tpu.memory_space<vmem>>, vector<16xf32>,
        %iota3A_305 = tpu.iota {dimensions = array<i32: 0>} : vector<16xi32>
        %add3A_306 = arith.constant 16 : i32
        %add3A_307 = vector.broadcast %add3A_306 : i32 to vector<16xi32>
        %add3A_308 = arith.addi %iota3A_305, %add3A_307 : vector<16xi32>
        %gather3A_309 = tpu.vector_load_idx %arg8[%add3A_308, %add3A_288] : memref<128x32xf32, #tpu.memory_space<vmem>>[vector<16xi32>, vector<16xi32>], vector<16xf32>,
        %sub3A_310 = arith.subf %get3A_304, %gather3A_309 : vector<16xf32>
        %mul3A_311 = arith.mulf %sub3A_310, %sub3A_310 : vector<16xf32>
        %add3A_312 = arith.addf %add3A_301, %mul3A_311 : vector<16xf32>
        %get3A_313 = arith.index_cast %scan3A_284 : i32 to index
        %get3A_314 = arith.constant 32 : index
        %get3A_315 = tpu.vector_load %arg10[%get3A_313, %get3A_314] {strides = array<i32>} : memref<32x128xf32, #tpu.memory_space<vmem>>, vector<16xf32>,
        %iota3A_316 = tpu.iota {dimensions = array<i32: 0>} : vector<16xi32>
        %add3A_317 = arith.constant 32 : i32
        %add3A_318 = vector.broadcast %add3A_317 : i32 to vector<16xi32>
        %add3A_319 = arith.addi %iota3A_316, %add3A_318 : vector<16xi32>
        %gather3A_320 = tpu.vector_load_idx %arg8[%add3A_319, %add3A_288] : memref<128x32xf32, #tpu.memory_space<vmem>>[vector<16xi32>, vector<16xi32>], vector<16xf32>,
        %sub3A_321 = arith.subf %get3A_315, %gather3A_320 : vector<16xf32>
        %mul3A_322 = arith.mulf %sub3A_321, %sub3A_321 : vector<16xf32>
        %add3A_323 = arith.addf %add3A_312, %mul3A_322 : vector<16xf32>
        %get3A_324 = arith.index_cast %scan3A_284 : i32 to index
        %get3A_325 = arith.constant 48 : index
        %get3A_326 = tpu.vector_load %arg10[%get3A_324, %get3A_325] {strides = array<i32>} : memref<32x128xf32, #tpu.memory_space<vmem>>, vector<16xf32>,
        %iota3A_327 = tpu.iota {dimensions = array<i32: 0>} : vector<16xi32>
        %add3A_328 = arith.constant 48 : i32
        %add3A_329 = vector.broadcast %add3A_328 : i32 to vector<16xi32>
        %add3A_330 = arith.addi %iota3A_327, %add3A_329 : vector<16xi32>
        %gather3A_331 = tpu.vector_load_idx %arg8[%add3A_330, %add3A_288] : memref<128x32xf32, #tpu.memory_space<vmem>>[vector<16xi32>, vector<16xi32>], vector<16xf32>,
        %sub3A_332 = arith.subf %get3A_326, %gather3A_331 : vector<16xf32>
        %mul3A_333 = arith.mulf %sub3A_332, %sub3A_332 : vector<16xf32>
        %add3A_334 = arith.addf %add3A_323, %mul3A_333 : vector<16xf32>
        %get3A_335 = arith.index_cast %scan3A_284 : i32 to index
        %get3A_336 = arith.constant 64 : index
        %get3A_337 = tpu.vector_load %arg10[%get3A_335, %get3A_336] {strides = array<i32>} : memref<32x128xf32, #tpu.memory_space<vmem>>, vector<16xf32>,
        %iota3A_338 = tpu.iota {dimensions = array<i32: 0>} : vector<16xi32>
        %add3A_339 = arith.constant 64 : i32
        %add3A_340 = vector.broadcast %add3A_339 : i32 to vector<16xi32>
        %add3A_341 = arith.addi %iota3A_338, %add3A_340 : vector<16xi32>
        %gather3A_342 = tpu.vector_load_idx %arg8[%add3A_341, %add3A_288] : memref<128x32xf32, #tpu.memory_space<vmem>>[vector<16xi32>, vector<16xi32>], vector<16xf32>,
        %sub3A_343 = arith.subf %get3A_337, %gather3A_342 : vector<16xf32>
        %mul3A_344 = arith.mulf %sub3A_343, %sub3A_343 : vector<16xf32>
        %add3A_345 = arith.addf %add3A_334, %mul3A_344 : vector<16xf32>
        %get3A_346 = arith.index_cast %scan3A_284 : i32 to index
        %get3A_347 = arith.constant 80 : index
        %get3A_348 = tpu.vector_load %arg10[%get3A_346, %get3A_347] {strides = array<i32>} : memref<32x128xf32, #tpu.memory_space<vmem>>, vector<16xf32>,
        %iota3A_349 = tpu.iota {dimensions = array<i32: 0>} : vector<16xi32>
        %add3A_350 = arith.constant 80 : i32
        %add3A_351 = vector.broadcast %add3A_350 : i32 to vector<16xi32>
        %add3A_352 = arith.addi %iota3A_349, %add3A_351 : vector<16xi32>
        %gather3A_353 = tpu.vector_load_idx %arg8[%add3A_352, %add3A_288] : memref<128x32xf32, #tpu.memory_space<vmem>>[vector<16xi32>, vector<16xi32>], vector<16xf32>,
        %sub3A_354 = arith.subf %get3A_348, %gather3A_353 : vector<16xf32>
        %mul3A_355 = arith.mulf %sub3A_354, %sub3A_354 : vector<16xf32>
        %add3A_356 = arith.addf %add3A_345, %mul3A_355 : vector<16xf32>
        %get3A_357 = arith.index_cast %scan3A_284 : i32 to index
        %get3A_358 = arith.constant 96 : index
        %get3A_359 = tpu.vector_load %arg10[%get3A_357, %get3A_358] {strides = array<i32>} : memref<32x128xf32, #tpu.memory_space<vmem>>, vector<16xf32>,
        %iota3A_360 = tpu.iota {dimensions = array<i32: 0>} : vector<16xi32>
        %add3A_361 = arith.constant 96 : i32
        %add3A_362 = vector.broadcast %add3A_361 : i32 to vector<16xi32>
        %add3A_363 = arith.addi %iota3A_360, %add3A_362 : vector<16xi32>
        %gather3A_364 = tpu.vector_load_idx %arg8[%add3A_363, %add3A_288] : memref<128x32xf32, #tpu.memory_space<vmem>>[vector<16xi32>, vector<16xi32>], vector<16xf32>,
        %sub3A_365 = arith.subf %get3A_359, %gather3A_364 : vector<16xf32>
        %mul3A_366 = arith.mulf %sub3A_365, %sub3A_365 : vector<16xf32>
        %add3A_367 = arith.addf %add3A_356, %mul3A_366 : vector<16xf32>
        %get3A_368 = arith.index_cast %scan3A_284 : i32 to index
        %get3A_369 = arith.constant 112 : index
        %get3A_370 = tpu.vector_load %arg10[%get3A_368, %get3A_369] {strides = array<i32>} : memref<32x128xf32, #tpu.memory_space<vmem>>, vector<16xf32>,
        %iota3A_371 = tpu.iota {dimensions = array<i32: 0>} : vector<16xi32>
        %add3A_372 = arith.constant 112 : i32
        %add3A_373 = vector.broadcast %add3A_372 : i32 to vector<16xi32>
        %add3A_374 = arith.addi %iota3A_371, %add3A_373 : vector<16xi32>
        %gather3A_375 = tpu.vector_load_idx %arg8[%add3A_374, %add3A_288] : memref<128x32xf32, #tpu.memory_space<vmem>>[vector<16xi32>, vector<16xi32>], vector<16xf32>,
        %sub3A_376 = arith.subf %get3A_370, %gather3A_375 : vector<16xf32>
        %mul3A_377 = arith.mulf %sub3A_376, %sub3A_376 : vector<16xf32>
        %add3A_378 = arith.addf %add3A_367, %mul3A_377 : vector<16xf32>
        %swap3A_379 = arith.constant 0 : index
        %swap3A_380 = tpu.vector_load %arg11[%swap3A_379] {strides = array<i32>} : memref<16xf32, #tpu.memory_space<vmem>>, vector<16xf32>,
        tpu.vector_store %arg11[%swap3A_379], %add3A_378 {strides = array<i32>} : memref<16xf32, #tpu.memory_space<vmem>>, vector<16xf32>,
        %scan3A_381 = arith.constant 2 : i32
        %scan3A_382 = arith.addi %scan3A_189, %scan3A_381 : i32
        %broadcast_in_dim3A_383 = arith.constant 0 : i32
        %broadcast_in_dim3A_384 = vector.broadcast %broadcast_in_dim3A_383 : i32 to vector<16xi32>
        %add3A_385 = vector.broadcast %scan3A_382 : i32 to vector<16xi32>
        %add3A_386 = arith.addi %broadcast_in_dim3A_384, %add3A_385 : vector<16xi32>
        %get3A_387 = arith.constant 0 : index
        %get3A_388 = tpu.vector_load %arg11[%get3A_387] {strides = array<i32>} : memref<16xf32, #tpu.memory_space<vmem>>, vector<16xf32>,
        %get3A_389 = arith.index_cast %scan3A_382 : i32 to index
        %get3A_390 = arith.constant 0 : index
        %get3A_391 = tpu.vector_load %arg10[%get3A_389, %get3A_390] {strides = array<i32>} : memref<32x128xf32, #tpu.memory_space<vmem>>, vector<16xf32>,
        %iota3A_392 = tpu.iota {dimensions = array<i32: 0>} : vector<16xi32>
        %add3A_393 = arith.constant 0 : i32
        %add3A_394 = vector.broadcast %add3A_393 : i32 to vector<16xi32>
        %add3A_395 = arith.addi %iota3A_392, %add3A_394 : vector<16xi32>
        %gather3A_396 = tpu.vector_load_idx %arg8[%add3A_395, %add3A_386] : memref<128x32xf32, #tpu.memory_space<vmem>>[vector<16xi32>, vector<16xi32>], vector<16xf32>,
        %sub3A_397 = arith.subf %get3A_391, %gather3A_396 : vector<16xf32>
        %mul3A_398 = arith.mulf %sub3A_397, %sub3A_397 : vector<16xf32>
        %add3A_399 = arith.addf %get3A_388, %mul3A_398 : vector<16xf32>
        %get3A_400 = arith.index_cast %scan3A_382 : i32 to index
        %get3A_401 = arith.constant 16 : index
        %get3A_402 = tpu.vector_load %arg10[%get3A_400, %get3A_401] {strides = array<i32>} : memref<32x128xf32, #tpu.memory_space<vmem>>, vector<16xf32>,
        %iota3A_403 = tpu.iota {dimensions = array<i32: 0>} : vector<16xi32>
        %add3A_404 = arith.constant 16 : i32
        %add3A_405 = vector.broadcast %add3A_404 : i32 to vector<16xi32>
        %add3A_406 = arith.addi %iota3A_403, %add3A_405 : vector<16xi32>
        %gather3A_407 = tpu.vector_load_idx %arg8[%add3A_406, %add3A_386] : memref<128x32xf32, #tpu.memory_space<vmem>>[vector<16xi32>, vector<16xi32>], vector<16xf32>,
        %sub3A_408 = arith.subf %get3A_402, %gather3A_407 : vector<16xf32>
        %mul3A_409 = arith.mulf %sub3A_408, %sub3A_408 : vector<16xf32>
        %add3A_410 = arith.addf %add3A_399, %mul3A_409 : vector<16xf32>
        %get3A_411 = arith.index_cast %scan3A_382 : i32 to index
        %get3A_412 = arith.constant 32 : index
        %get3A_413 = tpu.vector_load %arg10[%get3A_411, %get3A_412] {strides = array<i32>} : memref<32x128xf32, #tpu.memory_space<vmem>>, vector<16xf32>,
        %iota3A_414 = tpu.iota {dimensions = array<i32: 0>} : vector<16xi32>
        %add3A_415 = arith.constant 32 : i32
        %add3A_416 = vector.broadcast %add3A_415 : i32 to vector<16xi32>
        %add3A_417 = arith.addi %iota3A_414, %add3A_416 : vector<16xi32>
        %gather3A_418 = tpu.vector_load_idx %arg8[%add3A_417, %add3A_386] : memref<128x32xf32, #tpu.memory_space<vmem>>[vector<16xi32>, vector<16xi32>], vector<16xf32>,
        %sub3A_419 = arith.subf %get3A_413, %gather3A_418 : vector<16xf32>
        %mul3A_420 = arith.mulf %sub3A_419, %sub3A_419 : vector<16xf32>
        %add3A_421 = arith.addf %add3A_410, %mul3A_420 : vector<16xf32>
        %get3A_422 = arith.index_cast %scan3A_382 : i32 to index
        %get3A_423 = arith.constant 48 : index
        %get3A_424 = tpu.vector_load %arg10[%get3A_422, %get3A_423] {strides = array<i32>} : memref<32x128xf32, #tpu.memory_space<vmem>>, vector<16xf32>,
        %iota3A_425 = tpu.iota {dimensions = array<i32: 0>} : vector<16xi32>
        %add3A_426 = arith.constant 48 : i32
        %add3A_427 = vector.broadcast %add3A_426 : i32 to vector<16xi32>
        %add3A_428 = arith.addi %iota3A_425, %add3A_427 : vector<16xi32>
        %gather3A_429 = tpu.vector_load_idx %arg8[%add3A_428, %add3A_386] : memref<128x32xf32, #tpu.memory_space<vmem>>[vector<16xi32>, vector<16xi32>], vector<16xf32>,
        %sub3A_430 = arith.subf %get3A_424, %gather3A_429 : vector<16xf32>
        %mul3A_431 = arith.mulf %sub3A_430, %sub3A_430 : vector<16xf32>
        %add3A_432 = arith.addf %add3A_421, %mul3A_431 : vector<16xf32>
        %get3A_433 = arith.index_cast %scan3A_382 : i32 to index
        %get3A_434 = arith.constant 64 : index
        %get3A_435 = tpu.vector_load %arg10[%get3A_433, %get3A_434] {strides = array<i32>} : memref<32x128xf32, #tpu.memory_space<vmem>>, vector<16xf32>,
        %iota3A_436 = tpu.iota {dimensions = array<i32: 0>} : vector<16xi32>
        %add3A_437 = arith.constant 64 : i32
        %add3A_438 = vector.broadcast %add3A_437 : i32 to vector<16xi32>
        %add3A_439 = arith.addi %iota3A_436, %add3A_438 : vector<16xi32>
        %gather3A_440 = tpu.vector_load_idx %arg8[%add3A_439, %add3A_386] : memref<128x32xf32, #tpu.memory_space<vmem>>[vector<16xi32>, vector<16xi32>], vector<16xf32>,
        %sub3A_441 = arith.subf %get3A_435, %gather3A_440 : vector<16xf32>
        %mul3A_442 = arith.mulf %sub3A_441, %sub3A_441 : vector<16xf32>
        %add3A_443 = arith.addf %add3A_432, %mul3A_442 : vector<16xf32>
        %get3A_444 = arith.index_cast %scan3A_382 : i32 to index
        %get3A_445 = arith.constant 80 : index
        %get3A_446 = tpu.vector_load %arg10[%get3A_444, %get3A_445] {strides = array<i32>} : memref<32x128xf32, #tpu.memory_space<vmem>>, vector<16xf32>,
        %iota3A_447 = tpu.iota {dimensions = array<i32: 0>} : vector<16xi32>
        %add3A_448 = arith.constant 80 : i32
        %add3A_449 = vector.broadcast %add3A_448 : i32 to vector<16xi32>
        %add3A_450 = arith.addi %iota3A_447, %add3A_449 : vector<16xi32>
        %gather3A_451 = tpu.vector_load_idx %arg8[%add3A_450, %add3A_386] : memref<128x32xf32, #tpu.memory_space<vmem>>[vector<16xi32>, vector<16xi32>], vector<16xf32>,
        %sub3A_452 = arith.subf %get3A_446, %gather3A_451 : vector<16xf32>
        %mul3A_453 = arith.mulf %sub3A_452, %sub3A_452 : vector<16xf32>
        %add3A_454 = arith.addf %add3A_443, %mul3A_453 : vector<16xf32>
        %get3A_455 = arith.index_cast %scan3A_382 : i32 to index
        %get3A_456 = arith.constant 96 : index
        %get3A_457 = tpu.vector_load %arg10[%get3A_455, %get3A_456] {strides = array<i32>} : memref<32x128xf32, #tpu.memory_space<vmem>>, vector<16xf32>,
        %iota3A_458 = tpu.iota {dimensions = array<i32: 0>} : vector<16xi32>
        %add3A_459 = arith.constant 96 : i32
        %add3A_460 = vector.broadcast %add3A_459 : i32 to vector<16xi32>
        %add3A_461 = arith.addi %iota3A_458, %add3A_460 : vector<16xi32>
        %gather3A_462 = tpu.vector_load_idx %arg8[%add3A_461, %add3A_386] : memref<128x32xf32, #tpu.memory_space<vmem>>[vector<16xi32>, vector<16xi32>], vector<16xf32>,
        %sub3A_463 = arith.subf %get3A_457, %gather3A_462 : vector<16xf32>
        %mul3A_464 = arith.mulf %sub3A_463, %sub3A_463 : vector<16xf32>
        %add3A_465 = arith.addf %add3A_454, %mul3A_464 : vector<16xf32>
        %get3A_466 = arith.index_cast %scan3A_382 : i32 to index
        %get3A_467 = arith.constant 112 : index
        %get3A_468 = tpu.vector_load %arg10[%get3A_466, %get3A_467] {strides = array<i32>} : memref<32x128xf32, #tpu.memory_space<vmem>>, vector<16xf32>,
        %iota3A_469 = tpu.iota {dimensions = array<i32: 0>} : vector<16xi32>
        %add3A_470 = arith.constant 112 : i32
        %add3A_471 = vector.broadcast %add3A_470 : i32 to vector<16xi32>
        %add3A_472 = arith.addi %iota3A_469, %add3A_471 : vector<16xi32>
        %gather3A_473 = tpu.vector_load_idx %arg8[%add3A_472, %add3A_386] : memref<128x32xf32, #tpu.memory_space<vmem>>[vector<16xi32>, vector<16xi32>], vector<16xf32>,
        %sub3A_474 = arith.subf %get3A_468, %gather3A_473 : vector<16xf32>
        %mul3A_475 = arith.mulf %sub3A_474, %sub3A_474 : vector<16xf32>
        %add3A_476 = arith.addf %add3A_465, %mul3A_475 : vector<16xf32>
        %swap3A_477 = arith.constant 0 : index
        %swap3A_478 = tpu.vector_load %arg11[%swap3A_477] {strides = array<i32>} : memref<16xf32, #tpu.memory_space<vmem>>, vector<16xf32>,
        tpu.vector_store %arg11[%swap3A_477], %add3A_476 {strides = array<i32>} : memref<16xf32, #tpu.memory_space<vmem>>, vector<16xf32>,
        %scan3A_479 = arith.constant 3 : i32
        %scan3A_480 = arith.addi %scan3A_189, %scan3A_479 : i32
        %broadcast_in_dim3A_481 = arith.constant 0 : i32
        %broadcast_in_dim3A_482 = vector.broadcast %broadcast_in_dim3A_481 : i32 to vector<16xi32>
        %add3A_483 = vector.broadcast %scan3A_480 : i32 to vector<16xi32>
        %add3A_484 = arith.addi %broadcast_in_dim3A_482, %add3A_483 : vector<16xi32>
        %get3A_485 = arith.constant 0 : index
        %get3A_486 = tpu.vector_load %arg11[%get3A_485] {strides = array<i32>} : memref<16xf32, #tpu.memory_space<vmem>>, vector<16xf32>,
        %get3A_487 = arith.index_cast %scan3A_480 : i32 to index
        %get3A_488 = arith.constant 0 : index
        %get3A_489 = tpu.vector_load %arg10[%get3A_487, %get3A_488] {strides = array<i32>} : memref<32x128xf32, #tpu.memory_space<vmem>>, vector<16xf32>,
        %iota3A_490 = tpu.iota {dimensions = array<i32: 0>} : vector<16xi32>
        %add3A_491 = arith.constant 0 : i32
        %add3A_492 = vector.broadcast %add3A_491 : i32 to vector<16xi32>
        %add3A_493 = arith.addi %iota3A_490, %add3A_492 : vector<16xi32>
        %gather3A_494 = tpu.vector_load_idx %arg8[%add3A_493, %add3A_484] : memref<128x32xf32, #tpu.memory_space<vmem>>[vector<16xi32>, vector<16xi32>], vector<16xf32>,
        %sub3A_495 = arith.subf %get3A_489, %gather3A_494 : vector<16xf32>
        %mul3A_496 = arith.mulf %sub3A_495, %sub3A_495 : vector<16xf32>
        %add3A_497 = arith.addf %get3A_486, %mul3A_496 : vector<16xf32>
        %get3A_498 = arith.index_cast %scan3A_480 : i32 to index
        %get3A_499 = arith.constant 16 : index
        %get3A_500 = tpu.vector_load %arg10[%get3A_498, %get3A_499] {strides = array<i32>} : memref<32x128xf32, #tpu.memory_space<vmem>>, vector<16xf32>,
        %iota3A_501 = tpu.iota {dimensions = array<i32: 0>} : vector<16xi32>
        %add3A_502 = arith.constant 16 : i32
        %add3A_503 = vector.broadcast %add3A_502 : i32 to vector<16xi32>
        %add3A_504 = arith.addi %iota3A_501, %add3A_503 : vector<16xi32>
        %gather3A_505 = tpu.vector_load_idx %arg8[%add3A_504, %add3A_484] : memref<128x32xf32, #tpu.memory_space<vmem>>[vector<16xi32>, vector<16xi32>], vector<16xf32>,
        %sub3A_506 = arith.subf %get3A_500, %gather3A_505 : vector<16xf32>
        %mul3A_507 = arith.mulf %sub3A_506, %sub3A_506 : vector<16xf32>
        %add3A_508 = arith.addf %add3A_497, %mul3A_507 : vector<16xf32>
        %get3A_509 = arith.index_cast %scan3A_480 : i32 to index
        %get3A_510 = arith.constant 32 : index
        %get3A_511 = tpu.vector_load %arg10[%get3A_509, %get3A_510] {strides = array<i32>} : memref<32x128xf32, #tpu.memory_space<vmem>>, vector<16xf32>,
        %iota3A_512 = tpu.iota {dimensions = array<i32: 0>} : vector<16xi32>
        %add3A_513 = arith.constant 32 : i32
        %add3A_514 = vector.broadcast %add3A_513 : i32 to vector<16xi32>
        %add3A_515 = arith.addi %iota3A_512, %add3A_514 : vector<16xi32>
        %gather3A_516 = tpu.vector_load_idx %arg8[%add3A_515, %add3A_484] : memref<128x32xf32, #tpu.memory_space<vmem>>[vector<16xi32>, vector<16xi32>], vector<16xf32>,
        %sub3A_517 = arith.subf %get3A_511, %gather3A_516 : vector<16xf32>
        %mul3A_518 = arith.mulf %sub3A_517, %sub3A_517 : vector<16xf32>
        %add3A_519 = arith.addf %add3A_508, %mul3A_518 : vector<16xf32>
        %get3A_520 = arith.index_cast %scan3A_480 : i32 to index
        %get3A_521 = arith.constant 48 : index
        %get3A_522 = tpu.vector_load %arg10[%get3A_520, %get3A_521] {strides = array<i32>} : memref<32x128xf32, #tpu.memory_space<vmem>>, vector<16xf32>,
        %iota3A_523 = tpu.iota {dimensions = array<i32: 0>} : vector<16xi32>
        %add3A_524 = arith.constant 48 : i32
        %add3A_525 = vector.broadcast %add3A_524 : i32 to vector<16xi32>
        %add3A_526 = arith.addi %iota3A_523, %add3A_525 : vector<16xi32>
        %gather3A_527 = tpu.vector_load_idx %arg8[%add3A_526, %add3A_484] : memref<128x32xf32, #tpu.memory_space<vmem>>[vector<16xi32>, vector<16xi32>], vector<16xf32>,
        %sub3A_528 = arith.subf %get3A_522, %gather3A_527 : vector<16xf32>
        %mul3A_529 = arith.mulf %sub3A_528, %sub3A_528 : vector<16xf32>
        %add3A_530 = arith.addf %add3A_519, %mul3A_529 : vector<16xf32>
        %get3A_531 = arith.index_cast %scan3A_480 : i32 to index
        %get3A_532 = arith.constant 64 : index
        %get3A_533 = tpu.vector_load %arg10[%get3A_531, %get3A_532] {strides = array<i32>} : memref<32x128xf32, #tpu.memory_space<vmem>>, vector<16xf32>,
        %iota3A_534 = tpu.iota {dimensions = array<i32: 0>} : vector<16xi32>
        %add3A_535 = arith.constant 64 : i32
        %add3A_536 = vector.broadcast %add3A_535 : i32 to vector<16xi32>
        %add3A_537 = arith.addi %iota3A_534, %add3A_536 : vector<16xi32>
        %gather3A_538 = tpu.vector_load_idx %arg8[%add3A_537, %add3A_484] : memref<128x32xf32, #tpu.memory_space<vmem>>[vector<16xi32>, vector<16xi32>], vector<16xf32>,
        %sub3A_539 = arith.subf %get3A_533, %gather3A_538 : vector<16xf32>
        %mul3A_540 = arith.mulf %sub3A_539, %sub3A_539 : vector<16xf32>
        %add3A_541 = arith.addf %add3A_530, %mul3A_540 : vector<16xf32>
        %get3A_542 = arith.index_cast %scan3A_480 : i32 to index
        %get3A_543 = arith.constant 80 : index
        %get3A_544 = tpu.vector_load %arg10[%get3A_542, %get3A_543] {strides = array<i32>} : memref<32x128xf32, #tpu.memory_space<vmem>>, vector<16xf32>,
        %iota3A_545 = tpu.iota {dimensions = array<i32: 0>} : vector<16xi32>
        %add3A_546 = arith.constant 80 : i32
        %add3A_547 = vector.broadcast %add3A_546 : i32 to vector<16xi32>
        %add3A_548 = arith.addi %iota3A_545, %add3A_547 : vector<16xi32>
        %gather3A_549 = tpu.vector_load_idx %arg8[%add3A_548, %add3A_484] : memref<128x32xf32, #tpu.memory_space<vmem>>[vector<16xi32>, vector<16xi32>], vector<16xf32>,
        %sub3A_550 = arith.subf %get3A_544, %gather3A_549 : vector<16xf32>
        %mul3A_551 = arith.mulf %sub3A_550, %sub3A_550 : vector<16xf32>
        %add3A_552 = arith.addf %add3A_541, %mul3A_551 : vector<16xf32>
        %get3A_553 = arith.index_cast %scan3A_480 : i32 to index
        %get3A_554 = arith.constant 96 : index
        %get3A_555 = tpu.vector_load %arg10[%get3A_553, %get3A_554] {strides = array<i32>} : memref<32x128xf32, #tpu.memory_space<vmem>>, vector<16xf32>,
        %iota3A_556 = tpu.iota {dimensions = array<i32: 0>} : vector<16xi32>
        %add3A_557 = arith.constant 96 : i32
        %add3A_558 = vector.broadcast %add3A_557 : i32 to vector<16xi32>
        %add3A_559 = arith.addi %iota3A_556, %add3A_558 : vector<16xi32>
        %gather3A_560 = tpu.vector_load_idx %arg8[%add3A_559, %add3A_484] : memref<128x32xf32, #tpu.memory_space<vmem>>[vector<16xi32>, vector<16xi32>], vector<16xf32>,
        %sub3A_561 = arith.subf %get3A_555, %gather3A_560 : vector<16xf32>
        %mul3A_562 = arith.mulf %sub3A_561, %sub3A_561 : vector<16xf32>
        %add3A_563 = arith.addf %add3A_552, %mul3A_562 : vector<16xf32>
        %get3A_564 = arith.index_cast %scan3A_480 : i32 to index
        %get3A_565 = arith.constant 112 : index
        %get3A_566 = tpu.vector_load %arg10[%get3A_564, %get3A_565] {strides = array<i32>} : memref<32x128xf32, #tpu.memory_space<vmem>>, vector<16xf32>,
        %iota3A_567 = tpu.iota {dimensions = array<i32: 0>} : vector<16xi32>
        %add3A_568 = arith.constant 112 : i32
        %add3A_569 = vector.broadcast %add3A_568 : i32 to vector<16xi32>
        %add3A_570 = arith.addi %iota3A_567, %add3A_569 : vector<16xi32>
        %gather3A_571 = tpu.vector_load_idx %arg8[%add3A_570, %add3A_484] : memref<128x32xf32, #tpu.memory_space<vmem>>[vector<16xi32>, vector<16xi32>], vector<16xf32>,
        %sub3A_572 = arith.subf %get3A_566, %gather3A_571 : vector<16xf32>
        %mul3A_573 = arith.mulf %sub3A_572, %sub3A_572 : vector<16xf32>
        %add3A_574 = arith.addf %add3A_563, %mul3A_573 : vector<16xf32>
        %swap3A_575 = arith.constant 0 : index
        %swap3A_576 = tpu.vector_load %arg11[%swap3A_575] {strides = array<i32>} : memref<16xf32, #tpu.memory_space<vmem>>, vector<16xf32>,
        tpu.vector_store %arg11[%swap3A_575], %add3A_574 {strides = array<i32>} : memref<16xf32, #tpu.memory_space<vmem>>, vector<16xf32>,
      }
      %scan3A_188 = arith.constant 32 : i32
    }
    %scan3A_42 = arith.constant 62 : i32
    "tpu.region"() ({
      %run_scoped3A = tpu.sem_alloc : memref<!tpu.dma_semaphore, #tpu.memory_space<semaphore_mem>>
      %dma_start3A_43 = arith.constant 0 : i32
      %dma_start3A_44 = tpu.memref_slice %arg5[%add3A, %dma_start3A_43] : memref<32x16xf32, #tpu.memory_space<hbm>> -> memref<1x16xf32, #tpu.memory_space<hbm>>
      %dma_start3A_45 = tpu.memref_squeeze %dma_start3A_44 : memref<1x16xf32, #tpu.memory_space<hbm>> -> memref<16xf32, #tpu.memory_space<hbm>>
      %dma_start3A_46 = arith.constant 0 : i32
      %dma_start3A_47 = tpu.memref_slice %arg5[%add3A, %dma_start3A_46] : memref<32x16xf32, #tpu.memory_space<hbm>> -> memref<1x16xf32, #tpu.memory_space<hbm>>
      %dma_start3A_48 = tpu.memref_squeeze %dma_start3A_47 : memref<1x16xf32, #tpu.memory_space<hbm>> -> memref<16xf32, #tpu.memory_space<hbm>>
      tpu.enqueue_dma source(%arg11 : memref<16xf32, #tpu.memory_space<vmem>>) target(%dma_start3A_48 : memref<16xf32, #tpu.memory_space<hbm>>) target_semaphore(%run_scoped3A : memref<!tpu.dma_semaphore, #tpu.memory_space<semaphore_mem>>)
      %dma_wait3A = arith.constant 0 : i32
      %dma_wait3A_49 = tpu.memref_slice %arg5[%add3A, %dma_wait3A] : memref<32x16xf32, #tpu.memory_space<hbm>> -> memref<1x16xf32, #tpu.memory_space<hbm>>
      %dma_wait3A_50 = tpu.memref_squeeze %dma_wait3A_49 : memref<1x16xf32, #tpu.memory_space<hbm>> -> memref<16xf32, #tpu.memory_space<hbm>>
      %dma_wait3A_51 = arith.constant 0 : i32
      %dma_wait3A_52 = tpu.memref_slice %arg5[%add3A, %dma_wait3A_51] : memref<32x16xf32, #tpu.memory_space<hbm>> -> memref<1x16xf32, #tpu.memory_space<hbm>>
      %dma_wait3A_53 = tpu.memref_squeeze %dma_wait3A_52 : memref<1x16xf32, #tpu.memory_space<hbm>> -> memref<16xf32, #tpu.memory_space<hbm>>
      tpu.wait_dma2 semaphore(%run_scoped3A : memref<!tpu.dma_semaphore, #tpu.memory_space<semaphore_mem>>) src(%arg11 : memref<16xf32, #tpu.memory_space<vmem>>) dst(%dma_wait3A_53 : memref<16xf32, #tpu.memory_space<hbm>>)
      tpu.yield
    }) : () -> ()
    return
  }
}

module attributes {stable_mosaic.version = 14 : i64} {
  func.func @body(%arg0: i32, %arg1: memref<8192x128xf32, #tpu.memory_space<vmem>>, %arg2: memref<1x1x8192xf32, #tpu.memory_space<vmem>>, %arg3: memref<64x128xf32, #tpu.memory_space<vmem>>, %arg4: memref<64x1xf32, #tpu.memory_space<vmem>>, %arg5: memref<64x64xf32, #tpu.memory_space<vmem>>, %arg6: memref<64x1xf32, #tpu.memory_space<vmem>>, %arg7: memref<32x64xf32, #tpu.memory_space<vmem>>, %arg8: memref<32x1xf32, #tpu.memory_space<vmem>>, %arg9: memref<1x1x8192xf32, #tpu.memory_space<vmem>>, %arg10: memref<32x8192xf32, #tpu.memory_space<vmem>>, %arg11: memref<1x1xf32, #tpu.memory_space<vmem>>) attributes {dimension_semantics = [#tpu.dimension_semantics<arbitrary>], iteration_bounds = array<i64: 62>, scalar_prefetch = 0 : i64, scratch_operands = 0 : i64, tpu.core_type = #tpu.core_type<tc>, window_params = [{transform_indices = @transform_0, window_bounds = array<i64: 8192, 128>}, {transform_indices = @transform_1, window_bounds = array<i64: 1, 1, 8192>}, {pipeline_mode = #tpu.pipeline_mode<synchronous>, transform_indices = @transform_2, window_bounds = array<i64: 64, 128>}, {pipeline_mode = #tpu.pipeline_mode<synchronous>, transform_indices = @transform_3, window_bounds = array<i64: 64, 1>}, {pipeline_mode = #tpu.pipeline_mode<synchronous>, transform_indices = @transform_4, window_bounds = array<i64: 64, 64>}, {pipeline_mode = #tpu.pipeline_mode<synchronous>, transform_indices = @transform_5, window_bounds = array<i64: 64, 1>}, {pipeline_mode = #tpu.pipeline_mode<synchronous>, transform_indices = @transform_6, window_bounds = array<i64: 32, 64>}, {pipeline_mode = #tpu.pipeline_mode<synchronous>, transform_indices = @transform_7, window_bounds = array<i64: 32, 1>}, {transform_indices = @transform_8, window_bounds = array<i64: 1, 1, 8192>}, {transform_indices = @transform_9, window_bounds = array<i64: 32, 8192>}, {pipeline_mode = #tpu.pipeline_mode<synchronous>, transform_indices = @transform_10, window_bounds = array<i64: 1, 1>}]} {
    %get3A = arith.constant 0 : index
    %get3A_0 = arith.constant 0 : index
    %get3A_1 = vector.load %arg1[%get3A, %get3A_0] : memref<8192x128xf32, #tpu.memory_space<vmem>>, vector<8192x128xf32>
    %get3A_2 = arith.constant 0 : index
    %get3A_3 = arith.constant 0 : index
    %get3A_4 = vector.load %arg3[%get3A_2, %get3A_3] : memref<64x128xf32, #tpu.memory_space<vmem>>, vector<64x128xf32>
    %dot_general3A = arith.constant dense<0.000000e+00> : vector<64x8192xf32>
    %dot_general3A_5 = tpu.matmul %get3A_4, %get3A_1, %dot_general3A {dimension_numbers = #tpu.dot_dimension_numbers<[1], [1], [0], [0], [0, 0, 1, 0], [], []>, transpose_lhs_hint = false} : vector<64x128xf32>, vector<8192x128xf32>, vector<64x8192xf32> -> vector<64x8192xf32>
    %get3A_6 = arith.constant 0 : index
    %get3A_7 = arith.constant 0 : index
    %get3A_8 = vector.load %arg4[%get3A_6, %get3A_7] : memref<64x1xf32, #tpu.memory_space<vmem>>, vector<64x1xf32>
    %add3A = vector.broadcast %get3A_8 : vector<64x1xf32> to vector<64x8192xf32>
    %add3A_9 = arith.addf %dot_general3A_5, %add3A : vector<64x8192xf32>
    %get3A_10 = arith.constant 0 : index
    %get3A_11 = arith.constant 0 : index
    %get3A_12 = vector.load %arg5[%get3A_10, %get3A_11] : memref<64x64xf32, #tpu.memory_space<vmem>>, vector<64x64xf32>
    %dot_general3A_13 = arith.constant dense<0.000000e+00> : vector<64x8192xf32>
    %dot_general3A_14 = tpu.matmul %get3A_12, %add3A_9, %dot_general3A_13 {dimension_numbers = #tpu.dot_dimension_numbers<[1], [0], [0], [1], [0, 0, 1, 1], [], []>, transpose_lhs_hint = false} : vector<64x64xf32>, vector<64x8192xf32>, vector<64x8192xf32> -> vector<64x8192xf32>
    %get3A_15 = arith.constant 0 : index
    %get3A_16 = arith.constant 0 : index
    %get3A_17 = vector.load %arg6[%get3A_15, %get3A_16] : memref<64x1xf32, #tpu.memory_space<vmem>>, vector<64x1xf32>
    %add3A_18 = vector.broadcast %get3A_17 : vector<64x1xf32> to vector<64x8192xf32>
    %add3A_19 = arith.addf %dot_general3A_14, %add3A_18 : vector<64x8192xf32>
    %max3A = arith.constant 0.000000e+00 : f32
    %max3A_20 = vector.broadcast %max3A : f32 to vector<64x8192xf32>
    %max3A_21 = arith.maximumf %add3A_19, %max3A_20 : vector<64x8192xf32>
    %get3A_22 = arith.constant 0 : index
    %get3A_23 = arith.constant 0 : index
    %get3A_24 = vector.load %arg7[%get3A_22, %get3A_23] : memref<32x64xf32, #tpu.memory_space<vmem>>, vector<32x64xf32>
    %dot_general3A_25 = arith.constant dense<0.000000e+00> : vector<32x8192xf32>
    %dot_general3A_26 = tpu.matmul %get3A_24, %max3A_21, %dot_general3A_25 {dimension_numbers = #tpu.dot_dimension_numbers<[1], [0], [0], [1], [0, 0, 1, 1], [], []>, transpose_lhs_hint = false} : vector<32x64xf32>, vector<64x8192xf32>, vector<32x8192xf32> -> vector<32x8192xf32>
    %get3A_27 = arith.constant 0 : index
    %get3A_28 = arith.constant 0 : index
    %get3A_29 = vector.load %arg8[%get3A_27, %get3A_28] : memref<32x1xf32, #tpu.memory_space<vmem>>, vector<32x1xf32>
    %add3A_30 = vector.broadcast %get3A_29 : vector<32x1xf32> to vector<32x8192xf32>
    %add3A_31 = arith.addf %dot_general3A_26, %add3A_30 : vector<32x8192xf32>
    %slice3A = vector.extract_strided_slice %add3A_31 {offsets = [0, 0], sizes = [16, 8192], strides = [1, 1]} : vector<32x8192xf32> to vector<16x8192xf32>
    %slice3A_32 = vector.extract_strided_slice %add3A_31 {offsets = [16, 0], sizes = [16, 8192], strides = [1, 1]} : vector<32x8192xf32> to vector<16x8192xf32>
    %mul3A = arith.mulf %slice3A, %slice3A_32 : vector<16x8192xf32>
    %reduce_sum3A = arith.constant dense<0.000000e+00> : vector<8192xf32>
    %reduce_sum3A_33 = vector.multi_reduction <add>, %mul3A, %reduce_sum3A [0] : vector<16x8192xf32> to vector<8192xf32>
    %broadcast_in_dim3A = vector.shape_cast %reduce_sum3A_33 : vector<8192xf32> to vector<1x8192xf32>
    %mul3A_34 = arith.mulf %slice3A, %slice3A : vector<16x8192xf32>
    %reduce_sum3A_35 = arith.constant dense<0.000000e+00> : vector<8192xf32>
    %reduce_sum3A_36 = vector.multi_reduction <add>, %mul3A_34, %reduce_sum3A_35 [0] : vector<16x8192xf32> to vector<8192xf32>
    %broadcast_in_dim3A_37 = vector.shape_cast %reduce_sum3A_36 : vector<8192xf32> to vector<1x8192xf32>
    %sqrt3A = math.sqrt %broadcast_in_dim3A_37 : vector<1x8192xf32>
    %mul3A_38 = arith.mulf %slice3A_32, %slice3A_32 : vector<16x8192xf32>
    %reduce_sum3A_39 = arith.constant dense<0.000000e+00> : vector<8192xf32>
    %reduce_sum3A_40 = vector.multi_reduction <add>, %mul3A_38, %reduce_sum3A_39 [0] : vector<16x8192xf32> to vector<8192xf32>
    %broadcast_in_dim3A_41 = vector.shape_cast %reduce_sum3A_40 : vector<8192xf32> to vector<1x8192xf32>
    %sqrt3A_42 = math.sqrt %broadcast_in_dim3A_41 : vector<1x8192xf32>
    %mul3A_43 = arith.mulf %sqrt3A, %sqrt3A_42 : vector<1x8192xf32>
    %div3A = arith.divf %broadcast_in_dim3A, %mul3A_43 : vector<1x8192xf32>
    %broadcast_in_dim3A_44 = vector.shape_cast %div3A : vector<1x8192xf32> to vector<1x1x8192xf32>
    %swap3A = arith.constant 0 : index
    %swap3A_45 = arith.constant 0 : index
    %swap3A_46 = arith.constant 0 : index
    %swap3A_47 = vector.load %arg9[%swap3A, %swap3A_45, %swap3A_46] : memref<1x1x8192xf32, #tpu.memory_space<vmem>>, vector<1x1x8192xf32>
    tpu.vector_store %arg9[%swap3A, %swap3A_45, %swap3A_46], %broadcast_in_dim3A_44 {strides = array<i32>} : memref<1x1x8192xf32, #tpu.memory_space<vmem>>, vector<1x1x8192xf32>,
    %swap3A_48 = arith.constant 0 : index
    %swap3A_49 = arith.constant 0 : index
    %swap3A_50 = vector.load %arg10[%swap3A_48, %swap3A_49] : memref<32x8192xf32, #tpu.memory_space<vmem>>, vector<32x8192xf32>
    tpu.vector_store %arg10[%swap3A_48, %swap3A_49], %add3A_31 {strides = array<i32>} : memref<32x8192xf32, #tpu.memory_space<vmem>>, vector<32x8192xf32>,
    %get3A_51 = arith.constant 0 : index
    %get3A_52 = arith.constant 0 : index
    %get3A_53 = arith.constant 0 : index
    %get3A_54 = vector.load %arg2[%get3A_51, %get3A_52, %get3A_53] : memref<1x1x8192xf32, #tpu.memory_space<vmem>>, vector<1x1x8192xf32>
    %get3A_55 = vector.shape_cast %get3A_54 : vector<1x1x8192xf32> to vector<1x8192xf32>
    %max3A_56 = arith.constant 0.000000e+00 : f32
    %max3A_57 = vector.broadcast %max3A_56 : f32 to vector<1x8192xf32>
    %max3A_58 = arith.maximumf %div3A, %max3A_57 : vector<1x8192xf32>
    %mul3A_59 = arith.mulf %div3A, %get3A_55 : vector<1x8192xf32>
    %sub3A = arith.subf %max3A_58, %mul3A_59 : vector<1x8192xf32>
    %abs3A = math.absf %div3A : vector<1x8192xf32>
    %neg3A = arith.constant 0.000000e+00 : f32
    %neg3A_60 = vector.broadcast %neg3A : f32 to vector<1x8192xf32>
    %neg3A_61 = arith.subf %neg3A_60, %abs3A : vector<1x8192xf32>
    %exp3A = math.exp %neg3A_61 : vector<1x8192xf32>
    %log1p3A = math.log1p %exp3A : vector<1x8192xf32>
    %add3A_62 = arith.addf %sub3A, %log1p3A : vector<1x8192xf32>
    %mul3A_63 = arith.constant 8192 : i32
    %mul3A_64 = arith.muli %arg0, %mul3A_63 : i32
    %iota3A = tpu.iota {dimensions = array<i32: 1>} : vector<1x8192xi32>
    %add3A_65 = vector.broadcast %mul3A_64 : i32 to vector<1x8192xi32>
    %add3A_66 = arith.addi %add3A_65, %iota3A : vector<1x8192xi32>
    %lt3A = arith.constant 500000 : i32
    %lt3A_67 = vector.broadcast %lt3A : i32 to vector<1x8192xi32>
    %lt3A_68 = arith.cmpi slt, %add3A_66, %lt3A_67 : vector<1x8192xi32>
    %jit3A = arith.constant 0.000000e+00 : f32
    %broadcast_in_dim3A_69 = vector.broadcast %jit3A : f32 to vector<1x8192xf32>
    %select_n3A = arith.select %lt3A_68, %add3A_62, %broadcast_in_dim3A_69 : vector<1x8192xi1>, vector<1x8192xf32>
    %reduce_sum3A_70 = vector.shape_cast %select_n3A : vector<1x8192xf32> to vector<1x1x8192xf32>
    %reduce_sum3A_71 = arith.constant dense<0.000000e+00> : vector<1xf32>
    %reduce_sum3A_72 = vector.multi_reduction <add>, %reduce_sum3A_70, %reduce_sum3A_71 [1, 2] : vector<1x1x8192xf32> to vector<1xf32>
    %reduce_sum3A_73 = vector.shape_cast %reduce_sum3A_72 : vector<1xf32> to vector<1x1x1xf32>
    %reduce_sum3A_74 = vector.extract %reduce_sum3A_73[0, 0, 0] : f32 from vector<1x1x1xf32>
    %broadcast_in_dim3A_75 = vector.broadcast %reduce_sum3A_74 : f32 to vector<1x1xf32>
    %eq3A = arith.constant 0 : i32
    %eq3A_76 = arith.cmpi eq, %arg0, %eq3A : i32
    %get3A_77 = arith.constant 0 : index
    %get3A_78 = arith.constant 0 : index
    %get3A_79 = vector.load %arg11[%get3A_77, %get3A_78] : memref<1x1xf32, #tpu.memory_space<vmem>>, vector<1x1xf32>
    %add3A_80 = arith.addf %get3A_79, %broadcast_in_dim3A_75 : vector<1x1xf32>
    %select_n3A_81 = arith.select %eq3A_76, %broadcast_in_dim3A_75, %add3A_80 : vector<1x1xf32>
    %swap3A_82 = arith.constant 0 : index
    %swap3A_83 = arith.constant 0 : index
    %swap3A_84 = vector.load %arg11[%swap3A_82, %swap3A_83] : memref<1x1xf32, #tpu.memory_space<vmem>>, vector<1x1xf32>
    tpu.vector_store %arg11[%swap3A_82, %swap3A_83], %select_n3A_81 {strides = array<i32>} : memref<1x1xf32, #tpu.memory_space<vmem>>, vector<1x1xf32>,
    return
  }
  func.func @transform_0(%arg0: i32) -> (i32, i32) {
    %c0_i32 = arith.constant 0 : i32
    %c0_i32_0 = arith.constant 0 : i32
    return %arg0, %c0_i32 : i32, i32
  }
  func.func @transform_1(%arg0: i32) -> (i32, i32, i32) {
    %c0_i32 = arith.constant 0 : i32
    %c0_i32_0 = arith.constant 0 : i32
    %c0_i32_1 = arith.constant 0 : i32
    return %arg0, %c0_i32, %c0_i32_0 : i32, i32, i32
  }
  func.func @transform_2(%arg0: i32) -> (i32, i32) {
    %c0_i32 = arith.constant 0 : i32
    %c0_i32_0 = arith.constant 0 : i32
    %c0_i32_1 = arith.constant 0 : i32
    return %c0_i32, %c0_i32_0 : i32, i32
  }
  func.func @transform_3(%arg0: i32) -> (i32, i32) {
    %c0_i32 = arith.constant 0 : i32
    %c0_i32_0 = arith.constant 0 : i32
    %c0_i32_1 = arith.constant 0 : i32
    return %c0_i32, %c0_i32_0 : i32, i32
  }
  func.func @transform_4(%arg0: i32) -> (i32, i32) {
    %c0_i32 = arith.constant 0 : i32
    %c0_i32_0 = arith.constant 0 : i32
    %c0_i32_1 = arith.constant 0 : i32
    return %c0_i32, %c0_i32_0 : i32, i32
  }
  func.func @transform_5(%arg0: i32) -> (i32, i32) {
    %c0_i32 = arith.constant 0 : i32
    %c0_i32_0 = arith.constant 0 : i32
    %c0_i32_1 = arith.constant 0 : i32
    return %c0_i32, %c0_i32_0 : i32, i32
  }
  func.func @transform_6(%arg0: i32) -> (i32, i32) {
    %c0_i32 = arith.constant 0 : i32
    %c0_i32_0 = arith.constant 0 : i32
    %c0_i32_1 = arith.constant 0 : i32
    return %c0_i32, %c0_i32_0 : i32, i32
  }
  func.func @transform_7(%arg0: i32) -> (i32, i32) {
    %c0_i32 = arith.constant 0 : i32
    %c0_i32_0 = arith.constant 0 : i32
    %c0_i32_1 = arith.constant 0 : i32
    return %c0_i32, %c0_i32_0 : i32, i32
  }
  func.func @transform_8(%arg0: i32) -> (i32, i32, i32) {
    %c0_i32 = arith.constant 0 : i32
    %c0_i32_0 = arith.constant 0 : i32
    %c0_i32_1 = arith.constant 0 : i32
    return %arg0, %c0_i32, %c0_i32_0 : i32, i32, i32
  }
  func.func @transform_9(%arg0: i32) -> (i32, i32) {
    %c0_i32 = arith.constant 0 : i32
    %c0_i32_0 = arith.constant 0 : i32
    return %arg0, %c0_i32 : i32, i32
  }
  func.func @transform_10(%arg0: i32) -> (i32, i32) {
    %c0_i32 = arith.constant 0 : i32
    %c0_i32_0 = arith.constant 0 : i32
    %c0_i32_1 = arith.constant 0 : i32
    return %c0_i32, %c0_i32_0 : i32, i32
  }
}

module attributes {stable_mosaic.version = 14 : i64} {
  func.func @body(%arg0: memref<2x12288xi32, #tpu.memory_space<vmem>>, %arg1: memref<1x12288xi32, #tpu.memory_space<vmem>>) attributes {dimension_semantics = [], scalar_prefetch = 0 : i64, scratch_operands = 0 : i64, tpu.core_type = #tpu.core_type<tc>} {
    %get3A = arith.constant 0 : index
    %get3A_0 = arith.constant 0 : index
    %get3A_1 = vector.load %arg0[%get3A, %get3A_0] : memref<2x12288xi32, #tpu.memory_space<vmem>>, vector<2x12288xi32>
    %reduce_max3A = arith.constant dense<-2147483648> : vector<12288xi32>
    %reduce_max3A_2 = vector.multi_reduction <maxsi>, %get3A_1, %reduce_max3A [0] : vector<2x12288xi32> to vector<12288xi32>
    %broadcast_in_dim3A = vector.shape_cast %reduce_max3A_2 : vector<12288xi32> to vector<1x12288xi32>
    %and3A = arith.constant 2047 : i32
    %and3A_3 = vector.broadcast %and3A : i32 to vector<1x12288xi32>
    %and3A_4 = arith.andi %broadcast_in_dim3A, %and3A_3 : vector<1x12288xi32>
    %sub3A = arith.constant 2047 : i32
    %sub3A_5 = vector.broadcast %sub3A : i32 to vector<1x12288xi32>
    %sub3A_6 = arith.subi %sub3A_5, %and3A_4 : vector<1x12288xi32>
    %swap3A = arith.constant 0 : index
    %swap3A_7 = arith.constant 0 : index
    %swap3A_8 = vector.load %arg1[%swap3A, %swap3A_7] : memref<1x12288xi32, #tpu.memory_space<vmem>>, vector<1x12288xi32>
    tpu.vector_store %arg1[%swap3A, %swap3A_7], %sub3A_6 {strides = array<i32>} : memref<1x12288xi32, #tpu.memory_space<vmem>>, vector<1x12288xi32>,
    return
  }
}

module attributes {stable_mosaic.version = 14 : i64} {
  func.func @body(%arg0: memref<32x16xf32, #tpu.memory_space<vmem>>, %arg1: memref<32x7904xf32, #tpu.memory_space<vmem>>, %arg2: memref<32x1xf32, #tpu.memory_space<vmem>>, %arg3: memref<1x1xf32, #tpu.memory_space<vmem>>, %arg4: memref<1x1xf32, #tpu.memory_space<vmem>>) attributes {dimension_semantics = [], scalar_prefetch = 0 : i64, scratch_operands = 0 : i64, tpu.core_type = #tpu.core_type<tc>} {
    %get3A = arith.constant 0 : index
    %get3A_0 = arith.constant 0 : index
    %get3A_1 = vector.load %arg0[%get3A, %get3A_0] : memref<32x16xf32, #tpu.memory_space<vmem>>, vector<32x16xf32>
    %reduce_sum3A = vector.shape_cast %get3A_1 : vector<32x16xf32> to vector<1x32x16xf32>
    %reduce_sum3A_2 = arith.constant dense<0.000000e+00> : vector<1xf32>
    %reduce_sum3A_3 = vector.multi_reduction <add>, %reduce_sum3A, %reduce_sum3A_2 [1, 2] : vector<1x32x16xf32> to vector<1xf32>
    %reduce_sum3A_4 = vector.shape_cast %reduce_sum3A_3 : vector<1xf32> to vector<1x1x1xf32>
    %reduce_sum3A_5 = vector.extract %reduce_sum3A_4[0, 0, 0] : f32 from vector<1x1x1xf32>
    %broadcast_in_dim3A = vector.broadcast %reduce_sum3A_5 : f32 to vector<1x1xf32>
    %get3A_6 = arith.constant 0 : index
    %get3A_7 = arith.constant 0 : index
    %get3A_8 = vector.load %arg1[%get3A_6, %get3A_7] : memref<32x7904xf32, #tpu.memory_space<vmem>>, vector<32x7904xf32>
    %get3A_9 = arith.constant 0 : index
    %get3A_10 = arith.constant 0 : index
    %get3A_11 = vector.load %arg2[%get3A_9, %get3A_10] : memref<32x1xf32, #tpu.memory_space<vmem>>, vector<32x1xf32>
    %sub3A = vector.broadcast %get3A_11 : vector<32x1xf32> to vector<32x7904xf32>
    %sub3A_12 = arith.subf %get3A_8, %sub3A : vector<32x7904xf32>
    %mul3A = arith.mulf %sub3A_12, %sub3A_12 : vector<32x7904xf32>
    %reduce_sum3A_13 = vector.shape_cast %mul3A : vector<32x7904xf32> to vector<1x32x7904xf32>
    %reduce_sum3A_14 = arith.constant dense<0.000000e+00> : vector<1xf32>
    %reduce_sum3A_15 = vector.multi_reduction <add>, %reduce_sum3A_13, %reduce_sum3A_14 [1, 2] : vector<1x32x7904xf32> to vector<1xf32>
    %reduce_sum3A_16 = vector.shape_cast %reduce_sum3A_15 : vector<1xf32> to vector<1x1x1xf32>
    %reduce_sum3A_17 = vector.extract %reduce_sum3A_16[0, 0, 0] : f32 from vector<1x1x1xf32>
    %broadcast_in_dim3A_18 = vector.broadcast %reduce_sum3A_17 : f32 to vector<1x1xf32>
    %sub3A_19 = arith.subf %broadcast_in_dim3A, %broadcast_in_dim3A_18 : vector<1x1xf32>
    %div3A = arith.constant 1.600000e+07 : f32
    %div3A_20 = vector.broadcast %div3A : f32 to vector<1x1xf32>
    %div3A_21 = arith.divf %sub3A_19, %div3A_20 : vector<1x1xf32>
    %get3A_22 = arith.constant 0 : index
    %get3A_23 = arith.constant 0 : index
    %get3A_24 = vector.load %arg3[%get3A_22, %get3A_23] : memref<1x1xf32, #tpu.memory_space<vmem>>, vector<1x1xf32>
    %div3A_25 = arith.constant 5.000000e+05 : f32
    %div3A_26 = vector.broadcast %div3A_25 : f32 to vector<1x1xf32>
    %div3A_27 = arith.divf %get3A_24, %div3A_26 : vector<1x1xf32>
    %add3A = arith.addf %div3A_21, %div3A_27 : vector<1x1xf32>
    %swap3A = arith.constant 0 : index
    %swap3A_28 = arith.constant 0 : index
    %swap3A_29 = vector.load %arg4[%swap3A, %swap3A_28] : memref<1x1xf32, #tpu.memory_space<vmem>>, vector<1x1xf32>
    tpu.vector_store %arg4[%swap3A, %swap3A_28], %add3A {strides = array<i32>} : memref<1x1xf32, #tpu.memory_space<vmem>>, vector<1x1xf32>,
    return
  }
}

</mosaic_0001>

<sc_bundles>
// kernel: kernel.12.cloned.1.call-start
scs
__scs_entry_jumppad:
0x0: {  	(pc) =	sbr.rel $0x88, $3  }
0x1: {  	(tag) =	ssettag $0x0;
	lr =	simm.s32 $0x1  }
0x2: {  	[smem:$0x3F90] =	sst lr;
	_ =	strace $0xD0000000  }
0x3: {  	_ = 	snop  }
0x4: {  	_ = 	snop  }
0x5: {  	_ = 	snop  }
0x6: {  	_ = 	snop  }
0x7: {  	_ = 	snop  }
__scs_overlays_trampoline_lowered:
0x8: {  	[smem:$0x3F9F] =	sst s0  }
0x9: {  	[smem:$0x3FA0] =	sst s1  }
0xa: {  	[smem:$0x3FA1] =	sst s2  }
0xb: {  	[smem:$0x3FA2] =	sst s3  }
0xc: {  	[smem:$0x3FA3] =	sst s4  }
0xd: {  	[smem:$0x3FA4] =	sst s5  }
0xe: {  	[smem:$0x3FA5] =	sst s6  }
0xf: {  	[smem:$0x3FA6] =	sst s7  }
0x10: {  	[smem:$0x3FA7] =	sst s8  }
0x11: {  	[smem:$0x3FA8] =	sst s9;
	s0 =	simm.s32 @!p0 $0x0  }
0x12: {  	s1 =	sld [smem:$0x3F8E];
	s0 =	simm.s32 @p0 $0x1  }
0x13: {  	[smem:$0x3FA9] =	sst s0;
	s0 =	simm.s32 @!p1 $0x0  }
0x14: {  	s2 =	sld [smem:$0x3F8D];
	s0 =	simm.s32 @p1 $0x1  }
0x15: {  	[smem:$0x3FAA] =	sst s0;
	s0 =	simm.s32 @!p2 $0x0  }
0x16: {  	s3 =	sld [smem:$0x3FDB];
	s0 =	simm.s32 @p2 $0x1  }
0x17: {  	s4 =	simm.s32 $0x1BF5;
	[smem:$0x3FAC] =	sst s0  }
0x18: {  	s0 =	sld [smem:$0x3F8F];
	_ =	swait.ge [sflag:s4], $0x0  }
0x19: {  	s7 =	sld [smem:$0x3F90]  }
0x1a: {  	s8 =	sadd.s32 $0xFFFFE003, lr  }
0x1b: {  	s9 =	sadd.s32 $0xFFFFFEF7, lr;
	s5 =	simm.s32 $0xFFFFFFFF;
	p2 =	slt.u32 s8, $0xFFFFF086  }
0x1c: {  	p1 =	slt.u32 s9, $0xF7A;
	s5 =	simm.s32 @!p2 $0x0  }
0x1d: {  	s5 =	simm.s32 @p1 $0x1;
	p0 =	seq.s32 s7, s2  }
0x1e: {  	s7 =	smul.u32 @!p0 $0xF7A, s2;
	p2 =	seq.s32 @!p0 s5, $0x0  }
0x1f: {  	s9 =	smul.u32 $0xF7A, s1;
	s8 =	simm.s32 @!p0 $0x1BF5;
	p2 =	por !p2, p0  }
0x20: {  	[sflag:s8] =	ssyncset.s32 @!p0 $0xFFFFF086;
	s6 =	sadd.s32 @!p0 s3, s7;
	s7 =	simm.s32 @!p0 $0x108  }
0x21: {  	s3 =	sadd.s32 s3, s9;
	s6 =	sadd.s32 @!p0 $0x88, s6;
	s7 =	simm.s32 @p2 $0x1082  }
0x22: {  	[simem:s7], [sflag:s8] =	dma.local @!p0 [hbm:s6], $0xF7A  }
0x23: {  	s9 =	sor.u32 $0xD0000000, s2;
	s6 =	simm.s32 $0x108;
	_ =	swait.ge @!p0 [sflag:s8], $0x0  }
0x24: {  	s3 =	sadd.s32 $0x88, s3;
	s6 =	simm.s32 @!p1 $0x1082;
	[sflag:s4] =	ssyncset.s32 $0xFFFFF086  }
0x25: {  	[simem:s6], [sflag:s4] =	dma.local [hbm:s3], $0xF7A  }
0x26: {  	[smem:$0x3F90] =	sst s1;
	(tag) =	ssettag s2;
	_ =	strace s9  }
0x27: {  	s1 =	sld [smem:$0x3FA0]  }
0x28: {  	s2 =	sld [smem:$0x3FA1]  }
0x29: {  	s4 =	sld [smem:$0x3FA3]  }
0x2a: {  	p0 =	seq.s32 s5, $0x0;
	s5 =	sld [smem:$0x3FA4]  }
0x2b: {  	s6 =	sld [smem:$0x3FA5]  }
0x2c: {  	s7 =	sld [smem:$0x3FA6]  }
0x2d: {  	s3 =	simm.s32 $0x108;
	s8 =	sld [smem:$0x3FA7]  }
0x2e: {  	s3 =	simm.s32 @!p0 $0x1082;
	s9 =	sld [smem:$0x3FA8]  }
0x2f: {  	lr =	sadd.s32 s0, s3;
	s0 =	sld [smem:$0x3F9F]  }
0x30: {  	s3 =	sld [smem:$0x3FA2]  }
0x31: {  	[smem:$0x3FAB] =	sst s10  }
0x32: {  	s10 =	sld [smem:$0x3FA9];
	_ =	sdelay $0x3  }
0x33: {  	p0 =	seq.s32 s10, $0x1;
	s10 =	sld [smem:$0x3FAB];
	_ =	sdelay $0x3  }
0x34: {  	[smem:$0x3FAB] =	sst s10  }
0x35: {  	s10 =	sld [smem:$0x3FAA];
	_ =	sdelay $0x3  }
0x36: {  	p1 =	seq.s32 s10, $0x1;
	s10 =	sld [smem:$0x3FAB];
	_ =	sdelay $0x3  }
0x37: {  	[smem:$0x3FAB] =	sst s10  }
0x38: {  	s10 =	sld [smem:$0x3FAC]  }
0x39: {  	_ = 	snop;
	(pc) =	sbr.ind lr, $3  }
0x3a: {  	_ = 	snop  }
0x3b: {  	_ = 	snop  }
0x3c: {  	p2 =	seq.s32 s10, $0x1;
	s10 =	sld [smem:$0x3FAB]  }
0x3d: {  	_ =	shalt  }
0x3e: {  	_ =	shalt  }
0x3f: {  	_ =	shalt  }
0x40: {  	_ =	shalt  }
0x41: {  	_ =	shalt  }
0x42: {  	_ =	shalt  }
0x43: {  	_ =	shalt  }
0x44: {  	_ =	shalt  }
0x45: {  	_ =	shalt  }
0x46: {  	_ =	shalt  }
0x47: {  	_ =	shalt  }
0x48: {  	_ =	shalt  }
0x49: {  	_ =	shalt  }
0x4a: {  	_ =	shalt  }
0x4b: {  	_ =	shalt  }
0x4c: {  	_ =	shalt  }
0x4d: {  	_ =	shalt  }
0x4e: {  	_ =	shalt  }
0x4f: {  	_ =	shalt  }
0x50: {  	_ =	shalt  }
0x51: {  	_ =	shalt  }
0x52: {  	_ =	shalt  }
0x53: {  	_ =	shalt  }
0x54: {  	_ =	shalt  }
0x55: {  	_ =	shalt  }
0x56: {  	_ =	shalt  }
0x57: {  	_ =	shalt  }
0x58: {  	_ =	shalt  }
0x59: {  	_ =	shalt  }
0x5a: {  	_ =	shalt  }
0x5b: {  	_ =	shalt  }
0x5c: {  	_ =	shalt  }
0x5d: {  	_ =	shalt  }
0x5e: {  	_ =	shalt  }
0x5f: {  	_ =	shalt  }
0x60: {  	_ =	shalt  }
0x61: {  	_ =	shalt  }
0x62: {  	_ =	shalt  }
0x63: {  	_ =	shalt  }
0x64: {  	_ =	shalt  }
0x65: {  	_ =	shalt  }
0x66: {  	_ =	shalt  }
0x67: {  	_ =	shalt  }
0x68: {  	_ =	shalt  }
0x69: {  	_ =	shalt  }
0x6a: {  	_ =	shalt  }
0x6b: {  	_ =	shalt  }
0x6c: {  	_ =	shalt  }
0x6d: {  	_ =	shalt  }
0x6e: {  	_ =	shalt  }
0x6f: {  	_ =	shalt  }
0x70: {  	_ =	shalt  }
0x71: {  	_ =	shalt  }
0x72: {  	_ =	shalt  }
0x73: {  	_ =	shalt  }
0x74: {  	_ =	shalt  }
0x75: {  	_ =	shalt  }
0x76: {  	_ =	shalt  }
0x77: {  	_ =	shalt  }
0x78: {  	_ =	shalt  }
0x79: {  	_ =	shalt  }
0x7a: {  	_ =	shalt  }
0x7b: {  	_ =	shalt  }
0x7c: {  	_ =	shalt  }
0x7d: {  	_ =	shalt  }
0x7e: {  	_ =	shalt  }
0x7f: {  	_ =	shalt  }
0x80: {  	_ =	shalt  }
0x81: {  	_ =	shalt  }
0x82: {  	_ =	shalt  }
0x83: {  	_ =	shalt  }
0x84: {  	_ =	shalt  }
0x85: {  	_ =	shalt  }
0x86: {  	_ =	shalt  }
0x87: {  	_ =	shalt  }
.Lfunc_end0:
.L_simem_size_0:
called_computation.2_lowered:
.L_overlay_start_0:
0x88: {  	s2 =	sld [smem:$0x3FD9]  }
0x89: {  	s3 =	sld [smem:$0x3FFE];
	_ =	sdelay $0x1  }
0x8a: {  	s1 =	srdreg.scid  }
0x8b: {  	s0 =	sand.u32 $0x1, s1  }
0x8c: {  	s14 =	sshll.u32 s0, $0xA;
	s2 =	sadd.s32 s3, s2  }
0x8d: {  	s2 =	sadd.s32 s2, s14  }
0x8e: {  	[smem:$0x3FB7] =	sst s2  }
0x8f: {  	_ = 	snop  }
0x90: {  	s2 =	sld [smem:$0x3FD0];
	_ =	sdelay $0x2  }
0x91: {  	s15 =	simm.s32 $0xB;
	s4 =	simm.s32 $0x10  }
0x92: {  	[smem:s4], [sflag:s15] =	dma.local [hbm:s2], $0x1  }
0x93: {  	_ =	swait.eq [sflag:s15], $0x1  }
0x94: {  	[sflag:s15] =	ssyncset.done $0x0  }
0x95: {  	[sflag:s15] =	ssyncadd.s32 $0xFFFFFFFF  }
0x96: {  	s16 =	sld [smem:$0x10];
	(tm) =	ssettm $0x1  }
0x97: {  	s17 =	sld [smem:$0x3FFB];
	_ =	sdelay $0x3  }
0x98: {  	_ =	strace s17  }
0x99: {  	s3 =	sld [smem:$0x3FFC];
	_ =	sdelay $0x3  }
0x9a: {  	_ =	strace s3  }
0x9b: {  	s3 =	sld [smem:$0x3FFD];
	_ =	sdelay $0x3  }
0x9c: {  	_ =	strace s3  }
0x9d: {  	_ =	strace $0x8FFFFFFF  }
0x9e: {  	s18 =	sld [smem:$0x3FDB];
	_ =	sdelay $0x1  }
0x9f: {  	s19 =	simm.s32 $_scs_section_size  }
0xa0: {  	s5 =	simm.s32 $_size__tile_overlayer_lowered;
	s6 =	simm.s32 $_tile_overlayer_lowered  }
0xa1: {  	s22 =	simm.s32 $0x1BFF;
	s21 =	sshll.u32 s6, $0x1;
	s3 =	sadd.s32 s19, s18  }
0xa2: {  	s7 =	simm.s32 $0x0;
	s20 =	sshll.u32 s5, $0x1;
	s5 =	sadd.s32 s21, s3  }
0xa3: {  	[timem:s7], [sflag:s22] =	dma.local [hbm:s5], s20  }
0xa4: {  	_ =	swait.ge [sflag:s22], s20  }
0xa5: {  	s4 =	ssub.s32 $0x0, s20;
	[sflag:s22] =	ssyncset.done $0x0  }
0xa6: {  	[sflag:s22] =	ssyncadd.s32 s4;
	_ =	sdelay $0x1  }
0xa7: {  	s23 =	simm.s32 $0x1B8B  }
0xa8: {  	_ =	swait.ge [sflag:s23], $0x1  }
0xa9: {  	[sflag:s23] =	ssyncset.done $0x0  }
0xaa: {  	s25 =	simm.s32 $0x1B8E;
	s24 =	sld [smem:$0x3FFE];
	[sflag:s23] =	ssyncadd.s32 $0xFFFFFFFF  }
0xab: {  	s26 =	simm.s32 $execute0_lowered;
	[smem:$0x3FD2] =	sst s25  }
0xac: {  	s5 =	sshll.u32 s26, $0x1;
	_ =	strace $0x80000049;
	[dreg:$0x1] =	wrdreg $0xFFFFFFFF  }
0xad: {  	s28 =	simm.s32 $_size_execute0_lowered;
	s3 =	sadd.s32 s3, s5;
	[dreg:$0x0] =	wrdreg $0x0  }
0xae: {  	s5 =	sshll.u32 s28, $0x1;
	[dreg:$0x2] =	wrdreg s3  }
0xaf: {  	[dreg:$0x3] =	wrdreg s5  }
0xb0: {  	[dreg:$0x4] =	wrdreg $0xC0  }
0xb1: {  	_ =	task [dreg:s7], $0x5FFFF  }
0xb2: {  	[dreg:$0x1] =	wrdreg $0xFFFFFFFF  }
0xb3: {  	[dreg:$0x0] =	wrdreg $0x60  }
0xb4: {  	[dreg:$0x2] =	wrdreg s24  }
0xb5: {  	[dreg:$0x3] =	wrdreg s16  }
0xb6: {  	[dreg:$0x4] =	wrdreg $0xF0000  }
0xb7: {  	[dreg:$0x5] =	wrdreg $0xA  }
0xb8: {  	_ =	task.clear_ibuf [dreg:s7], $0x6FFFF;
	_ =	strace $0x90000049  }
0xb9: {  	s29 =	simm.s32 $0xA;
	_ =	strace $0x8000004B  }
0xba: {  	_ =	swait.ge [sflag:s29], $0x1  }
0xbb: {  	[sflag:s29] =	ssyncadd.s32 $0xFFFFFFFF  }
0xbc: {  	_ =	strace $0x9000004B  }
0xbd: {  	_ =	sfence  }
0xbe: {  	s30 =	sld [smem:$0x0];
	_ =	sdelay $0x2  }
0xbf: {  	s31 =	sshll.u32 s1, $0xD;
	s1 =	sshrl.u32 s1, $0x2  }
0xc0: {  	s3 =	sand.u32 $0x4000, s31;
	s1 =	sadd.s32 s1, s30  }
0xc1: {  	s0 =	sor.u32 s3, s0;
	s1 =	sshll.u32 s1, $0x11  }
0xc2: {  	s0 =	sor.u32 s1, s0  }
0xc3: {  	s0 =	sadd.s32 $0x8F2B, s0  }
0xc4: {  	[sflag:s0] =	ssyncadd.remote.s32 $0x1  }
0xc5: {  	_ =	sfence.sel $0xFFFF  }
0xc6: {  	[dreg:$0x0] =	wrdreg $0xFFFFFFFF;
	(pc) =	sbr.abs _section_cstart, $3  }
0xc7: {  	[dreg:$0x1] =	wrdreg $0xFFFFFFFF  }
0xc8: {  	_ =	task.clear_ibuf [dreg:s7], $0x2FFFF;
	_ =	strace $0x9FFFFFFF  }
0xc9: {  	(tm) =	ssettm $0x7FFFFFFF  }
tec
execute0_lowered:
.L_overlay_start_1:
0x0: {  	(tag) =	ssettag $0x1  }
0x1: {  	s3 =	rddreg [dreg:$0x0];
	s1 =	srdreg.scid  }
0x2: {  	s0 =	stileid.u32;
	s8 =	rddreg [dreg:$0x1]  }
0x3: {  	s7 =	rddreg [dreg:$0x2];
	s2 =	simm.s32 $0x0;
	s12 =	simm.s32 $0x7C00  }
0x4: {  	s13 =	simm.s32 $0xBA00;
	s14 =	simm.s32 $0xEA00;
	s15 =	simm.s32 $0xED00  }
0x5: {  	s16 =	simm.s32 $0x0;
	s4 =	sand.u32 $0x1, s1;
	s1 =	rddreg [dreg:$0x3]  }
0x6: {  	s29 =	sshll.u32 s0, $0x1;
	[smem:$0x7FF] =	sst s2;
	s6 =	smul.u32 $0xC000, s0  }
0x7: {  	s10 =	smul.u32 $0x300, s0;
	s5 =	sor.u32 s4, s29;
	s9 =	ssub.s32 $0x2, s4  }
0x8: {  	_ =	strace $0x8000004A;
	s11 =	smul.u32 $0x3000, s4;
	s30 =	sshrl.u32 s9, $0x1  }
0x9: {  	s5 =	smul.u32 $0x7C0, s5;
	s6 =	sshrl.u32 s6, $0x2;
	s9 =	ssub.s32 s9, s30  }
0xa: {  	s11 =	sadd.s32 s10, s11;
	s6 =	sadd.s32 s6, s7;
	s7 =	sadd.s32 s10, s7  }
0xb: {  	s10 =	simm.s32 $0x1;
	s5 =	sadd.s32 s5, s3;
	s31 =	sshrl.u32 s11, $0x3  }
0xc: {  	s9 =	smax.u32 s9, $0x1;
	s11 =	simm.s32 $0x3E00;
	s3 =	sadd.s32 $0x23200, s5  }
0xd: {  	v0 =	vimm.s32 $0x7FF;
	v1 =	vimm.s32 $0x0;
	s4 =	sadd.s32 $0x4000, s5;
	s5 =	sadd.s32 $0x36A00, s5;
	s8 =	sadd.s32 s8, s31  }
.LBB2_1:
0xe: {  	s17 =	simm.s32 $0x40;
	s18 =	simm.s32 $0x0  }
.LBB2_2:
0xf: {  	p0 =	sne.s32 s17, $0xBFC0;
	[tilespmem:s18+$0xBA00] =	vst v0;
	s18 =	smov.u32 s17;
	s17 =	sadd.s32 $0x40, s17  }
.Ltmp0:
0x10: {  	(pc) =	sbr.rel @p0 .LBB2_2-.Ltmp0, $2  }
0x11: {  	_ =	sdelay $0x2  }
0x12: {  	s18 =	sshra.s32 s18, $0x2  }
0x13: {  	[tilespmem:s18+$0xBA00] =	vst v0;
	s17 =	simm.s32 $0x0  }
0x14: {  	[tilespmem:s17], [sflag:$0x1] =	stream.linear.gather [hbm4b:s3+s17], $0x3E00, $0x38;
	[tilespmem:$0x12000] =	vst v63  }
0x15: {  	_ =	swait.ge [sflag:s10], $0x3E00  }
0x16: {  	[sflag:s10] =	ssyncset.done $0x0  }
0x17: {  	[sflag:s10] =	ssyncadd.s32 $0xFFFFC200  }
0x18: {  	[tilespmem:s11], [sflag:$0x1] =	stream.linear.gather [hbm4b:s4+s17], $0x3E00, $0x38;
	[tilespmem:$0x12000] =	vst v63  }
0x19: {  	_ =	swait.ge [sflag:s10], $0x3E00  }
0x1a: {  	[sflag:s10] =	ssyncset.done $0x0  }
.Ltmp1:
0x1b: {  	[sflag:s10] =	ssyncadd.s32 $0xFFFFC200;
	(pc) =	sbr.rel .LBB2_4-.Ltmp1, $4  }
0x1c: {  	[tilespmem:s12], [sflag:$0x1] =	stream.linear.gather [hbm4b:s5+s17], $0x3E00, $0x38;
	[tilespmem:$0x12000] =	vst v63  }
0x1d: {  	_ =	swait.ge [sflag:s10], $0x3E00  }
0x1e: {  	[sflag:s10] =	ssyncset.done $0x0  }
0x1f: {  	[sflag:s10] =	ssyncadd.s32 $0xFFFFC200  }
.LBB2_8:
0x20: {  	s17 =	sadd.s32 $0x1, s17  }
0x21: {  	p0 =	sne.s32 s17, $0x7C  }
.Ltmp2:
0x22: {  	_ = 	snop;
	(pc) =	sbr.rel @!p0 .LBB2_9-.Ltmp2, $1  }
0x23: {  	_ =	sdelay $0x3  }
.LBB2_4:
.Ltmp3:
0x24: {  	(pc) =	sbr.rel .LBB2_5-.Ltmp3, $3  }
0x25: {  	_ =	sdelay $0x1  }
0x26: {  	s18 =	sshll.u32 s17, $0x7  }
0x27: {  	v2 =	vmov s18;
	s18 =	simm.s32 $0x0  }
.LBB2_7:
0x28: {  	s18 =	sadd.s32 $0x1, s18  }
0x29: {  	p0 =	sne.s32 s18, $0x8  }
.Ltmp4:
0x2a: {  	_ = 	snop;
	(pc) =	sbr.rel @!p0 .LBB2_8-.Ltmp4, $1  }
0x2b: {  	_ =	sdelay $0x3  }
.LBB2_5:
0x2c: {  	_ =	sdelay $0x2  }
0x2d: {  	s19 =	sshll.u32 s18, $0x4  }
0x2e: {  	v3 =	vld.idx.msk [tilespmem:v2+s19+$0x3E00 ss:$0x1], $0xffff;
	_ =	sdelay $0x3  }
0x2f: {  	v4 =	vld.idx.msk [tilespmem:v2+s19+$0x0 ss:$0x1], $0xffff;
	_ =	sdelay $0x1  }
0x30: {  	v5 =	vld.idx.msk [tilespmem:v2+s19+$0x7C00 ss:$0x1], $0xffff;
	_ =	sdelay $0x1  }
0x31: {  	v6 =	vld.idx.msk [tilespmem:v3+s13+$0x0], $0xffff  }
0x32: {  	v7 =	vxor.u32 $0x7FFFF800, v4;
	vm0 =	vlt.s32 v4, $0x0  }
0x33: {  	v4 =	vsel vm0, v7, v4  }
0x34: {  	v5 =	vsub.s32 $0x7FF, v5;
	v4 =	vand.u32 $0xFFFFF800, v4  }
0x35: {  	v4 =	vor.u32 v5, v4  }
0x36: {  	vm0 =	vgt.s32 v4, v6  }
0x37: {  	v5 =	vsel vm0, $0x1, v1  }
0x38: {  	v5 =	vor.u32 $0x80000000, v5  }
0x39: {  	(xrf0) =	vmax.scan.msk.u32 $0xffff, v5;
	_ =	sdelay $0x5  }
0x3a: {  	v5, _, _ =	vpop (xrf0)  }
0x3b: {  	(v2sf) =	vpush v5, $0xF;
	_ =	sdelay $0xe  }
0x3c: {  	s31 =	spop (v2sf)  }
0x3d: {  	p0 =	slt.u32 s31, $0x80000001  }
.Ltmp5:
0x3e: {  	_ = 	snop;
	(pc) =	sbr.rel @p0 .LBB2_7-.Ltmp5, $1  }
0x3f: {  	_ =	sdelay $0x3  }
.LBB2_6:
0x40: {  	[tilespmem:v3+s13+$0x0] =	vst.idx.msk vm0, v4  }
0x41: {  	v5 =	vld.idx.msk [tilespmem:v3+s13+$0x0], $0xffff;
	_ =	sdelay $0x4  }
0x42: {  	vm1 =	vlt.s32 v5, v4  }
0x43: {  	vm0 =	vmand vm0, vm1  }
0x44: {  	v5 =	vsel vm0, $0x1, v1  }
0x45: {  	v5 =	vor.u32 $0x80000000, v5  }
0x46: {  	(xrf0) =	vmax.scan.msk.u32 $0xffff, v5;
	_ =	sdelay $0x5  }
0x47: {  	v5, _, _ =	vpop (xrf0)  }
0x48: {  	(v2sf) =	vpush v5, $0xF;
	_ =	sdelay $0xe  }
0x49: {  	s19 =	spop (v2sf)  }
0x4a: {  	p0 =	sgt.u32 s19, $0x80000000  }
.Ltmp6:
0x4b: {  	_ = 	snop;
	(pc) =	sbr.rel @p0 .LBB2_6-.Ltmp6, $1  }
0x4c: {  	_ =	sdelay $0x3  }
.Ltmp7:
0x4d: {  	_ = 	snop;
	(pc) =	sbr.rel .LBB2_7-.Ltmp7, $1  }
0x4e: {  	_ =	sdelay $0x3  }
.LBB2_9:
0x4f: {  	[spmem:s6] =	stream.linear.scatter [tilespmem:s13], [sflag:$0x1], $0x3000, $0x38;
	[tilespmem:$0x12000] =	vst v63  }
0x50: {  	s17 =	simm.s32 $0x1  }
0x51: {  	_ =	swait.ge [sflag:s17], $0x3000  }
0x52: {  	[sflag:s17] =	ssyncset.done $0x0  }
0x53: {  	[sflag:s17] =	ssyncadd.s32 $0xFFFFD000  }
0x54: {  	[bflag:$0x0] =	sbarrier.arrive $0xFFFF  }
0x55: {  	[tilespmem:s14], [sflag:$0x1] =	stream.linear.gather [spmem:s7], $0x300, $0x38;
	[tilespmem:$0x12000] =	vst v63  }
0x56: {  	_ =	swait.ge [sflag:s17], $0x300  }
0x57: {  	[sflag:s17] =	ssyncset.done $0x0  }
0x58: {  	[sflag:s17] =	ssyncadd.s32 $0xFFFFFD00  }
.LBB2_10:
0x59: {  	s18 =	smul.u32 $0xC000, s17;
	_ =	sdelay $0x1  }
0x5a: {  	s18 =	sshra.s32 s18, $0x2  }
0x5b: {  	s18 =	sadd.s32 s18, s7  }
0x5c: {  	[tilespmem:s15], [sflag:$0x1] =	stream.linear.gather [spmem:s18], $0x300, $0x38;
	[tilespmem:$0x12000] =	vst v63  }
0x5d: {  	_ =	swait.ge [sflag:s10], $0x300  }
0x5e: {  	[sflag:s10] =	ssyncset.done $0x0  }
0x5f: {  	s18 =	simm.s32 $0x0;
	[sflag:s10] =	ssyncadd.s32 $0xFFFFFD00  }
0x60: {  	s19 =	simm.s32 $0x40;
	v2 =	vld [tilespmem:s18+$0xED00]  }
.LBB2_11:
0x61: {  	p0 =	sne.s32 s19, $0xBC0;
	v3 =	vld [tilespmem:s18+$0xEA00];
	_ =	sdelay $0x2  }
.Ltmp8:
0x62: {  	(pc) =	sbr.rel @p0 .LBB2_11-.Ltmp8, $4  }
0x63: {  	_ = 	snop  }
0x64: {  	vm0 =	vgt.s32 v3, v2  }
0x65: {  	s20 =	sshra.s32 s19, $0x2;
	v3 =	vsel vm0, v3, v2  }
0x66: {  	s19 =	sadd.s32 $0x40, s19;
	v2 =	vld [tilespmem:s20+$0xED00];
	[tilespmem:s18+$0xEA00] =	vst v3;
	s18 =	smov.u32 s20  }
0x67: {  	v3 =	vld [tilespmem:s18+$0xEA00]  }
0x68: {  	s17 =	sadd.s32 $0x1, s17  }
0x69: {  	p0 =	sne.s32 s17, $0x10  }
.Ltmp9:
0x6a: {  	_ = 	snop;
	(pc) =	sbr.rel @p0 .LBB2_10-.Ltmp9, $4  }
0x6b: {  	_ = 	snop  }
0x6c: {  	vm0 =	vgt.s32 v3, v2  }
0x6d: {  	v2 =	vsel vm0, v3, v2  }
0x6e: {  	[tilespmem:s18+$0xEA00] =	vst v2  }
0x6f: {  	s16 =	sadd.s32 $0x1, s16  }
0x70: {  	p0 =	sne.s32 s16, s9  }
.Ltmp10:
0x71: {  	_ = 	snop;
	(pc) =	sbr.rel @p0 .LBB2_1-.Ltmp10, $4  }
0x72: {  	[hbm4b:s8+s2] =	stream.linear.scatter [tilespmem:s14], [sflag:$0x1], $0x300, $0x38;
	[tilespmem:$0x12000] =	vst v63  }
0x73: {  	_ =	swait.ge [sflag:s10], $0x300  }
0x74: {  	[sflag:s10] =	ssyncset.done $0x0  }
0x75: {  	[sflag:s10] =	ssyncadd.s32 $0xFFFFFD00  }
0x76: {  	_ =	sfence.sel $0x180000  }
0x77: {  	[bflag:$0x0] =	sbarrier.arrive $0xFFFF  }
0x78: {  	p0 =	sne.s32 s0, $0x0;
	_ =	strace $0x9000004A  }
0x79: {  	s0 =	sadd.s32 @!p0 $0x100000, s1;
	[bflag:$0x2] =	sbarrier.arrive $0xFFFF  }
0x7a: {  	[sflag:s0] =	ssyncadd.tile.s32 @!p0 $0x1;
	_ =	shalt  }
.Lfunc_end2:
_tile_overlayer_lowered:
.L_overlay_start_2:
0x7b: {  	(tag) =	ssettag $0x2  }
0x7c: {  	s0 =	rddreg [dreg:$0x0];
	s2 =	stileid.u32  }
0x7d: {  	s1 =	rddreg [dreg:$0x1];
	p0 =	sne.s32 s2, $0x0  }
0x7e: {  	s3 =	rddreg [dreg:$0x2];
	[bflag:$0x3] =	sbarrier.arrive $0xFFFF;
	s2 =	simm.s32 @!p0 $0x1C01  }
0x7f: {  	[timem:s3], [sflag:s2] =	dma.local @!p0 [hbm:s0], s1  }
0x80: {  	s0 =	simm.s32 @!p0 $0x1  }
0x81: {  	_ =	swait.ge @!p0 [sflag:s0], s1  }
0x82: {  	s1 =	ssub.s32 @!p0 $0x0, s1;
	[sflag:s0] =	ssyncset.done @!p0 $0x0  }
0x83: {  	[sflag:s0] =	ssyncadd.s32 @!p0 s1  }
0x84: {  	[bflag:$0x3] =	sbarrier.arrive $0xFFFF  }
0x85: {  	_ =	shalt  }

// kernel: kernel.15.cloned.1.call-start
scs
__scs_entry_jumppad:
0x0: {  	(pc) =	sbr.rel $0x88, $3  }
0x1: {  	(tag) =	ssettag $0x0;
	lr =	simm.s32 $0x1  }
0x2: {  	[smem:$0x3F90] =	sst lr;
	_ =	strace $0xD0000000  }
0x3: {  	_ = 	snop  }
0x4: {  	_ = 	snop  }
0x5: {  	_ = 	snop  }
0x6: {  	_ = 	snop  }
0x7: {  	_ = 	snop  }
__scs_overlays_trampoline_lowered:
0x8: {  	[smem:$0x3F9F] =	sst s0  }
0x9: {  	[smem:$0x3FA0] =	sst s1  }
0xa: {  	[smem:$0x3FA1] =	sst s2  }
0xb: {  	[smem:$0x3FA2] =	sst s3  }
0xc: {  	[smem:$0x3FA3] =	sst s4  }
0xd: {  	[smem:$0x3FA4] =	sst s5  }
0xe: {  	[smem:$0x3FA5] =	sst s6  }
0xf: {  	[smem:$0x3FA6] =	sst s7  }
0x10: {  	[smem:$0x3FA7] =	sst s8  }
0x11: {  	[smem:$0x3FA8] =	sst s9;
	s0 =	simm.s32 @!p0 $0x0  }
0x12: {  	s1 =	sld [smem:$0x3F8E];
	s0 =	simm.s32 @p0 $0x1  }
0x13: {  	[smem:$0x3FA9] =	sst s0;
	s0 =	simm.s32 @!p1 $0x0  }
0x14: {  	s2 =	sld [smem:$0x3F8D];
	s0 =	simm.s32 @p1 $0x1  }
0x15: {  	[smem:$0x3FAA] =	sst s0;
	s0 =	simm.s32 @!p2 $0x0  }
0x16: {  	s3 =	sld [smem:$0x3FDB];
	s0 =	simm.s32 @p2 $0x1  }
0x17: {  	s4 =	simm.s32 $0x1BF5;
	[smem:$0x3FAC] =	sst s0  }
0x18: {  	s0 =	sld [smem:$0x3F8F];
	_ =	swait.ge [sflag:s4], $0x0  }
0x19: {  	s7 =	sld [smem:$0x3F90]  }
0x1a: {  	s8 =	sadd.s32 $0xFFFFE003, lr  }
0x1b: {  	s9 =	sadd.s32 $0xFFFFFEF7, lr;
	s5 =	simm.s32 $0xFFFFFFFF;
	p2 =	slt.u32 s8, $0xFFFFF086  }
0x1c: {  	p1 =	slt.u32 s9, $0xF7A;
	s5 =	simm.s32 @!p2 $0x0  }
0x1d: {  	s5 =	simm.s32 @p1 $0x1;
	p0 =	seq.s32 s7, s2  }
0x1e: {  	s7 =	smul.u32 @!p0 $0xF7A, s2;
	p2 =	seq.s32 @!p0 s5, $0x0  }
0x1f: {  	s9 =	smul.u32 $0xF7A, s1;
	s8 =	simm.s32 @!p0 $0x1BF5;
	p2 =	por !p2, p0  }
0x20: {  	[sflag:s8] =	ssyncset.s32 @!p0 $0xFFFFF086;
	s6 =	sadd.s32 @!p0 s3, s7;
	s7 =	simm.s32 @!p0 $0x108  }
0x21: {  	s3 =	sadd.s32 s3, s9;
	s6 =	sadd.s32 @!p0 $0x88, s6;
	s7 =	simm.s32 @p2 $0x1082  }
0x22: {  	[simem:s7], [sflag:s8] =	dma.local @!p0 [hbm:s6], $0xF7A  }
0x23: {  	s9 =	sor.u32 $0xD0000000, s2;
	s6 =	simm.s32 $0x108;
	_ =	swait.ge @!p0 [sflag:s8], $0x0  }
0x24: {  	s3 =	sadd.s32 $0x88, s3;
	s6 =	simm.s32 @!p1 $0x1082;
	[sflag:s4] =	ssyncset.s32 $0xFFFFF086  }
0x25: {  	[simem:s6], [sflag:s4] =	dma.local [hbm:s3], $0xF7A  }
0x26: {  	[smem:$0x3F90] =	sst s1;
	(tag) =	ssettag s2;
	_ =	strace s9  }
0x27: {  	s1 =	sld [smem:$0x3FA0]  }
0x28: {  	s2 =	sld [smem:$0x3FA1]  }
0x29: {  	s4 =	sld [smem:$0x3FA3]  }
0x2a: {  	p0 =	seq.s32 s5, $0x0;
	s5 =	sld [smem:$0x3FA4]  }
0x2b: {  	s6 =	sld [smem:$0x3FA5]  }
0x2c: {  	s7 =	sld [smem:$0x3FA6]  }
0x2d: {  	s3 =	simm.s32 $0x108;
	s8 =	sld [smem:$0x3FA7]  }
0x2e: {  	s3 =	simm.s32 @!p0 $0x1082;
	s9 =	sld [smem:$0x3FA8]  }
0x2f: {  	lr =	sadd.s32 s0, s3;
	s0 =	sld [smem:$0x3F9F]  }
0x30: {  	s3 =	sld [smem:$0x3FA2]  }
0x31: {  	[smem:$0x3FAB] =	sst s10  }
0x32: {  	s10 =	sld [smem:$0x3FA9];
	_ =	sdelay $0x3  }
0x33: {  	p0 =	seq.s32 s10, $0x1;
	s10 =	sld [smem:$0x3FAB];
	_ =	sdelay $0x3  }
0x34: {  	[smem:$0x3FAB] =	sst s10  }
0x35: {  	s10 =	sld [smem:$0x3FAA];
	_ =	sdelay $0x3  }
0x36: {  	p1 =	seq.s32 s10, $0x1;
	s10 =	sld [smem:$0x3FAB];
	_ =	sdelay $0x3  }
0x37: {  	[smem:$0x3FAB] =	sst s10  }
0x38: {  	s10 =	sld [smem:$0x3FAC]  }
0x39: {  	_ = 	snop;
	(pc) =	sbr.ind lr, $3  }
0x3a: {  	_ = 	snop  }
0x3b: {  	_ = 	snop  }
0x3c: {  	p2 =	seq.s32 s10, $0x1;
	s10 =	sld [smem:$0x3FAB]  }
0x3d: {  	_ =	shalt  }
0x3e: {  	_ =	shalt  }
0x3f: {  	_ =	shalt  }
0x40: {  	_ =	shalt  }
0x41: {  	_ =	shalt  }
0x42: {  	_ =	shalt  }
0x43: {  	_ =	shalt  }
0x44: {  	_ =	shalt  }
0x45: {  	_ =	shalt  }
0x46: {  	_ =	shalt  }
0x47: {  	_ =	shalt  }
0x48: {  	_ =	shalt  }
0x49: {  	_ =	shalt  }
0x4a: {  	_ =	shalt  }
0x4b: {  	_ =	shalt  }
0x4c: {  	_ =	shalt  }
0x4d: {  	_ =	shalt  }
0x4e: {  	_ =	shalt  }
0x4f: {  	_ =	shalt  }
0x50: {  	_ =	shalt  }
0x51: {  	_ =	shalt  }
0x52: {  	_ =	shalt  }
0x53: {  	_ =	shalt  }
0x54: {  	_ =	shalt  }
0x55: {  	_ =	shalt  }
0x56: {  	_ =	shalt  }
0x57: {  	_ =	shalt  }
0x58: {  	_ =	shalt  }
0x59: {  	_ =	shalt  }
0x5a: {  	_ =	shalt  }
0x5b: {  	_ =	shalt  }
0x5c: {  	_ =	shalt  }
0x5d: {  	_ =	shalt  }
0x5e: {  	_ =	shalt  }
0x5f: {  	_ =	shalt  }
0x60: {  	_ =	shalt  }
0x61: {  	_ =	shalt  }
0x62: {  	_ =	shalt  }
0x63: {  	_ =	shalt  }
0x64: {  	_ =	shalt  }
0x65: {  	_ =	shalt  }
0x66: {  	_ =	shalt  }
0x67: {  	_ =	shalt  }
0x68: {  	_ =	shalt  }
0x69: {  	_ =	shalt  }
0x6a: {  	_ =	shalt  }
0x6b: {  	_ =	shalt  }
0x6c: {  	_ =	shalt  }
0x6d: {  	_ =	shalt  }
0x6e: {  	_ =	shalt  }
0x6f: {  	_ =	shalt  }
0x70: {  	_ =	shalt  }
0x71: {  	_ =	shalt  }
0x72: {  	_ =	shalt  }
0x73: {  	_ =	shalt  }
0x74: {  	_ =	shalt  }
0x75: {  	_ =	shalt  }
0x76: {  	_ =	shalt  }
0x77: {  	_ =	shalt  }
0x78: {  	_ =	shalt  }
0x79: {  	_ =	shalt  }
0x7a: {  	_ =	shalt  }
0x7b: {  	_ =	shalt  }
0x7c: {  	_ =	shalt  }
0x7d: {  	_ =	shalt  }
0x7e: {  	_ =	shalt  }
0x7f: {  	_ =	shalt  }
0x80: {  	_ =	shalt  }
0x81: {  	_ =	shalt  }
0x82: {  	_ =	shalt  }
0x83: {  	_ =	shalt  }
0x84: {  	_ =	shalt  }
0x85: {  	_ =	shalt  }
0x86: {  	_ =	shalt  }
0x87: {  	_ =	shalt  }
.Lfunc_end0:
.L_simem_size_0:
called_computation.3_lowered:
.L_overlay_start_0:
0x88: {  	s2 =	sld [smem:$0x3FD9]  }
0x89: {  	s3 =	sld [smem:$0x3FFE];
	_ =	sdelay $0x1  }
0x8a: {  	s1 =	srdreg.scid  }
0x8b: {  	s0 =	sand.u32 $0x1, s1  }
0x8c: {  	s14 =	sshll.u32 s0, $0xA;
	s2 =	sadd.s32 s3, s2  }
0x8d: {  	s2 =	sadd.s32 s2, s14  }
0x8e: {  	[smem:$0x3FB7] =	sst s2  }
0x8f: {  	_ = 	snop  }
0x90: {  	s2 =	sld [smem:$0x3FD0];
	_ =	sdelay $0x2  }
0x91: {  	s15 =	simm.s32 $0xB;
	s4 =	simm.s32 $0x10  }
0x92: {  	[smem:s4], [sflag:s15] =	dma.local [hbm:s2], $0x1  }
0x93: {  	_ =	swait.eq [sflag:s15], $0x1  }
0x94: {  	[sflag:s15] =	ssyncset.done $0x0  }
0x95: {  	[sflag:s15] =	ssyncadd.s32 $0xFFFFFFFF  }
0x96: {  	s16 =	sld [smem:$0x10];
	(tm) =	ssettm $0x1  }
0x97: {  	s17 =	sld [smem:$0x3FFB];
	_ =	sdelay $0x3  }
0x98: {  	_ =	strace s17  }
0x99: {  	s3 =	sld [smem:$0x3FFC];
	_ =	sdelay $0x3  }
0x9a: {  	_ =	strace s3  }
0x9b: {  	s3 =	sld [smem:$0x3FFD];
	_ =	sdelay $0x3  }
0x9c: {  	_ =	strace s3  }
0x9d: {  	_ =	strace $0x8FFFFFFF  }
0x9e: {  	s18 =	sld [smem:$0x3FDB];
	_ =	sdelay $0x1  }
0x9f: {  	s19 =	simm.s32 $_scs_section_size  }
0xa0: {  	s5 =	simm.s32 $_size__tile_overlayer_lowered;
	s6 =	simm.s32 $_tile_overlayer_lowered  }
0xa1: {  	s22 =	simm.s32 $0x1BFF;
	s21 =	sshll.u32 s6, $0x1;
	s3 =	sadd.s32 s19, s18  }
0xa2: {  	s7 =	simm.s32 $0x0;
	s20 =	sshll.u32 s5, $0x1;
	s5 =	sadd.s32 s21, s3  }
0xa3: {  	[timem:s7], [sflag:s22] =	dma.local [hbm:s5], s20  }
0xa4: {  	_ =	swait.ge [sflag:s22], s20  }
0xa5: {  	s4 =	ssub.s32 $0x0, s20;
	[sflag:s22] =	ssyncset.done $0x0  }
0xa6: {  	[sflag:s22] =	ssyncadd.s32 s4;
	_ =	sdelay $0x1  }
0xa7: {  	s23 =	simm.s32 $0x1B8B  }
0xa8: {  	_ =	swait.ge [sflag:s23], $0x1  }
0xa9: {  	[sflag:s23] =	ssyncset.done $0x0  }
0xaa: {  	s25 =	simm.s32 $0x1B8E;
	s24 =	sld [smem:$0x3FFE];
	[sflag:s23] =	ssyncadd.s32 $0xFFFFFFFF  }
0xab: {  	s26 =	simm.s32 $execute0_lowered;
	[smem:$0x3FD2] =	sst s25  }
0xac: {  	s5 =	sshll.u32 s26, $0x1;
	_ =	strace $0x8000004F;
	[dreg:$0x1] =	wrdreg $0xFFFFFFFF  }
0xad: {  	s28 =	simm.s32 $_size_execute0_lowered;
	s3 =	sadd.s32 s3, s5;
	[dreg:$0x0] =	wrdreg $0x0  }
0xae: {  	s5 =	sshll.u32 s28, $0x1;
	[dreg:$0x2] =	wrdreg s3  }
0xaf: {  	[dreg:$0x3] =	wrdreg s5  }
0xb0: {  	[dreg:$0x4] =	wrdreg $0xC0  }
0xb1: {  	_ =	task [dreg:s7], $0x5FFFF  }
0xb2: {  	[dreg:$0x1] =	wrdreg $0xFFFFFFFF  }
0xb3: {  	[dreg:$0x0] =	wrdreg $0x60  }
0xb4: {  	[dreg:$0x2] =	wrdreg s24  }
0xb5: {  	[dreg:$0x3] =	wrdreg s16  }
0xb6: {  	[dreg:$0x4] =	wrdreg $0x9  }
0xb7: {  	_ =	task.clear_ibuf [dreg:s7], $0x5FFFF;
	_ =	strace $0x9000004F  }
0xb8: {  	s29 =	simm.s32 $0x9;
	_ =	strace $0x80000051  }
0xb9: {  	_ =	swait.ge [sflag:s29], $0x1  }
0xba: {  	[sflag:s29] =	ssyncadd.s32 $0xFFFFFFFF  }
0xbb: {  	_ =	strace $0x90000051  }
0xbc: {  	_ =	sfence  }
0xbd: {  	s30 =	sld [smem:$0x0];
	_ =	sdelay $0x2  }
0xbe: {  	s31 =	sshll.u32 s1, $0xD;
	s1 =	sshrl.u32 s1, $0x2  }
0xbf: {  	s3 =	sand.u32 $0x4000, s31;
	s1 =	sadd.s32 s1, s30  }
0xc0: {  	s0 =	sor.u32 s3, s0;
	s1 =	sshll.u32 s1, $0x11  }
0xc1: {  	s0 =	sor.u32 s1, s0  }
0xc2: {  	s0 =	sadd.s32 $0x8F2B, s0  }
0xc3: {  	[sflag:s0] =	ssyncadd.remote.s32 $0x1  }
0xc4: {  	_ =	sfence.sel $0xFFFF  }
0xc5: {  	[dreg:$0x0] =	wrdreg $0xFFFFFFFF;
	(pc) =	sbr.abs _section_cstart, $3  }
0xc6: {  	[dreg:$0x1] =	wrdreg $0xFFFFFFFF  }
0xc7: {  	_ =	task.clear_ibuf [dreg:s7], $0x2FFFF;
	_ =	strace $0x9FFFFFFF  }
0xc8: {  	(tm) =	ssettm $0x7FFFFFFF  }
0xc9: {  	_ =	shalt  }
tec
execute0_lowered:
.L_overlay_start_1:
0x0: {  	(tag) =	ssettag $0x1  }
0x1: {  	s4 =	rddreg [dreg:$0x0]  }
0x2: {  	s5 =	rddreg [dreg:$0x1]  }
0x3: {  	s0 =	rddreg [dreg:$0x2]  }
0x4: {  	s3 =	srdreg.scid;
	s1 =	stileid.u32  }
0x5: {  	s2 =	simm.s32 $0x0;
	s10 =	simm.s32 $0x2000;
	s11 =	simm.s32 $0x180  }
0x6: {  	s12 =	simm.s32 $0x10180;
	s13 =	simm.s32 $0x0;
	s3 =	sand.u32 $0x1, s3  }
0x7: {  	s6 =	sshll.u32 s1, $0x1;
	[smem:$0x7FF] =	sst s2;
	s7 =	ssub.s32 $0x2, s3  }
0x8: {  	s6 =	sor.u32 s3, s6;
	_ =	strace $0x80000050;
	s3 =	sadd.s32 $0x46200, s4  }
0x9: {  	s4 =	sadd.s32 $0x4000, s4;
	s8 =	sshrl.u32 s7, $0x1;
	s9 =	smul.u32 $0x30, s6  }
0xa: {  	v0 =	vlaneseq.u32;
	s6 =	smul.u32 $0x3, s6;
	s7 =	ssub.s32 s7, s8;
	s8 =	simm.s32 $0x1  }
0xb: {  	v0 =	vmul.u32 $0x20, v0;
	s5 =	sadd.s32 s5, s9;
	s7 =	smax.u32 s7, $0x1;
	s9 =	simm.s32 $0x800  }
.LBB2_1:
0xc: {  	[tilespmem:s2], [sflag:$0x1] =	stream.linear.gather [hbm4b:s5+s2], $0x180, $0x38;
	[tilespmem:$0x11180] =	vst v63  }
0xd: {  	_ =	swait.ge [sflag:s8], $0x180  }
0xe: {  	[sflag:s8] =	ssyncset.done $0x0  }
0xf: {  	[sflag:s8] =	ssyncadd.s32 $0xFFFFFE80  }
0x10: {  	[tilespmem:s11], [sflag:$0x1] =	stream.strided.gather [hbm4b:s3+s9], $0x10000, s10, s9, $0x38;
	[tilespmem:$0x11180] =	vst v63  }
0x11: {  	_ =	swait.ge [sflag:s8], $0x10000  }
0x12: {  	[sflag:s8] =	ssyncset.done $0x0  }
0x13: {  	s14 =	simm.s32 $0x0;
	[sflag:s8] =	ssyncadd.s32 $0xFFFF0000  }
.LBB2_2:
0x14: {  	s15 =	sshll.u32 s14, $0x7  }
0x15: {  	s16 =	sand.u32 $0x3FFFFF80, s15  }
0x16: {  	s15 =	simm.s32 $0x0;
	v1 =	vmov s16;
	s16 =	simm.s32 $0x0  }
.LBB2_3:
0x17: {  	_ =	sdelay $0x2  }
0x18: {  	s17 =	sshll.u32 s16, $0x4  }
0x19: {  	v2 =	vld.idx.msk [tilespmem:v1+s17+$0x0 ss:$0x1], $0xffff;
	_ =	sdelay $0x2  }
0x1a: {  	v3 =	vmov s15  }
0x1b: {  	v3 =	vshll.u32 v3, $0xB  }
0x1c: {  	v4 =	vadd.s32 v2, v3;
	_ =	sdelay $0x2  }
0x1d: {  	v3 =	vmov s17  }
0x1e: {  	s17 =	simm.s32 $0x1;
	v3 =	vshll.u32 v3, $0x5  }
0x1f: {  	s18 =	simm.s32 $0x2;
	s19 =	simm.s32 $0x0;
	v5 =	vmov s17;
	v3 =	vor.u32 v0, v3;
	v4 =	vld.idx.msk [tilespmem:v4+s11+$0x0], $0xffff  }
.LBB2_4:
0x20: {  	p0 =	sne.s32 s18, $0x1F;
	v5 =	vshll.u32 v5, $0xB;
	v6 =	vadd.s32 s19, v3;
	s19 =	smov.u32 s17;
	s17 =	smov.u32 s18  }
0x21: {  	v7 =	vadd.s32 v2, v5  }
.Ltmp0:
0x22: {  	(pc) =	sbr.rel @p0 .LBB2_4-.Ltmp0, $3  }
0x23: {  	_ =	sdelay $0x1  }
0x24: {  	[tilespmem:v6+s12+$0x0] =	vst.idx.msk $0xffff, v4  }
0x25: {  	s18 =	sadd.s32 $0x1, s18;
	v5 =	vmov s17;
	v4 =	vld.idx.msk [tilespmem:v7+s11+$0x0], $0xffff  }
0x26: {  	v5 =	vshll.u32 v5, $0xB;
	v6 =	vadd.s32 s19, v3  }
0x27: {  	v2 =	vadd.s32 v2, v5;
	_ =	sdelay $0x3  }
0x28: {  	s16 =	sadd.s32 $0x1, s16;
	[tilespmem:v6+s12+$0x0] =	vst.idx.msk $0xffff, v4  }
0x29: {  	v3 =	vadd.s32 s17, v3;
	p0 =	sne.s32 s16, $0x8;
	v2 =	vld.idx.msk [tilespmem:v2+s11+$0x0], $0xffff  }
.Ltmp1:
0x2a: {  	_ = 	snop;
	(pc) =	sbr.rel @p0 .LBB2_3-.Ltmp1, $2  }
0x2b: {  	_ =	sdelay $0x2  }
0x2c: {  	[tilespmem:v3+s12+$0x0] =	vst.idx.msk $0xffff, v2  }
0x2d: {  	s15 =	sadd.s32 s6, s14;
	s14 =	sadd.s32 $0x1, s14  }
0x2e: {  	s15 =	sshll.u32 s15, $0x9;
	p0 =	sne.s32 s14, $0x3  }
.Ltmp2:
0x2f: {  	s15 =	sadd.s32 s4, s15;
	(pc) =	sbr.rel @p0 .LBB2_2-.Ltmp2, $4  }
0x30: {  	[hbm4b:s15+s2] =	stream.linear.scatter [tilespmem:s12], [sflag:$0x1], $0x1000, $0x38;
	[tilespmem:$0x11180] =	vst v63  }
0x31: {  	_ =	swait.ge [sflag:s8], $0x1000  }
0x32: {  	[sflag:s8] =	ssyncset.done $0x0  }
0x33: {  	[sflag:s8] =	ssyncadd.s32 $0xFFFFF000  }
0x34: {  	s13 =	sadd.s32 $0x1, s13  }
0x35: {  	p0 =	sne.s32 s13, s7  }
.Ltmp3:
0x36: {  	_ = 	snop;
	(pc) =	sbr.rel @p0 .LBB2_1-.Ltmp3, $1  }
0x37: {  	_ =	sdelay $0x3  }
0x38: {  	_ =	sfence.sel $0x180000  }
0x39: {  	[bflag:$0x0] =	sbarrier.arrive $0xFFFF  }
0x3a: {  	p0 =	sne.s32 s1, $0x0;
	_ =	strace $0x90000050  }
0x3b: {  	s0 =	sadd.s32 @!p0 $0x100000, s0;
	[bflag:$0x2] =	sbarrier.arrive $0xFFFF  }
0x3c: {  	[sflag:s0] =	ssyncadd.tile.s32 @!p0 $0x1;
	_ =	shalt  }
.Lfunc_end2:
_tile_overlayer_lowered:
.L_overlay_start_2:
0x3d: {  	(tag) =	ssettag $0x2  }
0x3e: {  	s0 =	rddreg [dreg:$0x0];
	s2 =	stileid.u32  }
0x3f: {  	s1 =	rddreg [dreg:$0x1];
	p0 =	sne.s32 s2, $0x0  }
0x40: {  	s3 =	rddreg [dreg:$0x2];
	[bflag:$0x3] =	sbarrier.arrive $0xFFFF;
	s2 =	simm.s32 @!p0 $0x1C01  }
0x41: {  	[timem:s3], [sflag:s2] =	dma.local @!p0 [hbm:s0], s1  }
0x42: {  	s0 =	simm.s32 @!p0 $0x1  }
0x43: {  	_ =	swait.ge @!p0 [sflag:s0], s1  }
0x44: {  	s1 =	ssub.s32 @!p0 $0x0, s1;
	[sflag:s0] =	ssyncset.done @!p0 $0x0  }
0x45: {  	[sflag:s0] =	ssyncadd.s32 @!p0 s1  }
0x46: {  	[bflag:$0x3] =	sbarrier.arrive $0xFFFF  }
0x47: {  	_ =	shalt  }

// kernel: kernel.18.cloned.1.call-start
scs
__scs_entry_jumppad:
0x0: {  	(pc) =	sbr.rel $0x88, $3  }
0x1: {  	(tag) =	ssettag $0x0;
	lr =	simm.s32 $0x1  }
0x2: {  	[smem:$0x3F90] =	sst lr;
	_ =	strace $0xD0000000  }
0x3: {  	_ = 	snop  }
0x4: {  	_ = 	snop  }
0x5: {  	_ = 	snop  }
0x6: {  	_ = 	snop  }
0x7: {  	_ = 	snop  }
__scs_overlays_trampoline_lowered:
0x8: {  	[smem:$0x3F9F] =	sst s0  }
0x9: {  	[smem:$0x3FA0] =	sst s1  }
0xa: {  	[smem:$0x3FA1] =	sst s2  }
0xb: {  	[smem:$0x3FA2] =	sst s3  }
0xc: {  	[smem:$0x3FA3] =	sst s4  }
0xd: {  	[smem:$0x3FA4] =	sst s5  }
0xe: {  	[smem:$0x3FA5] =	sst s6  }
0xf: {  	[smem:$0x3FA6] =	sst s7  }
0x10: {  	[smem:$0x3FA7] =	sst s8  }
0x11: {  	[smem:$0x3FA8] =	sst s9;
	s0 =	simm.s32 @!p0 $0x0  }
0x12: {  	s1 =	sld [smem:$0x3F8E];
	s0 =	simm.s32 @p0 $0x1  }
0x13: {  	[smem:$0x3FA9] =	sst s0;
	s0 =	simm.s32 @!p1 $0x0  }
0x14: {  	s2 =	sld [smem:$0x3F8D];
	s0 =	simm.s32 @p1 $0x1  }
0x15: {  	[smem:$0x3FAA] =	sst s0;
	s0 =	simm.s32 @!p2 $0x0  }
0x16: {  	s3 =	sld [smem:$0x3FDB];
	s0 =	simm.s32 @p2 $0x1  }
0x17: {  	s4 =	simm.s32 $0x1BF5;
	[smem:$0x3FAC] =	sst s0  }
0x18: {  	s0 =	sld [smem:$0x3F8F];
	_ =	swait.ge [sflag:s4], $0x0  }
0x19: {  	s7 =	sld [smem:$0x3F90]  }
0x1a: {  	s8 =	sadd.s32 $0xFFFFE003, lr  }
0x1b: {  	s9 =	sadd.s32 $0xFFFFFEF7, lr;
	s5 =	simm.s32 $0xFFFFFFFF;
	p2 =	slt.u32 s8, $0xFFFFF086  }
0x1c: {  	p1 =	slt.u32 s9, $0xF7A;
	s5 =	simm.s32 @!p2 $0x0  }
0x1d: {  	s5 =	simm.s32 @p1 $0x1;
	p0 =	seq.s32 s7, s2  }
0x1e: {  	s7 =	smul.u32 @!p0 $0xF7A, s2;
	p2 =	seq.s32 @!p0 s5, $0x0  }
0x1f: {  	s9 =	smul.u32 $0xF7A, s1;
	s8 =	simm.s32 @!p0 $0x1BF5;
	p2 =	por !p2, p0  }
0x20: {  	[sflag:s8] =	ssyncset.s32 @!p0 $0xFFFFF086;
	s6 =	sadd.s32 @!p0 s3, s7;
	s7 =	simm.s32 @!p0 $0x108  }
0x21: {  	s3 =	sadd.s32 s3, s9;
	s6 =	sadd.s32 @!p0 $0x88, s6;
	s7 =	simm.s32 @p2 $0x1082  }
0x22: {  	[simem:s7], [sflag:s8] =	dma.local @!p0 [hbm:s6], $0xF7A  }
0x23: {  	s9 =	sor.u32 $0xD0000000, s2;
	s6 =	simm.s32 $0x108;
	_ =	swait.ge @!p0 [sflag:s8], $0x0  }
0x24: {  	s3 =	sadd.s32 $0x88, s3;
	s6 =	simm.s32 @!p1 $0x1082;
	[sflag:s4] =	ssyncset.s32 $0xFFFFF086  }
0x25: {  	[simem:s6], [sflag:s4] =	dma.local [hbm:s3], $0xF7A  }
0x26: {  	[smem:$0x3F90] =	sst s1;
	(tag) =	ssettag s2;
	_ =	strace s9  }
0x27: {  	s1 =	sld [smem:$0x3FA0]  }
0x28: {  	s2 =	sld [smem:$0x3FA1]  }
0x29: {  	s4 =	sld [smem:$0x3FA3]  }
0x2a: {  	p0 =	seq.s32 s5, $0x0;
	s5 =	sld [smem:$0x3FA4]  }
0x2b: {  	s6 =	sld [smem:$0x3FA5]  }
0x2c: {  	s7 =	sld [smem:$0x3FA6]  }
0x2d: {  	s3 =	simm.s32 $0x108;
	s8 =	sld [smem:$0x3FA7]  }
0x2e: {  	s3 =	simm.s32 @!p0 $0x1082;
	s9 =	sld [smem:$0x3FA8]  }
0x2f: {  	lr =	sadd.s32 s0, s3;
	s0 =	sld [smem:$0x3F9F]  }
0x30: {  	s3 =	sld [smem:$0x3FA2]  }
0x31: {  	[smem:$0x3FAB] =	sst s10  }
0x32: {  	s10 =	sld [smem:$0x3FA9];
	_ =	sdelay $0x3  }
0x33: {  	p0 =	seq.s32 s10, $0x1;
	s10 =	sld [smem:$0x3FAB];
	_ =	sdelay $0x3  }
0x34: {  	[smem:$0x3FAB] =	sst s10  }
0x35: {  	s10 =	sld [smem:$0x3FAA];
	_ =	sdelay $0x3  }
0x36: {  	p1 =	seq.s32 s10, $0x1;
	s10 =	sld [smem:$0x3FAB];
	_ =	sdelay $0x3  }
0x37: {  	[smem:$0x3FAB] =	sst s10  }
0x38: {  	s10 =	sld [smem:$0x3FAC]  }
0x39: {  	_ = 	snop;
	(pc) =	sbr.ind lr, $3  }
0x3a: {  	_ = 	snop  }
0x3b: {  	_ = 	snop  }
0x3c: {  	p2 =	seq.s32 s10, $0x1;
	s10 =	sld [smem:$0x3FAB]  }
0x3d: {  	_ =	shalt  }
0x3e: {  	_ =	shalt  }
0x3f: {  	_ =	shalt  }
0x40: {  	_ =	shalt  }
0x41: {  	_ =	shalt  }
0x42: {  	_ =	shalt  }
0x43: {  	_ =	shalt  }
0x44: {  	_ =	shalt  }
0x45: {  	_ =	shalt  }
0x46: {  	_ =	shalt  }
0x47: {  	_ =	shalt  }
0x48: {  	_ =	shalt  }
0x49: {  	_ =	shalt  }
0x4a: {  	_ =	shalt  }
0x4b: {  	_ =	shalt  }
0x4c: {  	_ =	shalt  }
0x4d: {  	_ =	shalt  }
0x4e: {  	_ =	shalt  }
0x4f: {  	_ =	shalt  }
0x50: {  	_ =	shalt  }
0x51: {  	_ =	shalt  }
0x52: {  	_ =	shalt  }
0x53: {  	_ =	shalt  }
0x54: {  	_ =	shalt  }
0x55: {  	_ =	shalt  }
0x56: {  	_ =	shalt  }
0x57: {  	_ =	shalt  }
0x58: {  	_ =	shalt  }
0x59: {  	_ =	shalt  }
0x5a: {  	_ =	shalt  }
0x5b: {  	_ =	shalt  }
0x5c: {  	_ =	shalt  }
0x5d: {  	_ =	shalt  }
0x5e: {  	_ =	shalt  }
0x5f: {  	_ =	shalt  }
0x60: {  	_ =	shalt  }
0x61: {  	_ =	shalt  }
0x62: {  	_ =	shalt  }
0x63: {  	_ =	shalt  }
0x64: {  	_ =	shalt  }
0x65: {  	_ =	shalt  }
0x66: {  	_ =	shalt  }
0x67: {  	_ =	shalt  }
0x68: {  	_ =	shalt  }
0x69: {  	_ =	shalt  }
0x6a: {  	_ =	shalt  }
0x6b: {  	_ =	shalt  }
0x6c: {  	_ =	shalt  }
0x6d: {  	_ =	shalt  }
0x6e: {  	_ =	shalt  }
0x6f: {  	_ =	shalt  }
0x70: {  	_ =	shalt  }
0x71: {  	_ =	shalt  }
0x72: {  	_ =	shalt  }
0x73: {  	_ =	shalt  }
0x74: {  	_ =	shalt  }
0x75: {  	_ =	shalt  }
0x76: {  	_ =	shalt  }
0x77: {  	_ =	shalt  }
0x78: {  	_ =	shalt  }
0x79: {  	_ =	shalt  }
0x7a: {  	_ =	shalt  }
0x7b: {  	_ =	shalt  }
0x7c: {  	_ =	shalt  }
0x7d: {  	_ =	shalt  }
0x7e: {  	_ =	shalt  }
0x7f: {  	_ =	shalt  }
0x80: {  	_ =	shalt  }
0x81: {  	_ =	shalt  }
0x82: {  	_ =	shalt  }
0x83: {  	_ =	shalt  }
0x84: {  	_ =	shalt  }
0x85: {  	_ =	shalt  }
0x86: {  	_ =	shalt  }
0x87: {  	_ =	shalt  }
.Lfunc_end0:
.L_simem_size_0:
called_computation.4_lowered:
.L_overlay_start_0:
0x88: {  	s2 =	sld [smem:$0x3FD9]  }
0x89: {  	s3 =	sld [smem:$0x3FFE];
	_ =	sdelay $0x1  }
0x8a: {  	s1 =	srdreg.scid  }
0x8b: {  	s0 =	sand.u32 $0x1, s1  }
0x8c: {  	s16 =	sshll.u32 s0, $0xA;
	s2 =	sadd.s32 s3, s2  }
0x8d: {  	s2 =	sadd.s32 s2, s16  }
0x8e: {  	[smem:$0x3FB7] =	sst s2  }
0x8f: {  	_ = 	snop  }
0x90: {  	(tm) =	ssettm $0x1  }
0x91: {  	s17 =	sld [smem:$0x3FFB];
	_ =	sdelay $0x3  }
0x92: {  	_ =	strace s17  }
0x93: {  	s2 =	sld [smem:$0x3FFC];
	_ =	sdelay $0x3  }
0x94: {  	_ =	strace s2  }
0x95: {  	s2 =	sld [smem:$0x3FFD];
	_ =	sdelay $0x3  }
0x96: {  	_ =	strace s2  }
0x97: {  	_ =	strace $0x8FFFFFFF  }
0x98: {  	s18 =	sld [smem:$0x3FDB];
	_ =	sdelay $0x1  }
0x99: {  	s19 =	simm.s32 $_scs_section_size  }
0x9a: {  	s4 =	simm.s32 $_size__tile_overlayer_lowered;
	s5 =	simm.s32 $_tile_overlayer_lowered  }
0x9b: {  	s22 =	simm.s32 $0x1BFF;
	s21 =	sshll.u32 s5, $0x1;
	s2 =	sadd.s32 s19, s18  }
0x9c: {  	s6 =	simm.s32 $0x0;
	s20 =	sshll.u32 s4, $0x1;
	s4 =	sadd.s32 s21, s2  }
0x9d: {  	[timem:s6], [sflag:s22] =	dma.local [hbm:s4], s20  }
0x9e: {  	_ =	swait.ge [sflag:s22], s20  }
0x9f: {  	s3 =	ssub.s32 $0x0, s20;
	[sflag:s22] =	ssyncset.done $0x0  }
0xa0: {  	[sflag:s22] =	ssyncadd.s32 s3;
	_ =	sdelay $0x1  }
0xa1: {  	s23 =	simm.s32 $0x1B8B  }
0xa2: {  	_ =	swait.ge [sflag:s23], $0x1  }
0xa3: {  	[sflag:s23] =	ssyncset.done $0x0  }
0xa4: {  	s25 =	simm.s32 $0x1B8E;
	s24 =	sld [smem:$0x3FFE];
	[sflag:s23] =	ssyncadd.s32 $0xFFFFFFFF  }
0xa5: {  	s26 =	simm.s32 $execute0_lowered;
	[smem:$0x3FD2] =	sst s25  }
0xa6: {  	s4 =	sshll.u32 s26, $0x1;
	_ =	strace $0x80000052;
	[dreg:$0x1] =	wrdreg $0xFFFFFFFF  }
0xa7: {  	s28 =	simm.s32 $_size_execute0_lowered;
	s2 =	sadd.s32 s2, s4;
	[dreg:$0x0] =	wrdreg $0x0  }
0xa8: {  	s4 =	sshll.u32 s28, $0x1;
	[dreg:$0x2] =	wrdreg s2  }
0xa9: {  	[dreg:$0x3] =	wrdreg s4  }
0xaa: {  	[dreg:$0x4] =	wrdreg $0xC0  }
0xab: {  	_ =	task [dreg:s6], $0x5FFFF  }
0xac: {  	[dreg:$0x1] =	wrdreg $0xFFFFFFFF  }
0xad: {  	[dreg:$0x0] =	wrdreg $0x60  }
0xae: {  	[dreg:$0x2] =	wrdreg s24  }
0xaf: {  	[dreg:$0x3] =	wrdreg $0x9  }
0xb0: {  	_ =	task.clear_ibuf [dreg:s6], $0x4FFFF;
	_ =	strace $0x90000052  }
0xb1: {  	s29 =	simm.s32 $0x9;
	_ =	strace $0x80000054  }
0xb2: {  	_ =	swait.ge [sflag:s29], $0x1  }
0xb3: {  	[sflag:s29] =	ssyncadd.s32 $0xFFFFFFFF  }
0xb4: {  	_ =	strace $0x90000054  }
0xb5: {  	_ =	sfence  }
0xb6: {  	s30 =	sld [smem:$0x0];
	_ =	sdelay $0x2  }
0xb7: {  	s31 =	sshll.u32 s1, $0xD;
	s1 =	sshrl.u32 s1, $0x2  }
0xb8: {  	s3 =	sand.u32 $0x4000, s31;
	s1 =	sadd.s32 s1, s30  }
0xb9: {  	s0 =	sor.u32 s3, s0;
	s1 =	sshll.u32 s1, $0x11  }
0xba: {  	s0 =	sor.u32 s1, s0  }
0xbb: {  	s0 =	sadd.s32 $0x8F2B, s0  }
0xbc: {  	[sflag:s0] =	ssyncadd.remote.s32 $0x1  }
0xbd: {  	_ =	sfence.sel $0xFFFF  }
0xbe: {  	[dreg:$0x0] =	wrdreg $0xFFFFFFFF;
	(pc) =	sbr.abs _section_cstart, $3  }
0xbf: {  	[dreg:$0x1] =	wrdreg $0xFFFFFFFF  }
0xc0: {  	_ =	task.clear_ibuf [dreg:s6], $0x2FFFF;
	_ =	strace $0x9FFFFFFF  }
0xc1: {  	(tm) =	ssettm $0x7FFFFFFF  }
tec
execute0_lowered:
.L_overlay_start_1:
0x0: {  	(tag) =	ssettag $0x1  }
0x1: {  	s1 =	srdreg.scid  }
0x2: {  	s0 =	stileid.u32;
	s6 =	rddreg [dreg:$0x0];
	s2 =	simm.s32 $0x0  }
0x3: {  	s13 =	simm.s32 $0x2000;
	s14 =	simm.s32 $0x5E00;
	s15 =	simm.s32 $0x4E00  }
0x4: {  	s16 =	simm.s32 $0x6E00;
	s17 =	simm.s32 $0x1;
	s18 =	simm.s32 $0x3  }
0x5: {  	s19 =	simm.s32 $0x2;
	s20 =	simm.s32 $0x4;
	s21 =	simm.s32 $0x7E00  }
0x6: {  	s5 =	sand.u32 $0x1, s1;
	s28 =	sshll.u32 s0, $0x1;
	s1 =	rddreg [dreg:$0x1]  }
0x7: {  	s22 =	simm.s32 $0x0;
	[smem:$0x7FF] =	sst s2;
	s7 =	sor.u32 s5, s28  }
0x8: {  	s3 =	sadd.s32 $0x4000, s6;
	s4 =	sadd.s32 $0x46200, s6;
	s8 =	smul.u32 $0x3E00, s7  }
0x9: {  	_ =	strace $0x80000053;
	s5 =	ssub.s32 $0x2, s5;
	s10 =	smul.u32 $0x7C000, s7  }
0xa: {  	v0 =	vlaneseq.u32;
	s11 =	sshll.u32 s7, $0x1;
	s12 =	sshrl.u32 s5, $0x1;
	s7 =	smul.u32 $0x7C, s7  }
0xb: {  	v0 =	vmul.u32 $0x20, v0;
	s29 =	sadd.s32 s11, s6;
	s30 =	ssub.s32 s5, s12;
	s11 =	simm.s32 $0x80  }
0xc: {  	s9 =	sshrl.u32 s8, $0x3;
	s10 =	sand.u32 $0xFC0000, s10;
	s8 =	sand.u32 $0x1E00, s8  }
0xd: {  	v1 =	vimm.f32 $0.0e+00;
	v2 =	vor.u32 $0x200, v0;
	s12 =	simm.s32 $0x3E00;
	s9 =	sadd.s32 s9, s6;
	s8 =	sor.u32 s8, s10  }
0xe: {  	v3 =	vor.u32 $0x400, v0;
	v4 =	vor.u32 $0x600, v0;
	v5 =	vor.u32 $0x800, v0;
	s10 =	simm.s32 $0x5;
	s31 =	sshrl.u32 s8, $0x3;
	s5 =	sadd.s32 $0x13800, s9  }
0xf: {  	v6 =	vor.u32 $0xA00, v0;
	v7 =	vor.u32 $0xC00, v0;
	v8 =	vor.u32 $0xE00, v0;
	s8 =	sadd.s32 $0x10000, s29;
	s9 =	smax.u32 s30, $0x1;
	s6 =	sadd.s32 s4, s31  }
.LBB2_1:
0x10: {  	[tilespmem:s2], [sflag:$0x5] =	stream.linear.gather [hbm4b:s5+s2], $0x3E00, $0x38;
	[tilespmem:$0x7E10] =	vst v63  }
0x11: {  	_ =	swait.ge [sflag:s10], $0x3E00  }
0x12: {  	[sflag:s10] =	ssyncset.done $0x0  }
0x13: {  	[sflag:s10] =	ssyncadd.s32 $0xFFFFC200  }
0x14: {  	[tilespmem:$0x7E00] =	vst v1  }
0x15: {  	[tilespmem:s12], [sflag:$0x1] =	stream.indirect.gather [hbm4b:s3+s11], $0x20, s2, s11, $0xb8;
	[tilespmem:$0x7E10] =	vst v63  }
0x16: {  	s23 =	simm.s32 $0x0  }
0x17: {  	[tilespmem:s14], [sflag:$0x3] =	stream.strided.gather [hbm4b:s6+s11], $0x1000, s13, s11, $0x38;
	[tilespmem:$0x7E10] =	vst v63  }
.LBB2_2:
0x18: {  	s24 =	sshllo.u32 s23, $0x1  }
0x19: {  	s25 =	sshll.u32 s24, $0x7;
	s24 =	sadd.s32 s7, s24  }
0x1a: {  	s25 =	sand.u32 $0x3FFFFF80, s25;
	s30 =	sshrl.u32 s24, $0x6  }
0x1b: {  	[tilespmem:s15], [sflag:$0x2] =	stream.indirect.gather [hbm4b:s3+s11], $0x20, s25, s11, $0xb8;
	[tilespmem:$0x7E10] =	vst v63  }
0x1c: {  	s24 =	sshll.u32 s24, $0x7;
	s26 =	sshll.u32 s30, $0xD  }
0x1d: {  	s25 =	sshll.u32 s30, $0x12;
	s24 =	ssub.s32 s24, s26  }
0x1e: {  	s24 =	sadd.s32 s25, s24  }
0x1f: {  	s31 =	simm.s32 $0x0;
	s24 =	sshrl.u32 s24, $0x3  }
0x20: {  	v9 =	vmov s31;
	s24 =	sadd.s32 s4, s24  }
0x21: {  	v9 =	vand.u32 $0x1C, v9;
	[tilespmem:s16], [sflag:$0x4] =	stream.strided.gather [hbm4b:s24+s11], $0x1000, s13, s11, $0x38;
	[tilespmem:$0x7E10] =	vst v63  }
0x22: {  	v9 =	vbroadcast v9, $0x0;
	_ =	swait.ge [sflag:s17], $0x1000  }
0x23: {  	[sflag:s17] =	ssyncset.done $0x0  }
0x24: {  	v10 =	vor.u32 v0, v9;
	[sflag:s17] =	ssyncadd.s32 $0xFFFFF000  }
0x25: {  	_ =	swait.ge [sflag:s18], $0x1000  }
0x26: {  	v11 =	vor.u32 v2, v9;
	[sflag:s18] =	ssyncset.done $0x0  }
0x27: {  	[sflag:s18] =	ssyncadd.s32 $0xFFFFF000  }
0x28: {  	v13 =	vor.u32 v3, v9;
	v12 =	vld [tilespmem:$0x7E00]  }
0x29: {  	s26 =	simm.s32 $0x5F00;
	v10 =	vld.idx.msk [tilespmem:v10+s12+$0x0], $0xffff  }
0x2a: {  	v14 =	vor.u32 v4, v9;
	v15 =	vld [tilespmem:s26+$0xFFFFFF00]  }
0x2b: {  	v11 =	vld.idx.msk [tilespmem:v11+s12+$0x0], $0xffff  }
0x2c: {  	v16 =	vor.u32 v5, v9;
	v17 =	vld [tilespmem:s26+$0xFFFFFF10]  }
0x2d: {  	v13 =	vld.idx.msk [tilespmem:v13+s12+$0x0], $0xffff  }
0x2e: {  	v18 =	vor.u32 v6, v9;
	v19 =	vld [tilespmem:s26+$0xFFFFFF20]  }
0x2f: {  	v14 =	vld.idx.msk [tilespmem:v14+s12+$0x0], $0xffff;
	v10 =	vsub.f32 v15, v10  }
0x30: {  	v20 =	vld [tilespmem:s26+$0xFFFFFF30];
	v15 =	vor.u32 v7, v9  }
0x31: {  	v16 =	vld.idx.msk [tilespmem:v16+s12+$0x0], $0xffff;
	v11 =	vsub.f32 v17, v11;
	v10 =	vmul.f32 v10, v10  }
0x32: {  	v9 =	vor.u32 v8, v9;
	v17 =	vld [tilespmem:s26+$0xFFFFFF40]  }
0x33: {  	v11 =	vmul.f32 v11, v11;
	v10 =	vadd.f32 v10, v12;
	v12 =	vsub.f32 v19, v13;
	v13 =	vld.idx.msk [tilespmem:v18+s12+$0x0], $0xffff  }
0x34: {  	v18 =	vld [tilespmem:s26+$0xFFFFFF50]  }
0x35: {  	v10 =	vadd.f32 v11, v10;
	v11 =	vmul.f32 v12, v12;
	v12 =	vsub.f32 v20, v14;
	v14 =	vld.idx.msk [tilespmem:v15+s12+$0x0], $0xffff  }
0x36: {  	v15 =	vld [tilespmem:s26+$0xFFFFFF60]  }
0x37: {  	s25 =	simm.s32 $0x1;
	v9 =	vld.idx.msk [tilespmem:v9+s12+$0x0], $0xffff;
	v10 =	vadd.f32 v11, v10;
	v11 =	vmul.f32 v12, v12;
	v12 =	vsub.f32 v17, v16  }
0x38: {  	v16 =	vmov s25;
	v17 =	vld [tilespmem:s26+$0xFFFFFF70]  }
0x39: {  	v10 =	vadd.f32 v11, v10;
	v11 =	vmul.f32 v12, v12;
	v12 =	vsub.f32 v18, v13  }
0x3a: {  	v13 =	vand.u32 $0x1D, v16  }
0x3b: {  	v10 =	vadd.f32 v11, v10;
	v11 =	vmul.f32 v12, v12;
	v12 =	vsub.f32 v15, v14  }
0x3c: {  	v13 =	vbroadcast v13, $0x0  }
0x3d: {  	v9 =	vsub.f32 v17, v9;
	v10 =	vadd.f32 v11, v10;
	v11 =	vmul.f32 v12, v12;
	_ =	sdelay $0x1  }
0x3e: {  	v12 =	vor.u32 v0, v13;
	v9 =	vmul.f32 v9, v9;
	v10 =	vadd.f32 v11, v10;
	_ =	sdelay $0x1  }
0x3f: {  	v11 =	vor.u32 v2, v13;
	v9 =	vadd.f32 v9, v10;
	_ =	sdelay $0x1  }
0x40: {  	[tilespmem:$0x7E00] =	vst v9  }
0x41: {  	v10 =	vor.u32 v3, v13;
	v12 =	vld.idx.msk [tilespmem:v12+s12+$0x0], $0xffff  }
0x42: {  	v14 =	vor.u32 v4, v13;
	v15 =	vld [tilespmem:s26+$0xFFFFFF80]  }
0x43: {  	v11 =	vld.idx.msk [tilespmem:v11+s12+$0x0], $0xffff  }
0x44: {  	v16 =	vor.u32 v5, v13;
	v17 =	vld [tilespmem:s26+$0xFFFFFF90]  }
0x45: {  	v19 =	vld [tilespmem:s26+$0xFFFFFFA0]  }
0x46: {  	v18 =	vor.u32 v6, v13;
	v10 =	vld.idx.msk [tilespmem:v10+s12+$0x0], $0xffff  }
0x47: {  	v14 =	vld.idx.msk [tilespmem:v14+s12+$0x0], $0xffff;
	v12 =	vsub.f32 v15, v12  }
0x48: {  	v20 =	vld [tilespmem:s26+$0xFFFFFFB0];
	v15 =	vor.u32 v7, v13  }
0x49: {  	v16 =	vld.idx.msk [tilespmem:v16+s12+$0x0], $0xffff;
	v11 =	vsub.f32 v17, v11;
	v12 =	vmul.f32 v12, v12  }
0x4a: {  	v13 =	vor.u32 v8, v13;
	v17 =	vld [tilespmem:s26+$0xFFFFFFC0]  }
0x4b: {  	v11 =	vmul.f32 v11, v11;
	v10 =	vsub.f32 v19, v10;
	v9 =	vadd.f32 v12, v9;
	v12 =	vld.idx.msk [tilespmem:v18+s12+$0x0], $0xffff  }
0x4c: {  	v18 =	vld [tilespmem:s26+$0xFFFFFFD0]  }
0x4d: {  	v10 =	vmul.f32 v10, v10;
	v9 =	vadd.f32 v11, v9;
	v11 =	vsub.f32 v20, v14;
	v14 =	vld.idx.msk [tilespmem:v15+s12+$0x0], $0xffff  }
0x4e: {  	v15 =	vld [tilespmem:s26+$0xFFFFFFE0]  }
0x4f: {  	s30 =	simm.s32 $0x2;
	v13 =	vld.idx.msk [tilespmem:v13+s12+$0x0], $0xffff;
	v9 =	vadd.f32 v10, v9;
	v10 =	vmul.f32 v11, v11;
	v11 =	vsub.f32 v17, v16  }
0x50: {  	v16 =	vmov s30;
	v17 =	vld [tilespmem:s26+$0xFFFFFFF0]  }
0x51: {  	v9 =	vadd.f32 v10, v9;
	v10 =	vmul.f32 v11, v11;
	v11 =	vsub.f32 v18, v12  }
0x52: {  	v12 =	vand.u32 $0x1E, v16  }
0x53: {  	v9 =	vadd.f32 v10, v9;
	v10 =	vmul.f32 v11, v11;
	v11 =	vsub.f32 v15, v14  }
0x54: {  	v12 =	vbroadcast v12, $0x0  }
0x55: {  	v9 =	vadd.f32 v10, v9;
	v10 =	vmul.f32 v11, v11;
	v11 =	vsub.f32 v17, v13;
	_ =	sdelay $0x1  }
0x56: {  	v13 =	vor.u32 v0, v12;
	v9 =	vadd.f32 v10, v9;
	v10 =	vmul.f32 v11, v11;
	_ =	sdelay $0x1  }
0x57: {  	v11 =	vor.u32 v2, v12;
	v24 =	vadd.f32 v10, v9;
	_ =	sdelay $0x1  }
0x58: {  	s31 =	simm.s32 $0x3;
	[tilespmem:$0x7E00] =	vst v24  }
0x59: {  	s25 =	simm.s32 $0x4;
	v9 =	vor.u32 v3, v12;
	v10 =	vmov s31;
	v16 =	vld.idx.msk [tilespmem:v13+s12+$0x0], $0xffff  }
0x5a: {  	v17 =	vor.u32 v4, v12;
	v10 =	vand.u32 $0x1F, v10;
	v13 =	vmov s25;
	v22 =	vld [tilespmem:s26+$0x0]  }
0x5b: {  	v14 =	vor.u32 v6, v12;
	v15 =	vbroadcast v10, $0x0;
	v26 =	vld.idx.msk [tilespmem:v11+s12+$0x0], $0xffff;
	v10 =	vand.u32 $0x1C, v13  }
0x5c: {  	v23 =	vor.u32 v5, v12;
	v21 =	vor.u32 v8, v12;
	v28 =	vld [tilespmem:s26+$0x10];
	v18 =	vbroadcast v10, $0x0  }
0x5d: {  	v29 =	vld [tilespmem:s26+$0x20];
	v13 =	vor.u32 v7, v12;
	v25 =	vor.u32 v0, v15;
	v20 =	vor.u32 v2, v15  }
0x5e: {  	v19 =	vor.u32 v3, v15;
	v27 =	vld.idx.msk [tilespmem:v9+s12+$0x0], $0xffff;
	v12 =	vor.u32 v0, v18;
	v11 =	vor.u32 v2, v18  }
0x5f: {  	s29 =	simm.s32 $0x8;
	s28 =	simm.s32 $0x5F00;
	s24 =	sshll.u32 s23, $0x1;
	v10 =	vor.u32 v3, v18;
	v9 =	vor.u32 v4, v18;
	v30 =	vsub.f32 v22, v16;
	v22 =	vld.idx.msk [tilespmem:v17+s12+$0x0], $0xffff  }
.LBB2_3:
0x60: {  	p0 =	slt.u32 s29, $0x1C  }
0x61: {  	v17 =	vor.u32 v6, v18;
	v16 =	vor.u32 v7, v18;
	v31 =	vld [tilespmem:s26+$0x30];
	s28 =	sadd.s32 $0x200, s28;
	s30 =	smov.u32 s29;
	s29 =	sadd.s32 $0x4, s29  }
0x62: {  	v30 =	vmul.f32 v30, v30;
	v26 =	vsub.f32 v28, v26;
	v23 =	vld.idx.msk [tilespmem:v23+s12+$0x0], $0xffff  }
0x63: {  	v28 =	vld [tilespmem:s26+$0x40]  }
0x64: {  	v24 =	vadd.f32 v30, v24;
	v26 =	vmul.f32 v26, v26;
	v27 =	vsub.f32 v29, v27;
	v14 =	vld.idx.msk [tilespmem:v14+s12+$0x0], $0xffff  }
0x65: {  	v29 =	vld [tilespmem:s26+$0x50]  }
0x66: {  	v26 =	vadd.f32 v26, v24;
	v27 =	vmul.f32 v27, v27;
	v22 =	vsub.f32 v31, v22;
	v13 =	vld.idx.msk [tilespmem:v13+s12+$0x0], $0xffff  }
0x67: {  	v24 =	vor.u32 v5, v18;
	v30 =	vld [tilespmem:s26+$0x60]  }
0x68: {  	v26 =	vadd.f32 v27, v26;
	v22 =	vmul.f32 v22, v22;
	v23 =	vsub.f32 v28, v23;
	v21 =	vld.idx.msk [tilespmem:v21+s12+$0x0], $0xffff  }
0x69: {  	v27 =	vld [tilespmem:s26+$0x70]  }
0x6a: {  	v22 =	vadd.f32 v22, v26;
	v23 =	vmul.f32 v23, v23;
	v14 =	vsub.f32 v29, v14;
	_ =	sdelay $0x1  }
0x6b: {  	v22 =	vadd.f32 v23, v22;
	v14 =	vmul.f32 v14, v14;
	v13 =	vsub.f32 v30, v13  }
0x6c: {  	v23 =	vor.u32 v8, v18  }
0x6d: {  	v14 =	vadd.f32 v14, v22;
	v13 =	vmul.f32 v13, v13;
	v18 =	vsub.f32 v27, v21;
	_ =	sdelay $0x1  }
0x6e: {  	v13 =	vadd.f32 v13, v14;
	v14 =	vmul.f32 v18, v18;
	_ =	sdelay $0x1  }
0x6f: {  	v13 =	vadd.f32 v14, v13;
	_ =	sdelay $0x1  }
0x70: {  	[tilespmem:$0x7E00] =	vst v13  }
0x71: {  	s31 =	sadd.s32 $0x1, s25;
	v14 =	vld.idx.msk [tilespmem:v25+s12+$0x0], $0xffff  }
0x72: {  	v21 =	vor.u32 v4, v15;
	v18 =	vld [tilespmem:s26+$0x80]  }
0x73: {  	v22 =	vmov s31;
	v28 =	vld.idx.msk [tilespmem:v20+s12+$0x0], $0xffff  }
0x74: {  	v29 =	vor.u32 v5, v15;
	v20 =	vand.u32 $0x1D, v22;
	v22 =	vld [tilespmem:s26+$0x90]  }
0x75: {  	v30 =	vbroadcast v20, $0x0;
	v31 =	vld.idx.msk [tilespmem:v19+s12+$0x0], $0xffff  }
0x76: {  	v33 =	vor.u32 v6, v15;
	v32 =	vld [tilespmem:s26+$0xA0]  }
0x77: {  	v27 =	vor.u32 v0, v30;
	v26 =	vor.u32 v2, v30;
	v14 =	vsub.f32 v18, v14;
	v34 =	vld.idx.msk [tilespmem:v21+s12+$0x0], $0xffff  }
0x78: {  	v36 =	vor.u32 v7, v15;
	v25 =	vor.u32 v3, v30;
	v21 =	vor.u32 v4, v30;
	v35 =	vld [tilespmem:s26+$0xB0]  }
0x79: {  	v20 =	vor.u32 v6, v30;
	v19 =	vor.u32 v7, v30;
	v14 =	vmul.f32 v14, v14;
	v29 =	vld.idx.msk [tilespmem:v29+s12+$0x0], $0xffff  }
0x7a: {  	v15 =	vor.u32 v8, v15;
	v18 =	vor.u32 v8, v30;
	v37 =	vld [tilespmem:s26+$0xC0]  }
0x7b: {  	v13 =	vadd.f32 v14, v13;
	v14 =	vsub.f32 v22, v28;
	v22 =	vld.idx.msk [tilespmem:v33+s12+$0x0], $0xffff  }
0x7c: {  	v28 =	vsub.f32 v32, v31;
	v31 =	vld [tilespmem:s26+$0xD0]  }
0x7d: {  	v14 =	vmul.f32 v14, v14;
	v32 =	vsub.f32 v35, v34;
	v33 =	vld.idx.msk [tilespmem:v36+s12+$0x0], $0xffff  }
0x7e: {  	v28 =	vmul.f32 v28, v28;
	v34 =	vld [tilespmem:s26+$0xE0]  }
0x7f: {  	v13 =	vadd.f32 v14, v13;
	v14 =	vsub.f32 v37, v29;
	v15 =	vld.idx.msk [tilespmem:v15+s12+$0x0], $0xffff  }
0x80: {  	v29 =	vmul.f32 v32, v32;
	v32 =	vld [tilespmem:s26+$0xF0];
	s26 =	smov.u32 s28  }
0x81: {  	v13 =	vadd.f32 v28, v13;
	v22 =	vsub.f32 v31, v22  }
0x82: {  	v14 =	vmul.f32 v14, v14  }
0x83: {  	v13 =	vadd.f32 v29, v13;
	v28 =	vsub.f32 v34, v33  }
0x84: {  	v22 =	vmul.f32 v22, v22  }
0x85: {  	v13 =	vadd.f32 v14, v13;
	v14 =	vsub.f32 v32, v15  }
0x86: {  	v15 =	vmul.f32 v28, v28  }
0x87: {  	v13 =	vadd.f32 v22, v13  }
0x88: {  	v14 =	vmul.f32 v14, v14  }
0x89: {  	v13 =	vadd.f32 v15, v13;
	_ =	sdelay $0x1  }
0x8a: {  	v15 =	vadd.f32 v14, v13;
	_ =	sdelay $0x1  }
0x8b: {  	s31 =	sadd.s32 $0x2, s25;
	[tilespmem:$0x7E00] =	vst v15  }
0x8c: {  	v12 =	vld.idx.msk [tilespmem:v12+s12+$0x0], $0xffff  }
0x8d: {  	v14 =	vmov s31;
	v13 =	vld [tilespmem:s28+$0xFFFFFF00]  }
0x8e: {  	v28 =	vld.idx.msk [tilespmem:v11+s12+$0x0], $0xffff;
	v11 =	vand.u32 $0x1E, v14  }
0x8f: {  	v30 =	vor.u32 v5, v30;
	v29 =	vld [tilespmem:s28+$0xFFFFFF10];
	v31 =	vbroadcast v11, $0x0  }
0x90: {  	v32 =	vld.idx.msk [tilespmem:v10+s12+$0x0], $0xffff  }
0x91: {  	v33 =	vld [tilespmem:s28+$0xFFFFFF20];
	v11 =	vor.u32 v0, v31;
	v10 =	vor.u32 v2, v31  }
0x92: {  	v22 =	vor.u32 v4, v31;
	v12 =	vsub.f32 v13, v12;
	v34 =	vld.idx.msk [tilespmem:v9+s12+$0x0], $0xffff;
	v9 =	vor.u32 v3, v31  }
0x93: {  	v14 =	vor.u32 v6, v31;
	v13 =	vor.u32 v7, v31;
	v35 =	vld [tilespmem:s28+$0xFFFFFF30]  }
0x94: {  	v12 =	vmul.f32 v12, v12;
	v28 =	vsub.f32 v29, v28;
	v24 =	vld.idx.msk [tilespmem:v24+s12+$0x0], $0xffff  }
0x95: {  	v29 =	vld [tilespmem:s28+$0xFFFFFF40]  }
0x96: {  	v12 =	vadd.f32 v12, v15;
	v15 =	vmul.f32 v28, v28;
	v28 =	vsub.f32 v33, v32;
	v17 =	vld.idx.msk [tilespmem:v17+s12+$0x0], $0xffff  }
0x97: {  	v32 =	vld [tilespmem:s28+$0xFFFFFF50]  }
0x98: {  	v12 =	vadd.f32 v15, v12;
	v15 =	vmul.f32 v28, v28;
	v28 =	vsub.f32 v35, v34;
	v16 =	vld.idx.msk [tilespmem:v16+s12+$0x0], $0xffff  }
0x99: {  	v33 =	vld [tilespmem:s28+$0xFFFFFF60]  }
0x9a: {  	v12 =	vadd.f32 v15, v12;
	v15 =	vmul.f32 v28, v28;
	v24 =	vsub.f32 v29, v24;
	v23 =	vld.idx.msk [tilespmem:v23+s12+$0x0], $0xffff  }
0x9b: {  	v28 =	vld [tilespmem:s28+$0xFFFFFF70]  }
0x9c: {  	v12 =	vadd.f32 v15, v12;
	v15 =	vmul.f32 v24, v24;
	v17 =	vsub.f32 v32, v17;
	_ =	sdelay $0x1  }
0x9d: {  	v12 =	vadd.f32 v15, v12;
	v15 =	vmul.f32 v17, v17;
	v16 =	vsub.f32 v33, v16;
	_ =	sdelay $0x1  }
0x9e: {  	v12 =	vadd.f32 v15, v12;
	v15 =	vmul.f32 v16, v16;
	v16 =	vsub.f32 v28, v23;
	_ =	sdelay $0x1  }
0x9f: {  	v12 =	vadd.f32 v15, v12;
	v15 =	vmul.f32 v16, v16;
	_ =	sdelay $0x1  }
0xa0: {  	v12 =	vadd.f32 v15, v12;
	_ =	sdelay $0x1  }
0xa1: {  	[tilespmem:$0x7E00] =	vst v12  }
0xa2: {  	v15 =	vld.idx.msk [tilespmem:v27+s12+$0x0], $0xffff  }
0xa3: {  	v16 =	vld [tilespmem:s28+$0xFFFFFF80]  }
0xa4: {  	v17 =	vld.idx.msk [tilespmem:v26+s12+$0x0], $0xffff  }
0xa5: {  	v23 =	vor.u32 v5, v31;
	v24 =	vld [tilespmem:s28+$0xFFFFFF90]  }
0xa6: {  	v25 =	vld.idx.msk [tilespmem:v25+s12+$0x0], $0xffff  }
0xa7: {  	v26 =	vld [tilespmem:s28+$0xFFFFFFA0]  }
0xa8: {  	v15 =	vsub.f32 v16, v15;
	v16 =	vld.idx.msk [tilespmem:v21+s12+$0x0], $0xffff  }
0xa9: {  	v27 =	vld [tilespmem:s28+$0xFFFFFFB0]  }
0xaa: {  	v15 =	vmul.f32 v15, v15;
	v17 =	vsub.f32 v24, v17;
	v24 =	vld.idx.msk [tilespmem:v30+s12+$0x0], $0xffff  }
0xab: {  	v21 =	vor.u32 v8, v31;
	v28 =	vld [tilespmem:s28+$0xFFFFFFC0]  }
0xac: {  	v12 =	vadd.f32 v15, v12;
	v15 =	vmul.f32 v17, v17;
	v17 =	vsub.f32 v26, v25;
	v20 =	vld.idx.msk [tilespmem:v20+s12+$0x0], $0xffff  }
0xad: {  	v25 =	vld [tilespmem:s28+$0xFFFFFFD0]  }
0xae: {  	v12 =	vadd.f32 v15, v12;
	v15 =	vmul.f32 v17, v17;
	v16 =	vsub.f32 v27, v16;
	v17 =	vld.idx.msk [tilespmem:v19+s12+$0x0], $0xffff  }
0xaf: {  	v19 =	vld [tilespmem:s28+$0xFFFFFFE0]  }
0xb0: {  	v12 =	vadd.f32 v15, v12;
	v15 =	vmul.f32 v16, v16;
	v16 =	vsub.f32 v28, v24;
	v18 =	vld.idx.msk [tilespmem:v18+s12+$0x0], $0xffff  }
0xb1: {  	v24 =	vld [tilespmem:s28+$0xFFFFFFF0]  }
0xb2: {  	v12 =	vadd.f32 v15, v12;
	v15 =	vmul.f32 v16, v16;
	v16 =	vsub.f32 v25, v20  }
0xb3: {  	s31 =	sadd.s32 $0x3, s25;
	s25 =	smov.u32 s30  }
0xb4: {  	v12 =	vadd.f32 v15, v12;
	v15 =	vmul.f32 v16, v16;
	v16 =	vsub.f32 v19, v17  }
0xb5: {  	v17 =	vmov s31  }
0xb6: {  	v12 =	vadd.f32 v15, v12;
	v15 =	vmul.f32 v16, v16;
	v16 =	vsub.f32 v24, v18  }
0xb7: {  	v17 =	vand.u32 $0x1F, v17  }
0xb8: {  	v12 =	vadd.f32 v15, v12;
	v16 =	vmul.f32 v16, v16;
	v15 =	vbroadcast v17, $0x0;
	_ =	sdelay $0x1  }
0xb9: {  	v24 =	vadd.f32 v16, v12;
	v25 =	vor.u32 v0, v15;
	v20 =	vor.u32 v2, v15  }
0xba: {  	v19 =	vor.u32 v3, v15  }
0xbb: {  	[tilespmem:$0x7E00] =	vst v24  }
0xbc: {  	v16 =	vld.idx.msk [tilespmem:v11+s12+$0x0], $0xffff  }
0xbd: {  	v11 =	vmov s25;
	v17 =	vld [tilespmem:s28+$0x0]  }
.Ltmp0:
0xbe: {  	v11 =	vand.u32 $0x1C, v11;
	v26 =	vld.idx.msk [tilespmem:v10+s12+$0x0], $0xffff;
	(pc) =	sbr.rel @p0 .LBB2_3-.Ltmp0, $4  }
0xbf: {  	v18 =	vbroadcast v11, $0x0;
	v28 =	vld [tilespmem:s28+$0x10]  }
0xc0: {  	v27 =	vld.idx.msk [tilespmem:v9+s12+$0x0], $0xffff  }
0xc1: {  	v12 =	vor.u32 v0, v18;
	v11 =	vor.u32 v2, v18;
	v29 =	vld [tilespmem:s28+$0x20]  }
0xc2: {  	v10 =	vor.u32 v3, v18;
	v9 =	vor.u32 v4, v18;
	v30 =	vsub.f32 v17, v16;
	v22 =	vld.idx.msk [tilespmem:v22+s12+$0x0], $0xffff  }
0xc3: {  	_ =	sdelay $0x2  }
0xc4: {  	v16 =	vld [tilespmem:s26+$0x30]  }
0xc5: {  	v23 =	vld.idx.msk [tilespmem:v23+s12+$0x0], $0xffff;
	v17 =	vmul.f32 v30, v30;
	v26 =	vsub.f32 v28, v26  }
0xc6: {  	v28 =	vld [tilespmem:s26+$0x40]  }
0xc7: {  	v14 =	vld.idx.msk [tilespmem:v14+s12+$0x0], $0xffff;
	v17 =	vadd.f32 v17, v24;
	v24 =	vmul.f32 v26, v26;
	v26 =	vsub.f32 v29, v27  }
0xc8: {  	v27 =	vld [tilespmem:s26+$0x50]  }
0xc9: {  	v13 =	vld.idx.msk [tilespmem:v13+s12+$0x0], $0xffff;
	v17 =	vadd.f32 v24, v17;
	v24 =	vmul.f32 v26, v26;
	v16 =	vsub.f32 v16, v22  }
0xca: {  	v22 =	vld [tilespmem:s26+$0x60]  }
0xcb: {  	v21 =	vld.idx.msk [tilespmem:v21+s12+$0x0], $0xffff;
	v23 =	vsub.f32 v28, v23;
	v17 =	vadd.f32 v24, v17;
	v16 =	vmul.f32 v16, v16  }
0xcc: {  	v24 =	vld [tilespmem:s26+$0x70]  }
0xcd: {  	v14 =	vsub.f32 v27, v14;
	v16 =	vadd.f32 v16, v17;
	v17 =	vmul.f32 v23, v23;
	_ =	sdelay $0x1  }
0xce: {  	v14 =	vmul.f32 v14, v14;
	v13 =	vsub.f32 v22, v13;
	v16 =	vadd.f32 v17, v16;
	_ =	sdelay $0x1  }
0xcf: {  	v13 =	vmul.f32 v13, v13;
	v14 =	vadd.f32 v14, v16;
	v16 =	vsub.f32 v24, v21;
	_ =	sdelay $0x1  }
0xd0: {  	v13 =	vadd.f32 v13, v14;
	v14 =	vmul.f32 v16, v16;
	_ =	sdelay $0x1  }
0xd1: {  	v13 =	vadd.f32 v14, v13;
	_ =	sdelay $0x1  }
0xd2: {  	[tilespmem:$0x7E00] =	vst v13  }
0xd3: {  	v14 =	vld.idx.msk [tilespmem:v25+s12+$0x0], $0xffff  }
0xd4: {  	v17 =	vor.u32 v4, v15;
	v16 =	vld [tilespmem:s26+$0x80]  }
0xd5: {  	v20 =	vld.idx.msk [tilespmem:v20+s12+$0x0], $0xffff  }
0xd6: {  	v22 =	vor.u32 v5, v15;
	v21 =	vld [tilespmem:s26+$0x90]  }
0xd7: {  	v19 =	vld.idx.msk [tilespmem:v19+s12+$0x0], $0xffff  }
0xd8: {  	v23 =	vld [tilespmem:s26+$0xA0]  }
0xd9: {  	v24 =	vor.u32 v6, v15;
	v14 =	vsub.f32 v16, v14;
	v16 =	vld.idx.msk [tilespmem:v17+s12+$0x0], $0xffff  }
0xda: {  	v25 =	vor.u32 v7, v15;
	v17 =	vld [tilespmem:s26+$0xB0]  }
0xdb: {  	v22 =	vld.idx.msk [tilespmem:v22+s12+$0x0], $0xffff;
	v20 =	vsub.f32 v21, v20;
	v14 =	vmul.f32 v14, v14  }
0xdc: {  	v15 =	vor.u32 v8, v15;
	v21 =	vld [tilespmem:s26+$0xC0]  }
0xdd: {  	v19 =	vsub.f32 v23, v19;
	v23 =	vld [tilespmem:s26+$0xD0];
	v20 =	vmul.f32 v20, v20;
	v13 =	vadd.f32 v14, v13  }
0xde: {  	v14 =	vld.idx.msk [tilespmem:v24+s12+$0x0], $0xffff  }
0xdf: {  	v19 =	vmul.f32 v19, v19;
	v16 =	vsub.f32 v17, v16;
	v17 =	vld.idx.msk [tilespmem:v25+s12+$0x0], $0xffff;
	v13 =	vadd.f32 v20, v13  }
0xe0: {  	v20 =	vld [tilespmem:s26+$0xE0]  }
0xe1: {  	v15 =	vld.idx.msk [tilespmem:v15+s12+$0x0], $0xffff;
	v21 =	vsub.f32 v21, v22;
	v16 =	vmul.f32 v16, v16;
	v13 =	vadd.f32 v19, v13  }
0xe2: {  	v19 =	vld [tilespmem:s26+$0xF0]  }
0xe3: {  	v21 =	vmul.f32 v21, v21;
	v14 =	vsub.f32 v23, v14;
	v13 =	vadd.f32 v16, v13;
	_ =	sdelay $0x1  }
0xe4: {  	v16 =	vsub.f32 v20, v17;
	v14 =	vmul.f32 v14, v14;
	v13 =	vadd.f32 v21, v13;
	_ =	sdelay $0x1  }
0xe5: {  	v15 =	vsub.f32 v19, v15;
	v16 =	vmul.f32 v16, v16;
	v13 =	vadd.f32 v14, v13;
	_ =	sdelay $0x1  }
0xe6: {  	v14 =	vmul.f32 v15, v15;
	v13 =	vadd.f32 v16, v13;
	_ =	sdelay $0x1  }
0xe7: {  	v13 =	vadd.f32 v14, v13;
	_ =	sdelay $0x1  }
0xe8: {  	[tilespmem:$0x7E00] =	vst v13  }
0xe9: {  	s29 =	sadd.s32 $0x200, s28;
	v12 =	vld.idx.msk [tilespmem:v12+s12+$0x0], $0xffff  }
0xea: {  	v14 =	vld [tilespmem:s29+$0xFFFFFF00]  }
0xeb: {  	v11 =	vld.idx.msk [tilespmem:v11+s12+$0x0], $0xffff  }
0xec: {  	v15 =	vor.u32 v5, v18;
	v16 =	vld [tilespmem:s29+$0xFFFFFF10]  }
0xed: {  	v10 =	vld.idx.msk [tilespmem:v10+s12+$0x0], $0xffff  }
0xee: {  	v17 =	vor.u32 v6, v18;
	v19 =	vld [tilespmem:s29+$0xFFFFFF20]  }
0xef: {  	v9 =	vld.idx.msk [tilespmem:v9+s12+$0x0], $0xffff;
	v12 =	vsub.f32 v14, v12  }
0xf0: {  	v20 =	vld [tilespmem:s29+$0xFFFFFF30];
	v14 =	vor.u32 v7, v18  }
0xf1: {  	v15 =	vld.idx.msk [tilespmem:v15+s12+$0x0], $0xffff;
	v11 =	vsub.f32 v16, v11;
	v12 =	vmul.f32 v12, v12  }
0xf2: {  	v16 =	vor.u32 v8, v18;
	v18 =	vld [tilespmem:s29+$0xFFFFFF40]  }
0xf3: {  	v10 =	vsub.f32 v19, v10;
	v11 =	vmul.f32 v11, v11;
	v12 =	vadd.f32 v12, v13;
	v13 =	vld.idx.msk [tilespmem:v17+s12+$0x0], $0xffff  }
0xf4: {  	v17 =	vld [tilespmem:s29+$0xFFFFFF50]  }
0xf5: {  	v9 =	vsub.f32 v20, v9;
	v10 =	vmul.f32 v10, v10;
	v11 =	vadd.f32 v11, v12;
	v12 =	vld.idx.msk [tilespmem:v14+s12+$0x0], $0xffff  }
0xf6: {  	v14 =	vld [tilespmem:s29+$0xFFFFFF60]  }
0xf7: {  	s28 =	sadd.s32 $0x1, s25;
	v9 =	vmul.f32 v9, v9;
	v10 =	vadd.f32 v10, v11;
	v11 =	vsub.f32 v18, v15;
	v15 =	vld.idx.msk [tilespmem:v16+s12+$0x0], $0xffff  }
0xf8: {  	v16 =	vmov s28;
	v18 =	vld [tilespmem:s29+$0xFFFFFF70]  }
0xf9: {  	v9 =	vadd.f32 v9, v10;
	v10 =	vmul.f32 v11, v11;
	v11 =	vsub.f32 v17, v13  }
0xfa: {  	v13 =	vand.u32 $0x1D, v16  }
0xfb: {  	v9 =	vadd.f32 v10, v9;
	v10 =	vmul.f32 v11, v11;
	v11 =	vsub.f32 v14, v12  }
0xfc: {  	v12 =	vbroadcast v13, $0x0  }
0xfd: {  	v9 =	vadd.f32 v10, v9;
	v10 =	vmul.f32 v11, v11;
	v11 =	vsub.f32 v18, v15;
	_ =	sdelay $0x1  }
0xfe: {  	v13 =	vor.u32 v0, v12;
	v9 =	vadd.f32 v10, v9;
	v10 =	vmul.f32 v11, v11;
	_ =	sdelay $0x1  }
0xff: {  	v11 =	vor.u32 v2, v12;
	v9 =	vadd.f32 v10, v9;
	_ =	sdelay $0x1  }
0x100: {  	[tilespmem:$0x7E00] =	vst v9  }
0x101: {  	v10 =	vor.u32 v3, v12;
	v13 =	vld.idx.msk [tilespmem:v13+s12+$0x0], $0xffff  }
0x102: {  	v14 =	vor.u32 v4, v12;
	v15 =	vld [tilespmem:s29+$0xFFFFFF80]  }
0x103: {  	v11 =	vld.idx.msk [tilespmem:v11+s12+$0x0], $0xffff  }
0x104: {  	v16 =	vor.u32 v5, v12;
	v17 =	vld [tilespmem:s29+$0xFFFFFF90]  }
0x105: {  	v19 =	vld [tilespmem:s29+$0xFFFFFFA0]  }
0x106: {  	v18 =	vor.u32 v6, v12;
	v10 =	vld.idx.msk [tilespmem:v10+s12+$0x0], $0xffff  }
0x107: {  	v14 =	vld.idx.msk [tilespmem:v14+s12+$0x0], $0xffff;
	v13 =	vsub.f32 v15, v13  }
0x108: {  	v20 =	vld [tilespmem:s29+$0xFFFFFFB0];
	v15 =	vor.u32 v7, v12  }
0x109: {  	v16 =	vld.idx.msk [tilespmem:v16+s12+$0x0], $0xffff;
	v11 =	vsub.f32 v17, v11;
	v13 =	vmul.f32 v13, v13  }
0x10a: {  	v12 =	vor.u32 v8, v12;
	v17 =	vld [tilespmem:s29+$0xFFFFFFC0]  }
0x10b: {  	v11 =	vmul.f32 v11, v11;
	v10 =	vsub.f32 v19, v10;
	v9 =	vadd.f32 v13, v9;
	v13 =	vld.idx.msk [tilespmem:v18+s12+$0x0], $0xffff  }
0x10c: {  	v18 =	vld [tilespmem:s29+$0xFFFFFFD0]  }
0x10d: {  	v10 =	vmul.f32 v10, v10;
	v9 =	vadd.f32 v11, v9;
	v11 =	vsub.f32 v20, v14;
	v14 =	vld.idx.msk [tilespmem:v15+s12+$0x0], $0xffff  }
0x10e: {  	v15 =	vld [tilespmem:s29+$0xFFFFFFE0]  }
0x10f: {  	s28 =	sadd.s32 $0x2, s25;
	v12 =	vld.idx.msk [tilespmem:v12+s12+$0x0], $0xffff;
	v9 =	vadd.f32 v10, v9;
	v10 =	vmul.f32 v11, v11;
	v11 =	vsub.f32 v17, v16  }
0x110: {  	v16 =	vmov s28;
	v17 =	vld [tilespmem:s29+$0xFFFFFFF0]  }
0x111: {  	v9 =	vadd.f32 v10, v9;
	v10 =	vmul.f32 v11, v11;
	v11 =	vsub.f32 v18, v13  }
0x112: {  	v13 =	vand.u32 $0x1E, v16  }
0x113: {  	v9 =	vadd.f32 v10, v9;
	v10 =	vmul.f32 v11, v11;
	v11 =	vsub.f32 v15, v14  }
0x114: {  	v13 =	vbroadcast v13, $0x0  }
0x115: {  	v9 =	vadd.f32 v10, v9;
	v10 =	vmul.f32 v11, v11;
	v11 =	vsub.f32 v17, v12;
	_ =	sdelay $0x1  }
0x116: {  	v12 =	vor.u32 v0, v13;
	v9 =	vadd.f32 v10, v9;
	v10 =	vmul.f32 v11, v11;
	_ =	sdelay $0x1  }
0x117: {  	v11 =	vor.u32 v2, v13;
	v9 =	vadd.f32 v10, v9;
	_ =	sdelay $0x1  }
0x118: {  	[tilespmem:$0x7E00] =	vst v9  }
0x119: {  	v10 =	vor.u32 v3, v13;
	v12 =	vld.idx.msk [tilespmem:v12+s12+$0x0], $0xffff  }
0x11a: {  	v14 =	vor.u32 v4, v13;
	v15 =	vld [tilespmem:s29+$0x0]  }
0x11b: {  	v11 =	vld.idx.msk [tilespmem:v11+s12+$0x0], $0xffff  }
0x11c: {  	v16 =	vor.u32 v5, v13;
	v17 =	vld [tilespmem:s29+$0x10]  }
0x11d: {  	v19 =	vld [tilespmem:s29+$0x20]  }
0x11e: {  	v18 =	vor.u32 v6, v13;
	v10 =	vld.idx.msk [tilespmem:v10+s12+$0x0], $0xffff  }
0x11f: {  	v14 =	vld.idx.msk [tilespmem:v14+s12+$0x0], $0xffff;
	v12 =	vsub.f32 v15, v12  }
0x120: {  	v20 =	vld [tilespmem:s29+$0x30];
	v15 =	vor.u32 v7, v13  }
0x121: {  	v16 =	vld.idx.msk [tilespmem:v16+s12+$0x0], $0xffff;
	v11 =	vsub.f32 v17, v11;
	v12 =	vmul.f32 v12, v12  }
0x122: {  	v13 =	vor.u32 v8, v13;
	v17 =	vld [tilespmem:s29+$0x40]  }
0x123: {  	v11 =	vmul.f32 v11, v11;
	v10 =	vsub.f32 v19, v10;
	v9 =	vadd.f32 v12, v9;
	v12 =	vld.idx.msk [tilespmem:v18+s12+$0x0], $0xffff  }
0x124: {  	v18 =	vld [tilespmem:s29+$0x50]  }
0x125: {  	v10 =	vmul.f32 v10, v10;
	v9 =	vadd.f32 v11, v9;
	v11 =	vsub.f32 v20, v14;
	v14 =	vld.idx.msk [tilespmem:v15+s12+$0x0], $0xffff  }
0x126: {  	v15 =	vld [tilespmem:s29+$0x60]  }
0x127: {  	s30 =	sadd.s32 $0x3, s25;
	v13 =	vld.idx.msk [tilespmem:v13+s12+$0x0], $0xffff;
	v9 =	vadd.f32 v10, v9;
	v10 =	vmul.f32 v11, v11;
	v11 =	vsub.f32 v17, v16  }
0x128: {  	v16 =	vmov s30;
	v17 =	vld [tilespmem:s29+$0x70]  }
0x129: {  	v9 =	vadd.f32 v10, v9;
	v10 =	vmul.f32 v11, v11;
	v11 =	vsub.f32 v18, v12  }
0x12a: {  	v12 =	vand.u32 $0x1F, v16  }
0x12b: {  	v9 =	vadd.f32 v10, v9;
	v10 =	vmul.f32 v11, v11;
	v11 =	vsub.f32 v15, v14  }
0x12c: {  	v12 =	vbroadcast v12, $0x0  }
0x12d: {  	v9 =	vadd.f32 v10, v9;
	v10 =	vmul.f32 v11, v11;
	v11 =	vsub.f32 v17, v13;
	_ =	sdelay $0x1  }
0x12e: {  	v13 =	vor.u32 v0, v12;
	v9 =	vadd.f32 v10, v9;
	v10 =	vmul.f32 v11, v11;
	_ =	sdelay $0x1  }
0x12f: {  	v11 =	vor.u32 v2, v12;
	v9 =	vadd.f32 v10, v9;
	_ =	sdelay $0x1  }
0x130: {  	[tilespmem:$0x7E00] =	vst v9  }
0x131: {  	v10 =	vor.u32 v3, v12;
	v13 =	vld.idx.msk [tilespmem:v13+s12+$0x0], $0xffff  }
0x132: {  	v15 =	vor.u32 v4, v12;
	v14 =	vld [tilespmem:s29+$0x80]  }
0x133: {  	v11 =	vld.idx.msk [tilespmem:v11+s12+$0x0], $0xffff  }
0x134: {  	v17 =	vor.u32 v5, v12;
	v16 =	vld [tilespmem:s29+$0x90]  }
0x135: {  	v18 =	vld [tilespmem:s29+$0xA0]  }
0x136: {  	v10 =	vld.idx.msk [tilespmem:v10+s12+$0x0], $0xffff  }
0x137: {  	v19 =	vor.u32 v6, v12;
	v13 =	vsub.f32 v14, v13;
	v14 =	vld.idx.msk [tilespmem:v15+s12+$0x0], $0xffff  }
0x138: {  	v20 =	vor.u32 v7, v12;
	v15 =	vld [tilespmem:s29+$0xB0]  }
0x139: {  	v17 =	vld.idx.msk [tilespmem:v17+s12+$0x0], $0xffff;
	v11 =	vsub.f32 v16, v11;
	v13 =	vmul.f32 v13, v13  }
0x13a: {  	v12 =	vor.u32 v8, v12;
	v16 =	vld [tilespmem:s29+$0xC0]  }
0x13b: {  	v10 =	vsub.f32 v18, v10;
	v11 =	vmul.f32 v11, v11;
	v18 =	vld [tilespmem:s29+$0xD0];
	v9 =	vadd.f32 v13, v9  }
0x13c: {  	v13 =	vld.idx.msk [tilespmem:v19+s12+$0x0], $0xffff  }
0x13d: {  	v10 =	vmul.f32 v10, v10;
	v14 =	vsub.f32 v15, v14;
	v15 =	vld.idx.msk [tilespmem:v20+s12+$0x0], $0xffff;
	v9 =	vadd.f32 v11, v9  }
0x13e: {  	v11 =	vld [tilespmem:s29+$0xE0]  }
0x13f: {  	v12 =	vld.idx.msk [tilespmem:v12+s12+$0x0], $0xffff;
	v16 =	vsub.f32 v16, v17;
	v14 =	vmul.f32 v14, v14;
	v9 =	vadd.f32 v10, v9  }
0x140: {  	v10 =	vld [tilespmem:s29+$0xF0]  }
0x141: {  	v16 =	vmul.f32 v16, v16;
	v13 =	vsub.f32 v18, v13;
	v9 =	vadd.f32 v14, v9;
	_ =	sdelay $0x1  }
0x142: {  	v11 =	vsub.f32 v11, v15;
	v13 =	vmul.f32 v13, v13;
	v9 =	vadd.f32 v16, v9;
	_ =	sdelay $0x1  }
0x143: {  	v10 =	vsub.f32 v10, v12;
	v11 =	vmul.f32 v11, v11;
	v9 =	vadd.f32 v13, v9;
	_ =	sdelay $0x1  }
0x144: {  	v10 =	vmul.f32 v10, v10;
	v9 =	vadd.f32 v11, v9  }
0x145: {  	p0 =	seq.s32 s23, $0x3D  }
0x146: {  	s24 =	sadd.s32 @!p0 $0x2, s24;
	v9 =	vadd.f32 v10, v9  }
0x147: {  	s26 =	simm.s32 @!p0 $0x80;
	s25 =	sshll.u32 @!p0 s24, $0x7  }
0x148: {  	s24 =	sadd.s32 @!p0 s7, s24;
	s25 =	sand.u32 @!p0 $0x3FFFFF80, s25;
	s28 =	simm.s32 @!p0 $0x3E00;
	[tilespmem:$0x7E00] =	vst v9  }
0x149: {  	[tilespmem:s28], [sflag:$0x1] =	stream.indirect.gather @!p0 [hbm4b:s3+s26], $0x20, s25, s26, $0xb8;
	[tilespmem:$0x7E10] =	vst v63  }
0x14a: {  	s25 =	sshrl.u32 @!p0 s24, $0x6  }
0x14b: {  	s24 =	sshll.u32 @!p0 s24, $0x7;
	s28 =	sshll.u32 @!p0 s25, $0xD  }
0x14c: {  	s25 =	sshll.u32 @!p0 s25, $0x12;
	s24 =	ssub.s32 @!p0 s24, s28  }
0x14d: {  	s24 =	sadd.s32 @!p0 s25, s24  }
0x14e: {  	s31 =	simm.s32 $0x0;
	s24 =	sshrl.u32 @!p0 s24, $0x3  }
0x14f: {  	s29 =	simm.s32 @!p0 $0x5E00;
	v9 =	vmov s31;
	s28 =	simm.s32 @!p0 $0x2000;
	s24 =	sadd.s32 @!p0 s4, s24  }
0x150: {  	v9 =	vand.u32 $0x1C, v9;
	[tilespmem:s29], [sflag:$0x3] =	stream.strided.gather @!p0 [hbm4b:s24+s26], $0x1000, s28, s26, $0x38;
	[tilespmem:$0x7E10] =	vst v63  }
0x151: {  	v9 =	vbroadcast v9, $0x0;
	_ =	swait.ge [sflag:s19], $0x1000  }
0x152: {  	[sflag:s19] =	ssyncset.done $0x0  }
0x153: {  	v10 =	vor.u32 v0, v9;
	[sflag:s19] =	ssyncadd.s32 $0xFFFFF000  }
0x154: {  	_ =	swait.ge [sflag:s20], $0x1000  }
0x155: {  	v11 =	vor.u32 v2, v9;
	[sflag:s20] =	ssyncset.done $0x0  }
0x156: {  	[sflag:s20] =	ssyncadd.s32 $0xFFFFF000  }
0x157: {  	v13 =	vor.u32 v3, v9;
	v12 =	vld [tilespmem:$0x7E00]  }
0x158: {  	s25 =	simm.s32 $0x6F00;
	v10 =	vld.idx.msk [tilespmem:v10+s15+$0x0], $0xffff  }
0x159: {  	v14 =	vor.u32 v4, v9;
	v15 =	vld [tilespmem:s25+$0xFFFFFF00]  }
0x15a: {  	v11 =	vld.idx.msk [tilespmem:v11+s15+$0x0], $0xffff  }
0x15b: {  	v16 =	vor.u32 v5, v9;
	v17 =	vld [tilespmem:s25+$0xFFFFFF10]  }
0x15c: {  	v13 =	vld.idx.msk [tilespmem:v13+s15+$0x0], $0xffff  }
0x15d: {  	v18 =	vor.u32 v6, v9;
	v19 =	vld [tilespmem:s25+$0xFFFFFF20]  }
0x15e: {  	v14 =	vld.idx.msk [tilespmem:v14+s15+$0x0], $0xffff;
	v10 =	vsub.f32 v15, v10  }
0x15f: {  	v20 =	vld [tilespmem:s25+$0xFFFFFF30];
	v15 =	vor.u32 v7, v9  }
0x160: {  	v16 =	vld.idx.msk [tilespmem:v16+s15+$0x0], $0xffff;
	v11 =	vsub.f32 v17, v11;
	v10 =	vmul.f32 v10, v10  }
0x161: {  	v9 =	vor.u32 v8, v9;
	v17 =	vld [tilespmem:s25+$0xFFFFFF40]  }
0x162: {  	v11 =	vmul.f32 v11, v11;
	v10 =	vadd.f32 v10, v12;
	v12 =	vsub.f32 v19, v13;
	v13 =	vld.idx.msk [tilespmem:v18+s15+$0x0], $0xffff  }
0x163: {  	v18 =	vld [tilespmem:s25+$0xFFFFFF50]  }
0x164: {  	v10 =	vadd.f32 v11, v10;
	v11 =	vmul.f32 v12, v12;
	v12 =	vsub.f32 v20, v14;
	v14 =	vld.idx.msk [tilespmem:v15+s15+$0x0], $0xffff  }
0x165: {  	v15 =	vld [tilespmem:s25+$0xFFFFFF60]  }
0x166: {  	s29 =	simm.s32 $0x1;
	v9 =	vld.idx.msk [tilespmem:v9+s15+$0x0], $0xffff;
	v10 =	vadd.f32 v11, v10;
	v11 =	vmul.f32 v12, v12;
	v12 =	vsub.f32 v17, v16  }
0x167: {  	v16 =	vmov s29;
	v17 =	vld [tilespmem:s25+$0xFFFFFF70]  }
0x168: {  	v10 =	vadd.f32 v11, v10;
	v11 =	vmul.f32 v12, v12;
	v12 =	vsub.f32 v18, v13  }
0x169: {  	v13 =	vand.u32 $0x1D, v16  }
0x16a: {  	v10 =	vadd.f32 v11, v10;
	v11 =	vmul.f32 v12, v12;
	v12 =	vsub.f32 v15, v14  }
0x16b: {  	v13 =	vbroadcast v13, $0x0  }
0x16c: {  	v9 =	vsub.f32 v17, v9;
	v10 =	vadd.f32 v11, v10;
	v11 =	vmul.f32 v12, v12;
	_ =	sdelay $0x1  }
0x16d: {  	v12 =	vor.u32 v0, v13;
	v9 =	vmul.f32 v9, v9;
	v10 =	vadd.f32 v11, v10;
	_ =	sdelay $0x1  }
0x16e: {  	v11 =	vor.u32 v2, v13;
	v9 =	vadd.f32 v9, v10;
	_ =	sdelay $0x1  }
0x16f: {  	[tilespmem:$0x7E00] =	vst v9  }
0x170: {  	v10 =	vor.u32 v3, v13;
	v12 =	vld.idx.msk [tilespmem:v12+s15+$0x0], $0xffff  }
0x171: {  	v14 =	vor.u32 v4, v13;
	v15 =	vld [tilespmem:s25+$0xFFFFFF80]  }
0x172: {  	v11 =	vld.idx.msk [tilespmem:v11+s15+$0x0], $0xffff  }
0x173: {  	v16 =	vor.u32 v5, v13;
	v17 =	vld [tilespmem:s25+$0xFFFFFF90]  }
0x174: {  	v19 =	vld [tilespmem:s25+$0xFFFFFFA0]  }
0x175: {  	v18 =	vor.u32 v6, v13;
	v10 =	vld.idx.msk [tilespmem:v10+s15+$0x0], $0xffff  }
0x176: {  	v14 =	vld.idx.msk [tilespmem:v14+s15+$0x0], $0xffff;
	v12 =	vsub.f32 v15, v12  }
0x177: {  	v20 =	vld [tilespmem:s25+$0xFFFFFFB0];
	v15 =	vor.u32 v7, v13  }
0x178: {  	v16 =	vld.idx.msk [tilespmem:v16+s15+$0x0], $0xffff;
	v11 =	vsub.f32 v17, v11;
	v12 =	vmul.f32 v12, v12  }
0x179: {  	v13 =	vor.u32 v8, v13;
	v17 =	vld [tilespmem:s25+$0xFFFFFFC0]  }
0x17a: {  	v11 =	vmul.f32 v11, v11;
	v10 =	vsub.f32 v19, v10;
	v9 =	vadd.f32 v12, v9;
	v12 =	vld.idx.msk [tilespmem:v18+s15+$0x0], $0xffff  }
0x17b: {  	v18 =	vld [tilespmem:s25+$0xFFFFFFD0]  }
0x17c: {  	v10 =	vmul.f32 v10, v10;
	v9 =	vadd.f32 v11, v9;
	v11 =	vsub.f32 v20, v14;
	v14 =	vld.idx.msk [tilespmem:v15+s15+$0x0], $0xffff  }
0x17d: {  	v15 =	vld [tilespmem:s25+$0xFFFFFFE0]  }
0x17e: {  	s30 =	simm.s32 $0x2;
	v13 =	vld.idx.msk [tilespmem:v13+s15+$0x0], $0xffff;
	v9 =	vadd.f32 v10, v9;
	v10 =	vmul.f32 v11, v11;
	v11 =	vsub.f32 v17, v16  }
0x17f: {  	v16 =	vmov s30;
	v17 =	vld [tilespmem:s25+$0xFFFFFFF0]  }
0x180: {  	v9 =	vadd.f32 v10, v9;
	v10 =	vmul.f32 v11, v11;
	v11 =	vsub.f32 v18, v12  }
0x181: {  	v12 =	vand.u32 $0x1E, v16  }
0x182: {  	v9 =	vadd.f32 v10, v9;
	v10 =	vmul.f32 v11, v11;
	v11 =	vsub.f32 v15, v14  }
0x183: {  	v12 =	vbroadcast v12, $0x0  }
0x184: {  	v9 =	vadd.f32 v10, v9;
	v10 =	vmul.f32 v11, v11;
	v11 =	vsub.f32 v17, v13;
	_ =	sdelay $0x1  }
0x185: {  	v13 =	vor.u32 v0, v12;
	v9 =	vadd.f32 v10, v9;
	v10 =	vmul.f32 v11, v11;
	_ =	sdelay $0x1  }
0x186: {  	v11 =	vor.u32 v2, v12;
	v24 =	vadd.f32 v10, v9;
	_ =	sdelay $0x1  }
0x187: {  	s31 =	simm.s32 $0x3;
	[tilespmem:$0x7E00] =	vst v24  }
0x188: {  	s24 =	simm.s32 $0x4;
	v9 =	vor.u32 v3, v12;
	v10 =	vmov s31;
	v16 =	vld.idx.msk [tilespmem:v13+s15+$0x0], $0xffff  }
0x189: {  	v17 =	vor.u32 v4, v12;
	v10 =	vand.u32 $0x1F, v10;
	v13 =	vmov s24;
	v22 =	vld [tilespmem:s25+$0x0]  }
0x18a: {  	v14 =	vor.u32 v6, v12;
	v15 =	vbroadcast v10, $0x0;
	v26 =	vld.idx.msk [tilespmem:v11+s15+$0x0], $0xffff;
	v10 =	vand.u32 $0x1C, v13  }
0x18b: {  	v23 =	vor.u32 v5, v12;
	v21 =	vor.u32 v8, v12;
	v28 =	vld [tilespmem:s25+$0x10];
	v18 =	vbroadcast v10, $0x0  }
0x18c: {  	v29 =	vld [tilespmem:s25+$0x20];
	v13 =	vor.u32 v7, v12;
	v25 =	vor.u32 v0, v15;
	v20 =	vor.u32 v2, v15  }
0x18d: {  	v19 =	vor.u32 v3, v15;
	v27 =	vld.idx.msk [tilespmem:v9+s15+$0x0], $0xffff;
	v12 =	vor.u32 v0, v18;
	v11 =	vor.u32 v2, v18  }
0x18e: {  	s28 =	simm.s32 $0x8;
	s26 =	simm.s32 $0x6F00;
	v10 =	vor.u32 v3, v18;
	v9 =	vor.u32 v4, v18;
	v30 =	vsub.f32 v22, v16;
	v22 =	vld.idx.msk [tilespmem:v17+s15+$0x0], $0xffff  }
.LBB2_5:
0x18f: {  	p0 =	slt.u32 s28, $0x1C  }
0x190: {  	v17 =	vor.u32 v6, v18;
	v16 =	vor.u32 v7, v18;
	v31 =	vld [tilespmem:s25+$0x30];
	s26 =	sadd.s32 $0x200, s26;
	s29 =	smov.u32 s28;
	s28 =	sadd.s32 $0x4, s28  }
0x191: {  	v30 =	vmul.f32 v30, v30;
	v26 =	vsub.f32 v28, v26;
	v23 =	vld.idx.msk [tilespmem:v23+s15+$0x0], $0xffff  }
0x192: {  	v28 =	vld [tilespmem:s25+$0x40]  }
0x193: {  	v24 =	vadd.f32 v30, v24;
	v26 =	vmul.f32 v26, v26;
	v27 =	vsub.f32 v29, v27;
	v14 =	vld.idx.msk [tilespmem:v14+s15+$0x0], $0xffff  }
0x194: {  	v29 =	vld [tilespmem:s25+$0x50]  }
0x195: {  	v26 =	vadd.f32 v26, v24;
	v27 =	vmul.f32 v27, v27;
	v22 =	vsub.f32 v31, v22;
	v13 =	vld.idx.msk [tilespmem:v13+s15+$0x0], $0xffff  }
0x196: {  	v24 =	vor.u32 v5, v18;
	v30 =	vld [tilespmem:s25+$0x60]  }
0x197: {  	v26 =	vadd.f32 v27, v26;
	v22 =	vmul.f32 v22, v22;
	v23 =	vsub.f32 v28, v23;
	v21 =	vld.idx.msk [tilespmem:v21+s15+$0x0], $0xffff  }
0x198: {  	v27 =	vld [tilespmem:s25+$0x70]  }
0x199: {  	v22 =	vadd.f32 v22, v26;
	v23 =	vmul.f32 v23, v23;
	v14 =	vsub.f32 v29, v14;
	_ =	sdelay $0x1  }
0x19a: {  	v22 =	vadd.f32 v23, v22;
	v14 =	vmul.f32 v14, v14;
	v13 =	vsub.f32 v30, v13  }
0x19b: {  	v23 =	vor.u32 v8, v18  }
0x19c: {  	v14 =	vadd.f32 v14, v22;
	v13 =	vmul.f32 v13, v13;
	v18 =	vsub.f32 v27, v21;
	_ =	sdelay $0x1  }
0x19d: {  	v13 =	vadd.f32 v13, v14;
	v14 =	vmul.f32 v18, v18;
	_ =	sdelay $0x1  }
0x19e: {  	v13 =	vadd.f32 v14, v13;
	_ =	sdelay $0x1  }
0x19f: {  	[tilespmem:$0x7E00] =	vst v13  }
0x1a0: {  	s30 =	sadd.s32 $0x1, s24;
	v14 =	vld.idx.msk [tilespmem:v25+s15+$0x0], $0xffff  }
0x1a1: {  	v21 =	vor.u32 v4, v15;
	v18 =	vld [tilespmem:s25+$0x80]  }
0x1a2: {  	v22 =	vmov s30;
	v28 =	vld.idx.msk [tilespmem:v20+s15+$0x0], $0xffff  }
0x1a3: {  	v29 =	vor.u32 v5, v15;
	v20 =	vand.u32 $0x1D, v22;
	v22 =	vld [tilespmem:s25+$0x90]  }
0x1a4: {  	v30 =	vbroadcast v20, $0x0;
	v31 =	vld.idx.msk [tilespmem:v19+s15+$0x0], $0xffff  }
0x1a5: {  	v33 =	vor.u32 v6, v15;
	v32 =	vld [tilespmem:s25+$0xA0]  }
0x1a6: {  	v27 =	vor.u32 v0, v30;
	v26 =	vor.u32 v2, v30;
	v14 =	vsub.f32 v18, v14;
	v34 =	vld.idx.msk [tilespmem:v21+s15+$0x0], $0xffff  }
0x1a7: {  	v36 =	vor.u32 v7, v15;
	v25 =	vor.u32 v3, v30;
	v21 =	vor.u32 v4, v30;
	v35 =	vld [tilespmem:s25+$0xB0]  }
0x1a8: {  	v20 =	vor.u32 v6, v30;
	v19 =	vor.u32 v7, v30;
	v14 =	vmul.f32 v14, v14;
	v29 =	vld.idx.msk [tilespmem:v29+s15+$0x0], $0xffff  }
0x1a9: {  	v15 =	vor.u32 v8, v15;
	v18 =	vor.u32 v8, v30;
	v37 =	vld [tilespmem:s25+$0xC0]  }
0x1aa: {  	v13 =	vadd.f32 v14, v13;
	v14 =	vsub.f32 v22, v28;
	v22 =	vld.idx.msk [tilespmem:v33+s15+$0x0], $0xffff  }
0x1ab: {  	v28 =	vsub.f32 v32, v31;
	v31 =	vld [tilespmem:s25+$0xD0]  }
0x1ac: {  	v14 =	vmul.f32 v14, v14;
	v32 =	vsub.f32 v35, v34;
	v33 =	vld.idx.msk [tilespmem:v36+s15+$0x0], $0xffff  }
0x1ad: {  	v28 =	vmul.f32 v28, v28;
	v34 =	vld [tilespmem:s25+$0xE0]  }
0x1ae: {  	v13 =	vadd.f32 v14, v13;
	v14 =	vsub.f32 v37, v29;
	v15 =	vld.idx.msk [tilespmem:v15+s15+$0x0], $0xffff  }
0x1af: {  	v29 =	vmul.f32 v32, v32;
	v32 =	vld [tilespmem:s25+$0xF0];
	s25 =	smov.u32 s26  }
0x1b0: {  	v13 =	vadd.f32 v28, v13;
	v22 =	vsub.f32 v31, v22  }
0x1b1: {  	v14 =	vmul.f32 v14, v14  }
0x1b2: {  	v13 =	vadd.f32 v29, v13;
	v28 =	vsub.f32 v34, v33  }
0x1b3: {  	v22 =	vmul.f32 v22, v22  }
0x1b4: {  	v13 =	vadd.f32 v14, v13;
	v14 =	vsub.f32 v32, v15  }
0x1b5: {  	v15 =	vmul.f32 v28, v28  }
0x1b6: {  	v13 =	vadd.f32 v22, v13  }
0x1b7: {  	v14 =	vmul.f32 v14, v14  }
0x1b8: {  	v13 =	vadd.f32 v15, v13;
	_ =	sdelay $0x1  }
0x1b9: {  	v15 =	vadd.f32 v14, v13;
	_ =	sdelay $0x1  }
0x1ba: {  	s30 =	sadd.s32 $0x2, s24;
	[tilespmem:$0x7E00] =	vst v15  }
0x1bb: {  	v12 =	vld.idx.msk [tilespmem:v12+s15+$0x0], $0xffff  }
0x1bc: {  	v14 =	vmov s30;
	v13 =	vld [tilespmem:s26+$0xFFFFFF00]  }
0x1bd: {  	v28 =	vld.idx.msk [tilespmem:v11+s15+$0x0], $0xffff;
	v11 =	vand.u32 $0x1E, v14  }
0x1be: {  	v30 =	vor.u32 v5, v30;
	v29 =	vld [tilespmem:s26+$0xFFFFFF10];
	v31 =	vbroadcast v11, $0x0  }
0x1bf: {  	v32 =	vld.idx.msk [tilespmem:v10+s15+$0x0], $0xffff  }
0x1c0: {  	v33 =	vld [tilespmem:s26+$0xFFFFFF20];
	v11 =	vor.u32 v0, v31;
	v10 =	vor.u32 v2, v31  }
0x1c1: {  	v22 =	vor.u32 v4, v31;
	v12 =	vsub.f32 v13, v12;
	v34 =	vld.idx.msk [tilespmem:v9+s15+$0x0], $0xffff;
	v9 =	vor.u32 v3, v31  }
0x1c2: {  	v14 =	vor.u32 v6, v31;
	v13 =	vor.u32 v7, v31;
	v35 =	vld [tilespmem:s26+$0xFFFFFF30]  }
0x1c3: {  	v12 =	vmul.f32 v12, v12;
	v28 =	vsub.f32 v29, v28;
	v24 =	vld.idx.msk [tilespmem:v24+s15+$0x0], $0xffff  }
0x1c4: {  	v29 =	vld [tilespmem:s26+$0xFFFFFF40]  }
0x1c5: {  	v12 =	vadd.f32 v12, v15;
	v15 =	vmul.f32 v28, v28;
	v28 =	vsub.f32 v33, v32;
	v17 =	vld.idx.msk [tilespmem:v17+s15+$0x0], $0xffff  }
0x1c6: {  	v32 =	vld [tilespmem:s26+$0xFFFFFF50]  }
0x1c7: {  	v12 =	vadd.f32 v15, v12;
	v15 =	vmul.f32 v28, v28;
	v28 =	vsub.f32 v35, v34;
	v16 =	vld.idx.msk [tilespmem:v16+s15+$0x0], $0xffff  }
0x1c8: {  	v33 =	vld [tilespmem:s26+$0xFFFFFF60]  }
0x1c9: {  	v12 =	vadd.f32 v15, v12;
	v15 =	vmul.f32 v28, v28;
	v24 =	vsub.f32 v29, v24;
	v23 =	vld.idx.msk [tilespmem:v23+s15+$0x0], $0xffff  }
0x1ca: {  	v28 =	vld [tilespmem:s26+$0xFFFFFF70]  }
0x1cb: {  	v12 =	vadd.f32 v15, v12;
	v15 =	vmul.f32 v24, v24;
	v17 =	vsub.f32 v32, v17;
	_ =	sdelay $0x1  }
0x1cc: {  	v12 =	vadd.f32 v15, v12;
	v15 =	vmul.f32 v17, v17;
	v16 =	vsub.f32 v33, v16;
	_ =	sdelay $0x1  }
0x1cd: {  	v12 =	vadd.f32 v15, v12;
	v15 =	vmul.f32 v16, v16;
	v16 =	vsub.f32 v28, v23;
	_ =	sdelay $0x1  }
0x1ce: {  	v12 =	vadd.f32 v15, v12;
	v15 =	vmul.f32 v16, v16;
	_ =	sdelay $0x1  }
0x1cf: {  	v12 =	vadd.f32 v15, v12;
	_ =	sdelay $0x1  }
0x1d0: {  	[tilespmem:$0x7E00] =	vst v12  }
0x1d1: {  	v15 =	vld.idx.msk [tilespmem:v27+s15+$0x0], $0xffff  }
0x1d2: {  	v16 =	vld [tilespmem:s26+$0xFFFFFF80]  }
0x1d3: {  	v17 =	vld.idx.msk [tilespmem:v26+s15+$0x0], $0xffff  }
0x1d4: {  	v23 =	vor.u32 v5, v31;
	v24 =	vld [tilespmem:s26+$0xFFFFFF90]  }
0x1d5: {  	v25 =	vld.idx.msk [tilespmem:v25+s15+$0x0], $0xffff  }
0x1d6: {  	v26 =	vld [tilespmem:s26+$0xFFFFFFA0]  }
0x1d7: {  	v15 =	vsub.f32 v16, v15;
	v16 =	vld.idx.msk [tilespmem:v21+s15+$0x0], $0xffff  }
0x1d8: {  	v27 =	vld [tilespmem:s26+$0xFFFFFFB0]  }
0x1d9: {  	v15 =	vmul.f32 v15, v15;
	v17 =	vsub.f32 v24, v17;
	v24 =	vld.idx.msk [tilespmem:v30+s15+$0x0], $0xffff  }
0x1da: {  	v21 =	vor.u32 v8, v31;
	v28 =	vld [tilespmem:s26+$0xFFFFFFC0]  }
0x1db: {  	v12 =	vadd.f32 v15, v12;
	v15 =	vmul.f32 v17, v17;
	v17 =	vsub.f32 v26, v25;
	v20 =	vld.idx.msk [tilespmem:v20+s15+$0x0], $0xffff  }
0x1dc: {  	v25 =	vld [tilespmem:s26+$0xFFFFFFD0]  }
0x1dd: {  	v12 =	vadd.f32 v15, v12;
	v15 =	vmul.f32 v17, v17;
	v16 =	vsub.f32 v27, v16;
	v17 =	vld.idx.msk [tilespmem:v19+s15+$0x0], $0xffff  }
0x1de: {  	v19 =	vld [tilespmem:s26+$0xFFFFFFE0]  }
0x1df: {  	v12 =	vadd.f32 v15, v12;
	v15 =	vmul.f32 v16, v16;
	v16 =	vsub.f32 v28, v24;
	v18 =	vld.idx.msk [tilespmem:v18+s15+$0x0], $0xffff  }
0x1e0: {  	v24 =	vld [tilespmem:s26+$0xFFFFFFF0]  }
0x1e1: {  	v12 =	vadd.f32 v15, v12;
	v15 =	vmul.f32 v16, v16;
	v16 =	vsub.f32 v25, v20  }
0x1e2: {  	s30 =	sadd.s32 $0x3, s24;
	s24 =	smov.u32 s29  }
0x1e3: {  	v12 =	vadd.f32 v15, v12;
	v15 =	vmul.f32 v16, v16;
	v16 =	vsub.f32 v19, v17  }
0x1e4: {  	v17 =	vmov s30  }
0x1e5: {  	v12 =	vadd.f32 v15, v12;
	v15 =	vmul.f32 v16, v16;
	v16 =	vsub.f32 v24, v18  }
0x1e6: {  	v17 =	vand.u32 $0x1F, v17  }
0x1e7: {  	v12 =	vadd.f32 v15, v12;
	v16 =	vmul.f32 v16, v16;
	v15 =	vbroadcast v17, $0x0;
	_ =	sdelay $0x1  }
0x1e8: {  	v24 =	vadd.f32 v16, v12;
	v25 =	vor.u32 v0, v15;
	v20 =	vor.u32 v2, v15  }
0x1e9: {  	v19 =	vor.u32 v3, v15  }
0x1ea: {  	[tilespmem:$0x7E00] =	vst v24  }
0x1eb: {  	v16 =	vld.idx.msk [tilespmem:v11+s15+$0x0], $0xffff  }
0x1ec: {  	v11 =	vmov s24;
	v17 =	vld [tilespmem:s26+$0x0]  }
.Ltmp1:
0x1ed: {  	v11 =	vand.u32 $0x1C, v11;
	v26 =	vld.idx.msk [tilespmem:v10+s15+$0x0], $0xffff;
	(pc) =	sbr.rel @p0 .LBB2_5-.Ltmp1, $4  }
0x1ee: {  	v18 =	vbroadcast v11, $0x0;
	v28 =	vld [tilespmem:s26+$0x10]  }
0x1ef: {  	v27 =	vld.idx.msk [tilespmem:v9+s15+$0x0], $0xffff  }
0x1f0: {  	v12 =	vor.u32 v0, v18;
	v11 =	vor.u32 v2, v18;
	v29 =	vld [tilespmem:s26+$0x20]  }
0x1f1: {  	v10 =	vor.u32 v3, v18;
	v9 =	vor.u32 v4, v18;
	v30 =	vsub.f32 v17, v16;
	v22 =	vld.idx.msk [tilespmem:v22+s15+$0x0], $0xffff  }
0x1f2: {  	_ =	sdelay $0x2  }
0x1f3: {  	v16 =	vld [tilespmem:s25+$0x30]  }
0x1f4: {  	v23 =	vld.idx.msk [tilespmem:v23+s15+$0x0], $0xffff;
	v17 =	vmul.f32 v30, v30;
	v26 =	vsub.f32 v28, v26  }
0x1f5: {  	v46 =	vld [tilespmem:s25+$0x40]  }
0x1f6: {  	v14 =	vld.idx.msk [tilespmem:v14+s15+$0x0], $0xffff;
	v17 =	vadd.f32 v17, v24;
	v47 =	vmul.f32 v26, v26;
	v48 =	vsub.f32 v29, v27  }
0x1f7: {  	v49 =	vld [tilespmem:s25+$0x50]  }
0x1f8: {  	v13 =	vld.idx.msk [tilespmem:v13+s15+$0x0], $0xffff;
	v17 =	vadd.f32 v47, v17;
	v50 =	vmul.f32 v48, v48;
	v16 =	vsub.f32 v16, v22  }
0x1f9: {  	v51 =	vld [tilespmem:s25+$0x60]  }
0x1fa: {  	v21 =	vld.idx.msk [tilespmem:v21+s15+$0x0], $0xffff;
	v23 =	vsub.f32 v46, v23;
	v17 =	vadd.f32 v50, v17;
	v16 =	vmul.f32 v16, v16  }
0x1fb: {  	v52 =	vld [tilespmem:s25+$0x70]  }
0x1fc: {  	v14 =	vsub.f32 v49, v14;
	v53 =	vmul.f32 v23, v23;
	v16 =	vadd.f32 v16, v17;
	_ =	sdelay $0x1  }
0x1fd: {  	v13 =	vsub.f32 v51, v13;
	v14 =	vmul.f32 v14, v14;
	v16 =	vadd.f32 v53, v16;
	_ =	sdelay $0x1  }
0x1fe: {  	v54 =	vsub.f32 v52, v21;
	v13 =	vmul.f32 v13, v13;
	v14 =	vadd.f32 v14, v16;
	_ =	sdelay $0x1  }
0x1ff: {  	v55 =	vmul.f32 v54, v54;
	v13 =	vadd.f32 v13, v14;
	_ =	sdelay $0x1  }
0x200: {  	v13 =	vadd.f32 v55, v13;
	_ =	sdelay $0x1  }
0x201: {  	[tilespmem:$0x7E00] =	vst v13  }
0x202: {  	v56 =	vld.idx.msk [tilespmem:v25+s15+$0x0], $0xffff  }
0x203: {  	v58 =	vor.u32 v4, v15;
	v57 =	vld [tilespmem:s25+$0x80]  }
0x204: {  	v20 =	vld.idx.msk [tilespmem:v20+s15+$0x0], $0xffff  }
0x205: {  	v60 =	vor.u32 v5, v15;
	v59 =	vld [tilespmem:s25+$0x90]  }
0x206: {  	v19 =	vld.idx.msk [tilespmem:v19+s15+$0x0], $0xffff  }
0x207: {  	v62 =	vor.u32 v6, v15;
	v61 =	vld [tilespmem:s25+$0xA0]  }
0x208: {  	v63 =	vld.idx.msk [tilespmem:v58+s15+$0x0], $0xffff;
	v14 =	vsub.f32 v57, v56  }
0x209: {  	v29 =	vor.u32 v7, v15;
	v28 =	vld [tilespmem:s25+$0xB0]  }
0x20a: {  	v22 =	vld.idx.msk [tilespmem:v60+s15+$0x0], $0xffff;
	v20 =	vsub.f32 v59, v20;
	v14 =	vmul.f32 v14, v14  }
0x20b: {  	v31 =	vor.u32 v8, v15;
	v30 =	vld [tilespmem:s25+$0xC0]  }
0x20c: {  	v32 =	vld.idx.msk [tilespmem:v62+s15+$0x0], $0xffff;
	v19 =	vsub.f32 v61, v19;
	v20 =	vmul.f32 v20, v20;
	v13 =	vadd.f32 v14, v13  }
0x20d: {  	v33 =	vld [tilespmem:s25+$0xD0]  }
0x20e: {  	v34 =	vld.idx.msk [tilespmem:v29+s15+$0x0], $0xffff;
	v16 =	vsub.f32 v28, v63;
	v19 =	vmul.f32 v19, v19;
	v13 =	vadd.f32 v20, v13  }
0x20f: {  	v35 =	vld [tilespmem:s25+$0xE0]  }
0x210: {  	v15 =	vld.idx.msk [tilespmem:v31+s15+$0x0], $0xffff;
	v21 =	vsub.f32 v30, v22;
	v16 =	vmul.f32 v16, v16;
	v13 =	vadd.f32 v19, v13  }
0x211: {  	v36 =	vld [tilespmem:s25+$0xF0]  }
0x212: {  	v21 =	vmul.f32 v21, v21;
	v14 =	vsub.f32 v33, v32;
	v13 =	vadd.f32 v16, v13;
	_ =	sdelay $0x1  }
0x213: {  	v37 =	vsub.f32 v35, v34;
	v14 =	vmul.f32 v14, v14;
	v13 =	vadd.f32 v21, v13;
	_ =	sdelay $0x1  }
0x214: {  	v15 =	vsub.f32 v36, v15;
	v16 =	vmul.f32 v37, v37;
	v13 =	vadd.f32 v14, v13;
	_ =	sdelay $0x1  }
0x215: {  	v38 =	vmul.f32 v15, v15;
	v13 =	vadd.f32 v16, v13;
	_ =	sdelay $0x1  }
0x216: {  	v13 =	vadd.f32 v38, v13;
	_ =	sdelay $0x1  }
0x217: {  	[tilespmem:$0x7E00] =	vst v13  }
0x218: {  	s28 =	sadd.s32 $0x200, s26;
	v12 =	vld.idx.msk [tilespmem:v12+s15+$0x0], $0xffff  }
0x219: {  	v39 =	vld [tilespmem:s28+$0xFFFFFF00]  }
0x21a: {  	v11 =	vld.idx.msk [tilespmem:v11+s15+$0x0], $0xffff  }
0x21b: {  	v40 =	vor.u32 v5, v18;
	v41 =	vld [tilespmem:s28+$0xFFFFFF10]  }
0x21c: {  	v10 =	vld.idx.msk [tilespmem:v10+s15+$0x0], $0xffff  }
0x21d: {  	v42 =	vor.u32 v6, v18;
	v43 =	vld [tilespmem:s28+$0xFFFFFF20]  }
0x21e: {  	v9 =	vld.idx.msk [tilespmem:v9+s15+$0x0], $0xffff;
	v12 =	vsub.f32 v39, v12  }
0x21f: {  	v44 =	vor.u32 v7, v18;
	v45 =	vld [tilespmem:s28+$0xFFFFFF30]  }
0x220: {  	v15 =	vld.idx.msk [tilespmem:v40+s15+$0x0], $0xffff;
	v11 =	vsub.f32 v41, v11;
	v12 =	vmul.f32 v12, v12  }
0x221: {  	v46 =	vor.u32 v8, v18;
	v47 =	vld [tilespmem:s28+$0xFFFFFF40]  }
0x222: {  	v48 =	vld.idx.msk [tilespmem:v42+s15+$0x0], $0xffff;
	v10 =	vsub.f32 v43, v10;
	v11 =	vmul.f32 v11, v11;
	v12 =	vadd.f32 v12, v13  }
0x223: {  	v49 =	vld [tilespmem:s28+$0xFFFFFF50]  }
0x224: {  	v50 =	vld.idx.msk [tilespmem:v44+s15+$0x0], $0xffff;
	v9 =	vsub.f32 v45, v9;
	v10 =	vmul.f32 v10, v10;
	v11 =	vadd.f32 v11, v12  }
0x225: {  	v51 =	vld [tilespmem:s28+$0xFFFFFF60]  }
0x226: {  	s29 =	sadd.s32 $0x1, s24;
	v52 =	vld.idx.msk [tilespmem:v46+s15+$0x0], $0xffff;
	v9 =	vmul.f32 v9, v9;
	v10 =	vadd.f32 v10, v11;
	v11 =	vsub.f32 v47, v15  }
0x227: {  	v53 =	vmov s29;
	v54 =	vld [tilespmem:s28+$0xFFFFFF70]  }
0x228: {  	v9 =	vadd.f32 v9, v10;
	v10 =	vmul.f32 v11, v11;
	v11 =	vsub.f32 v49, v48  }
0x229: {  	v55 =	vand.u32 $0x1D, v53  }
0x22a: {  	v9 =	vadd.f32 v10, v9;
	v10 =	vmul.f32 v11, v11;
	v11 =	vsub.f32 v51, v50  }
0x22b: {  	v56 =	vbroadcast v55, $0x0  }
0x22c: {  	v9 =	vadd.f32 v10, v9;
	v10 =	vmul.f32 v11, v11;
	v11 =	vsub.f32 v54, v52;
	_ =	sdelay $0x1  }
0x22d: {  	v13 =	vor.u32 v0, v56;
	v9 =	vadd.f32 v10, v9;
	v10 =	vmul.f32 v11, v11;
	_ =	sdelay $0x1  }
0x22e: {  	v11 =	vor.u32 v2, v56;
	v9 =	vadd.f32 v10, v9;
	_ =	sdelay $0x1  }
0x22f: {  	[tilespmem:$0x7E00] =	vst v9  }
0x230: {  	v10 =	vor.u32 v3, v56;
	v13 =	vld.idx.msk [tilespmem:v13+s15+$0x0], $0xffff  }
0x231: {  	v57 =	vor.u32 v4, v56;
	v58 =	vld [tilespmem:s28+$0xFFFFFF80]  }
0x232: {  	v11 =	vld.idx.msk [tilespmem:v11+s15+$0x0], $0xffff  }
0x233: {  	v59 =	vor.u32 v5, v56;
	v60 =	vld [tilespmem:s28+$0xFFFFFF90]  }
0x234: {  	v62 =	vld [tilespmem:s28+$0xFFFFFFA0]  }
0x235: {  	v61 =	vor.u32 v6, v56;
	v10 =	vld.idx.msk [tilespmem:v10+s15+$0x0], $0xffff  }
0x236: {  	v14 =	vld.idx.msk [tilespmem:v57+s15+$0x0], $0xffff;
	v13 =	vsub.f32 v58, v13  }
0x237: {  	v63 =	vor.u32 v7, v56;
	v24 =	vld [tilespmem:s28+$0xFFFFFFB0]  }
0x238: {  	v16 =	vld.idx.msk [tilespmem:v59+s15+$0x0], $0xffff;
	v11 =	vsub.f32 v60, v11;
	v13 =	vmul.f32 v13, v13  }
0x239: {  	v12 =	vor.u32 v8, v56;
	v25 =	vld [tilespmem:s28+$0xFFFFFFC0]  }
0x23a: {  	v26 =	vld.idx.msk [tilespmem:v61+s15+$0x0], $0xffff;
	v11 =	vmul.f32 v11, v11;
	v10 =	vsub.f32 v62, v10;
	v9 =	vadd.f32 v13, v9  }
0x23b: {  	v27 =	vld [tilespmem:s28+$0xFFFFFFD0]  }
0x23c: {  	v28 =	vld.idx.msk [tilespmem:v63+s15+$0x0], $0xffff;
	v10 =	vmul.f32 v10, v10;
	v9 =	vadd.f32 v11, v9;
	v11 =	vsub.f32 v24, v14  }
0x23d: {  	v29 =	vld [tilespmem:s28+$0xFFFFFFE0]  }
0x23e: {  	s30 =	sadd.s32 $0x2, s24;
	v12 =	vld.idx.msk [tilespmem:v12+s15+$0x0], $0xffff;
	v9 =	vadd.f32 v10, v9;
	v10 =	vmul.f32 v11, v11;
	v11 =	vsub.f32 v25, v16  }
0x23f: {  	v30 =	vmov s30;
	v31 =	vld [tilespmem:s28+$0xFFFFFFF0]  }
0x240: {  	v9 =	vadd.f32 v10, v9;
	v10 =	vmul.f32 v11, v11;
	v11 =	vsub.f32 v27, v26  }
0x241: {  	v32 =	vand.u32 $0x1E, v30  }
0x242: {  	v9 =	vadd.f32 v10, v9;
	v10 =	vmul.f32 v11, v11;
	v11 =	vsub.f32 v29, v28  }
0x243: {  	v13 =	vbroadcast v32, $0x0  }
0x244: {  	v9 =	vadd.f32 v10, v9;
	v10 =	vmul.f32 v11, v11;
	v11 =	vsub.f32 v31, v12;
	_ =	sdelay $0x1  }
0x245: {  	v33 =	vor.u32 v0, v13;
	v9 =	vadd.f32 v10, v9;
	v10 =	vmul.f32 v11, v11;
	_ =	sdelay $0x1  }
0x246: {  	v11 =	vor.u32 v2, v13;
	v9 =	vadd.f32 v10, v9;
	_ =	sdelay $0x1  }
0x247: {  	[tilespmem:$0x7E00] =	vst v9  }
0x248: {  	v10 =	vor.u32 v3, v13;
	v12 =	vld.idx.msk [tilespmem:v33+s15+$0x0], $0xffff  }
0x249: {  	v34 =	vor.u32 v4, v13;
	v35 =	vld [tilespmem:s28+$0x0]  }
0x24a: {  	v11 =	vld.idx.msk [tilespmem:v11+s15+$0x0], $0xffff  }
0x24b: {  	v36 =	vor.u32 v5, v13;
	v37 =	vld [tilespmem:s28+$0x10]  }
0x24c: {  	v39 =	vld [tilespmem:s28+$0x20]  }
0x24d: {  	v38 =	vor.u32 v6, v13;
	v10 =	vld.idx.msk [tilespmem:v10+s15+$0x0], $0xffff  }
0x24e: {  	v14 =	vld.idx.msk [tilespmem:v34+s15+$0x0], $0xffff;
	v12 =	vsub.f32 v35, v12  }
0x24f: {  	v40 =	vor.u32 v7, v13;
	v41 =	vld [tilespmem:s28+$0x30]  }
0x250: {  	v16 =	vld.idx.msk [tilespmem:v36+s15+$0x0], $0xffff;
	v11 =	vsub.f32 v37, v11;
	v12 =	vmul.f32 v12, v12  }
0x251: {  	v13 =	vor.u32 v8, v13;
	v42 =	vld [tilespmem:s28+$0x40]  }
0x252: {  	v43 =	vld.idx.msk [tilespmem:v38+s15+$0x0], $0xffff;
	v11 =	vmul.f32 v11, v11;
	v10 =	vsub.f32 v39, v10;
	v9 =	vadd.f32 v12, v9  }
0x253: {  	v44 =	vld [tilespmem:s28+$0x50]  }
0x254: {  	v45 =	vld.idx.msk [tilespmem:v40+s15+$0x0], $0xffff;
	v10 =	vmul.f32 v10, v10;
	v9 =	vadd.f32 v11, v9;
	v11 =	vsub.f32 v41, v14  }
0x255: {  	v46 =	vld [tilespmem:s28+$0x60]  }
0x256: {  	s31 =	sadd.s32 $0x3, s24;
	v48 =	vld [tilespmem:s28+$0x70];
	v9 =	vadd.f32 v10, v9;
	v10 =	vmul.f32 v11, v11;
	v11 =	vsub.f32 v42, v16  }
0x257: {  	v47 =	vmov s31;
	v13 =	vld.idx.msk [tilespmem:v13+s15+$0x0], $0xffff  }
0x258: {  	v9 =	vadd.f32 v10, v9;
	v10 =	vmul.f32 v11, v11;
	v11 =	vsub.f32 v44, v43  }
0x259: {  	v49 =	vand.u32 $0x1F, v47  }
0x25a: {  	v9 =	vadd.f32 v10, v9;
	v10 =	vmul.f32 v11, v11;
	v11 =	vsub.f32 v46, v45  }
0x25b: {  	v12 =	vbroadcast v49, $0x0  }
0x25c: {  	v9 =	vadd.f32 v10, v9;
	v10 =	vmul.f32 v11, v11;
	v11 =	vsub.f32 v48, v13;
	_ =	sdelay $0x1  }
0x25d: {  	v50 =	vor.u32 v0, v12;
	v9 =	vadd.f32 v10, v9;
	v10 =	vmul.f32 v11, v11;
	_ =	sdelay $0x1  }
0x25e: {  	v11 =	vor.u32 v2, v12;
	v9 =	vadd.f32 v10, v9;
	_ =	sdelay $0x1  }
0x25f: {  	[tilespmem:$0x7E00] =	vst v9  }
0x260: {  	v10 =	vor.u32 v3, v12;
	v13 =	vld.idx.msk [tilespmem:v50+s15+$0x0], $0xffff  }
0x261: {  	v52 =	vor.u32 v4, v12;
	v51 =	vld [tilespmem:s28+$0x80]  }
0x262: {  	v11 =	vld.idx.msk [tilespmem:v11+s15+$0x0], $0xffff  }
0x263: {  	v54 =	vor.u32 v5, v12;
	v53 =	vld [tilespmem:s28+$0x90]  }
0x264: {  	v55 =	vld [tilespmem:s28+$0xA0]  }
0x265: {  	v56 =	vor.u32 v6, v12;
	v10 =	vld.idx.msk [tilespmem:v10+s15+$0x0], $0xffff  }
0x266: {  	v57 =	vld.idx.msk [tilespmem:v52+s15+$0x0], $0xffff;
	v13 =	vsub.f32 v51, v13  }
0x267: {  	v59 =	vor.u32 v7, v12;
	v58 =	vld [tilespmem:s28+$0xB0]  }
0x268: {  	v17 =	vld.idx.msk [tilespmem:v54+s15+$0x0], $0xffff;
	v11 =	vsub.f32 v53, v11;
	v13 =	vmul.f32 v13, v13  }
0x269: {  	v12 =	vor.u32 v8, v12;
	v60 =	vld [tilespmem:s28+$0xC0]  }
0x26a: {  	v61 =	vld.idx.msk [tilespmem:v56+s15+$0x0], $0xffff;
	v10 =	vsub.f32 v55, v10;
	v11 =	vmul.f32 v11, v11;
	v9 =	vadd.f32 v13, v9  }
0x26b: {  	v62 =	vld [tilespmem:s28+$0xD0]  }
0x26c: {  	v63 =	vld.idx.msk [tilespmem:v59+s15+$0x0], $0xffff;
	v14 =	vsub.f32 v58, v57;
	v10 =	vmul.f32 v10, v10;
	v9 =	vadd.f32 v11, v9  }
0x26d: {  	v11 =	vld [tilespmem:s28+$0xE0]  }
0x26e: {  	v12 =	vld.idx.msk [tilespmem:v12+s15+$0x0], $0xffff;
	v16 =	vsub.f32 v60, v17;
	v14 =	vmul.f32 v14, v14;
	v9 =	vadd.f32 v10, v9  }
0x26f: {  	v10 =	vld [tilespmem:s28+$0xF0]  }
0x270: {  	v16 =	vmul.f32 v16, v16;
	v13 =	vsub.f32 v62, v61;
	v9 =	vadd.f32 v14, v9;
	_ =	sdelay $0x1  }
0x271: {  	v13 =	vmul.f32 v13, v13;
	v11 =	vsub.f32 v11, v63;
	v9 =	vadd.f32 v16, v9;
	_ =	sdelay $0x1  }
0x272: {  	s23 =	sadd.s32 $0x1, s23;
	v10 =	vsub.f32 v10, v12;
	v11 =	vmul.f32 v11, v11;
	v9 =	vadd.f32 v13, v9  }
0x273: {  	p0 =	sne.s32 s23, $0x3E  }
.Ltmp2:
0x274: {  	v10 =	vmul.f32 v10, v10;
	v9 =	vadd.f32 v11, v9;
	(pc) =	sbr.rel @p0 .LBB2_2-.Ltmp2, $3  }
0x275: {  	_ = 	snop  }
0x276: {  	v9 =	vadd.f32 v10, v9;
	_ =	sdelay $0x1  }
0x277: {  	[tilespmem:$0x7E00] =	vst v9  }
0x278: {  	s22 =	sadd.s32 $0x1, s22  }
0x279: {  	p0 =	sne.s32 s22, s9  }
.Ltmp3:
0x27a: {  	_ = 	snop;
	(pc) =	sbr.rel @p0 .LBB2_1-.Ltmp3, $4  }
0x27b: {  	[hbm4b:s8+s2] =	stream.linear.scatter [tilespmem:s21], [sflag:$0x5], $0x10, $0x38;
	[tilespmem:$0x7E10] =	vst v63  }
0x27c: {  	_ =	swait.ge [sflag:s10], $0x10  }
0x27d: {  	[sflag:s10] =	ssyncset.done $0x0  }
0x27e: {  	[sflag:s10] =	ssyncadd.s32 $0xFFFFFFF0  }
0x27f: {  	_ =	sfence.sel $0x180000  }
0x280: {  	[bflag:$0x0] =	sbarrier.arrive $0xFFFF  }
0x281: {  	p0 =	sne.s32 s0, $0x0;
	_ =	strace $0x90000053  }
0x282: {  	s0 =	sadd.s32 @!p0 $0x100000, s1;
	[bflag:$0x2] =	sbarrier.arrive $0xFFFF  }
0x283: {  	[sflag:s0] =	ssyncadd.tile.s32 @!p0 $0x1;
	_ =	shalt  }
.Lfunc_end2:
_tile_overlayer_lowered:
.L_overlay_start_2:
0x284: {  	(tag) =	ssettag $0x2  }
0x285: {  	s0 =	rddreg [dreg:$0x0];
	s2 =	stileid.u32  }
0x286: {  	s1 =	rddreg [dreg:$0x1];
	p0 =	sne.s32 s2, $0x0  }
0x287: {  	s3 =	rddreg [dreg:$0x2];
	[bflag:$0x3] =	sbarrier.arrive $0xFFFF;
	s2 =	simm.s32 @!p0 $0x1C05  }
0x288: {  	[timem:s3], [sflag:s2] =	dma.local @!p0 [hbm:s0], s1  }
0x289: {  	s0 =	simm.s32 @!p0 $0x5  }
0x28a: {  	_ =	swait.ge @!p0 [sflag:s0], s1  }
0x28b: {  	s1 =	ssub.s32 @!p0 $0x0, s1;
	[sflag:s0] =	ssyncset.done @!p0 $0x0  }
0x28c: {  	[sflag:s0] =	ssyncadd.s32 @!p0 s1  }
0x28d: {  	[bflag:$0x3] =	sbarrier.arrive $0xFFFF  }
0x28e: {  	_ =	shalt  }

// kernel: kernel.9.cloned.1.call-start
scs
__scs_entry_jumppad:
0x0: {  	(pc) =	sbr.rel $0x88, $3  }
0x1: {  	(tag) =	ssettag $0x0;
	lr =	simm.s32 $0x1  }
0x2: {  	[smem:$0x3F90] =	sst lr;
	_ =	strace $0xD0000000  }
0x3: {  	_ = 	snop  }
0x4: {  	_ = 	snop  }
0x5: {  	_ = 	snop  }
0x6: {  	_ = 	snop  }
0x7: {  	_ = 	snop  }
__scs_overlays_trampoline_lowered:
0x8: {  	[smem:$0x3F9F] =	sst s0  }
0x9: {  	[smem:$0x3FA0] =	sst s1  }
0xa: {  	[smem:$0x3FA1] =	sst s2  }
0xb: {  	[smem:$0x3FA2] =	sst s3  }
0xc: {  	[smem:$0x3FA3] =	sst s4  }
0xd: {  	[smem:$0x3FA4] =	sst s5  }
0xe: {  	[smem:$0x3FA5] =	sst s6  }
0xf: {  	[smem:$0x3FA6] =	sst s7  }
0x10: {  	[smem:$0x3FA7] =	sst s8  }
0x11: {  	[smem:$0x3FA8] =	sst s9;
	s0 =	simm.s32 @!p0 $0x0  }
0x12: {  	s1 =	sld [smem:$0x3F8E];
	s0 =	simm.s32 @p0 $0x1  }
0x13: {  	[smem:$0x3FA9] =	sst s0;
	s0 =	simm.s32 @!p1 $0x0  }
0x14: {  	s2 =	sld [smem:$0x3F8D];
	s0 =	simm.s32 @p1 $0x1  }
0x15: {  	[smem:$0x3FAA] =	sst s0;
	s0 =	simm.s32 @!p2 $0x0  }
0x16: {  	s3 =	sld [smem:$0x3FDB];
	s0 =	simm.s32 @p2 $0x1  }
0x17: {  	s4 =	simm.s32 $0x1BF5;
	[smem:$0x3FAC] =	sst s0  }
0x18: {  	s0 =	sld [smem:$0x3F8F];
	_ =	swait.ge [sflag:s4], $0x0  }
0x19: {  	s7 =	sld [smem:$0x3F90]  }
0x1a: {  	s8 =	sadd.s32 $0xFFFFE003, lr  }
0x1b: {  	s9 =	sadd.s32 $0xFFFFFEF7, lr;
	s5 =	simm.s32 $0xFFFFFFFF;
	p2 =	slt.u32 s8, $0xFFFFF086  }
0x1c: {  	p1 =	slt.u32 s9, $0xF7A;
	s5 =	simm.s32 @!p2 $0x0  }
0x1d: {  	s5 =	simm.s32 @p1 $0x1;
	p0 =	seq.s32 s7, s2  }
0x1e: {  	s7 =	smul.u32 @!p0 $0xF7A, s2;
	p2 =	seq.s32 @!p0 s5, $0x0  }
0x1f: {  	s9 =	smul.u32 $0xF7A, s1;
	s8 =	simm.s32 @!p0 $0x1BF5;
	p2 =	por !p2, p0  }
0x20: {  	[sflag:s8] =	ssyncset.s32 @!p0 $0xFFFFF086;
	s6 =	sadd.s32 @!p0 s3, s7;
	s7 =	simm.s32 @!p0 $0x108  }
0x21: {  	s3 =	sadd.s32 s3, s9;
	s6 =	sadd.s32 @!p0 $0x88, s6;
	s7 =	simm.s32 @p2 $0x1082  }
0x22: {  	[simem:s7], [sflag:s8] =	dma.local @!p0 [hbm:s6], $0xF7A  }
0x23: {  	s9 =	sor.u32 $0xD0000000, s2;
	s6 =	simm.s32 $0x108;
	_ =	swait.ge @!p0 [sflag:s8], $0x0  }
0x24: {  	s3 =	sadd.s32 $0x88, s3;
	s6 =	simm.s32 @!p1 $0x1082;
	[sflag:s4] =	ssyncset.s32 $0xFFFFF086  }
0x25: {  	[simem:s6], [sflag:s4] =	dma.local [hbm:s3], $0xF7A  }
0x26: {  	[smem:$0x3F90] =	sst s1;
	(tag) =	ssettag s2;
	_ =	strace s9  }
0x27: {  	s1 =	sld [smem:$0x3FA0]  }
0x28: {  	s2 =	sld [smem:$0x3FA1]  }
0x29: {  	s4 =	sld [smem:$0x3FA3]  }
0x2a: {  	p0 =	seq.s32 s5, $0x0;
	s5 =	sld [smem:$0x3FA4]  }
0x2b: {  	s6 =	sld [smem:$0x3FA5]  }
0x2c: {  	s7 =	sld [smem:$0x3FA6]  }
0x2d: {  	s3 =	simm.s32 $0x108;
	s8 =	sld [smem:$0x3FA7]  }
0x2e: {  	s3 =	simm.s32 @!p0 $0x1082;
	s9 =	sld [smem:$0x3FA8]  }
0x2f: {  	lr =	sadd.s32 s0, s3;
	s0 =	sld [smem:$0x3F9F]  }
0x30: {  	s3 =	sld [smem:$0x3FA2]  }
0x31: {  	[smem:$0x3FAB] =	sst s10  }
0x32: {  	s10 =	sld [smem:$0x3FA9];
	_ =	sdelay $0x3  }
0x33: {  	p0 =	seq.s32 s10, $0x1;
	s10 =	sld [smem:$0x3FAB];
	_ =	sdelay $0x3  }
0x34: {  	[smem:$0x3FAB] =	sst s10  }
0x35: {  	s10 =	sld [smem:$0x3FAA];
	_ =	sdelay $0x3  }
0x36: {  	p1 =	seq.s32 s10, $0x1;
	s10 =	sld [smem:$0x3FAB];
	_ =	sdelay $0x3  }
0x37: {  	[smem:$0x3FAB] =	sst s10  }
0x38: {  	s10 =	sld [smem:$0x3FAC]  }
0x39: {  	_ = 	snop;
	(pc) =	sbr.ind lr, $3  }
0x3a: {  	_ = 	snop  }
0x3b: {  	_ = 	snop  }
0x3c: {  	p2 =	seq.s32 s10, $0x1;
	s10 =	sld [smem:$0x3FAB]  }
0x3d: {  	_ =	shalt  }
0x3e: {  	_ =	shalt  }
0x3f: {  	_ =	shalt  }
0x40: {  	_ =	shalt  }
0x41: {  	_ =	shalt  }
0x42: {  	_ =	shalt  }
0x43: {  	_ =	shalt  }
0x44: {  	_ =	shalt  }
0x45: {  	_ =	shalt  }
0x46: {  	_ =	shalt  }
0x47: {  	_ =	shalt  }
0x48: {  	_ =	shalt  }
0x49: {  	_ =	shalt  }
0x4a: {  	_ =	shalt  }
0x4b: {  	_ =	shalt  }
0x4c: {  	_ =	shalt  }
0x4d: {  	_ =	shalt  }
0x4e: {  	_ =	shalt  }
0x4f: {  	_ =	shalt  }
0x50: {  	_ =	shalt  }
0x51: {  	_ =	shalt  }
0x52: {  	_ =	shalt  }
0x53: {  	_ =	shalt  }
0x54: {  	_ =	shalt  }
0x55: {  	_ =	shalt  }
0x56: {  	_ =	shalt  }
0x57: {  	_ =	shalt  }
0x58: {  	_ =	shalt  }
0x59: {  	_ =	shalt  }
0x5a: {  	_ =	shalt  }
0x5b: {  	_ =	shalt  }
0x5c: {  	_ =	shalt  }
0x5d: {  	_ =	shalt  }
0x5e: {  	_ =	shalt  }
0x5f: {  	_ =	shalt  }
0x60: {  	_ =	shalt  }
0x61: {  	_ =	shalt  }
0x62: {  	_ =	shalt  }
0x63: {  	_ =	shalt  }
0x64: {  	_ =	shalt  }
0x65: {  	_ =	shalt  }
0x66: {  	_ =	shalt  }
0x67: {  	_ =	shalt  }
0x68: {  	_ =	shalt  }
0x69: {  	_ =	shalt  }
0x6a: {  	_ =	shalt  }
0x6b: {  	_ =	shalt  }
0x6c: {  	_ =	shalt  }
0x6d: {  	_ =	shalt  }
0x6e: {  	_ =	shalt  }
0x6f: {  	_ =	shalt  }
0x70: {  	_ =	shalt  }
0x71: {  	_ =	shalt  }
0x72: {  	_ =	shalt  }
0x73: {  	_ =	shalt  }
0x74: {  	_ =	shalt  }
0x75: {  	_ =	shalt  }
0x76: {  	_ =	shalt  }
0x77: {  	_ =	shalt  }
0x78: {  	_ =	shalt  }
0x79: {  	_ =	shalt  }
0x7a: {  	_ =	shalt  }
0x7b: {  	_ =	shalt  }
0x7c: {  	_ =	shalt  }
0x7d: {  	_ =	shalt  }
0x7e: {  	_ =	shalt  }
0x7f: {  	_ =	shalt  }
0x80: {  	_ =	shalt  }
0x81: {  	_ =	shalt  }
0x82: {  	_ =	shalt  }
0x83: {  	_ =	shalt  }
0x84: {  	_ =	shalt  }
0x85: {  	_ =	shalt  }
0x86: {  	_ =	shalt  }
0x87: {  	_ =	shalt  }
.Lfunc_end0:
.L_simem_size_0:
called_computation.1_lowered:
.L_overlay_start_0:
0x88: {  	s2 =	sld [smem:$0x3FD9]  }
0x89: {  	s3 =	sld [smem:$0x3FFE];
	_ =	sdelay $0x1  }
0x8a: {  	s1 =	srdreg.scid  }
0x8b: {  	s0 =	sand.u32 $0x1, s1  }
0x8c: {  	s14 =	sshll.u32 s0, $0xA;
	s2 =	sadd.s32 s3, s2  }
0x8d: {  	s2 =	sadd.s32 s2, s14  }
0x8e: {  	[smem:$0x3FB7] =	sst s2  }
0x8f: {  	_ = 	snop  }
0x90: {  	s2 =	sld [smem:$0x3FD0];
	_ =	sdelay $0x2  }
0x91: {  	s15 =	simm.s32 $0xB;
	s4 =	simm.s32 $0x10  }
0x92: {  	[smem:s4], [sflag:s15] =	dma.local [hbm:s2], $0x1  }
0x93: {  	_ =	swait.eq [sflag:s15], $0x1  }
0x94: {  	[sflag:s15] =	ssyncset.done $0x0  }
0x95: {  	[sflag:s15] =	ssyncadd.s32 $0xFFFFFFFF  }
0x96: {  	s16 =	sld [smem:$0x10];
	(tm) =	ssettm $0x1  }
0x97: {  	s17 =	sld [smem:$0x3FFB];
	_ =	sdelay $0x3  }
0x98: {  	_ =	strace s17  }
0x99: {  	s3 =	sld [smem:$0x3FFC];
	_ =	sdelay $0x3  }
0x9a: {  	_ =	strace s3  }
0x9b: {  	s3 =	sld [smem:$0x3FFD];
	_ =	sdelay $0x3  }
0x9c: {  	_ =	strace s3  }
0x9d: {  	_ =	strace $0x8FFFFFFF  }
0x9e: {  	s18 =	sld [smem:$0x3FDB];
	_ =	sdelay $0x1  }
0x9f: {  	s19 =	simm.s32 $_scs_section_size  }
0xa0: {  	s5 =	simm.s32 $_size__tile_overlayer_lowered;
	s6 =	simm.s32 $_tile_overlayer_lowered  }
0xa1: {  	s22 =	simm.s32 $0x1BFF;
	s21 =	sshll.u32 s6, $0x1;
	s3 =	sadd.s32 s19, s18  }
0xa2: {  	s7 =	simm.s32 $0x0;
	s20 =	sshll.u32 s5, $0x1;
	s5 =	sadd.s32 s21, s3  }
0xa3: {  	[timem:s7], [sflag:s22] =	dma.local [hbm:s5], s20  }
0xa4: {  	_ =	swait.ge [sflag:s22], s20  }
0xa5: {  	s4 =	ssub.s32 $0x0, s20;
	[sflag:s22] =	ssyncset.done $0x0  }
0xa6: {  	[sflag:s22] =	ssyncadd.s32 s4;
	_ =	sdelay $0x1  }
0xa7: {  	s23 =	simm.s32 $0x1B8B  }
0xa8: {  	_ =	swait.ge [sflag:s23], $0x1  }
0xa9: {  	[sflag:s23] =	ssyncset.done $0x0  }
0xaa: {  	s25 =	simm.s32 $0x1B8E;
	s24 =	sld [smem:$0x3FFE];
	[sflag:s23] =	ssyncadd.s32 $0xFFFFFFFF  }
0xab: {  	s26 =	simm.s32 $execute0_lowered;
	[smem:$0x3FD2] =	sst s25  }
0xac: {  	s5 =	sshll.u32 s26, $0x1;
	_ =	strace $0x80000046;
	[dreg:$0x1] =	wrdreg $0xFFFFFFFF  }
0xad: {  	s28 =	simm.s32 $_size_execute0_lowered;
	s3 =	sadd.s32 s3, s5;
	[dreg:$0x0] =	wrdreg $0x0  }
0xae: {  	s5 =	sshll.u32 s28, $0x1;
	[dreg:$0x2] =	wrdreg s3  }
0xaf: {  	[dreg:$0x3] =	wrdreg s5  }
0xb0: {  	[dreg:$0x4] =	wrdreg $0xC0  }
0xb1: {  	_ =	task [dreg:s7], $0x5FFFF  }
0xb2: {  	[dreg:$0x1] =	wrdreg $0xFFFFFFFF  }
0xb3: {  	[dreg:$0x0] =	wrdreg $0x60  }
0xb4: {  	[dreg:$0x2] =	wrdreg s24  }
0xb5: {  	[dreg:$0x3] =	wrdreg s16  }
0xb6: {  	[dreg:$0x4] =	wrdreg $0x9  }
0xb7: {  	_ =	task.clear_ibuf [dreg:s7], $0x5FFFF;
	_ =	strace $0x90000046  }
0xb8: {  	s29 =	simm.s32 $0x9;
	_ =	strace $0x80000048  }
0xb9: {  	_ =	swait.ge [sflag:s29], $0x1  }
0xba: {  	[sflag:s29] =	ssyncadd.s32 $0xFFFFFFFF  }
0xbb: {  	_ =	strace $0x90000048  }
0xbc: {  	_ =	sfence  }
0xbd: {  	s30 =	sld [smem:$0x0];
	_ =	sdelay $0x2  }
0xbe: {  	s31 =	sshll.u32 s1, $0xD;
	s1 =	sshrl.u32 s1, $0x2  }
0xbf: {  	s3 =	sand.u32 $0x4000, s31;
	s1 =	sadd.s32 s1, s30  }
0xc0: {  	s0 =	sor.u32 s3, s0;
	s1 =	sshll.u32 s1, $0x11  }
0xc1: {  	s0 =	sor.u32 s1, s0  }
0xc2: {  	s0 =	sadd.s32 $0x8F2B, s0  }
0xc3: {  	[sflag:s0] =	ssyncadd.remote.s32 $0x1  }
0xc4: {  	_ =	sfence.sel $0xFFFF  }
0xc5: {  	[dreg:$0x0] =	wrdreg $0xFFFFFFFF;
	(pc) =	sbr.abs _section_cstart, $3  }
0xc6: {  	[dreg:$0x1] =	wrdreg $0xFFFFFFFF  }
0xc7: {  	_ =	task.clear_ibuf [dreg:s7], $0x2FFFF;
	_ =	strace $0x9FFFFFFF  }
0xc8: {  	(tm) =	ssettm $0x7FFFFFFF  }
0xc9: {  	_ =	shalt  }
tec
execute0_lowered:
.L_overlay_start_1:
0x0: {  	(tag) =	ssettag $0x1  }
0x1: {  	s1 =	rddreg [dreg:$0x0]  }
0x2: {  	s3 =	srdreg.scid;
	s0 =	stileid.u32  }
0x3: {  	s2 =	rddreg [dreg:$0x1];
	s12 =	simm.s32 $0x80;
	s13 =	simm.s32 $0x7C00  }
0x4: {  	s14 =	simm.s32 $0xFC00;
	s30 =	simm.s32 $0xDC00;
	s31 =	simm.s32 $0x15C00  }
0x5: {  	s18 =	simm.s32 $0xBC00;
	s19 =	simm.s32 $0x13C00;
	s20 =	simm.s32 $0x1  }
0x6: {  	s21 =	simm.s32 $0x3;
	s22 =	simm.s32 $0x40;
	s23 =	simm.s32 $0x2  }
0x7: {  	s24 =	simm.s32 $0x4;
	s25 =	simm.s32 $0x0;
	s7 =	smul.u32 $0x3E0000, s0  }
0x8: {  	s6 =	sand.u32 $0x1, s3;
	s4 =	sshll.u32 s0, $0x1;
	s28 =	smul.u32 $0x7C000, s0  }
0x9: {  	s3 =	simm.s32 $0x0;
	s4 =	sor.u32 s6, s4;
	s9 =	smul.u32 $0x1F0000, s6  }
0xa: {  	[smem:$0x7FF] =	sst s3;
	s8 =	ssub.s32 $0x2, s6;
	s11 =	smul.u32 $0x3E000, s6  }
0xb: {  	s5 =	smul.u32 $0x7C0, s4;
	_ =	strace $0x80000047;
	[dreg:$0x3] =	wrdreg s30  }
0xc: {  	s4 =	sadd.s32 $0x23000, s1;
	s26 =	sshrl.u32 s8, $0x1;
	[dreg:$0x4] =	wrdreg s31  }
0xd: {  	s8 =	ssub.s32 s8, s26;
	s7 =	sadd.s32 s9, s7;
	s10 =	sadd.s32 s5, s1  }
0xe: {  	s1 =	sadd.s32 $0x46200, s1;
	s7 =	sshrl.u32 s7, $0x3;
	s5 =	sadd.s32 $0x13800, s10  }
0xf: {  	s6 =	sadd.s32 $0x36A00, s10;
	s29 =	sadd.s32 s7, s1;
	s1 =	sadd.s32 s28, s1  }
0x10: {  	s7 =	smax.u32 s8, $0x1;
	s10 =	simm.s32 $0x5;
	s1 =	sadd.s32 s11, s1  }
0x11: {  	s8 =	sadd.s32 $0x8, s29;
	s11 =	simm.s32 $0x3E00;
	s9 =	sadd.s32 $0x1008, s1  }
.LBB2_1:
0x12: {  	[tilespmem:s3], [sflag:$0x5] =	stream.linear.gather [hbm4b:s5+s3], $0x3E00, $0x38;
	[tilespmem:$0x17C00] =	vst v63  }
0x13: {  	_ =	swait.ge [sflag:s10], $0x3E00  }
0x14: {  	[sflag:s10] =	ssyncset.done $0x0  }
0x15: {  	[sflag:s10] =	ssyncadd.s32 $0xFFFFC200  }
0x16: {  	[tilespmem:s11], [sflag:$0x5] =	stream.linear.gather [hbm4b:s6+s3], $0x3E00, $0x38;
	[tilespmem:$0x17C00] =	vst v63  }
0x17: {  	_ =	swait.ge [sflag:s10], $0x3E00  }
0x18: {  	[sflag:s10] =	ssyncset.done $0x0  }
0x19: {  	[sflag:s10] =	ssyncadd.s32 $0xFFFFC200  }
0x1a: {  	[tilespmem:s13], [sflag:$0x1] =	stream.indirect.gather [hbm4b:s4+s12], $0x40, s3, s12, $0xb8;
	[tilespmem:$0x17C00] =	vst v63  }
0x1b: {  	_ = 	snop  }
0x1c: {  	[tilespmem:s14], [sflag:$0x3] =	stream.indirect.gather [hbm4b:s2+s12], $0x40, s11, s12, $0xb8;
	[tilespmem:$0x17C00] =	vst v63  }
0x1d: {  	s0 =	simm.s32 $0x9C00  }
0x1e: {  	[tilespmem:s0], [sflag:$0x1] =	stream.indirect.gather [hbm4b:s4+s12], $0x40, s12, s12, $0xb8;
	[tilespmem:$0x17C00] =	vst v63  }
0x1f: {  	s31 =	simm.s32 $0x3E80;
	s1 =	simm.s32 $0x11C00  }
0x20: {  	[tilespmem:s1], [sflag:$0x3] =	stream.indirect.gather [hbm4b:s2+s12], $0x40, s31, s12, $0xb8;
	[tilespmem:$0x17C00] =	vst v63  }
0x21: {  	s0 =	simm.s32 $0x100  }
0x22: {  	[tilespmem:s18], [sflag:$0x2] =	stream.indirect.gather [hbm4b:s4+s12], $0x40, s0, s12, $0xb8;
	[tilespmem:$0x17C00] =	vst v63  }
0x23: {  	s15 =	simm.s32 $0x3F00  }
0x24: {  	[tilespmem:s19], [sflag:$0x4] =	stream.indirect.gather [hbm4b:s2+s12], $0x40, s15, s12, $0xb8;
	[tilespmem:$0x17C00] =	vst v63  }
0x25: {  	s16 =	simm.s32 $0x180;
	s26 =	rddreg [dreg:$0x3]  }
0x26: {  	[tilespmem:s26], [sflag:$0x2] =	stream.indirect.gather [hbm4b:s4+s12], $0x40, s16, s12, $0xb8;
	[tilespmem:$0x17C00] =	vst v63  }
0x27: {  	s17 =	simm.s32 $0x3F80;
	s28 =	rddreg [dreg:$0x4]  }
0x28: {  	[tilespmem:s28], [sflag:$0x4] =	stream.indirect.gather [hbm4b:s2+s12], $0x40, s17, s12, $0xb8;
	[tilespmem:$0x17C00] =	vst v63  }
0x29: {  	_ =	swait.ge [sflag:s20], $0x2000  }
0x2a: {  	[sflag:s20] =	ssyncset.done $0x0  }
0x2b: {  	[sflag:s20] =	ssyncadd.s32 $0xFFFFE000  }
0x2c: {  	_ =	swait.ge [sflag:s21], $0x2000  }
0x2d: {  	[sflag:s21] =	ssyncset.done $0x0  }
0x2e: {  	[sflag:s21] =	ssyncadd.s32 $0xFFFFE000  }
0x2f: {  	_ =	swait.ge [sflag:s20], $0x2000  }
0x30: {  	[sflag:s20] =	ssyncset.done $0x0  }
0x31: {  	[sflag:s20] =	ssyncadd.s32 $0xFFFFE000  }
0x32: {  	_ =	swait.ge [sflag:s21], $0x2000  }
0x33: {  	[sflag:s21] =	ssyncset.done $0x0  }
0x34: {  	s26 =	sadd.s32 $0xFFFFFFF8, s8;
	[sflag:s21] =	ssyncadd.s32 $0xFFFFE000  }
0x35: {  	[hbm4b:s26+s22] =	stream.strided.scatter [tilespmem:s13], [sflag:$0x5], $0x4000, s12, s22, $0x38;
	[tilespmem:$0x17C00] =	vst v63  }
0x36: {  	_ =	swait.ge [sflag:s10], $0x4000  }
0x37: {  	[sflag:s10] =	ssyncset.done $0x0  }
0x38: {  	[sflag:s10] =	ssyncadd.s32 $0xFFFFC000  }
0x39: {  	[hbm4b:s8+s22] =	stream.strided.scatter [tilespmem:s14], [sflag:$0x5], $0x4000, s12, s22, $0x38;
	[tilespmem:$0x17C00] =	vst v63  }
0x3a: {  	p0 =	por $0x0, $0x0;
	_ =	swait.ge [sflag:s10], $0x4000  }
0x3b: {  	s1 =	simm.s32 @!p0 $0x7C00;
	[sflag:s10] =	ssyncset.done $0x0  }
0x3c: {  	s28 =	simm.s32 @!p0 $0x80;
	s26 =	simm.s32 @!p0 $0x200;
	[sflag:s10] =	ssyncadd.s32 $0xFFFFC000  }
0x3d: {  	[tilespmem:s1], [sflag:$0x1] =	stream.indirect.gather @!p0 [hbm4b:s4+s28], $0x40, s26, s28, $0xb8;
	[tilespmem:$0x17C00] =	vst v63  }
0x3e: {  	s1 =	simm.s32 @!p0 $0x4000;
	s26 =	simm.s32 @!p0 $0xFC00  }
0x3f: {  	[tilespmem:s26], [sflag:$0x3] =	stream.indirect.gather @!p0 [hbm4b:s2+s28], $0x40, s1, s28, $0xb8;
	[tilespmem:$0x17C00] =	vst v63  }
0x40: {  	s1 =	simm.s32 @!p0 $0x280;
	s26 =	simm.s32 @!p0 $0x9C00  }
0x41: {  	[tilespmem:s26], [sflag:$0x1] =	stream.indirect.gather @!p0 [hbm4b:s4+s28], $0x40, s1, s28, $0xb8;
	[tilespmem:$0x17C00] =	vst v63  }
0x42: {  	s1 =	simm.s32 @!p0 $0x4080;
	s26 =	simm.s32 @!p0 $0x11C00  }
0x43: {  	[tilespmem:s26], [sflag:$0x3] =	stream.indirect.gather @!p0 [hbm4b:s2+s28], $0x40, s1, s28, $0xb8;
	[tilespmem:$0x17C00] =	vst v63  }
0x44: {  	_ =	swait.ge [sflag:s23], $0x2000  }
0x45: {  	[sflag:s23] =	ssyncset.done $0x0  }
0x46: {  	[sflag:s23] =	ssyncadd.s32 $0xFFFFE000  }
0x47: {  	_ =	swait.ge [sflag:s24], $0x2000  }
0x48: {  	[sflag:s24] =	ssyncset.done $0x0  }
0x49: {  	[sflag:s24] =	ssyncadd.s32 $0xFFFFE000  }
0x4a: {  	_ =	swait.ge [sflag:s23], $0x2000  }
0x4b: {  	[sflag:s23] =	ssyncset.done $0x0  }
0x4c: {  	[sflag:s23] =	ssyncadd.s32 $0xFFFFE000  }
0x4d: {  	_ =	swait.ge [sflag:s24], $0x2000  }
0x4e: {  	[sflag:s24] =	ssyncset.done $0x0  }
0x4f: {  	s31 =	sadd.s32 $0xFFFFFFF8, s9;
	[sflag:s24] =	ssyncadd.s32 $0xFFFFE000  }
0x50: {  	[hbm4b:s31+s22] =	stream.strided.scatter [tilespmem:s18], [sflag:$0x5], $0x4000, s12, s22, $0x38;
	[tilespmem:$0x17C00] =	vst v63  }
0x51: {  	_ =	swait.ge [sflag:s10], $0x4000  }
0x52: {  	[sflag:s10] =	ssyncset.done $0x0  }
0x53: {  	s29 =	simm.s32 $0x800;
	[sflag:s10] =	ssyncadd.s32 $0xFFFFC000  }
0x54: {  	[hbm4b:s9+s22] =	stream.strided.scatter [tilespmem:s19], [sflag:$0x5], $0x4000, s12, s22, $0x38;
	[tilespmem:$0x17C00] =	vst v63  }
0x55: {  	s30 =	simm.s32 $0x1000;
	s26 =	sadd.s32 $0x2000, s9;
	_ =	swait.ge [sflag:s10], $0x4000  }
0x56: {  	s1 =	simm.s32 $0x200;
	s28 =	sadd.s32 $0x2000, s8;
	[sflag:s10] =	ssyncset.done $0x0  }
.LBB2_2:
0x57: {  	s0 =	sadd.s32 $0x100, s1;
	[sflag:s10] =	ssyncadd.s32 $0xFFFFC000  }
0x58: {  	[tilespmem:s18], [sflag:$0x2] =	stream.indirect.gather [hbm4b:s4+s12], $0x40, s0, s12, $0xb8;
	[tilespmem:$0x17C00] =	vst v63  }
0x59: {  	s16 =	sadd.s32 $0x3F00, s1  }
0x5a: {  	[tilespmem:s19], [sflag:$0x4] =	stream.indirect.gather [hbm4b:s2+s12], $0x40, s16, s12, $0xb8;
	[tilespmem:$0x17C00] =	vst v63  }
0x5b: {  	s15 =	rddreg [dreg:$0x3];
	s17 =	sadd.s32 $0x180, s1  }
0x5c: {  	[tilespmem:s15], [sflag:$0x2] =	stream.indirect.gather [hbm4b:s4+s12], $0x40, s17, s12, $0xb8;
	[tilespmem:$0x17C00] =	vst v63  }
0x5d: {  	s16 =	rddreg [dreg:$0x4];
	s15 =	sadd.s32 $0x3F80, s1  }
0x5e: {  	[tilespmem:s16], [sflag:$0x4] =	stream.indirect.gather [hbm4b:s2+s12], $0x40, s15, s12, $0xb8;
	[tilespmem:$0x17C00] =	vst v63  }
0x5f: {  	_ =	swait.ge [sflag:s20], $0x2000  }
0x60: {  	[sflag:s20] =	ssyncset.done $0x0  }
0x61: {  	[sflag:s20] =	ssyncadd.s32 $0xFFFFE000  }
0x62: {  	_ =	swait.ge [sflag:s21], $0x2000  }
0x63: {  	[sflag:s21] =	ssyncset.done $0x0  }
0x64: {  	[sflag:s21] =	ssyncadd.s32 $0xFFFFE000  }
0x65: {  	_ =	swait.ge [sflag:s20], $0x2000  }
0x66: {  	[sflag:s20] =	ssyncset.done $0x0  }
0x67: {  	[sflag:s20] =	ssyncadd.s32 $0xFFFFE000  }
0x68: {  	_ =	swait.ge [sflag:s21], $0x2000  }
0x69: {  	[sflag:s21] =	ssyncset.done $0x0  }
0x6a: {  	s17 =	sadd.s32 $0xFFFFFFF8, s28;
	[sflag:s21] =	ssyncadd.s32 $0xFFFFE000  }
0x6b: {  	[hbm4b:s17+s22] =	stream.strided.scatter [tilespmem:s13], [sflag:$0x5], $0x4000, s12, s22, $0x38;
	[tilespmem:$0x17C00] =	vst v63  }
0x6c: {  	_ =	swait.ge [sflag:s10], $0x4000  }
0x6d: {  	[sflag:s10] =	ssyncset.done $0x0  }
0x6e: {  	[sflag:s10] =	ssyncadd.s32 $0xFFFFC000  }
0x6f: {  	[hbm4b:s28+s22] =	stream.strided.scatter [tilespmem:s14], [sflag:$0x5], $0x4000, s12, s22, $0x38;
	[tilespmem:$0x17C00] =	vst v63  }
0x70: {  	p1 =	seq.s32 s29, $0xF000;
	_ =	swait.ge [sflag:s10], $0x4000  }
0x71: {  	s0 =	sshra.s32 @!p1 s29, $0x2;
	s1 =	simm.s32 @!p1 $0x7C00;
	[sflag:s10] =	ssyncset.done $0x0  }
0x72: {  	s15 =	sadd.s32 @!p1 $0x200, s0;
	s16 =	simm.s32 @!p1 $0x80;
	[sflag:s10] =	ssyncadd.s32 $0xFFFFC000  }
0x73: {  	[tilespmem:s1], [sflag:$0x1] =	stream.indirect.gather @!p1 [hbm4b:s4+s16], $0x40, s15, s16, $0xb8;
	[tilespmem:$0x17C00] =	vst v63  }
0x74: {  	s1 =	sadd.s32 @!p1 $0x4000, s0;
	s15 =	simm.s32 @!p1 $0xFC00  }
0x75: {  	[tilespmem:s15], [sflag:$0x3] =	stream.indirect.gather @!p1 [hbm4b:s2+s16], $0x40, s1, s16, $0xb8;
	[tilespmem:$0x17C00] =	vst v63  }
0x76: {  	s17 =	sadd.s32 @!p1 $0x280, s0;
	s1 =	simm.s32 @!p1 $0x9C00  }
0x77: {  	[tilespmem:s1], [sflag:$0x1] =	stream.indirect.gather @!p1 [hbm4b:s4+s16], $0x40, s17, s16, $0xb8;
	[tilespmem:$0x17C00] =	vst v63  }
0x78: {  	s0 =	sadd.s32 @!p1 $0x4080, s0;
	s1 =	simm.s32 @!p1 $0x11C00  }
0x79: {  	[tilespmem:s1], [sflag:$0x3] =	stream.indirect.gather @!p1 [hbm4b:s2+s16], $0x40, s0, s16, $0xb8;
	[tilespmem:$0x17C00] =	vst v63  }
0x7a: {  	_ =	swait.ge [sflag:s23], $0x2000  }
0x7b: {  	[sflag:s23] =	ssyncset.done $0x0  }
0x7c: {  	[sflag:s23] =	ssyncadd.s32 $0xFFFFE000  }
0x7d: {  	_ =	swait.ge [sflag:s24], $0x2000  }
0x7e: {  	[sflag:s24] =	ssyncset.done $0x0  }
0x7f: {  	[sflag:s24] =	ssyncadd.s32 $0xFFFFE000  }
0x80: {  	_ =	swait.ge [sflag:s23], $0x2000  }
0x81: {  	[sflag:s23] =	ssyncset.done $0x0  }
0x82: {  	[sflag:s23] =	ssyncadd.s32 $0xFFFFE000  }
0x83: {  	_ =	swait.ge [sflag:s24], $0x2000  }
0x84: {  	s31 =	smov.u32 s30;
	s30 =	sadd.s32 $0x800, s30;
	[sflag:s24] =	ssyncset.done $0x0  }
0x85: {  	s29 =	smov.u32 s31;
	s31 =	sadd.s32 $0xFFFFFFF8, s26;
	[sflag:s24] =	ssyncadd.s32 $0xFFFFE000  }
0x86: {  	[hbm4b:s31+s22] =	stream.strided.scatter [tilespmem:s18], [sflag:$0x5], $0x4000, s12, s22, $0x38;
	[tilespmem:$0x17C00] =	vst v63  }
0x87: {  	p0 =	sne.s32 s30, $0xF800;
	_ =	swait.ge [sflag:s10], $0x4000  }
.Ltmp0:
0x88: {  	[sflag:s10] =	ssyncset.done $0x0;
	(pc) =	sbr.rel @p0 .LBB2_2-.Ltmp0, $4  }
0x89: {  	[sflag:s10] =	ssyncadd.s32 $0xFFFFC000  }
0x8a: {  	[hbm4b:s26+s22] =	stream.strided.scatter [tilespmem:s19], [sflag:$0x5], $0x4000, s12, s22, $0x38;
	[tilespmem:$0x17C00] =	vst v63  }
0x8b: {  	s28 =	sadd.s32 $0x2000, s28;
	_ =	swait.ge [sflag:s10], $0x4000  }
0x8c: {  	s1 =	sshra.s32 s29, $0x2;
	s26 =	sadd.s32 $0x2000, s26;
	[sflag:s10] =	ssyncset.done $0x0  }
0x8d: {  	s0 =	sadd.s32 $0x100, s1;
	[sflag:s10] =	ssyncadd.s32 $0xFFFFC000  }
0x8e: {  	[tilespmem:s18], [sflag:$0x2] =	stream.indirect.gather [hbm4b:s4+s12], $0x40, s0, s12, $0xb8;
	[tilespmem:$0x17C00] =	vst v63  }
0x8f: {  	s30 =	sadd.s32 $0x3F00, s1  }
0x90: {  	[tilespmem:s19], [sflag:$0x4] =	stream.indirect.gather [hbm4b:s2+s12], $0x40, s30, s12, $0xb8;
	[tilespmem:$0x17C00] =	vst v63  }
0x91: {  	s15 =	rddreg [dreg:$0x3];
	s31 =	sadd.s32 $0x180, s1  }
0x92: {  	[tilespmem:s15], [sflag:$0x2] =	stream.indirect.gather [hbm4b:s4+s12], $0x40, s31, s12, $0xb8;
	[tilespmem:$0x17C00] =	vst v63  }
0x93: {  	s16 =	rddreg [dreg:$0x4];
	s17 =	sadd.s32 $0x3F80, s1  }
0x94: {  	[tilespmem:s16], [sflag:$0x4] =	stream.indirect.gather [hbm4b:s2+s12], $0x40, s17, s12, $0xb8;
	[tilespmem:$0x17C00] =	vst v63  }
0x95: {  	_ =	swait.ge [sflag:s20], $0x2000  }
0x96: {  	[sflag:s20] =	ssyncset.done $0x0  }
0x97: {  	[sflag:s20] =	ssyncadd.s32 $0xFFFFE000  }
0x98: {  	_ =	swait.ge [sflag:s21], $0x2000  }
0x99: {  	[sflag:s21] =	ssyncset.done $0x0  }
0x9a: {  	[sflag:s21] =	ssyncadd.s32 $0xFFFFE000  }
0x9b: {  	_ =	swait.ge [sflag:s20], $0x2000  }
0x9c: {  	[sflag:s20] =	ssyncset.done $0x0  }
0x9d: {  	[sflag:s20] =	ssyncadd.s32 $0xFFFFE000  }
0x9e: {  	_ =	swait.ge [sflag:s21], $0x2000  }
0x9f: {  	[sflag:s21] =	ssyncset.done $0x0  }
0xa0: {  	s30 =	sadd.s32 $0xFFFFFFF8, s28;
	[sflag:s21] =	ssyncadd.s32 $0xFFFFE000  }
0xa1: {  	[hbm4b:s30+s22] =	stream.strided.scatter [tilespmem:s13], [sflag:$0x5], $0x4000, s12, s22, $0x38;
	[tilespmem:$0x17C00] =	vst v63  }
0xa2: {  	_ =	swait.ge [sflag:s10], $0x4000  }
0xa3: {  	[sflag:s10] =	ssyncset.done $0x0  }
0xa4: {  	[sflag:s10] =	ssyncadd.s32 $0xFFFFC000  }
0xa5: {  	[hbm4b:s28+s22] =	stream.strided.scatter [tilespmem:s14], [sflag:$0x5], $0x4000, s12, s22, $0x38;
	[tilespmem:$0x17C00] =	vst v63  }
0xa6: {  	p0 =	seq.s32 s29, $0xF000;
	_ =	swait.ge [sflag:s10], $0x4000  }
0xa7: {  	s0 =	sshra.s32 @!p0 s29, $0x2;
	s1 =	simm.s32 @!p0 $0x7C00;
	[sflag:s10] =	ssyncset.done $0x0  }
0xa8: {  	s15 =	sadd.s32 @!p0 $0x200, s0;
	s16 =	simm.s32 @!p0 $0x80;
	[sflag:s10] =	ssyncadd.s32 $0xFFFFC000  }
0xa9: {  	[tilespmem:s1], [sflag:$0x1] =	stream.indirect.gather @!p0 [hbm4b:s4+s16], $0x40, s15, s16, $0xb8;
	[tilespmem:$0x17C00] =	vst v63  }
0xaa: {  	s1 =	sadd.s32 @!p0 $0x4000, s0;
	s15 =	simm.s32 @!p0 $0xFC00  }
0xab: {  	[tilespmem:s15], [sflag:$0x3] =	stream.indirect.gather @!p0 [hbm4b:s2+s16], $0x40, s1, s16, $0xb8;
	[tilespmem:$0x17C00] =	vst v63  }
0xac: {  	s1 =	sadd.s32 @!p0 $0x280, s0;
	s15 =	simm.s32 @!p0 $0x9C00  }
0xad: {  	[tilespmem:s15], [sflag:$0x1] =	stream.indirect.gather @!p0 [hbm4b:s4+s16], $0x40, s1, s16, $0xb8;
	[tilespmem:$0x17C00] =	vst v63  }
0xae: {  	s0 =	sadd.s32 @!p0 $0x4080, s0;
	s1 =	simm.s32 @!p0 $0x11C00  }
0xaf: {  	[tilespmem:s1], [sflag:$0x3] =	stream.indirect.gather @!p0 [hbm4b:s2+s16], $0x40, s0, s16, $0xb8;
	[tilespmem:$0x17C00] =	vst v63  }
0xb0: {  	_ =	swait.ge [sflag:s23], $0x2000  }
0xb1: {  	[sflag:s23] =	ssyncset.done $0x0  }
0xb2: {  	[sflag:s23] =	ssyncadd.s32 $0xFFFFE000  }
0xb3: {  	_ =	swait.ge [sflag:s24], $0x2000  }
0xb4: {  	[sflag:s24] =	ssyncset.done $0x0  }
0xb5: {  	[sflag:s24] =	ssyncadd.s32 $0xFFFFE000  }
0xb6: {  	_ =	swait.ge [sflag:s23], $0x2000  }
0xb7: {  	[sflag:s23] =	ssyncset.done $0x0  }
0xb8: {  	[sflag:s23] =	ssyncadd.s32 $0xFFFFE000  }
0xb9: {  	_ =	swait.ge [sflag:s24], $0x2000  }
0xba: {  	[sflag:s24] =	ssyncset.done $0x0  }
0xbb: {  	s31 =	sadd.s32 $0xFFFFFFF8, s26;
	[sflag:s24] =	ssyncadd.s32 $0xFFFFE000  }
0xbc: {  	[hbm4b:s31+s22] =	stream.strided.scatter [tilespmem:s18], [sflag:$0x5], $0x4000, s12, s22, $0x38;
	[tilespmem:$0x17C00] =	vst v63  }
0xbd: {  	s25 =	sadd.s32 $0x1, s25;
	_ =	swait.ge [sflag:s10], $0x4000  }
0xbe: {  	p0 =	sne.s32 s25, s7;
	[sflag:s10] =	ssyncset.done $0x0  }
.Ltmp1:
0xbf: {  	[sflag:s10] =	ssyncadd.s32 $0xFFFFC000;
	(pc) =	sbr.rel @p0 .LBB2_1-.Ltmp1, $4  }
0xc0: {  	[hbm4b:s26+s22] =	stream.strided.scatter [tilespmem:s19], [sflag:$0x5], $0x4000, s12, s22, $0x38;
	[tilespmem:$0x17C00] =	vst v63  }
0xc1: {  	_ =	swait.ge [sflag:s10], $0x4000  }
0xc2: {  	[sflag:s10] =	ssyncset.done $0x0  }
0xc3: {  	[sflag:s10] =	ssyncadd.s32 $0xFFFFC000  }
0xc4: {  	_ =	sfence.sel $0x180000  }
0xc5: {  	[bflag:$0x0] =	sbarrier.arrive $0xFFFF  }
0xc6: {  	_ =	strace $0x90000047  }
0xc7: {  	s0 =	stileid.u32;
	[bflag:$0x2] =	sbarrier.arrive $0xFFFF  }
0xc8: {  	p0 =	sne.s32 s0, $0x0;
	s0 =	rddreg [dreg:$0x2]  }
0xc9: {  	s0 =	sadd.s32 @!p0 $0x100000, s0  }
0xca: {  	[sflag:s0] =	ssyncadd.tile.s32 @!p0 $0x1;
	_ =	shalt  }
.Lfunc_end2:
_tile_overlayer_lowered:
.L_overlay_start_2:
0xcb: {  	(tag) =	ssettag $0x2  }
0xcc: {  	s0 =	rddreg [dreg:$0x0];
	s2 =	stileid.u32  }
0xcd: {  	s1 =	rddreg [dreg:$0x1];
	p0 =	sne.s32 s2, $0x0  }
0xce: {  	s3 =	rddreg [dreg:$0x2];
	[bflag:$0x3] =	sbarrier.arrive $0xFFFF;
	s2 =	simm.s32 @!p0 $0x1C05  }
0xcf: {  	[timem:s3], [sflag:s2] =	dma.local @!p0 [hbm:s0], s1  }
0xd0: {  	s0 =	simm.s32 @!p0 $0x5  }
0xd1: {  	_ =	swait.ge @!p0 [sflag:s0], s1  }
0xd2: {  	s1 =	ssub.s32 @!p0 $0x0, s1;
	[sflag:s0] =	ssyncset.done @!p0 $0x0  }
0xd3: {  	[sflag:s0] =	ssyncadd.s32 @!p0 s1  }
0xd4: {  	[bflag:$0x3] =	sbarrier.arrive $0xFFFF  }
0xd5: {  	_ =	shalt  }

// kernel: sparse-core-data-format-call.cloned.1.call-start
scs
called_computation_lowered:
.L_overlay_start_0:
0x0: {  	s2 =	sld [smem:$0x3FD9]  }
0x1: {  	s3 =	sld [smem:$0x3FFE];
	_ =	sdelay $0x1  }
0x2: {  	s1 =	srdreg.scid  }
0x3: {  	s0 =	sand.u32 $0x1, s1  }
0x4: {  	s18 =	sshll.u32 s0, $0xA;
	s2 =	sadd.s32 s3, s2  }
0x5: {  	s2 =	sadd.s32 s2, s18  }
0x6: {  	[smem:$0x3FB7] =	sst s2  }
0x7: {  	_ = 	snop  }
0x8: {  	(tm) =	ssettm $0x1  }
0x9: {  	s19 =	sld [smem:$0x3FFB];
	_ =	sdelay $0x3  }
0xa: {  	_ =	strace s19  }
0xb: {  	s2 =	sld [smem:$0x3FFC];
	_ =	sdelay $0x3  }
0xc: {  	_ =	strace s2  }
0xd: {  	s2 =	sld [smem:$0x3FFD];
	_ =	sdelay $0x3  }
0xe: {  	_ =	strace s2  }
0xf: {  	_ =	strace $0x8FFFFFFF  }
0x10: {  	s20 =	sld [smem:$0x3FDB];
	_ =	sdelay $0x1  }
0x11: {  	s21 =	simm.s32 $_scs_section_size  }
0x12: {  	s4 =	simm.s32 $_size__tile_overlayer_lowered;
	s5 =	simm.s32 $_tile_overlayer_lowered  }
0x13: {  	s6 =	simm.s32 $0x1BFF;
	s22 =	sshll.u32 s5, $0x1;
	s3 =	sadd.s32 s21, s20  }
0x14: {  	s23 =	simm.s32 $0x0;
	s4 =	sshll.u32 s4, $0x1;
	s5 =	sadd.s32 s22, s3  }
0x15: {  	[timem:s23], [sflag:s6] =	dma.local [hbm:s5], s4  }
0x16: {  	_ =	swait.ge [sflag:s6], s4  }
0x17: {  	s4 =	ssub.s32 $0x0, s4;
	[sflag:s6] =	ssyncset.done $0x0  }
0x18: {  	[sflag:s6] =	ssyncadd.s32 s4;
	_ =	sdelay $0x1  }
0x19: {  	s24 =	simm.s32 $0x1B8B  }
0x1a: {  	_ =	swait.ge [sflag:s24], $0x1  }
0x1b: {  	[sflag:s24] =	ssyncset.done $0x0  }
0x1c: {  	[sflag:s24] =	ssyncadd.s32 $0xFFFFFFFF  }
0x1d: {  	s4 =	sld [smem:$0x0]  }
0x1e: {  	s5 =	sand.u32 $0xFFFFFFFE, s1  }
0x1f: {  	p0 =	sne.s32 s1, s5  }
0x20: {  	s5 =	sshll.u32 @p0 s5, $0xE  }
0x21: {  	s5 =	sadd.s32 @p0 $0x11B8D, s5;
	s6 =	sshll.u32 @p0 s4, $0x11  }
0x22: {  	s5 =	sor.u32 @p0 s6, s5  }
0x23: {  	[sflag:s5] =	ssyncadd.remote.s32 @p0 $0x1;
	_ =	sdelay $0x1  }
0x24: {  	s5 =	simm.s32 @p0 $0x1B8D  }
0x25: {  	_ =	swait.eq @p0 [sflag:s5], $0x1  }
0x26: {  	[sflag:s5] =	ssyncadd.s32 @p0 $0xFFFFFFFF  }
0x27: {  	s6 =	sshll.u32 @!p0 s1, $0xE  }
0x28: {  	s6 =	sor.u32 @!p0 $0x4000, s6;
	s5 =	simm.s32 @!p0 $0x1B8D  }
0x29: {  	s4 =	sshll.u32 @!p0 s4, $0x11;
	s6 =	sadd.s32 @!p0 $0x11B8D, s6;
	_ =	swait.eq @!p0 [sflag:s5], $0x1  }
0x2a: {  	s4 =	sor.u32 @!p0 s4, s6;
	[sflag:s5] =	ssyncadd.s32 @!p0 $0xFFFFFFFF  }
0x2b: {  	s26 =	simm.s32 $0x1B8E;
	s25 =	sld [smem:$0x3FFE];
	[sflag:s4] =	ssyncadd.remote.s32 @!p0 $0x1  }
0x2c: {  	s27 =	simm.s32 $execute0_lowered;
	[smem:$0x3FD2] =	sst s26  }
0x2d: {  	s5 =	sshll.u32 s27, $0x1;
	_ =	strace $0x8000004C;
	[dreg:$0x1] =	wrdreg $0xFFFFFFFF  }
0x2e: {  	s28 =	simm.s32 $_size_execute0_lowered;
	s3 =	sadd.s32 s3, s5;
	[dreg:$0x0] =	wrdreg $0x0  }
0x2f: {  	s5 =	sshll.u32 s28, $0x1;
	[dreg:$0x2] =	wrdreg s3  }
0x30: {  	[dreg:$0x3] =	wrdreg s5  }
0x31: {  	[dreg:$0x4] =	wrdreg $0xC0  }
0x32: {  	_ =	task [dreg:s23], $0x5FFFF  }
0x33: {  	[dreg:$0x1] =	wrdreg $0xFFFFFFFF  }
0x34: {  	[dreg:$0x0] =	wrdreg $0x60  }
0x35: {  	[dreg:$0x2] =	wrdreg s25  }
0x36: {  	[dreg:$0x3] =	wrdreg $0x9  }
0x37: {  	_ =	task.clear_ibuf [dreg:s23], $0x4FFFF;
	_ =	strace $0x9000004C  }
0x38: {  	s29 =	simm.s32 $0x9;
	_ =	strace $0x8000004E  }
0x39: {  	_ =	swait.ge [sflag:s29], $0x1  }
0x3a: {  	[sflag:s29] =	ssyncadd.s32 $0xFFFFFFFF  }
0x3b: {  	_ =	strace $0x9000004E  }
0x3c: {  	_ =	sfence  }
0x3d: {  	s30 =	sld [smem:$0x0];
	_ =	sdelay $0x2  }
0x3e: {  	s31 =	sshll.u32 s1, $0xD;
	s1 =	sshrl.u32 s1, $0x2  }
0x3f: {  	s4 =	sand.u32 $0x4000, s31;
	s1 =	sadd.s32 s1, s30  }
0x40: {  	s0 =	sor.u32 s4, s0;
	s1 =	sshll.u32 s1, $0x11  }
0x41: {  	s0 =	sor.u32 s1, s0  }
0x42: {  	s0 =	sadd.s32 $0x8F2B, s0  }
0x43: {  	[sflag:s0] =	ssyncadd.remote.s32 $0x1  }
0x44: {  	_ =	sfence.sel $0xFFFF  }
0x45: {  	[dreg:$0x0] =	wrdreg $0xFFFFFFFF;
	(pc) =	sbr.abs _section_cstart, $3  }
0x46: {  	[dreg:$0x1] =	wrdreg $0xFFFFFFFF  }
0x47: {  	_ =	task.clear_ibuf [dreg:s23], $0x2FFFF;
	_ =	strace $0x9FFFFFFF  }
0x48: {  	(tm) =	ssettm $0x7FFFFFFF  }
0x49: {  	_ =	shalt  }
tec
execute0_lowered:
.L_overlay_start_1:
0x0: {  	(tag) =	ssettag $0x1  }
0x1: {  	s0 =	stileid.u32;
	s1 =	srdreg.scid  }
0x2: {  	s4 =	rddreg [dreg:$0x0];
	s2 =	sshll.u32 s0, $0x1;
	s1 =	sshll.u32 s1, $0x5  }
0x3: {  	s8 =	simm.s32 $0x2;
	s14 =	simm.s32 $0x0;
	s1 =	sor.u32 s2, s1  }
0x4: {  	s9 =	simm.s32 $0x800;
	s10 =	simm.s32 $0x2000;
	s2 =	sand.u32 $0x30, s1  }
0x5: {  	s11 =	simm.s32 $0x0;
	s15 =	simm.s32 $0x0;
	s3 =	ssub.s32 $0x40, s2  }
0x6: {  	s13 =	simm.s32 $0x0;
	s1 =	rddreg [dreg:$0x1];
	s5 =	sand.u32 $0x30, s3  }
0x7: {  	s6 =	sshll.u32 s2, $0x7;
	p0 =	sne.s32 s5, $0x0;
	s5 =	simm.s32 $0x1  }
.Ltmp0:
0x8: {  	s3 =	sshrl.u32 s3, $0x6;
	s5 =	simm.s32 @!p0 $0x0;
	(pc) =	sbr.rel .LBB1_1-.Ltmp0, $4  }
0x9: {  	_ =	strace $0x8000004D;
	s7 =	sadd.s32 s6, s4;
	s5 =	sadd.s32 s5, s3  }
0xa: {  	s3 =	sadd.s32 $0x46200, s4;
	s4 =	simm.s32 $0x1;
	s5 =	smul.u32 $0x1F, s5  }
0xb: {  	s6 =	sand.u32 $0x7, s0;
	s7 =	sadd.s32 $0x806200, s7;
	[sflag:s4] =	ssyncpa.u1 $0x0  }
0xc: {  	s12 =	smov.u32 s6;
	[sflag:s8] =	ssyncpa.u1 $0x0;
	s8 =	sadd.s32 $0x1, s5  }
.LBB1_7:
0xd: {  	s16 =	sadd.s32 $0x8, s12  }
0xe: {  	p1 =	sgt.s32 s16, $0xF7  }
0xf: {  	s16 =	smov.u32 @p1 s6;
	p1 =	sne.s32 s13, s8  }
.Ltmp1:
0x10: {  	p0 =	slt.u32 s13, $0x2;
	(pc) =	sbr.rel @!p1 .LBB1_8-.Ltmp1, $4  }
0x11: {  	s14 =	simm.s32 @!p0 $0x2  }
0x12: {  	s17 =	sadd.s32 $0x1, s13;
	s15 =	smov.u32 s12;
	_ =	swait.ge @!p0 [sflag:s14], $0x4000  }
0x13: {  	s11 =	sadd.s32 $0x4000, s11;
	s13 =	smov.u32 s17;
	[sflag:s14] =	ssyncset.done @!p0 $0x0  }
0x14: {  	s12 =	smov.u32 s16;
	[sflag:s14] =	ssyncadd.s32 @!p0 $0xFFFFC000;
	s14 =	smov.u32 s2  }
.LBB1_1:
0x15: {  	p0 =	sge.u32 s13, s5  }
0x16: {  	s16 =	sxor.u32 @!p0 $0xFFFFFFFF, s13  }
0x17: {  	s31 =	sadd.s32 $0xFFFFFFFF, s13;
	s17 =	sshll.u32 @!p0 s12, $0xD;
	s16 =	sshll.u32 @!p0 s16, $0xE  }
0x18: {  	s18 =	simm.s32 @!p0 $0x0;
	s17 =	sadd.s32 @!p0 s17, s7;
	s16 =	sand.u32 @!p0 $0x4000, s16  }
0x19: {  	[tilespmem:s16], [sflag:$0x1] =	stream.linear.gather @!p0 [hbm4b:s17+s18], $0x4000, $0x38;
	[tilespmem:$0x10000] =	vst v63  }
0x1a: {  	p0 =	sge.u32 s31, s5  }
.Ltmp2:
0x1b: {  	_ = 	snop;
	(pc) =	sbr.rel @p0 .LBB1_7-.Ltmp2, $1  }
0x1c: {  	_ =	sdelay $0x3  }
0x1d: {  	s17 =	sand.u32 $0x4000, s11  }
0x1e: {  	_ =	swait.ge [sflag:s4], $0x4000;
	s19 =	sshll.u32 s13, $0xE;
	s16 =	sor.u32 $0x8040, s17  }
0x1f: {  	s18 =	sor.u32 $0x40, s17;
	[sflag:s4] =	ssyncset.done $0x0;
	s31 =	sand.u32 $0x4000, s19  }
0x20: {  	s19 =	simm.s32 $0x0;
	[sflag:s4] =	ssyncadd.s32 $0xFFFFC000;
	s17 =	sor.u32 $0x8000, s31  }
.LBB1_3:
0x21: {  	v0 =	vmov s18;
	_ =	sdelay $0x3  }
0x22: {  	s21 =	simm.s32 $0x0  }
0x23: {  	v6 =	vld.idx.msk [tilespmem:v0+s21+$0x30 ss:$0x1], $0xffff  }
0x24: {  	v7 =	vld.idx.msk [tilespmem:v0+s21+$0xFFFFFFC0 ss:$0x1], $0xffff  }
0x25: {  	v5 =	vld.idx.msk [tilespmem:v0+s21+$0xFFFFFFD0 ss:$0x1], $0xffff  }
0x26: {  	v4 =	vld.idx.msk [tilespmem:v0+s21+$0xFFFFFFE0 ss:$0x1], $0xffff  }
0x27: {  	v3 =	vld.idx.msk [tilespmem:v0+s21+$0xFFFFFFF0 ss:$0x1], $0xffff  }
0x28: {  	v1 =	vld.idx.msk [tilespmem:v0+s21+$0x0 ss:$0x1], $0xffff  }
0x29: {  	v2 =	vld.idx.msk [tilespmem:v0+s21+$0x10 ss:$0x1], $0xffff;
	[tilespmem:s16+$0x30] =	vst v6  }
0x2a: {  	s20 =	simm.s32 $0x80;
	s22 =	simm.s32 $0x400;
	[tilespmem:s16+$0xFFFFFFC0] =	vst v7;
	v6 =	vld.idx.msk [tilespmem:v0+s21+$0x20 ss:$0x1], $0xffff;
	s21 =	smov.u32 s16  }
.LBB1_4:
0x2b: {  	p0 =	sne.s32 s22, $0xE00;
	v7 =	vld.idx.msk [tilespmem:v0+s20+$0x30 ss:$0x1], $0xffff;
	[tilespmem:s21+$0xFFFFFFD0] =	vst v5  }
0x2c: {  	v8 =	vld.idx.msk [tilespmem:v0+s20+$0xFFFFFFC0 ss:$0x1], $0xffff;
	[tilespmem:s21+$0xFFFFFFE0] =	vst v4  }
0x2d: {  	v5 =	vld.idx.msk [tilespmem:v0+s20+$0xFFFFFFD0 ss:$0x1], $0xffff;
	[tilespmem:s21+$0xFFFFFFF0] =	vst v3  }
.Ltmp3:
0x2e: {  	v4 =	vld.idx.msk [tilespmem:v0+s20+$0xFFFFFFE0 ss:$0x1], $0xffff;
	[tilespmem:s21+$0x0] =	vst v1;
	(pc) =	sbr.rel @p0 .LBB1_4-.Ltmp3, $4  }
0x2f: {  	v3 =	vld.idx.msk [tilespmem:v0+s20+$0xFFFFFFF0 ss:$0x1], $0xffff;
	[tilespmem:s21+$0x10] =	vst v2  }
0x30: {  	v1 =	vld.idx.msk [tilespmem:v0+s20+$0x0 ss:$0x1], $0xffff;
	[tilespmem:s21+$0x20] =	vst v6;
	s21 =	sadd.s32 $0x800, s21  }
0x31: {  	v2 =	vld.idx.msk [tilespmem:v0+s20+$0x10 ss:$0x1], $0xffff;
	[tilespmem:s21+$0x30] =	vst v7  }
0x32: {  	[tilespmem:s21+$0xFFFFFFC0] =	vst v8;
	v6 =	vld.idx.msk [tilespmem:v0+s20+$0x20 ss:$0x1], $0xffff;
	s20 =	sshra.s32 s22, $0x2;
	s22 =	sadd.s32 $0x200, s22  }
0x33: {  	_ =	sdelay $0x2  }
0x34: {  	[tilespmem:s21+$0xFFFFFFD0] =	vst v5  }
0x35: {  	v56 =	vld.idx.msk [tilespmem:v0+s20+$0x30 ss:$0x1], $0xffff;
	[tilespmem:s21+$0xFFFFFFE0] =	vst v4  }
0x36: {  	v57 =	vld.idx.msk [tilespmem:v0+s20+$0xFFFFFFC0 ss:$0x1], $0xffff;
	[tilespmem:s21+$0xFFFFFFF0] =	vst v3  }
0x37: {  	v58 =	vld.idx.msk [tilespmem:v0+s20+$0xFFFFFFD0 ss:$0x1], $0xffff;
	[tilespmem:s21+$0x0] =	vst v1  }
0x38: {  	v59 =	vld.idx.msk [tilespmem:v0+s20+$0xFFFFFFE0 ss:$0x1], $0xffff;
	[tilespmem:s21+$0x10] =	vst v2  }
0x39: {  	v60 =	vld.idx.msk [tilespmem:v0+s20+$0xFFFFFFF0 ss:$0x1], $0xffff;
	s31 =	sadd.s32 $0x800, s21;
	[tilespmem:s21+$0x20] =	vst v6  }
0x3a: {  	v61 =	vld.idx.msk [tilespmem:v0+s20+$0x0 ss:$0x1], $0xffff;
	[tilespmem:s31+$0x30] =	vst v56  }
0x3b: {  	v62 =	vld.idx.msk [tilespmem:v0+s20+$0x10 ss:$0x1], $0xffff;
	s19 =	sadd.s32 $0x1, s19;
	[tilespmem:s31+$0xFFFFFFC0] =	vst v57  }
0x3c: {  	v63 =	vld.idx.msk [tilespmem:v0+s20+$0x20 ss:$0x1], $0xffff;
	p0 =	sne.s32 s19, $0x10;
	[tilespmem:s31+$0xFFFFFFD0] =	vst v58  }
.Ltmp4:
0x3d: {  	[tilespmem:s31+$0xFFFFFFE0] =	vst v59;
	(pc) =	sbr.rel @p0 .LBB1_3-.Ltmp4, $4  }
0x3e: {  	[tilespmem:s31+$0xFFFFFFF0] =	vst v60  }
0x3f: {  	[tilespmem:s31+$0x0] =	vst v61  }
0x40: {  	[tilespmem:s31+$0x10] =	vst v62  }
0x41: {  	s16 =	sadd.s32 $0x80, s16;
	s18 =	sadd.s32 $0x400, s18;
	[tilespmem:s31+$0x20] =	vst v63  }
.Ltmp5:
0x42: {  	(pc) =	sbr.rel .LBB1_7-.Ltmp5, $4  }
0x43: {  	s15 =	sshll.u32 s15, $0xD  }
0x44: {  	s14 =	sshll.u32 s14, $0x4;
	s15 =	sadd.s32 s3, s15  }
0x45: {  	s14 =	sadd.s32 s14, s15  }
0x46: {  	[hbm4b:s14+s9] =	stream.strided.scatter [tilespmem:s17], [sflag:$0x2], $0x4000, s10, s9, $0x38;
	[tilespmem:$0x10000] =	vst v63  }
.LBB1_8:
0x47: {  	_ =	sfence.sel $0x180000  }
0x48: {  	s2 =	simm.s32 $0x1;
	[bflag:$0x0] =	sbarrier.arrive $0xFFFF  }
0x49: {  	s31 =	simm.s32 $0x2;
	[sflag:s2] =	ssyncpa.u1 $0x1  }
0x4a: {  	[sflag:s31] =	ssyncpa.u1 $0x1  }
0x4b: {  	p0 =	sne.s32 s0, $0x0;
	_ =	strace $0x9000004D  }
0x4c: {  	s0 =	sadd.s32 @!p0 $0x100000, s1;
	[bflag:$0x2] =	sbarrier.arrive $0xFFFF  }
0x4d: {  	[sflag:s0] =	ssyncadd.tile.s32 @!p0 $0x1;
	_ =	shalt  }
.Lfunc_end1:
_tile_overlayer_lowered:
.L_overlay_start_2:
0x4e: {  	(tag) =	ssettag $0x2  }
0x4f: {  	s0 =	rddreg [dreg:$0x0];
	s2 =	stileid.u32  }
0x50: {  	s1 =	rddreg [dreg:$0x1];
	p0 =	sne.s32 s2, $0x0  }
0x51: {  	s3 =	rddreg [dreg:$0x2];
	[bflag:$0x3] =	sbarrier.arrive $0xFFFF;
	s2 =	simm.s32 @!p0 $0x1C01  }
0x52: {  	[timem:s3], [sflag:s2] =	dma.local @!p0 [hbm:s0], s1  }
0x53: {  	s0 =	simm.s32 @!p0 $0x1  }
0x54: {  	_ =	swait.ge @!p0 [sflag:s0], s1  }
0x55: {  	s1 =	ssub.s32 @!p0 $0x0, s1;
	[sflag:s0] =	ssyncset.done @!p0 $0x0  }
0x56: {  	[sflag:s0] =	ssyncadd.s32 @!p0 s1  }
0x57: {  	[bflag:$0x3] =	sbarrier.arrive $0xFFFF  }
0x58: {  	_ =	shalt  }

</sc_bundles>
